<compile_context>
chip_gen: v7x
topology: tpu7x:2x2x1
jax: 0.10.2.dev20260603
libtpu: 0.0.44.dev20260713+nightly
codegen_flags: <defaults>
</compile_context>

<pallas_src>
import functools

import jax
import jax.numpy as jnp
from jax import lax
from jax.experimental import pallas as pl
from jax.experimental.pallas import tpu as pltpu
from jax.experimental.pallas import tpu_sc as plsc

N = 10000
E = 320000
D = 128
LEAKY = 0.2

NC = 2
NS = 16
NW = NC * NS
EPW = E // NW
CHUNK = 80
HALF = CHUNK // 2
NCHUNKS = EPW // CHUNK
NPAD = 10240
RPT = NPAD // NS
UNROLL = 6
BODY_ITERS = (NCHUNKS - 1) // UNROLL
TAIL_START = 1 + BODY_ITERS * UNROLL


@functools.cache
def _build_spmm():
    mesh = plsc.VectorSubcoreMesh(core_axis_name="c", subcore_axis_name="s")

    @functools.partial(
        pl.kernel,
        out_type=jax.ShapeDtypeStruct((NC, NPAD, D), jnp.float32),
        mesh=mesh,
        scratch_types=[
            [pltpu.VMEM((CHUNK,), jnp.int32) for _ in range(3)],
            [pltpu.VMEM((CHUNK,), jnp.int32) for _ in range(3)],
            [pltpu.VMEM((CHUNK,), jnp.float32) for _ in range(3)],
            [pltpu.VMEM((CHUNK, D), jnp.float32) for _ in range(2)],
            pltpu.VMEM_SHARED((NPAD, D), jnp.float32),
            pltpu.SemaphoreType.DMA,
            pltpu.SemaphoreType.DMA,
            pltpu.SemaphoreType.DMA,
        ],
        compiler_params=pltpu.CompilerParams(needs_layout_passes=False),
    )
    def spmm(adj_hbm, val_hbm, emb_hbm, out_hbm,
             srcs, dsts, vals, rows, acc, sem_e, sem_g, sem_s):
        c = lax.axis_index("c")
        s = lax.axis_index("s")
        base = (s * NC + c) * EPW

        def zero_row(r, carry):
            for k in range(D // 16):
                rows[0][r, pl.ds(k * 16, 16)] = jnp.zeros((16,), jnp.float32)
            return carry

        lax.fori_loop(0, CHUNK, zero_row, 0)
        for j in range(RPT // CHUNK):
            pltpu.sync_copy(rows[0],
                            acc.at[pl.ds(s * RPT + j * CHUNK, CHUNK)])
        plsc.subcore_barrier()

        def issue_idx(j, t, d):
            eb = base + j * CHUNK
            pltpu.async_copy(adj_hbm.at[pl.ds(E + eb, CHUNK)], srcs[t], sem_e)
            pltpu.async_copy(adj_hbm.at[pl.ds(eb, CHUNK)], dsts[d], sem_e)
            pltpu.async_copy(val_hbm.at[pl.ds(eb, CHUNK)], vals[t], sem_e)

        def wait_idx(t, d):
            pltpu.make_async_copy(
                adj_hbm.at[pl.ds(0, CHUNK)], srcs[t], sem_e).wait()
            pltpu.make_async_copy(
                adj_hbm.at[pl.ds(0, CHUNK)], dsts[d], sem_e).wait()
            pltpu.make_async_copy(
                val_hbm.at[pl.ds(0, CHUNK)], vals[t], sem_e).wait()

        def wait_scatter(b, d):
            for h in range(2):
                pltpu.make_async_copy(
                    rows[b].at[pl.ds(h * HALF, HALF)],
                    acc.at[dsts[d].at[pl.ds(h * HALF, HALF)]], sem_s).wait()

        def step(j, b, t, d, *, first=False, issue_next=True, prefetch=True):
            if issue_next:
                wait_idx((t + 1) % 3, (d + 1) % 3)
            if not first:
                wait_scatter(1 - b, (d + 2) % 3)
            if issue_next:
                pltpu.async_copy(
                    emb_hbm.at[srcs[(t + 1) % 3]], rows[1 - b], sem_g)
            if prefetch:
                issue_idx(j + 2, (t + 2) % 3, (d + 2) % 3)
            pltpu.make_async_copy(emb_hbm.at[srcs[t]], rows[b], sem_g).wait()

            for h in range(2):
                @plsc.parallel_loop(h * HALF, (h + 1) * HALF, 1, unroll=2)
                def scale_row(r):
                    vsplat = plsc.load_gather(
                        vals[t], [jnp.full((16,), r, jnp.int32)])
                    for k in range(D // 16):
                        sl = pl.ds(k * 16, 16)
                        rows[b][r, sl] = rows[b][r, sl] * vsplat

                pltpu.async_copy(
                    rows[b].at[pl.ds(h * HALF, HALF)],
                    acc.at[dsts[d].at[pl.ds(h * HALF, HALF)]],
                    sem_s, add=True)

        issue_idx(0, 0, 0)
        wait_idx(0, 0)
        pltpu.async_copy(emb_hbm.at[srcs[0]], rows[0], sem_g)
        issue_idx(1, 1, 1)

        step(0, 0, 0, 0, first=True)

        def six(p, carry):
            for u in range(UNROLL):
                j = (1 + u) + p * UNROLL
                step(j, (1 + u) % 2, (1 + u) % 3, (1 + u) % 3)
            return carry

        lax.fori_loop(0, BODY_ITERS, six, 0)

        for j in range(TAIL_START, NCHUNKS):
            step(j, j % 2, j % 3, j % 3,
                 issue_next=(j + 1 < NCHUNKS),
                 prefetch=(j + 2 < NCHUNKS))
        wait_scatter((NCHUNKS - 1) % 2, (NCHUNKS - 1) % 3)
        plsc.subcore_barrier()

        for j in range(RPT // CHUNK):
            start = s * RPT + j * CHUNK
            pltpu.sync_copy(acc.at[pl.ds(start, CHUNK)],
                            out_hbm.at[c, pl.ds(start, CHUNK)])

    return spmm


_COMBINE_BLK = 10000


def _combine_body(p_ref, o_ref):
    x = p_ref[0] + p_ref[1]
    o_ref[...] = jnp.where(x >= 0, x, LEAKY * x)


@functools.cache
def _build_combine():
    return pl.pallas_call(
        _combine_body,
        grid=(N // _COMBINE_BLK,),
        in_specs=[pl.BlockSpec((NC, _COMBINE_BLK, D), lambda i: (0, i, 0))],
        out_specs=pl.BlockSpec((_COMBINE_BLK, D), lambda i: (i, 0)),
        out_shape=jax.ShapeDtypeStruct((N, D), jnp.float32),
    )


def kernel(adj_indices, adj_values, embeds):
    adj_flat = adj_indices.astype(jnp.int32).reshape(-1)
    partials = _build_spmm()(adj_flat, adj_values, embeds)
    return _build_combine()(partials)

# --- scband reference (transcript-rebuilt; emitter-appended) ---
"""Pipeline reference for scband-gcnlayer-4398046511658 (READ-ONLY COPY).

The authoritative reference and input builder live on the scoring server;
editing this copy changes nothing except your own understanding.
"""

import jax, jax.numpy as jnp
import numpy as np

N = 10000
E = 320000
D = 128
LEAKY = 0.2


def setup_inputs(seed: int = 0) -> dict:
    key = jax.random.key(seed)
    k1, k2, k3 = jax.random.split(key, 3)
    adj_indices = jax.random.randint(k1, (2, E), 0, N)
    adj_values = jax.random.uniform(k2, (E,), dtype=jnp.float32)
    embeds = jax.random.normal(k3, (N, D), dtype=jnp.float32)
    return {"adj_indices": adj_indices, "adj_values": adj_values, "embeds": embeds}


def reference(adj_indices, adj_values, embeds):
    # torch.spmm(adj, embeds) with adj as sparse COO:
    # gather source-node rows, scale by edge weight, scatter-add to dst rows.
    dst = adj_indices[0]
    src = adj_indices[1]
    msgs = jnp.take(embeds, src, axis=0) * adj_values[:, None]
    agg = jax.ops.segment_sum(msgs, dst, num_segments=N)
    # nn.LeakyReLU(negative_slope=LEAKY)
    return jnp.where(agg >= 0, agg, LEAKY * agg)

if __name__ == "__main__":
    import jax
    _d = setup_inputs()
    print(jax.jit(kernel)(*tuple(_d.values())))

</pallas_src>

<mosaic_0001>
#map = affine_map<(d0, d1) -> (0)>
#map1 = affine_map<(d0, d1) -> (0, 0)>
#map2 = affine_map<(d0, d1) -> (0, 0, 0)>
module attributes {stable_mosaic.version = 14 : i64} {
  func.func @spmm(%arg0: i32, %arg1: i32, %arg2: memref<640000xi32, #tpu.memory_space<hbm>>, %arg3: memref<320000xf32, #tpu.memory_space<hbm>>, %arg4: memref<10000x128xf32, #tpu.memory_space<hbm>>, %arg5: memref<2x10240x128xf32, #tpu.memory_space<hbm>>, %arg6: memref<80xi32, #tpu.memory_space<vmem>>, %arg7: memref<80xi32, #tpu.memory_space<vmem>>, %arg8: memref<80xi32, #tpu.memory_space<vmem>>, %arg9: memref<80xi32, #tpu.memory_space<vmem>>, %arg10: memref<80xi32, #tpu.memory_space<vmem>>, %arg11: memref<80xi32, #tpu.memory_space<vmem>>, %arg12: memref<80xf32, #tpu.memory_space<vmem>>, %arg13: memref<80xf32, #tpu.memory_space<vmem>>, %arg14: memref<80xf32, #tpu.memory_space<vmem>>, %arg15: memref<80x128xf32, #tpu.memory_space<vmem>>, %arg16: memref<80x128xf32, #tpu.memory_space<vmem>>, %arg17: memref<10240x128xf32, #tpu.memory_space<vmem_shared>>, %arg18: memref<!tpu.dma_semaphore, #tpu.memory_space<semaphore_mem>>, %arg19: memref<!tpu.dma_semaphore, #tpu.memory_space<semaphore_mem>>, %arg20: memref<!tpu.dma_semaphore, #tpu.memory_space<semaphore_mem>>) attributes {dimension_semantics = [#tpu.dimension_semantics<core_parallel>, #tpu.dimension_semantics<subcore_parallel>], iteration_bounds = array<i64: 2, 16>, scalar_prefetch = 0 : i64, scratch_operands = 15 : i64, tpu.core_type = #tpu.core_type<sc_vector_subcore>, window_params = [{transform_indices = #map}, {transform_indices = #map}, {transform_indices = #map1}, {transform_indices = #map2}]} {
    %mul3A = arith.constant 2 : i32
    %mul3A_0 = arith.muli %arg1, %mul3A : i32
    %add3A = arith.addi %mul3A_0, %arg0 : i32
    %mul3A_1 = arith.constant 10000 : i32
    %mul3A_2 = arith.muli %add3A, %mul3A_1 : i32
    %scan3A = arith.constant 0 : i32
    %scan3A_3 = arith.constant 0 : i32
    %scan3A_4 = arith.constant 80 : i32
    %scan3A_5 = arith.addi %scan3A_3, %scan3A_4 : i32
    %scan3A_6 = arith.constant 1 : i32
    scf.for %scan3A_406 = %scan3A_3 to %scan3A_5 step %scan3A_6  : i32 {
      %broadcast_in_dim3A = arith.constant 0.000000e+00 : f32
      %broadcast_in_dim3A_407 = vector.broadcast %broadcast_in_dim3A : f32 to vector<16xf32>
      %swap3A = arith.index_cast %scan3A_406 : i32 to index
      %swap3A_408 = arith.constant 0 : index
      %swap3A_409 = tpu.vector_load %arg15[%swap3A, %swap3A_408] {strides = array<i32>} : memref<80x128xf32, #tpu.memory_space<vmem>>, vector<16xf32>,
      tpu.vector_store %arg15[%swap3A, %swap3A_408], %broadcast_in_dim3A_407 {strides = array<i32>} : memref<80x128xf32, #tpu.memory_space<vmem>>, vector<16xf32>,
      %broadcast_in_dim3A_410 = arith.constant 0.000000e+00 : f32
      %broadcast_in_dim3A_411 = vector.broadcast %broadcast_in_dim3A_410 : f32 to vector<16xf32>
      %swap3A_412 = arith.index_cast %scan3A_406 : i32 to index
      %swap3A_413 = arith.constant 16 : index
      %swap3A_414 = tpu.vector_load %arg15[%swap3A_412, %swap3A_413] {strides = array<i32>} : memref<80x128xf32, #tpu.memory_space<vmem>>, vector<16xf32>,
      tpu.vector_store %arg15[%swap3A_412, %swap3A_413], %broadcast_in_dim3A_411 {strides = array<i32>} : memref<80x128xf32, #tpu.memory_space<vmem>>, vector<16xf32>,
      %broadcast_in_dim3A_415 = arith.constant 0.000000e+00 : f32
      %broadcast_in_dim3A_416 = vector.broadcast %broadcast_in_dim3A_415 : f32 to vector<16xf32>
      %swap3A_417 = arith.index_cast %scan3A_406 : i32 to index
      %swap3A_418 = arith.constant 32 : index
      %swap3A_419 = tpu.vector_load %arg15[%swap3A_417, %swap3A_418] {strides = array<i32>} : memref<80x128xf32, #tpu.memory_space<vmem>>, vector<16xf32>,
      tpu.vector_store %arg15[%swap3A_417, %swap3A_418], %broadcast_in_dim3A_416 {strides = array<i32>} : memref<80x128xf32, #tpu.memory_space<vmem>>, vector<16xf32>,
      %broadcast_in_dim3A_420 = arith.constant 0.000000e+00 : f32
      %broadcast_in_dim3A_421 = vector.broadcast %broadcast_in_dim3A_420 : f32 to vector<16xf32>
      %swap3A_422 = arith.index_cast %scan3A_406 : i32 to index
      %swap3A_423 = arith.constant 48 : index
      %swap3A_424 = tpu.vector_load %arg15[%swap3A_422, %swap3A_423] {strides = array<i32>} : memref<80x128xf32, #tpu.memory_space<vmem>>, vector<16xf32>,
      tpu.vector_store %arg15[%swap3A_422, %swap3A_423], %broadcast_in_dim3A_421 {strides = array<i32>} : memref<80x128xf32, #tpu.memory_space<vmem>>, vector<16xf32>,
      %broadcast_in_dim3A_425 = arith.constant 0.000000e+00 : f32
      %broadcast_in_dim3A_426 = vector.broadcast %broadcast_in_dim3A_425 : f32 to vector<16xf32>
      %swap3A_427 = arith.index_cast %scan3A_406 : i32 to index
      %swap3A_428 = arith.constant 64 : index
      %swap3A_429 = tpu.vector_load %arg15[%swap3A_427, %swap3A_428] {strides = array<i32>} : memref<80x128xf32, #tpu.memory_space<vmem>>, vector<16xf32>,
      tpu.vector_store %arg15[%swap3A_427, %swap3A_428], %broadcast_in_dim3A_426 {strides = array<i32>} : memref<80x128xf32, #tpu.memory_space<vmem>>, vector<16xf32>,
      %broadcast_in_dim3A_430 = arith.constant 0.000000e+00 : f32
      %broadcast_in_dim3A_431 = vector.broadcast %broadcast_in_dim3A_430 : f32 to vector<16xf32>
      %swap3A_432 = arith.index_cast %scan3A_406 : i32 to index
      %swap3A_433 = arith.constant 80 : index
      %swap3A_434 = tpu.vector_load %arg15[%swap3A_432, %swap3A_433] {strides = array<i32>} : memref<80x128xf32, #tpu.memory_space<vmem>>, vector<16xf32>,
      tpu.vector_store %arg15[%swap3A_432, %swap3A_433], %broadcast_in_dim3A_431 {strides = array<i32>} : memref<80x128xf32, #tpu.memory_space<vmem>>, vector<16xf32>,
      %broadcast_in_dim3A_435 = arith.constant 0.000000e+00 : f32
      %broadcast_in_dim3A_436 = vector.broadcast %broadcast_in_dim3A_435 : f32 to vector<16xf32>
      %swap3A_437 = arith.index_cast %scan3A_406 : i32 to index
      %swap3A_438 = arith.constant 96 : index
      %swap3A_439 = tpu.vector_load %arg15[%swap3A_437, %swap3A_438] {strides = array<i32>} : memref<80x128xf32, #tpu.memory_space<vmem>>, vector<16xf32>,
      tpu.vector_store %arg15[%swap3A_437, %swap3A_438], %broadcast_in_dim3A_436 {strides = array<i32>} : memref<80x128xf32, #tpu.memory_space<vmem>>, vector<16xf32>,
      %broadcast_in_dim3A_440 = arith.constant 0.000000e+00 : f32
      %broadcast_in_dim3A_441 = vector.broadcast %broadcast_in_dim3A_440 : f32 to vector<16xf32>
      %swap3A_442 = arith.index_cast %scan3A_406 : i32 to index
      %swap3A_443 = arith.constant 112 : index
      %swap3A_444 = tpu.vector_load %arg15[%swap3A_442, %swap3A_443] {strides = array<i32>} : memref<80x128xf32, #tpu.memory_space<vmem>>, vector<16xf32>,
      tpu.vector_store %arg15[%swap3A_442, %swap3A_443], %broadcast_in_dim3A_441 {strides = array<i32>} : memref<80x128xf32, #tpu.memory_space<vmem>>, vector<16xf32>,
    }
    %scan3A_7 = arith.constant 80 : i32
    %mul3A_8 = arith.constant 640 : i32
    %mul3A_9 = arith.muli %arg1, %mul3A_8 : i32
    %add3A_10 = arith.constant 0 : i32
    %add3A_11 = arith.addi %mul3A_9, %add3A_10 : i32
    "tpu.region"() ({
      %run_scoped3A = tpu.sem_alloc : memref<!tpu.dma_semaphore, #tpu.memory_space<semaphore_mem>>
      %dma_start3A_406 = arith.constant 0 : i32
      %dma_start3A_407 = tpu.memref_slice %arg17[%add3A_11, %dma_start3A_406] : memref<10240x128xf32, #tpu.memory_space<vmem_shared>> -> memref<80x128xf32, #tpu.memory_space<vmem_shared>>
      %dma_start3A_408 = arith.constant 0 : i32
      %dma_start3A_409 = tpu.memref_slice %arg17[%add3A_11, %dma_start3A_408] : memref<10240x128xf32, #tpu.memory_space<vmem_shared>> -> memref<80x128xf32, #tpu.memory_space<vmem_shared>>
      tpu.enqueue_dma source(%arg15 : memref<80x128xf32, #tpu.memory_space<vmem>>) target(%dma_start3A_409 : memref<80x128xf32, #tpu.memory_space<vmem_shared>>) target_semaphore(%run_scoped3A : memref<!tpu.dma_semaphore, #tpu.memory_space<semaphore_mem>>)
      %dma_wait3A_410 = arith.constant 0 : i32
      %dma_wait3A_411 = tpu.memref_slice %arg17[%add3A_11, %dma_wait3A_410] : memref<10240x128xf32, #tpu.memory_space<vmem_shared>> -> memref<80x128xf32, #tpu.memory_space<vmem_shared>>
      %dma_wait3A_412 = arith.constant 0 : i32
      %dma_wait3A_413 = tpu.memref_slice %arg17[%add3A_11, %dma_wait3A_412] : memref<10240x128xf32, #tpu.memory_space<vmem_shared>> -> memref<80x128xf32, #tpu.memory_space<vmem_shared>>
      tpu.wait_dma2 semaphore(%run_scoped3A : memref<!tpu.dma_semaphore, #tpu.memory_space<semaphore_mem>>) src(%arg15 : memref<80x128xf32, #tpu.memory_space<vmem>>) dst(%dma_wait3A_413 : memref<80x128xf32, #tpu.memory_space<vmem_shared>>)
      tpu.yield
    }) : () -> ()
    %mul3A_12 = arith.constant 640 : i32
    %mul3A_13 = arith.muli %arg1, %mul3A_12 : i32
    %add3A_14 = arith.constant 80 : i32
    %add3A_15 = arith.addi %mul3A_13, %add3A_14 : i32
    "tpu.region"() ({
      %run_scoped3A = tpu.sem_alloc : memref<!tpu.dma_semaphore, #tpu.memory_space<semaphore_mem>>
      %dma_start3A_406 = arith.constant 0 : i32
      %dma_start3A_407 = tpu.memref_slice %arg17[%add3A_15, %dma_start3A_406] : memref<10240x128xf32, #tpu.memory_space<vmem_shared>> -> memref<80x128xf32, #tpu.memory_space<vmem_shared>>
      %dma_start3A_408 = arith.constant 0 : i32
      %dma_start3A_409 = tpu.memref_slice %arg17[%add3A_15, %dma_start3A_408] : memref<10240x128xf32, #tpu.memory_space<vmem_shared>> -> memref<80x128xf32, #tpu.memory_space<vmem_shared>>
      tpu.enqueue_dma source(%arg15 : memref<80x128xf32, #tpu.memory_space<vmem>>) target(%dma_start3A_409 : memref<80x128xf32, #tpu.memory_space<vmem_shared>>) target_semaphore(%run_scoped3A : memref<!tpu.dma_semaphore, #tpu.memory_space<semaphore_mem>>)
      %dma_wait3A_410 = arith.constant 0 : i32
      %dma_wait3A_411 = tpu.memref_slice %arg17[%add3A_15, %dma_wait3A_410] : memref<10240x128xf32, #tpu.memory_space<vmem_shared>> -> memref<80x128xf32, #tpu.memory_space<vmem_shared>>
      %dma_wait3A_412 = arith.constant 0 : i32
      %dma_wait3A_413 = tpu.memref_slice %arg17[%add3A_15, %dma_wait3A_412] : memref<10240x128xf32, #tpu.memory_space<vmem_shared>> -> memref<80x128xf32, #tpu.memory_space<vmem_shared>>
      tpu.wait_dma2 semaphore(%run_scoped3A : memref<!tpu.dma_semaphore, #tpu.memory_space<semaphore_mem>>) src(%arg15 : memref<80x128xf32, #tpu.memory_space<vmem>>) dst(%dma_wait3A_413 : memref<80x128xf32, #tpu.memory_space<vmem_shared>>)
      tpu.yield
    }) : () -> ()
    %mul3A_16 = arith.constant 640 : i32
    %mul3A_17 = arith.muli %arg1, %mul3A_16 : i32
    %add3A_18 = arith.constant 160 : i32
    %add3A_19 = arith.addi %mul3A_17, %add3A_18 : i32
    "tpu.region"() ({
      %run_scoped3A = tpu.sem_alloc : memref<!tpu.dma_semaphore, #tpu.memory_space<semaphore_mem>>
      %dma_start3A_406 = arith.constant 0 : i32
      %dma_start3A_407 = tpu.memref_slice %arg17[%add3A_19, %dma_start3A_406] : memref<10240x128xf32, #tpu.memory_space<vmem_shared>> -> memref<80x128xf32, #tpu.memory_space<vmem_shared>>
      %dma_start3A_408 = arith.constant 0 : i32
      %dma_start3A_409 = tpu.memref_slice %arg17[%add3A_19, %dma_start3A_408] : memref<10240x128xf32, #tpu.memory_space<vmem_shared>> -> memref<80x128xf32, #tpu.memory_space<vmem_shared>>
      tpu.enqueue_dma source(%arg15 : memref<80x128xf32, #tpu.memory_space<vmem>>) target(%dma_start3A_409 : memref<80x128xf32, #tpu.memory_space<vmem_shared>>) target_semaphore(%run_scoped3A : memref<!tpu.dma_semaphore, #tpu.memory_space<semaphore_mem>>)
      %dma_wait3A_410 = arith.constant 0 : i32
      %dma_wait3A_411 = tpu.memref_slice %arg17[%add3A_19, %dma_wait3A_410] : memref<10240x128xf32, #tpu.memory_space<vmem_shared>> -> memref<80x128xf32, #tpu.memory_space<vmem_shared>>
      %dma_wait3A_412 = arith.constant 0 : i32
      %dma_wait3A_413 = tpu.memref_slice %arg17[%add3A_19, %dma_wait3A_412] : memref<10240x128xf32, #tpu.memory_space<vmem_shared>> -> memref<80x128xf32, #tpu.memory_space<vmem_shared>>
      tpu.wait_dma2 semaphore(%run_scoped3A : memref<!tpu.dma_semaphore, #tpu.memory_space<semaphore_mem>>) src(%arg15 : memref<80x128xf32, #tpu.memory_space<vmem>>) dst(%dma_wait3A_413 : memref<80x128xf32, #tpu.memory_space<vmem_shared>>)
      tpu.yield
    }) : () -> ()
    %mul3A_20 = arith.constant 640 : i32
    %mul3A_21 = arith.muli %arg1, %mul3A_20 : i32
    %add3A_22 = arith.constant 240 : i32
    %add3A_23 = arith.addi %mul3A_21, %add3A_22 : i32
    "tpu.region"() ({
      %run_scoped3A = tpu.sem_alloc : memref<!tpu.dma_semaphore, #tpu.memory_space<semaphore_mem>>
      %dma_start3A_406 = arith.constant 0 : i32
      %dma_start3A_407 = tpu.memref_slice %arg17[%add3A_23, %dma_start3A_406] : memref<10240x128xf32, #tpu.memory_space<vmem_shared>> -> memref<80x128xf32, #tpu.memory_space<vmem_shared>>
      %dma_start3A_408 = arith.constant 0 : i32
      %dma_start3A_409 = tpu.memref_slice %arg17[%add3A_23, %dma_start3A_408] : memref<10240x128xf32, #tpu.memory_space<vmem_shared>> -> memref<80x128xf32, #tpu.memory_space<vmem_shared>>
      tpu.enqueue_dma source(%arg15 : memref<80x128xf32, #tpu.memory_space<vmem>>) target(%dma_start3A_409 : memref<80x128xf32, #tpu.memory_space<vmem_shared>>) target_semaphore(%run_scoped3A : memref<!tpu.dma_semaphore, #tpu.memory_space<semaphore_mem>>)
      %dma_wait3A_410 = arith.constant 0 : i32
      %dma_wait3A_411 = tpu.memref_slice %arg17[%add3A_23, %dma_wait3A_410] : memref<10240x128xf32, #tpu.memory_space<vmem_shared>> -> memref<80x128xf32, #tpu.memory_space<vmem_shared>>
      %dma_wait3A_412 = arith.constant 0 : i32
      %dma_wait3A_413 = tpu.memref_slice %arg17[%add3A_23, %dma_wait3A_412] : memref<10240x128xf32, #tpu.memory_space<vmem_shared>> -> memref<80x128xf32, #tpu.memory_space<vmem_shared>>
      tpu.wait_dma2 semaphore(%run_scoped3A : memref<!tpu.dma_semaphore, #tpu.memory_space<semaphore_mem>>) src(%arg15 : memref<80x128xf32, #tpu.memory_space<vmem>>) dst(%dma_wait3A_413 : memref<80x128xf32, #tpu.memory_space<vmem_shared>>)
      tpu.yield
    }) : () -> ()
    %mul3A_24 = arith.constant 640 : i32
    %mul3A_25 = arith.muli %arg1, %mul3A_24 : i32
    %add3A_26 = arith.constant 320 : i32
    %add3A_27 = arith.addi %mul3A_25, %add3A_26 : i32
    "tpu.region"() ({
      %run_scoped3A = tpu.sem_alloc : memref<!tpu.dma_semaphore, #tpu.memory_space<semaphore_mem>>
      %dma_start3A_406 = arith.constant 0 : i32
      %dma_start3A_407 = tpu.memref_slice %arg17[%add3A_27, %dma_start3A_406] : memref<10240x128xf32, #tpu.memory_space<vmem_shared>> -> memref<80x128xf32, #tpu.memory_space<vmem_shared>>
      %dma_start3A_408 = arith.constant 0 : i32
      %dma_start3A_409 = tpu.memref_slice %arg17[%add3A_27, %dma_start3A_408] : memref<10240x128xf32, #tpu.memory_space<vmem_shared>> -> memref<80x128xf32, #tpu.memory_space<vmem_shared>>
      tpu.enqueue_dma source(%arg15 : memref<80x128xf32, #tpu.memory_space<vmem>>) target(%dma_start3A_409 : memref<80x128xf32, #tpu.memory_space<vmem_shared>>) target_semaphore(%run_scoped3A : memref<!tpu.dma_semaphore, #tpu.memory_space<semaphore_mem>>)
      %dma_wait3A_410 = arith.constant 0 : i32
      %dma_wait3A_411 = tpu.memref_slice %arg17[%add3A_27, %dma_wait3A_410] : memref<10240x128xf32, #tpu.memory_space<vmem_shared>> -> memref<80x128xf32, #tpu.memory_space<vmem_shared>>
      %dma_wait3A_412 = arith.constant 0 : i32
      %dma_wait3A_413 = tpu.memref_slice %arg17[%add3A_27, %dma_wait3A_412] : memref<10240x128xf32, #tpu.memory_space<vmem_shared>> -> memref<80x128xf32, #tpu.memory_space<vmem_shared>>
      tpu.wait_dma2 semaphore(%run_scoped3A : memref<!tpu.dma_semaphore, #tpu.memory_space<semaphore_mem>>) src(%arg15 : memref<80x128xf32, #tpu.memory_space<vmem>>) dst(%dma_wait3A_413 : memref<80x128xf32, #tpu.memory_space<vmem_shared>>)
      tpu.yield
    }) : () -> ()
    %mul3A_28 = arith.constant 640 : i32
    %mul3A_29 = arith.muli %arg1, %mul3A_28 : i32
    %add3A_30 = arith.constant 400 : i32
    %add3A_31 = arith.addi %mul3A_29, %add3A_30 : i32
    "tpu.region"() ({
      %run_scoped3A = tpu.sem_alloc : memref<!tpu.dma_semaphore, #tpu.memory_space<semaphore_mem>>
      %dma_start3A_406 = arith.constant 0 : i32
      %dma_start3A_407 = tpu.memref_slice %arg17[%add3A_31, %dma_start3A_406] : memref<10240x128xf32, #tpu.memory_space<vmem_shared>> -> memref<80x128xf32, #tpu.memory_space<vmem_shared>>
      %dma_start3A_408 = arith.constant 0 : i32
      %dma_start3A_409 = tpu.memref_slice %arg17[%add3A_31, %dma_start3A_408] : memref<10240x128xf32, #tpu.memory_space<vmem_shared>> -> memref<80x128xf32, #tpu.memory_space<vmem_shared>>
      tpu.enqueue_dma source(%arg15 : memref<80x128xf32, #tpu.memory_space<vmem>>) target(%dma_start3A_409 : memref<80x128xf32, #tpu.memory_space<vmem_shared>>) target_semaphore(%run_scoped3A : memref<!tpu.dma_semaphore, #tpu.memory_space<semaphore_mem>>)
      %dma_wait3A_410 = arith.constant 0 : i32
      %dma_wait3A_411 = tpu.memref_slice %arg17[%add3A_31, %dma_wait3A_410] : memref<10240x128xf32, #tpu.memory_space<vmem_shared>> -> memref<80x128xf32, #tpu.memory_space<vmem_shared>>
      %dma_wait3A_412 = arith.constant 0 : i32
      %dma_wait3A_413 = tpu.memref_slice %arg17[%add3A_31, %dma_wait3A_412] : memref<10240x128xf32, #tpu.memory_space<vmem_shared>> -> memref<80x128xf32, #tpu.memory_space<vmem_shared>>
      tpu.wait_dma2 semaphore(%run_scoped3A : memref<!tpu.dma_semaphore, #tpu.memory_space<semaphore_mem>>) src(%arg15 : memref<80x128xf32, #tpu.memory_space<vmem>>) dst(%dma_wait3A_413 : memref<80x128xf32, #tpu.memory_space<vmem_shared>>)
      tpu.yield
    }) : () -> ()
    %mul3A_32 = arith.constant 640 : i32
    %mul3A_33 = arith.muli %arg1, %mul3A_32 : i32
    %add3A_34 = arith.constant 480 : i32
    %add3A_35 = arith.addi %mul3A_33, %add3A_34 : i32
    "tpu.region"() ({
      %run_scoped3A = tpu.sem_alloc : memref<!tpu.dma_semaphore, #tpu.memory_space<semaphore_mem>>
      %dma_start3A_406 = arith.constant 0 : i32
      %dma_start3A_407 = tpu.memref_slice %arg17[%add3A_35, %dma_start3A_406] : memref<10240x128xf32, #tpu.memory_space<vmem_shared>> -> memref<80x128xf32, #tpu.memory_space<vmem_shared>>
      %dma_start3A_408 = arith.constant 0 : i32
      %dma_start3A_409 = tpu.memref_slice %arg17[%add3A_35, %dma_start3A_408] : memref<10240x128xf32, #tpu.memory_space<vmem_shared>> -> memref<80x128xf32, #tpu.memory_space<vmem_shared>>
      tpu.enqueue_dma source(%arg15 : memref<80x128xf32, #tpu.memory_space<vmem>>) target(%dma_start3A_409 : memref<80x128xf32, #tpu.memory_space<vmem_shared>>) target_semaphore(%run_scoped3A : memref<!tpu.dma_semaphore, #tpu.memory_space<semaphore_mem>>)
      %dma_wait3A_410 = arith.constant 0 : i32
      %dma_wait3A_411 = tpu.memref_slice %arg17[%add3A_35, %dma_wait3A_410] : memref<10240x128xf32, #tpu.memory_space<vmem_shared>> -> memref<80x128xf32, #tpu.memory_space<vmem_shared>>
      %dma_wait3A_412 = arith.constant 0 : i32
      %dma_wait3A_413 = tpu.memref_slice %arg17[%add3A_35, %dma_wait3A_412] : memref<10240x128xf32, #tpu.memory_space<vmem_shared>> -> memref<80x128xf32, #tpu.memory_space<vmem_shared>>
      tpu.wait_dma2 semaphore(%run_scoped3A : memref<!tpu.dma_semaphore, #tpu.memory_space<semaphore_mem>>) src(%arg15 : memref<80x128xf32, #tpu.memory_space<vmem>>) dst(%dma_wait3A_413 : memref<80x128xf32, #tpu.memory_space<vmem_shared>>)
      tpu.yield
    }) : () -> ()
    %mul3A_36 = arith.constant 640 : i32
    %mul3A_37 = arith.muli %arg1, %mul3A_36 : i32
    %add3A_38 = arith.constant 560 : i32
    %add3A_39 = arith.addi %mul3A_37, %add3A_38 : i32
    "tpu.region"() ({
      %run_scoped3A = tpu.sem_alloc : memref<!tpu.dma_semaphore, #tpu.memory_space<semaphore_mem>>
      %dma_start3A_406 = arith.constant 0 : i32
      %dma_start3A_407 = tpu.memref_slice %arg17[%add3A_39, %dma_start3A_406] : memref<10240x128xf32, #tpu.memory_space<vmem_shared>> -> memref<80x128xf32, #tpu.memory_space<vmem_shared>>
      %dma_start3A_408 = arith.constant 0 : i32
      %dma_start3A_409 = tpu.memref_slice %arg17[%add3A_39, %dma_start3A_408] : memref<10240x128xf32, #tpu.memory_space<vmem_shared>> -> memref<80x128xf32, #tpu.memory_space<vmem_shared>>
      tpu.enqueue_dma source(%arg15 : memref<80x128xf32, #tpu.memory_space<vmem>>) target(%dma_start3A_409 : memref<80x128xf32, #tpu.memory_space<vmem_shared>>) target_semaphore(%run_scoped3A : memref<!tpu.dma_semaphore, #tpu.memory_space<semaphore_mem>>)
      %dma_wait3A_410 = arith.constant 0 : i32
      %dma_wait3A_411 = tpu.memref_slice %arg17[%add3A_39, %dma_wait3A_410] : memref<10240x128xf32, #tpu.memory_space<vmem_shared>> -> memref<80x128xf32, #tpu.memory_space<vmem_shared>>
      %dma_wait3A_412 = arith.constant 0 : i32
      %dma_wait3A_413 = tpu.memref_slice %arg17[%add3A_39, %dma_wait3A_412] : memref<10240x128xf32, #tpu.memory_space<vmem_shared>> -> memref<80x128xf32, #tpu.memory_space<vmem_shared>>
      tpu.wait_dma2 semaphore(%run_scoped3A : memref<!tpu.dma_semaphore, #tpu.memory_space<semaphore_mem>>) src(%arg15 : memref<80x128xf32, #tpu.memory_space<vmem>>) dst(%dma_wait3A_413 : memref<80x128xf32, #tpu.memory_space<vmem_shared>>)
      tpu.yield
    }) : () -> ()
    %barrier3A = arith.constant 0 : index
    tpu.barrier barrier_id(%barrier3A)
    %add3A_40 = arith.constant 0 : i32
    %add3A_41 = arith.addi %mul3A_2, %add3A_40 : i32
    %add3A_42 = arith.constant 320000 : i32
    %add3A_43 = arith.addi %add3A_42, %add3A_41 : i32
    %dma_start3A = tpu.memref_slice %arg2[%add3A_43] : memref<640000xi32, #tpu.memory_space<hbm>> -> memref<80xi32, #tpu.memory_space<hbm>>
    %dma_start3A_44 = tpu.memref_slice %arg2[%add3A_43] : memref<640000xi32, #tpu.memory_space<hbm>> -> memref<80xi32, #tpu.memory_space<hbm>>
    tpu.enqueue_dma source(%dma_start3A_44 : memref<80xi32, #tpu.memory_space<hbm>>) target(%arg6 : memref<80xi32, #tpu.memory_space<vmem>>) target_semaphore(%arg18 : memref<!tpu.dma_semaphore, #tpu.memory_space<semaphore_mem>>)
    %dma_start3A_45 = tpu.memref_slice %arg2[%add3A_41] : memref<640000xi32, #tpu.memory_space<hbm>> -> memref<80xi32, #tpu.memory_space<hbm>>
    %dma_start3A_46 = tpu.memref_slice %arg2[%add3A_41] : memref<640000xi32, #tpu.memory_space<hbm>> -> memref<80xi32, #tpu.memory_space<hbm>>
    tpu.enqueue_dma source(%dma_start3A_46 : memref<80xi32, #tpu.memory_space<hbm>>) target(%arg9 : memref<80xi32, #tpu.memory_space<vmem>>) target_semaphore(%arg18 : memref<!tpu.dma_semaphore, #tpu.memory_space<semaphore_mem>>)
    %dma_start3A_47 = tpu.memref_slice %arg3[%add3A_41] : memref<320000xf32, #tpu.memory_space<hbm>> -> memref<80xf32, #tpu.memory_space<hbm>>
    %dma_start3A_48 = tpu.memref_slice %arg3[%add3A_41] : memref<320000xf32, #tpu.memory_space<hbm>> -> memref<80xf32, #tpu.memory_space<hbm>>
    tpu.enqueue_dma source(%dma_start3A_48 : memref<80xf32, #tpu.memory_space<hbm>>) target(%arg12 : memref<80xf32, #tpu.memory_space<vmem>>) target_semaphore(%arg18 : memref<!tpu.dma_semaphore, #tpu.memory_space<semaphore_mem>>)
    %dma_wait3A = arith.constant 0 : i32
    %dma_wait3A_49 = tpu.memref_slice %arg2[%dma_wait3A] : memref<640000xi32, #tpu.memory_space<hbm>> -> memref<80xi32, #tpu.memory_space<hbm>>
    %dma_wait3A_50 = arith.constant 0 : i32
    %dma_wait3A_51 = tpu.memref_slice %arg2[%dma_wait3A_50] : memref<640000xi32, #tpu.memory_space<hbm>> -> memref<80xi32, #tpu.memory_space<hbm>>
    tpu.wait_dma2 semaphore(%arg18 : memref<!tpu.dma_semaphore, #tpu.memory_space<semaphore_mem>>) src(%dma_wait3A_51 : memref<80xi32, #tpu.memory_space<hbm>>) dst(%arg6 : memref<80xi32, #tpu.memory_space<vmem>>)
    %dma_wait3A_52 = arith.constant 0 : i32
    %dma_wait3A_53 = tpu.memref_slice %arg2[%dma_wait3A_52] : memref<640000xi32, #tpu.memory_space<hbm>> -> memref<80xi32, #tpu.memory_space<hbm>>
    %dma_wait3A_54 = arith.constant 0 : i32
    %dma_wait3A_55 = tpu.memref_slice %arg2[%dma_wait3A_54] : memref<640000xi32, #tpu.memory_space<hbm>> -> memref<80xi32, #tpu.memory_space<hbm>>
    tpu.wait_dma2 semaphore(%arg18 : memref<!tpu.dma_semaphore, #tpu.memory_space<semaphore_mem>>) src(%dma_wait3A_55 : memref<80xi32, #tpu.memory_space<hbm>>) dst(%arg9 : memref<80xi32, #tpu.memory_space<vmem>>)
    %dma_wait3A_56 = arith.constant 0 : i32
    %dma_wait3A_57 = tpu.memref_slice %arg3[%dma_wait3A_56] : memref<320000xf32, #tpu.memory_space<hbm>> -> memref<80xf32, #tpu.memory_space<hbm>>
    %dma_wait3A_58 = arith.constant 0 : i32
    %dma_wait3A_59 = tpu.memref_slice %arg3[%dma_wait3A_58] : memref<320000xf32, #tpu.memory_space<hbm>> -> memref<80xf32, #tpu.memory_space<hbm>>
    tpu.wait_dma2 semaphore(%arg18 : memref<!tpu.dma_semaphore, #tpu.memory_space<semaphore_mem>>) src(%dma_wait3A_59 : memref<80xf32, #tpu.memory_space<hbm>>) dst(%arg12 : memref<80xf32, #tpu.memory_space<vmem>>)
    %dma_start3A_60 = arith.constant 0 : i32
    %dma_start3A_61 = arith.constant 0 : i32
    %dma_start3A_62 = tpu.memref_slice %arg4[%dma_start3A_60, %dma_start3A_61] : memref<10000x128xf32, #tpu.memory_space<hbm>> -> memref<10000x128xf32, #tpu.memory_space<hbm>>
    tpu.enqueue_indirect_dma source(%dma_start3A_62 : memref<10000x128xf32, #tpu.memory_space<hbm>>) target(%arg15 : memref<80x128xf32, #tpu.memory_space<vmem>>) offsets(%arg6 : memref<80xi32, #tpu.memory_space<vmem>>) semaphore(%arg19 : memref<!tpu.dma_semaphore, #tpu.memory_space<semaphore_mem>>)
    %add3A_63 = arith.constant 80 : i32
    %add3A_64 = arith.addi %mul3A_2, %add3A_63 : i32
    %add3A_65 = arith.constant 320000 : i32
    %add3A_66 = arith.addi %add3A_65, %add3A_64 : i32
    %dma_start3A_67 = tpu.memref_slice %arg2[%add3A_66] : memref<640000xi32, #tpu.memory_space<hbm>> -> memref<80xi32, #tpu.memory_space<hbm>>
    %dma_start3A_68 = tpu.memref_slice %arg2[%add3A_66] : memref<640000xi32, #tpu.memory_space<hbm>> -> memref<80xi32, #tpu.memory_space<hbm>>
    tpu.enqueue_dma source(%dma_start3A_68 : memref<80xi32, #tpu.memory_space<hbm>>) target(%arg7 : memref<80xi32, #tpu.memory_space<vmem>>) target_semaphore(%arg18 : memref<!tpu.dma_semaphore, #tpu.memory_space<semaphore_mem>>)
    %dma_start3A_69 = tpu.memref_slice %arg2[%add3A_64] : memref<640000xi32, #tpu.memory_space<hbm>> -> memref<80xi32, #tpu.memory_space<hbm>>
    %dma_start3A_70 = tpu.memref_slice %arg2[%add3A_64] : memref<640000xi32, #tpu.memory_space<hbm>> -> memref<80xi32, #tpu.memory_space<hbm>>
    tpu.enqueue_dma source(%dma_start3A_70 : memref<80xi32, #tpu.memory_space<hbm>>) target(%arg10 : memref<80xi32, #tpu.memory_space<vmem>>) target_semaphore(%arg18 : memref<!tpu.dma_semaphore, #tpu.memory_space<semaphore_mem>>)
    %dma_start3A_71 = tpu.memref_slice %arg3[%add3A_64] : memref<320000xf32, #tpu.memory_space<hbm>> -> memref<80xf32, #tpu.memory_space<hbm>>
    %dma_start3A_72 = tpu.memref_slice %arg3[%add3A_64] : memref<320000xf32, #tpu.memory_space<hbm>> -> memref<80xf32, #tpu.memory_space<hbm>>
    tpu.enqueue_dma source(%dma_start3A_72 : memref<80xf32, #tpu.memory_space<hbm>>) target(%arg13 : memref<80xf32, #tpu.memory_space<vmem>>) target_semaphore(%arg18 : memref<!tpu.dma_semaphore, #tpu.memory_space<semaphore_mem>>)
    %dma_wait3A_73 = arith.constant 0 : i32
    %dma_wait3A_74 = tpu.memref_slice %arg2[%dma_wait3A_73] : memref<640000xi32, #tpu.memory_space<hbm>> -> memref<80xi32, #tpu.memory_space<hbm>>
    %dma_wait3A_75 = arith.constant 0 : i32
    %dma_wait3A_76 = tpu.memref_slice %arg2[%dma_wait3A_75] : memref<640000xi32, #tpu.memory_space<hbm>> -> memref<80xi32, #tpu.memory_space<hbm>>
    tpu.wait_dma2 semaphore(%arg18 : memref<!tpu.dma_semaphore, #tpu.memory_space<semaphore_mem>>) src(%dma_wait3A_76 : memref<80xi32, #tpu.memory_space<hbm>>) dst(%arg7 : memref<80xi32, #tpu.memory_space<vmem>>)
    %dma_wait3A_77 = arith.constant 0 : i32
    %dma_wait3A_78 = tpu.memref_slice %arg2[%dma_wait3A_77] : memref<640000xi32, #tpu.memory_space<hbm>> -> memref<80xi32, #tpu.memory_space<hbm>>
    %dma_wait3A_79 = arith.constant 0 : i32
    %dma_wait3A_80 = tpu.memref_slice %arg2[%dma_wait3A_79] : memref<640000xi32, #tpu.memory_space<hbm>> -> memref<80xi32, #tpu.memory_space<hbm>>
    tpu.wait_dma2 semaphore(%arg18 : memref<!tpu.dma_semaphore, #tpu.memory_space<semaphore_mem>>) src(%dma_wait3A_80 : memref<80xi32, #tpu.memory_space<hbm>>) dst(%arg10 : memref<80xi32, #tpu.memory_space<vmem>>)
    %dma_wait3A_81 = arith.constant 0 : i32
    %dma_wait3A_82 = tpu.memref_slice %arg3[%dma_wait3A_81] : memref<320000xf32, #tpu.memory_space<hbm>> -> memref<80xf32, #tpu.memory_space<hbm>>
    %dma_wait3A_83 = arith.constant 0 : i32
    %dma_wait3A_84 = tpu.memref_slice %arg3[%dma_wait3A_83] : memref<320000xf32, #tpu.memory_space<hbm>> -> memref<80xf32, #tpu.memory_space<hbm>>
    tpu.wait_dma2 semaphore(%arg18 : memref<!tpu.dma_semaphore, #tpu.memory_space<semaphore_mem>>) src(%dma_wait3A_84 : memref<80xf32, #tpu.memory_space<hbm>>) dst(%arg13 : memref<80xf32, #tpu.memory_space<vmem>>)
    %dma_start3A_85 = arith.constant 0 : i32
    %dma_start3A_86 = arith.constant 0 : i32
    %dma_start3A_87 = tpu.memref_slice %arg4[%dma_start3A_85, %dma_start3A_86] : memref<10000x128xf32, #tpu.memory_space<hbm>> -> memref<10000x128xf32, #tpu.memory_space<hbm>>
    tpu.enqueue_indirect_dma source(%dma_start3A_87 : memref<10000x128xf32, #tpu.memory_space<hbm>>) target(%arg16 : memref<80x128xf32, #tpu.memory_space<vmem>>) offsets(%arg7 : memref<80xi32, #tpu.memory_space<vmem>>) semaphore(%arg19 : memref<!tpu.dma_semaphore, #tpu.memory_space<semaphore_mem>>)
    %add3A_88 = arith.constant 160 : i32
    %add3A_89 = arith.addi %mul3A_2, %add3A_88 : i32
    %add3A_90 = arith.constant 320000 : i32
    %add3A_91 = arith.addi %add3A_90, %add3A_89 : i32
    %dma_start3A_92 = tpu.memref_slice %arg2[%add3A_91] : memref<640000xi32, #tpu.memory_space<hbm>> -> memref<80xi32, #tpu.memory_space<hbm>>
    %dma_start3A_93 = tpu.memref_slice %arg2[%add3A_91] : memref<640000xi32, #tpu.memory_space<hbm>> -> memref<80xi32, #tpu.memory_space<hbm>>
    tpu.enqueue_dma source(%dma_start3A_93 : memref<80xi32, #tpu.memory_space<hbm>>) target(%arg8 : memref<80xi32, #tpu.memory_space<vmem>>) target_semaphore(%arg18 : memref<!tpu.dma_semaphore, #tpu.memory_space<semaphore_mem>>)
    %dma_start3A_94 = tpu.memref_slice %arg2[%add3A_89] : memref<640000xi32, #tpu.memory_space<hbm>> -> memref<80xi32, #tpu.memory_space<hbm>>
    %dma_start3A_95 = tpu.memref_slice %arg2[%add3A_89] : memref<640000xi32, #tpu.memory_space<hbm>> -> memref<80xi32, #tpu.memory_space<hbm>>
    tpu.enqueue_dma source(%dma_start3A_95 : memref<80xi32, #tpu.memory_space<hbm>>) target(%arg11 : memref<80xi32, #tpu.memory_space<vmem>>) target_semaphore(%arg18 : memref<!tpu.dma_semaphore, #tpu.memory_space<semaphore_mem>>)
    %dma_start3A_96 = tpu.memref_slice %arg3[%add3A_89] : memref<320000xf32, #tpu.memory_space<hbm>> -> memref<80xf32, #tpu.memory_space<hbm>>
    %dma_start3A_97 = tpu.memref_slice %arg3[%add3A_89] : memref<320000xf32, #tpu.memory_space<hbm>> -> memref<80xf32, #tpu.memory_space<hbm>>
    tpu.enqueue_dma source(%dma_start3A_97 : memref<80xf32, #tpu.memory_space<hbm>>) target(%arg14 : memref<80xf32, #tpu.memory_space<vmem>>) target_semaphore(%arg18 : memref<!tpu.dma_semaphore, #tpu.memory_space<semaphore_mem>>)
    %dma_wait3A_98 = arith.constant 0 : i32
    %dma_wait3A_99 = arith.constant 0 : i32
    %dma_wait3A_100 = tpu.memref_slice %arg4[%dma_wait3A_98, %dma_wait3A_99] : memref<10000x128xf32, #tpu.memory_space<hbm>> -> memref<10000x128xf32, #tpu.memory_space<hbm>>
    tpu.wait_indirect_dma semaphore(%arg19 : memref<!tpu.dma_semaphore, #tpu.memory_space<semaphore_mem>>) src(%dma_wait3A_100 : memref<10000x128xf32, #tpu.memory_space<hbm>>) dst(%arg15 : memref<80x128xf32, #tpu.memory_space<vmem>>)
    %parallel_loop3A = arith.constant 0 : i32
    %parallel_loop3A_101 = arith.constant 40 : i32
    %parallel_loop3A_102 = arith.constant 1 : i32
    scf.for %parallel_loop3A_406 = %parallel_loop3A to %parallel_loop3A_101 step %parallel_loop3A_102  : i32 {
      %parallel_loop3A_407 = vector.broadcast %parallel_loop3A_406 : i32 to vector<16xi32>
      %parallel_loop3A_408 = tpu.vector_load_idx %arg12[%parallel_loop3A_407] : memref<80xf32, #tpu.memory_space<vmem>>[vector<16xi32>], vector<16xf32>,
      %parallel_loop3A_409 = arith.index_cast %parallel_loop3A_406 : i32 to index
      %parallel_loop3A_410 = arith.constant 0 : index
      %parallel_loop3A_411 = tpu.vector_load %arg15[%parallel_loop3A_409, %parallel_loop3A_410] {strides = array<i32>} : memref<80x128xf32, #tpu.memory_space<vmem>>, vector<16xf32>,
      %parallel_loop3A_412 = arith.mulf %parallel_loop3A_411, %parallel_loop3A_408 : vector<16xf32>
      %parallel_loop3A_413 = arith.index_cast %parallel_loop3A_406 : i32 to index
      %parallel_loop3A_414 = arith.constant 0 : index
      %parallel_loop3A_415 = tpu.vector_load %arg15[%parallel_loop3A_413, %parallel_loop3A_414] {strides = array<i32>} : memref<80x128xf32, #tpu.memory_space<vmem>>, vector<16xf32>,
      tpu.vector_store %arg15[%parallel_loop3A_413, %parallel_loop3A_414], %parallel_loop3A_412 {strides = array<i32>} : memref<80x128xf32, #tpu.memory_space<vmem>>, vector<16xf32>,
      %parallel_loop3A_416 = arith.index_cast %parallel_loop3A_406 : i32 to index
      %parallel_loop3A_417 = arith.constant 16 : index
      %parallel_loop3A_418 = tpu.vector_load %arg15[%parallel_loop3A_416, %parallel_loop3A_417] {strides = array<i32>} : memref<80x128xf32, #tpu.memory_space<vmem>>, vector<16xf32>,
      %parallel_loop3A_419 = arith.mulf %parallel_loop3A_418, %parallel_loop3A_408 : vector<16xf32>
      %parallel_loop3A_420 = arith.index_cast %parallel_loop3A_406 : i32 to index
      %parallel_loop3A_421 = arith.constant 16 : index
      %parallel_loop3A_422 = tpu.vector_load %arg15[%parallel_loop3A_420, %parallel_loop3A_421] {strides = array<i32>} : memref<80x128xf32, #tpu.memory_space<vmem>>, vector<16xf32>,
      tpu.vector_store %arg15[%parallel_loop3A_420, %parallel_loop3A_421], %parallel_loop3A_419 {strides = array<i32>} : memref<80x128xf32, #tpu.memory_space<vmem>>, vector<16xf32>,
      %parallel_loop3A_423 = arith.index_cast %parallel_loop3A_406 : i32 to index
      %parallel_loop3A_424 = arith.constant 32 : index
      %parallel_loop3A_425 = tpu.vector_load %arg15[%parallel_loop3A_423, %parallel_loop3A_424] {strides = array<i32>} : memref<80x128xf32, #tpu.memory_space<vmem>>, vector<16xf32>,
      %parallel_loop3A_426 = arith.mulf %parallel_loop3A_425, %parallel_loop3A_408 : vector<16xf32>
      %parallel_loop3A_427 = arith.index_cast %parallel_loop3A_406 : i32 to index
      %parallel_loop3A_428 = arith.constant 32 : index
      %parallel_loop3A_429 = tpu.vector_load %arg15[%parallel_loop3A_427, %parallel_loop3A_428] {strides = array<i32>} : memref<80x128xf32, #tpu.memory_space<vmem>>, vector<16xf32>,
      tpu.vector_store %arg15[%parallel_loop3A_427, %parallel_loop3A_428], %parallel_loop3A_426 {strides = array<i32>} : memref<80x128xf32, #tpu.memory_space<vmem>>, vector<16xf32>,
      %parallel_loop3A_430 = arith.index_cast %parallel_loop3A_406 : i32 to index
      %parallel_loop3A_431 = arith.constant 48 : index
      %parallel_loop3A_432 = tpu.vector_load %arg15[%parallel_loop3A_430, %parallel_loop3A_431] {strides = array<i32>} : memref<80x128xf32, #tpu.memory_space<vmem>>, vector<16xf32>,
      %parallel_loop3A_433 = arith.mulf %parallel_loop3A_432, %parallel_loop3A_408 : vector<16xf32>
      %parallel_loop3A_434 = arith.index_cast %parallel_loop3A_406 : i32 to index
      %parallel_loop3A_435 = arith.constant 48 : index
      %parallel_loop3A_436 = tpu.vector_load %arg15[%parallel_loop3A_434, %parallel_loop3A_435] {strides = array<i32>} : memref<80x128xf32, #tpu.memory_space<vmem>>, vector<16xf32>,
      tpu.vector_store %arg15[%parallel_loop3A_434, %parallel_loop3A_435], %parallel_loop3A_433 {strides = array<i32>} : memref<80x128xf32, #tpu.memory_space<vmem>>, vector<16xf32>,
      %parallel_loop3A_437 = arith.index_cast %parallel_loop3A_406 : i32 to index
      %parallel_loop3A_438 = arith.constant 64 : index
      %parallel_loop3A_439 = tpu.vector_load %arg15[%parallel_loop3A_437, %parallel_loop3A_438] {strides = array<i32>} : memref<80x128xf32, #tpu.memory_space<vmem>>, vector<16xf32>,
      %parallel_loop3A_440 = arith.mulf %parallel_loop3A_439, %parallel_loop3A_408 : vector<16xf32>
      %parallel_loop3A_441 = arith.index_cast %parallel_loop3A_406 : i32 to index
      %parallel_loop3A_442 = arith.constant 64 : index
      %parallel_loop3A_443 = tpu.vector_load %arg15[%parallel_loop3A_441, %parallel_loop3A_442] {strides = array<i32>} : memref<80x128xf32, #tpu.memory_space<vmem>>, vector<16xf32>,
      tpu.vector_store %arg15[%parallel_loop3A_441, %parallel_loop3A_442], %parallel_loop3A_440 {strides = array<i32>} : memref<80x128xf32, #tpu.memory_space<vmem>>, vector<16xf32>,
      %parallel_loop3A_444 = arith.index_cast %parallel_loop3A_406 : i32 to index
      %parallel_loop3A_445 = arith.constant 80 : index
      %parallel_loop3A_446 = tpu.vector_load %arg15[%parallel_loop3A_444, %parallel_loop3A_445] {strides = array<i32>} : memref<80x128xf32, #tpu.memory_space<vmem>>, vector<16xf32>,
      %parallel_loop3A_447 = arith.mulf %parallel_loop3A_446, %parallel_loop3A_408 : vector<16xf32>
      %parallel_loop3A_448 = arith.index_cast %parallel_loop3A_406 : i32 to index
      %parallel_loop3A_449 = arith.constant 80 : index
      %parallel_loop3A_450 = tpu.vector_load %arg15[%parallel_loop3A_448, %parallel_loop3A_449] {strides = array<i32>} : memref<80x128xf32, #tpu.memory_space<vmem>>, vector<16xf32>,
      tpu.vector_store %arg15[%parallel_loop3A_448, %parallel_loop3A_449], %parallel_loop3A_447 {strides = array<i32>} : memref<80x128xf32, #tpu.memory_space<vmem>>, vector<16xf32>,
      %parallel_loop3A_451 = arith.index_cast %parallel_loop3A_406 : i32 to index
      %parallel_loop3A_452 = arith.constant 96 : index
      %parallel_loop3A_453 = tpu.vector_load %arg15[%parallel_loop3A_451, %parallel_loop3A_452] {strides = array<i32>} : memref<80x128xf32, #tpu.memory_space<vmem>>, vector<16xf32>,
      %parallel_loop3A_454 = arith.mulf %parallel_loop3A_453, %parallel_loop3A_408 : vector<16xf32>
      %parallel_loop3A_455 = arith.index_cast %parallel_loop3A_406 : i32 to index
      %parallel_loop3A_456 = arith.constant 96 : index
      %parallel_loop3A_457 = tpu.vector_load %arg15[%parallel_loop3A_455, %parallel_loop3A_456] {strides = array<i32>} : memref<80x128xf32, #tpu.memory_space<vmem>>, vector<16xf32>,
      tpu.vector_store %arg15[%parallel_loop3A_455, %parallel_loop3A_456], %parallel_loop3A_454 {strides = array<i32>} : memref<80x128xf32, #tpu.memory_space<vmem>>, vector<16xf32>,
      %parallel_loop3A_458 = arith.index_cast %parallel_loop3A_406 : i32 to index
      %parallel_loop3A_459 = arith.constant 112 : index
      %parallel_loop3A_460 = tpu.vector_load %arg15[%parallel_loop3A_458, %parallel_loop3A_459] {strides = array<i32>} : memref<80x128xf32, #tpu.memory_space<vmem>>, vector<16xf32>,
      %parallel_loop3A_461 = arith.mulf %parallel_loop3A_460, %parallel_loop3A_408 : vector<16xf32>
      %parallel_loop3A_462 = arith.index_cast %parallel_loop3A_406 : i32 to index
      %parallel_loop3A_463 = arith.constant 112 : index
      %parallel_loop3A_464 = tpu.vector_load %arg15[%parallel_loop3A_462, %parallel_loop3A_463] {strides = array<i32>} : memref<80x128xf32, #tpu.memory_space<vmem>>, vector<16xf32>,
      tpu.vector_store %arg15[%parallel_loop3A_462, %parallel_loop3A_463], %parallel_loop3A_461 {strides = array<i32>} : memref<80x128xf32, #tpu.memory_space<vmem>>, vector<16xf32>,
    } {sc.loop_unroll_factor = 2 : i64, sc.parallel_access}
    %dma_start3A_103 = arith.constant 0 : i32
    %dma_start3A_104 = arith.constant 0 : i32
    %dma_start3A_105 = tpu.memref_slice %arg15[%dma_start3A_103, %dma_start3A_104] : memref<80x128xf32, #tpu.memory_space<vmem>> -> memref<40x128xf32, #tpu.memory_space<vmem>>
    %dma_start3A_106 = arith.constant 0 : i32
    %dma_start3A_107 = tpu.memref_slice %arg9[%dma_start3A_106] : memref<80xi32, #tpu.memory_space<vmem>> -> memref<40xi32, #tpu.memory_space<vmem>>
    %dma_start3A_108 = arith.constant 0 : i32
    %dma_start3A_109 = arith.constant 0 : i32
    %dma_start3A_110 = tpu.memref_slice %arg17[%dma_start3A_108, %dma_start3A_109] : memref<10240x128xf32, #tpu.memory_space<vmem_shared>> -> memref<10240x128xf32, #tpu.memory_space<vmem_shared>>
    tpu.enqueue_indirect_dma source(%dma_start3A_105 : memref<40x128xf32, #tpu.memory_space<vmem>>) target(%dma_start3A_110 : memref<10240x128xf32, #tpu.memory_space<vmem_shared>>) offsets(%dma_start3A_107 : memref<40xi32, #tpu.memory_space<vmem>>) semaphore(%arg20 : memref<!tpu.dma_semaphore, #tpu.memory_space<semaphore_mem>>) {add = true}
    %parallel_loop3A_111 = arith.constant 40 : i32
    %parallel_loop3A_112 = arith.constant 80 : i32
    %parallel_loop3A_113 = arith.constant 1 : i32
    scf.for %parallel_loop3A_406 = %parallel_loop3A_111 to %parallel_loop3A_112 step %parallel_loop3A_113  : i32 {
      %parallel_loop3A_407 = vector.broadcast %parallel_loop3A_406 : i32 to vector<16xi32>
      %parallel_loop3A_408 = tpu.vector_load_idx %arg12[%parallel_loop3A_407] : memref<80xf32, #tpu.memory_space<vmem>>[vector<16xi32>], vector<16xf32>,
      %parallel_loop3A_409 = arith.index_cast %parallel_loop3A_406 : i32 to index
      %parallel_loop3A_410 = arith.constant 0 : index
      %parallel_loop3A_411 = tpu.vector_load %arg15[%parallel_loop3A_409, %parallel_loop3A_410] {strides = array<i32>} : memref<80x128xf32, #tpu.memory_space<vmem>>, vector<16xf32>,
      %parallel_loop3A_412 = arith.mulf %parallel_loop3A_411, %parallel_loop3A_408 : vector<16xf32>
      %parallel_loop3A_413 = arith.index_cast %parallel_loop3A_406 : i32 to index
      %parallel_loop3A_414 = arith.constant 0 : index
      %parallel_loop3A_415 = tpu.vector_load %arg15[%parallel_loop3A_413, %parallel_loop3A_414] {strides = array<i32>} : memref<80x128xf32, #tpu.memory_space<vmem>>, vector<16xf32>,
      tpu.vector_store %arg15[%parallel_loop3A_413, %parallel_loop3A_414], %parallel_loop3A_412 {strides = array<i32>} : memref<80x128xf32, #tpu.memory_space<vmem>>, vector<16xf32>,
      %parallel_loop3A_416 = arith.index_cast %parallel_loop3A_406 : i32 to index
      %parallel_loop3A_417 = arith.constant 16 : index
      %parallel_loop3A_418 = tpu.vector_load %arg15[%parallel_loop3A_416, %parallel_loop3A_417] {strides = array<i32>} : memref<80x128xf32, #tpu.memory_space<vmem>>, vector<16xf32>,
      %parallel_loop3A_419 = arith.mulf %parallel_loop3A_418, %parallel_loop3A_408 : vector<16xf32>
      %parallel_loop3A_420 = arith.index_cast %parallel_loop3A_406 : i32 to index
      %parallel_loop3A_421 = arith.constant 16 : index
      %parallel_loop3A_422 = tpu.vector_load %arg15[%parallel_loop3A_420, %parallel_loop3A_421] {strides = array<i32>} : memref<80x128xf32, #tpu.memory_space<vmem>>, vector<16xf32>,
      tpu.vector_store %arg15[%parallel_loop3A_420, %parallel_loop3A_421], %parallel_loop3A_419 {strides = array<i32>} : memref<80x128xf32, #tpu.memory_space<vmem>>, vector<16xf32>,
      %parallel_loop3A_423 = arith.index_cast %parallel_loop3A_406 : i32 to index
      %parallel_loop3A_424 = arith.constant 32 : index
      %parallel_loop3A_425 = tpu.vector_load %arg15[%parallel_loop3A_423, %parallel_loop3A_424] {strides = array<i32>} : memref<80x128xf32, #tpu.memory_space<vmem>>, vector<16xf32>,
      %parallel_loop3A_426 = arith.mulf %parallel_loop3A_425, %parallel_loop3A_408 : vector<16xf32>
      %parallel_loop3A_427 = arith.index_cast %parallel_loop3A_406 : i32 to index
      %parallel_loop3A_428 = arith.constant 32 : index
      %parallel_loop3A_429 = tpu.vector_load %arg15[%parallel_loop3A_427, %parallel_loop3A_428] {strides = array<i32>} : memref<80x128xf32, #tpu.memory_space<vmem>>, vector<16xf32>,
      tpu.vector_store %arg15[%parallel_loop3A_427, %parallel_loop3A_428], %parallel_loop3A_426 {strides = array<i32>} : memref<80x128xf32, #tpu.memory_space<vmem>>, vector<16xf32>,
      %parallel_loop3A_430 = arith.index_cast %parallel_loop3A_406 : i32 to index
      %parallel_loop3A_431 = arith.constant 48 : index
      %parallel_loop3A_432 = tpu.vector_load %arg15[%parallel_loop3A_430, %parallel_loop3A_431] {strides = array<i32>} : memref<80x128xf32, #tpu.memory_space<vmem>>, vector<16xf32>,
      %parallel_loop3A_433 = arith.mulf %parallel_loop3A_432, %parallel_loop3A_408 : vector<16xf32>
      %parallel_loop3A_434 = arith.index_cast %parallel_loop3A_406 : i32 to index
      %parallel_loop3A_435 = arith.constant 48 : index
      %parallel_loop3A_436 = tpu.vector_load %arg15[%parallel_loop3A_434, %parallel_loop3A_435] {strides = array<i32>} : memref<80x128xf32, #tpu.memory_space<vmem>>, vector<16xf32>,
      tpu.vector_store %arg15[%parallel_loop3A_434, %parallel_loop3A_435], %parallel_loop3A_433 {strides = array<i32>} : memref<80x128xf32, #tpu.memory_space<vmem>>, vector<16xf32>,
      %parallel_loop3A_437 = arith.index_cast %parallel_loop3A_406 : i32 to index
      %parallel_loop3A_438 = arith.constant 64 : index
      %parallel_loop3A_439 = tpu.vector_load %arg15[%parallel_loop3A_437, %parallel_loop3A_438] {strides = array<i32>} : memref<80x128xf32, #tpu.memory_space<vmem>>, vector<16xf32>,
      %parallel_loop3A_440 = arith.mulf %parallel_loop3A_439, %parallel_loop3A_408 : vector<16xf32>
      %parallel_loop3A_441 = arith.index_cast %parallel_loop3A_406 : i32 to index
      %parallel_loop3A_442 = arith.constant 64 : index
      %parallel_loop3A_443 = tpu.vector_load %arg15[%parallel_loop3A_441, %parallel_loop3A_442] {strides = array<i32>} : memref<80x128xf32, #tpu.memory_space<vmem>>, vector<16xf32>,
      tpu.vector_store %arg15[%parallel_loop3A_441, %parallel_loop3A_442], %parallel_loop3A_440 {strides = array<i32>} : memref<80x128xf32, #tpu.memory_space<vmem>>, vector<16xf32>,
      %parallel_loop3A_444 = arith.index_cast %parallel_loop3A_406 : i32 to index
      %parallel_loop3A_445 = arith.constant 80 : index
      %parallel_loop3A_446 = tpu.vector_load %arg15[%parallel_loop3A_444, %parallel_loop3A_445] {strides = array<i32>} : memref<80x128xf32, #tpu.memory_space<vmem>>, vector<16xf32>,
      %parallel_loop3A_447 = arith.mulf %parallel_loop3A_446, %parallel_loop3A_408 : vector<16xf32>
      %parallel_loop3A_448 = arith.index_cast %parallel_loop3A_406 : i32 to index
      %parallel_loop3A_449 = arith.constant 80 : index
      %parallel_loop3A_450 = tpu.vector_load %arg15[%parallel_loop3A_448, %parallel_loop3A_449] {strides = array<i32>} : memref<80x128xf32, #tpu.memory_space<vmem>>, vector<16xf32>,
      tpu.vector_store %arg15[%parallel_loop3A_448, %parallel_loop3A_449], %parallel_loop3A_447 {strides = array<i32>} : memref<80x128xf32, #tpu.memory_space<vmem>>, vector<16xf32>,
      %parallel_loop3A_451 = arith.index_cast %parallel_loop3A_406 : i32 to index
      %parallel_loop3A_452 = arith.constant 96 : index
      %parallel_loop3A_453 = tpu.vector_load %arg15[%parallel_loop3A_451, %parallel_loop3A_452] {strides = array<i32>} : memref<80x128xf32, #tpu.memory_space<vmem>>, vector<16xf32>,
      %parallel_loop3A_454 = arith.mulf %parallel_loop3A_453, %parallel_loop3A_408 : vector<16xf32>
      %parallel_loop3A_455 = arith.index_cast %parallel_loop3A_406 : i32 to index
      %parallel_loop3A_456 = arith.constant 96 : index
      %parallel_loop3A_457 = tpu.vector_load %arg15[%parallel_loop3A_455, %parallel_loop3A_456] {strides = array<i32>} : memref<80x128xf32, #tpu.memory_space<vmem>>, vector<16xf32>,
      tpu.vector_store %arg15[%parallel_loop3A_455, %parallel_loop3A_456], %parallel_loop3A_454 {strides = array<i32>} : memref<80x128xf32, #tpu.memory_space<vmem>>, vector<16xf32>,
      %parallel_loop3A_458 = arith.index_cast %parallel_loop3A_406 : i32 to index
      %parallel_loop3A_459 = arith.constant 112 : index
      %parallel_loop3A_460 = tpu.vector_load %arg15[%parallel_loop3A_458, %parallel_loop3A_459] {strides = array<i32>} : memref<80x128xf32, #tpu.memory_space<vmem>>, vector<16xf32>,
      %parallel_loop3A_461 = arith.mulf %parallel_loop3A_460, %parallel_loop3A_408 : vector<16xf32>
      %parallel_loop3A_462 = arith.index_cast %parallel_loop3A_406 : i32 to index
      %parallel_loop3A_463 = arith.constant 112 : index
      %parallel_loop3A_464 = tpu.vector_load %arg15[%parallel_loop3A_462, %parallel_loop3A_463] {strides = array<i32>} : memref<80x128xf32, #tpu.memory_space<vmem>>, vector<16xf32>,
      tpu.vector_store %arg15[%parallel_loop3A_462, %parallel_loop3A_463], %parallel_loop3A_461 {strides = array<i32>} : memref<80x128xf32, #tpu.memory_space<vmem>>, vector<16xf32>,
    } {sc.loop_unroll_factor = 2 : i64, sc.parallel_access}
    %dma_start3A_114 = arith.constant 40 : i32
    %dma_start3A_115 = arith.constant 0 : i32
    %dma_start3A_116 = tpu.memref_slice %arg15[%dma_start3A_114, %dma_start3A_115] : memref<80x128xf32, #tpu.memory_space<vmem>> -> memref<40x128xf32, #tpu.memory_space<vmem>>
    %dma_start3A_117 = arith.constant 40 : i32
    %dma_start3A_118 = tpu.memref_slice %arg9[%dma_start3A_117] : memref<80xi32, #tpu.memory_space<vmem>> -> memref<40xi32, #tpu.memory_space<vmem>>
    %dma_start3A_119 = arith.constant 0 : i32
    %dma_start3A_120 = arith.constant 0 : i32
    %dma_start3A_121 = tpu.memref_slice %arg17[%dma_start3A_119, %dma_start3A_120] : memref<10240x128xf32, #tpu.memory_space<vmem_shared>> -> memref<10240x128xf32, #tpu.memory_space<vmem_shared>>
    tpu.enqueue_indirect_dma source(%dma_start3A_116 : memref<40x128xf32, #tpu.memory_space<vmem>>) target(%dma_start3A_121 : memref<10240x128xf32, #tpu.memory_space<vmem_shared>>) offsets(%dma_start3A_118 : memref<40xi32, #tpu.memory_space<vmem>>) semaphore(%arg20 : memref<!tpu.dma_semaphore, #tpu.memory_space<semaphore_mem>>) {add = true}
    %scan3A_122 = arith.constant 0 : i32
    %scan3A_123 = arith.constant 0 : i32
    %scan3A_124 = arith.constant 20 : i32
    %scan3A_125 = arith.addi %scan3A_123, %scan3A_124 : i32
    %scan3A_126 = arith.constant 1 : i32
    scf.for %scan3A_406 = %scan3A_123 to %scan3A_125 step %scan3A_126  : i32 {
      %mul3A_407 = arith.constant 6 : i32
      %mul3A_408 = arith.muli %scan3A_406, %mul3A_407 : i32
      %add3A_409 = arith.constant 1 : i32
      %add3A_410 = arith.addi %add3A_409, %mul3A_408 : i32
      %dma_wait3A_411 = arith.constant 0 : i32
      %dma_wait3A_412 = tpu.memref_slice %arg2[%dma_wait3A_411] : memref<640000xi32, #tpu.memory_space<hbm>> -> memref<80xi32, #tpu.memory_space<hbm>>
      %dma_wait3A_413 = arith.constant 0 : i32
      %dma_wait3A_414 = tpu.memref_slice %arg2[%dma_wait3A_413] : memref<640000xi32, #tpu.memory_space<hbm>> -> memref<80xi32, #tpu.memory_space<hbm>>
      tpu.wait_dma2 semaphore(%arg18 : memref<!tpu.dma_semaphore, #tpu.memory_space<semaphore_mem>>) src(%dma_wait3A_414 : memref<80xi32, #tpu.memory_space<hbm>>) dst(%arg8 : memref<80xi32, #tpu.memory_space<vmem>>)
      %dma_wait3A_415 = arith.constant 0 : i32
      %dma_wait3A_416 = tpu.memref_slice %arg2[%dma_wait3A_415] : memref<640000xi32, #tpu.memory_space<hbm>> -> memref<80xi32, #tpu.memory_space<hbm>>
      %dma_wait3A_417 = arith.constant 0 : i32
      %dma_wait3A_418 = tpu.memref_slice %arg2[%dma_wait3A_417] : memref<640000xi32, #tpu.memory_space<hbm>> -> memref<80xi32, #tpu.memory_space<hbm>>
      tpu.wait_dma2 semaphore(%arg18 : memref<!tpu.dma_semaphore, #tpu.memory_space<semaphore_mem>>) src(%dma_wait3A_418 : memref<80xi32, #tpu.memory_space<hbm>>) dst(%arg11 : memref<80xi32, #tpu.memory_space<vmem>>)
      %dma_wait3A_419 = arith.constant 0 : i32
      %dma_wait3A_420 = tpu.memref_slice %arg3[%dma_wait3A_419] : memref<320000xf32, #tpu.memory_space<hbm>> -> memref<80xf32, #tpu.memory_space<hbm>>
      %dma_wait3A_421 = arith.constant 0 : i32
      %dma_wait3A_422 = tpu.memref_slice %arg3[%dma_wait3A_421] : memref<320000xf32, #tpu.memory_space<hbm>> -> memref<80xf32, #tpu.memory_space<hbm>>
      tpu.wait_dma2 semaphore(%arg18 : memref<!tpu.dma_semaphore, #tpu.memory_space<semaphore_mem>>) src(%dma_wait3A_422 : memref<80xf32, #tpu.memory_space<hbm>>) dst(%arg14 : memref<80xf32, #tpu.memory_space<vmem>>)
      %dma_wait3A_423 = arith.constant 0 : i32
      %dma_wait3A_424 = arith.constant 0 : i32
      %dma_wait3A_425 = tpu.memref_slice %arg15[%dma_wait3A_423, %dma_wait3A_424] : memref<80x128xf32, #tpu.memory_space<vmem>> -> memref<40x128xf32, #tpu.memory_space<vmem>>
      %dma_wait3A_426 = arith.constant 0 : i32
      %dma_wait3A_427 = tpu.memref_slice %arg9[%dma_wait3A_426] : memref<80xi32, #tpu.memory_space<vmem>> -> memref<40xi32, #tpu.memory_space<vmem>>
      %dma_wait3A_428 = arith.constant 0 : i32
      %dma_wait3A_429 = arith.constant 0 : i32
      %dma_wait3A_430 = tpu.memref_slice %arg17[%dma_wait3A_428, %dma_wait3A_429] : memref<10240x128xf32, #tpu.memory_space<vmem_shared>> -> memref<10240x128xf32, #tpu.memory_space<vmem_shared>>
      tpu.wait_indirect_dma semaphore(%arg20 : memref<!tpu.dma_semaphore, #tpu.memory_space<semaphore_mem>>) src(%dma_wait3A_425 : memref<40x128xf32, #tpu.memory_space<vmem>>) dst(%dma_wait3A_430 : memref<10240x128xf32, #tpu.memory_space<vmem_shared>>)
      %dma_wait3A_431 = arith.constant 40 : i32
      %dma_wait3A_432 = arith.constant 0 : i32
      %dma_wait3A_433 = tpu.memref_slice %arg15[%dma_wait3A_431, %dma_wait3A_432] : memref<80x128xf32, #tpu.memory_space<vmem>> -> memref<40x128xf32, #tpu.memory_space<vmem>>
      %dma_wait3A_434 = arith.constant 40 : i32
      %dma_wait3A_435 = tpu.memref_slice %arg9[%dma_wait3A_434] : memref<80xi32, #tpu.memory_space<vmem>> -> memref<40xi32, #tpu.memory_space<vmem>>
      %dma_wait3A_436 = arith.constant 0 : i32
      %dma_wait3A_437 = arith.constant 0 : i32
      %dma_wait3A_438 = tpu.memref_slice %arg17[%dma_wait3A_436, %dma_wait3A_437] : memref<10240x128xf32, #tpu.memory_space<vmem_shared>> -> memref<10240x128xf32, #tpu.memory_space<vmem_shared>>
      tpu.wait_indirect_dma semaphore(%arg20 : memref<!tpu.dma_semaphore, #tpu.memory_space<semaphore_mem>>) src(%dma_wait3A_433 : memref<40x128xf32, #tpu.memory_space<vmem>>) dst(%dma_wait3A_438 : memref<10240x128xf32, #tpu.memory_space<vmem_shared>>)
      %dma_start3A_439 = arith.constant 0 : i32
      %dma_start3A_440 = arith.constant 0 : i32
      %dma_start3A_441 = tpu.memref_slice %arg4[%dma_start3A_439, %dma_start3A_440] : memref<10000x128xf32, #tpu.memory_space<hbm>> -> memref<10000x128xf32, #tpu.memory_space<hbm>>
      tpu.enqueue_indirect_dma source(%dma_start3A_441 : memref<10000x128xf32, #tpu.memory_space<hbm>>) target(%arg15 : memref<80x128xf32, #tpu.memory_space<vmem>>) offsets(%arg8 : memref<80xi32, #tpu.memory_space<vmem>>) semaphore(%arg19 : memref<!tpu.dma_semaphore, #tpu.memory_space<semaphore_mem>>)
      %add3A_442 = arith.constant 2 : i32
      %add3A_443 = arith.addi %add3A_410, %add3A_442 : i32
      %mul3A_444 = arith.constant 80 : i32
      %mul3A_445 = arith.muli %add3A_443, %mul3A_444 : i32
      %add3A_446 = arith.addi %mul3A_2, %mul3A_445 : i32
      %add3A_447 = arith.constant 320000 : i32
      %add3A_448 = arith.addi %add3A_447, %add3A_446 : i32
      %dma_start3A_449 = tpu.memref_slice %arg2[%add3A_448] : memref<640000xi32, #tpu.memory_space<hbm>> -> memref<80xi32, #tpu.memory_space<hbm>>
      %dma_start3A_450 = tpu.memref_slice %arg2[%add3A_448] : memref<640000xi32, #tpu.memory_space<hbm>> -> memref<80xi32, #tpu.memory_space<hbm>>
      tpu.enqueue_dma source(%dma_start3A_450 : memref<80xi32, #tpu.memory_space<hbm>>) target(%arg6 : memref<80xi32, #tpu.memory_space<vmem>>) target_semaphore(%arg18 : memref<!tpu.dma_semaphore, #tpu.memory_space<semaphore_mem>>)
      %dma_start3A_451 = tpu.memref_slice %arg2[%add3A_446] : memref<640000xi32, #tpu.memory_space<hbm>> -> memref<80xi32, #tpu.memory_space<hbm>>
      %dma_start3A_452 = tpu.memref_slice %arg2[%add3A_446] : memref<640000xi32, #tpu.memory_space<hbm>> -> memref<80xi32, #tpu.memory_space<hbm>>
      tpu.enqueue_dma source(%dma_start3A_452 : memref<80xi32, #tpu.memory_space<hbm>>) target(%arg9 : memref<80xi32, #tpu.memory_space<vmem>>) target_semaphore(%arg18 : memref<!tpu.dma_semaphore, #tpu.memory_space<semaphore_mem>>)
      %dma_start3A_453 = tpu.memref_slice %arg3[%add3A_446] : memref<320000xf32, #tpu.memory_space<hbm>> -> memref<80xf32, #tpu.memory_space<hbm>>
      %dma_start3A_454 = tpu.memref_slice %arg3[%add3A_446] : memref<320000xf32, #tpu.memory_space<hbm>> -> memref<80xf32, #tpu.memory_space<hbm>>
      tpu.enqueue_dma source(%dma_start3A_454 : memref<80xf32, #tpu.memory_space<hbm>>) target(%arg12 : memref<80xf32, #tpu.memory_space<vmem>>) target_semaphore(%arg18 : memref<!tpu.dma_semaphore, #tpu.memory_space<semaphore_mem>>)
      %dma_wait3A_455 = arith.constant 0 : i32
      %dma_wait3A_456 = arith.constant 0 : i32
      %dma_wait3A_457 = tpu.memref_slice %arg4[%dma_wait3A_455, %dma_wait3A_456] : memref<10000x128xf32, #tpu.memory_space<hbm>> -> memref<10000x128xf32, #tpu.memory_space<hbm>>
      tpu.wait_indirect_dma semaphore(%arg19 : memref<!tpu.dma_semaphore, #tpu.memory_space<semaphore_mem>>) src(%dma_wait3A_457 : memref<10000x128xf32, #tpu.memory_space<hbm>>) dst(%arg16 : memref<80x128xf32, #tpu.memory_space<vmem>>)
      %parallel_loop3A_458 = arith.constant 0 : i32
      %parallel_loop3A_459 = arith.constant 40 : i32
      %parallel_loop3A_460 = arith.constant 1 : i32
      scf.for %parallel_loop3A_845 = %parallel_loop3A_458 to %parallel_loop3A_459 step %parallel_loop3A_460  : i32 {
        %parallel_loop3A_846 = vector.broadcast %parallel_loop3A_845 : i32 to vector<16xi32>
        %parallel_loop3A_847 = tpu.vector_load_idx %arg13[%parallel_loop3A_846] : memref<80xf32, #tpu.memory_space<vmem>>[vector<16xi32>], vector<16xf32>,
        %parallel_loop3A_848 = arith.index_cast %parallel_loop3A_845 : i32 to index
        %parallel_loop3A_849 = arith.constant 0 : index
        %parallel_loop3A_850 = tpu.vector_load %arg16[%parallel_loop3A_848, %parallel_loop3A_849] {strides = array<i32>} : memref<80x128xf32, #tpu.memory_space<vmem>>, vector<16xf32>,
        %parallel_loop3A_851 = arith.mulf %parallel_loop3A_850, %parallel_loop3A_847 : vector<16xf32>
        %parallel_loop3A_852 = arith.index_cast %parallel_loop3A_845 : i32 to index
        %parallel_loop3A_853 = arith.constant 0 : index
        %parallel_loop3A_854 = tpu.vector_load %arg16[%parallel_loop3A_852, %parallel_loop3A_853] {strides = array<i32>} : memref<80x128xf32, #tpu.memory_space<vmem>>, vector<16xf32>,
        tpu.vector_store %arg16[%parallel_loop3A_852, %parallel_loop3A_853], %parallel_loop3A_851 {strides = array<i32>} : memref<80x128xf32, #tpu.memory_space<vmem>>, vector<16xf32>,
        %parallel_loop3A_855 = arith.index_cast %parallel_loop3A_845 : i32 to index
        %parallel_loop3A_856 = arith.constant 16 : index
        %parallel_loop3A_857 = tpu.vector_load %arg16[%parallel_loop3A_855, %parallel_loop3A_856] {strides = array<i32>} : memref<80x128xf32, #tpu.memory_space<vmem>>, vector<16xf32>,
        %parallel_loop3A_858 = arith.mulf %parallel_loop3A_857, %parallel_loop3A_847 : vector<16xf32>
        %parallel_loop3A_859 = arith.index_cast %parallel_loop3A_845 : i32 to index
        %parallel_loop3A_860 = arith.constant 16 : index
        %parallel_loop3A_861 = tpu.vector_load %arg16[%parallel_loop3A_859, %parallel_loop3A_860] {strides = array<i32>} : memref<80x128xf32, #tpu.memory_space<vmem>>, vector<16xf32>,
        tpu.vector_store %arg16[%parallel_loop3A_859, %parallel_loop3A_860], %parallel_loop3A_858 {strides = array<i32>} : memref<80x128xf32, #tpu.memory_space<vmem>>, vector<16xf32>,
        %parallel_loop3A_862 = arith.index_cast %parallel_loop3A_845 : i32 to index
        %parallel_loop3A_863 = arith.constant 32 : index
        %parallel_loop3A_864 = tpu.vector_load %arg16[%parallel_loop3A_862, %parallel_loop3A_863] {strides = array<i32>} : memref<80x128xf32, #tpu.memory_space<vmem>>, vector<16xf32>,
        %parallel_loop3A_865 = arith.mulf %parallel_loop3A_864, %parallel_loop3A_847 : vector<16xf32>
        %parallel_loop3A_866 = arith.index_cast %parallel_loop3A_845 : i32 to index
        %parallel_loop3A_867 = arith.constant 32 : index
        %parallel_loop3A_868 = tpu.vector_load %arg16[%parallel_loop3A_866, %parallel_loop3A_867] {strides = array<i32>} : memref<80x128xf32, #tpu.memory_space<vmem>>, vector<16xf32>,
        tpu.vector_store %arg16[%parallel_loop3A_866, %parallel_loop3A_867], %parallel_loop3A_865 {strides = array<i32>} : memref<80x128xf32, #tpu.memory_space<vmem>>, vector<16xf32>,
        %parallel_loop3A_869 = arith.index_cast %parallel_loop3A_845 : i32 to index
        %parallel_loop3A_870 = arith.constant 48 : index
        %parallel_loop3A_871 = tpu.vector_load %arg16[%parallel_loop3A_869, %parallel_loop3A_870] {strides = array<i32>} : memref<80x128xf32, #tpu.memory_space<vmem>>, vector<16xf32>,
        %parallel_loop3A_872 = arith.mulf %parallel_loop3A_871, %parallel_loop3A_847 : vector<16xf32>
        %parallel_loop3A_873 = arith.index_cast %parallel_loop3A_845 : i32 to index
        %parallel_loop3A_874 = arith.constant 48 : index
        %parallel_loop3A_875 = tpu.vector_load %arg16[%parallel_loop3A_873, %parallel_loop3A_874] {strides = array<i32>} : memref<80x128xf32, #tpu.memory_space<vmem>>, vector<16xf32>,
        tpu.vector_store %arg16[%parallel_loop3A_873, %parallel_loop3A_874], %parallel_loop3A_872 {strides = array<i32>} : memref<80x128xf32, #tpu.memory_space<vmem>>, vector<16xf32>,
        %parallel_loop3A_876 = arith.index_cast %parallel_loop3A_845 : i32 to index
        %parallel_loop3A_877 = arith.constant 64 : index
        %parallel_loop3A_878 = tpu.vector_load %arg16[%parallel_loop3A_876, %parallel_loop3A_877] {strides = array<i32>} : memref<80x128xf32, #tpu.memory_space<vmem>>, vector<16xf32>,
        %parallel_loop3A_879 = arith.mulf %parallel_loop3A_878, %parallel_loop3A_847 : vector<16xf32>
        %parallel_loop3A_880 = arith.index_cast %parallel_loop3A_845 : i32 to index
        %parallel_loop3A_881 = arith.constant 64 : index
        %parallel_loop3A_882 = tpu.vector_load %arg16[%parallel_loop3A_880, %parallel_loop3A_881] {strides = array<i32>} : memref<80x128xf32, #tpu.memory_space<vmem>>, vector<16xf32>,
        tpu.vector_store %arg16[%parallel_loop3A_880, %parallel_loop3A_881], %parallel_loop3A_879 {strides = array<i32>} : memref<80x128xf32, #tpu.memory_space<vmem>>, vector<16xf32>,
        %parallel_loop3A_883 = arith.index_cast %parallel_loop3A_845 : i32 to index
        %parallel_loop3A_884 = arith.constant 80 : index
        %parallel_loop3A_885 = tpu.vector_load %arg16[%parallel_loop3A_883, %parallel_loop3A_884] {strides = array<i32>} : memref<80x128xf32, #tpu.memory_space<vmem>>, vector<16xf32>,
        %parallel_loop3A_886 = arith.mulf %parallel_loop3A_885, %parallel_loop3A_847 : vector<16xf32>
        %parallel_loop3A_887 = arith.index_cast %parallel_loop3A_845 : i32 to index
        %parallel_loop3A_888 = arith.constant 80 : index
        %parallel_loop3A_889 = tpu.vector_load %arg16[%parallel_loop3A_887, %parallel_loop3A_888] {strides = array<i32>} : memref<80x128xf32, #tpu.memory_space<vmem>>, vector<16xf32>,
        tpu.vector_store %arg16[%parallel_loop3A_887, %parallel_loop3A_888], %parallel_loop3A_886 {strides = array<i32>} : memref<80x128xf32, #tpu.memory_space<vmem>>, vector<16xf32>,
        %parallel_loop3A_890 = arith.index_cast %parallel_loop3A_845 : i32 to index
        %parallel_loop3A_891 = arith.constant 96 : index
        %parallel_loop3A_892 = tpu.vector_load %arg16[%parallel_loop3A_890, %parallel_loop3A_891] {strides = array<i32>} : memref<80x128xf32, #tpu.memory_space<vmem>>, vector<16xf32>,
        %parallel_loop3A_893 = arith.mulf %parallel_loop3A_892, %parallel_loop3A_847 : vector<16xf32>
        %parallel_loop3A_894 = arith.index_cast %parallel_loop3A_845 : i32 to index
        %parallel_loop3A_895 = arith.constant 96 : index
        %parallel_loop3A_896 = tpu.vector_load %arg16[%parallel_loop3A_894, %parallel_loop3A_895] {strides = array<i32>} : memref<80x128xf32, #tpu.memory_space<vmem>>, vector<16xf32>,
        tpu.vector_store %arg16[%parallel_loop3A_894, %parallel_loop3A_895], %parallel_loop3A_893 {strides = array<i32>} : memref<80x128xf32, #tpu.memory_space<vmem>>, vector<16xf32>,
        %parallel_loop3A_897 = arith.index_cast %parallel_loop3A_845 : i32 to index
        %parallel_loop3A_898 = arith.constant 112 : index
        %parallel_loop3A_899 = tpu.vector_load %arg16[%parallel_loop3A_897, %parallel_loop3A_898] {strides = array<i32>} : memref<80x128xf32, #tpu.memory_space<vmem>>, vector<16xf32>,
        %parallel_loop3A_900 = arith.mulf %parallel_loop3A_899, %parallel_loop3A_847 : vector<16xf32>
        %parallel_loop3A_901 = arith.index_cast %parallel_loop3A_845 : i32 to index
        %parallel_loop3A_902 = arith.constant 112 : index
        %parallel_loop3A_903 = tpu.vector_load %arg16[%parallel_loop3A_901, %parallel_loop3A_902] {strides = array<i32>} : memref<80x128xf32, #tpu.memory_space<vmem>>, vector<16xf32>,
        tpu.vector_store %arg16[%parallel_loop3A_901, %parallel_loop3A_902], %parallel_loop3A_900 {strides = array<i32>} : memref<80x128xf32, #tpu.memory_space<vmem>>, vector<16xf32>,
      } {sc.loop_unroll_factor = 2 : i64, sc.parallel_access}
      %dma_start3A_461 = arith.constant 0 : i32
      %dma_start3A_462 = arith.constant 0 : i32
      %dma_start3A_463 = tpu.memref_slice %arg16[%dma_start3A_461, %dma_start3A_462] : memref<80x128xf32, #tpu.memory_space<vmem>> -> memref<40x128xf32, #tpu.memory_space<vmem>>
      %dma_start3A_464 = arith.constant 0 : i32
      %dma_start3A_465 = tpu.memref_slice %arg10[%dma_start3A_464] : memref<80xi32, #tpu.memory_space<vmem>> -> memref<40xi32, #tpu.memory_space<vmem>>
      %dma_start3A_466 = arith.constant 0 : i32
      %dma_start3A_467 = arith.constant 0 : i32
      %dma_start3A_468 = tpu.memref_slice %arg17[%dma_start3A_466, %dma_start3A_467] : memref<10240x128xf32, #tpu.memory_space<vmem_shared>> -> memref<10240x128xf32, #tpu.memory_space<vmem_shared>>
      tpu.enqueue_indirect_dma source(%dma_start3A_463 : memref<40x128xf32, #tpu.memory_space<vmem>>) target(%dma_start3A_468 : memref<10240x128xf32, #tpu.memory_space<vmem_shared>>) offsets(%dma_start3A_465 : memref<40xi32, #tpu.memory_space<vmem>>) semaphore(%arg20 : memref<!tpu.dma_semaphore, #tpu.memory_space<semaphore_mem>>) {add = true}
      %parallel_loop3A_469 = arith.constant 40 : i32
      %parallel_loop3A_470 = arith.constant 80 : i32
      %parallel_loop3A_471 = arith.constant 1 : i32
      scf.for %parallel_loop3A_845 = %parallel_loop3A_469 to %parallel_loop3A_470 step %parallel_loop3A_471  : i32 {
        %parallel_loop3A_846 = vector.broadcast %parallel_loop3A_845 : i32 to vector<16xi32>
        %parallel_loop3A_847 = tpu.vector_load_idx %arg13[%parallel_loop3A_846] : memref<80xf32, #tpu.memory_space<vmem>>[vector<16xi32>], vector<16xf32>,
        %parallel_loop3A_848 = arith.index_cast %parallel_loop3A_845 : i32 to index
        %parallel_loop3A_849 = arith.constant 0 : index
        %parallel_loop3A_850 = tpu.vector_load %arg16[%parallel_loop3A_848, %parallel_loop3A_849] {strides = array<i32>} : memref<80x128xf32, #tpu.memory_space<vmem>>, vector<16xf32>,
        %parallel_loop3A_851 = arith.mulf %parallel_loop3A_850, %parallel_loop3A_847 : vector<16xf32>
        %parallel_loop3A_852 = arith.index_cast %parallel_loop3A_845 : i32 to index
        %parallel_loop3A_853 = arith.constant 0 : index
        %parallel_loop3A_854 = tpu.vector_load %arg16[%parallel_loop3A_852, %parallel_loop3A_853] {strides = array<i32>} : memref<80x128xf32, #tpu.memory_space<vmem>>, vector<16xf32>,
        tpu.vector_store %arg16[%parallel_loop3A_852, %parallel_loop3A_853], %parallel_loop3A_851 {strides = array<i32>} : memref<80x128xf32, #tpu.memory_space<vmem>>, vector<16xf32>,
        %parallel_loop3A_855 = arith.index_cast %parallel_loop3A_845 : i32 to index
        %parallel_loop3A_856 = arith.constant 16 : index
        %parallel_loop3A_857 = tpu.vector_load %arg16[%parallel_loop3A_855, %parallel_loop3A_856] {strides = array<i32>} : memref<80x128xf32, #tpu.memory_space<vmem>>, vector<16xf32>,
        %parallel_loop3A_858 = arith.mulf %parallel_loop3A_857, %parallel_loop3A_847 : vector<16xf32>
        %parallel_loop3A_859 = arith.index_cast %parallel_loop3A_845 : i32 to index
        %parallel_loop3A_860 = arith.constant 16 : index
        %parallel_loop3A_861 = tpu.vector_load %arg16[%parallel_loop3A_859, %parallel_loop3A_860] {strides = array<i32>} : memref<80x128xf32, #tpu.memory_space<vmem>>, vector<16xf32>,
        tpu.vector_store %arg16[%parallel_loop3A_859, %parallel_loop3A_860], %parallel_loop3A_858 {strides = array<i32>} : memref<80x128xf32, #tpu.memory_space<vmem>>, vector<16xf32>,
        %parallel_loop3A_862 = arith.index_cast %parallel_loop3A_845 : i32 to index
        %parallel_loop3A_863 = arith.constant 32 : index
        %parallel_loop3A_864 = tpu.vector_load %arg16[%parallel_loop3A_862, %parallel_loop3A_863] {strides = array<i32>} : memref<80x128xf32, #tpu.memory_space<vmem>>, vector<16xf32>,
        %parallel_loop3A_865 = arith.mulf %parallel_loop3A_864, %parallel_loop3A_847 : vector<16xf32>
        %parallel_loop3A_866 = arith.index_cast %parallel_loop3A_845 : i32 to index
        %parallel_loop3A_867 = arith.constant 32 : index
        %parallel_loop3A_868 = tpu.vector_load %arg16[%parallel_loop3A_866, %parallel_loop3A_867] {strides = array<i32>} : memref<80x128xf32, #tpu.memory_space<vmem>>, vector<16xf32>,
        tpu.vector_store %arg16[%parallel_loop3A_866, %parallel_loop3A_867], %parallel_loop3A_865 {strides = array<i32>} : memref<80x128xf32, #tpu.memory_space<vmem>>, vector<16xf32>,
        %parallel_loop3A_869 = arith.index_cast %parallel_loop3A_845 : i32 to index
        %parallel_loop3A_870 = arith.constant 48 : index
        %parallel_loop3A_871 = tpu.vector_load %arg16[%parallel_loop3A_869, %parallel_loop3A_870] {strides = array<i32>} : memref<80x128xf32, #tpu.memory_space<vmem>>, vector<16xf32>,
        %parallel_loop3A_872 = arith.mulf %parallel_loop3A_871, %parallel_loop3A_847 : vector<16xf32>
        %parallel_loop3A_873 = arith.index_cast %parallel_loop3A_845 : i32 to index
        %parallel_loop3A_874 = arith.constant 48 : index
        %parallel_loop3A_875 = tpu.vector_load %arg16[%parallel_loop3A_873, %parallel_loop3A_874] {strides = array<i32>} : memref<80x128xf32, #tpu.memory_space<vmem>>, vector<16xf32>,
        tpu.vector_store %arg16[%parallel_loop3A_873, %parallel_loop3A_874], %parallel_loop3A_872 {strides = array<i32>} : memref<80x128xf32, #tpu.memory_space<vmem>>, vector<16xf32>,
        %parallel_loop3A_876 = arith.index_cast %parallel_loop3A_845 : i32 to index
        %parallel_loop3A_877 = arith.constant 64 : index
        %parallel_loop3A_878 = tpu.vector_load %arg16[%parallel_loop3A_876, %parallel_loop3A_877] {strides = array<i32>} : memref<80x128xf32, #tpu.memory_space<vmem>>, vector<16xf32>,
        %parallel_loop3A_879 = arith.mulf %parallel_loop3A_878, %parallel_loop3A_847 : vector<16xf32>
        %parallel_loop3A_880 = arith.index_cast %parallel_loop3A_845 : i32 to index
        %parallel_loop3A_881 = arith.constant 64 : index
        %parallel_loop3A_882 = tpu.vector_load %arg16[%parallel_loop3A_880, %parallel_loop3A_881] {strides = array<i32>} : memref<80x128xf32, #tpu.memory_space<vmem>>, vector<16xf32>,
        tpu.vector_store %arg16[%parallel_loop3A_880, %parallel_loop3A_881], %parallel_loop3A_879 {strides = array<i32>} : memref<80x128xf32, #tpu.memory_space<vmem>>, vector<16xf32>,
        %parallel_loop3A_883 = arith.index_cast %parallel_loop3A_845 : i32 to index
        %parallel_loop3A_884 = arith.constant 80 : index
        %parallel_loop3A_885 = tpu.vector_load %arg16[%parallel_loop3A_883, %parallel_loop3A_884] {strides = array<i32>} : memref<80x128xf32, #tpu.memory_space<vmem>>, vector<16xf32>,
        %parallel_loop3A_886 = arith.mulf %parallel_loop3A_885, %parallel_loop3A_847 : vector<16xf32>
        %parallel_loop3A_887 = arith.index_cast %parallel_loop3A_845 : i32 to index
        %parallel_loop3A_888 = arith.constant 80 : index
        %parallel_loop3A_889 = tpu.vector_load %arg16[%parallel_loop3A_887, %parallel_loop3A_888] {strides = array<i32>} : memref<80x128xf32, #tpu.memory_space<vmem>>, vector<16xf32>,
        tpu.vector_store %arg16[%parallel_loop3A_887, %parallel_loop3A_888], %parallel_loop3A_886 {strides = array<i32>} : memref<80x128xf32, #tpu.memory_space<vmem>>, vector<16xf32>,
        %parallel_loop3A_890 = arith.index_cast %parallel_loop3A_845 : i32 to index
        %parallel_loop3A_891 = arith.constant 96 : index
        %parallel_loop3A_892 = tpu.vector_load %arg16[%parallel_loop3A_890, %parallel_loop3A_891] {strides = array<i32>} : memref<80x128xf32, #tpu.memory_space<vmem>>, vector<16xf32>,
        %parallel_loop3A_893 = arith.mulf %parallel_loop3A_892, %parallel_loop3A_847 : vector<16xf32>
        %parallel_loop3A_894 = arith.index_cast %parallel_loop3A_845 : i32 to index
        %parallel_loop3A_895 = arith.constant 96 : index
        %parallel_loop3A_896 = tpu.vector_load %arg16[%parallel_loop3A_894, %parallel_loop3A_895] {strides = array<i32>} : memref<80x128xf32, #tpu.memory_space<vmem>>, vector<16xf32>,
        tpu.vector_store %arg16[%parallel_loop3A_894, %parallel_loop3A_895], %parallel_loop3A_893 {strides = array<i32>} : memref<80x128xf32, #tpu.memory_space<vmem>>, vector<16xf32>,
        %parallel_loop3A_897 = arith.index_cast %parallel_loop3A_845 : i32 to index
        %parallel_loop3A_898 = arith.constant 112 : index
        %parallel_loop3A_899 = tpu.vector_load %arg16[%parallel_loop3A_897, %parallel_loop3A_898] {strides = array<i32>} : memref<80x128xf32, #tpu.memory_space<vmem>>, vector<16xf32>,
        %parallel_loop3A_900 = arith.mulf %parallel_loop3A_899, %parallel_loop3A_847 : vector<16xf32>
        %parallel_loop3A_901 = arith.index_cast %parallel_loop3A_845 : i32 to index
        %parallel_loop3A_902 = arith.constant 112 : index
        %parallel_loop3A_903 = tpu.vector_load %arg16[%parallel_loop3A_901, %parallel_loop3A_902] {strides = array<i32>} : memref<80x128xf32, #tpu.memory_space<vmem>>, vector<16xf32>,
        tpu.vector_store %arg16[%parallel_loop3A_901, %parallel_loop3A_902], %parallel_loop3A_900 {strides = array<i32>} : memref<80x128xf32, #tpu.memory_space<vmem>>, vector<16xf32>,
      } {sc.loop_unroll_factor = 2 : i64, sc.parallel_access}
      %dma_start3A_472 = arith.constant 40 : i32
      %dma_start3A_473 = arith.constant 0 : i32
      %dma_start3A_474 = tpu.memref_slice %arg16[%dma_start3A_472, %dma_start3A_473] : memref<80x128xf32, #tpu.memory_space<vmem>> -> memref<40x128xf32, #tpu.memory_space<vmem>>
      %dma_start3A_475 = arith.constant 40 : i32
      %dma_start3A_476 = tpu.memref_slice %arg10[%dma_start3A_475] : memref<80xi32, #tpu.memory_space<vmem>> -> memref<40xi32, #tpu.memory_space<vmem>>
      %dma_start3A_477 = arith.constant 0 : i32
      %dma_start3A_478 = arith.constant 0 : i32
      %dma_start3A_479 = tpu.memref_slice %arg17[%dma_start3A_477, %dma_start3A_478] : memref<10240x128xf32, #tpu.memory_space<vmem_shared>> -> memref<10240x128xf32, #tpu.memory_space<vmem_shared>>
      tpu.enqueue_indirect_dma source(%dma_start3A_474 : memref<40x128xf32, #tpu.memory_space<vmem>>) target(%dma_start3A_479 : memref<10240x128xf32, #tpu.memory_space<vmem_shared>>) offsets(%dma_start3A_476 : memref<40xi32, #tpu.memory_space<vmem>>) semaphore(%arg20 : memref<!tpu.dma_semaphore, #tpu.memory_space<semaphore_mem>>) {add = true}
      %mul3A_480 = arith.constant 6 : i32
      %mul3A_481 = arith.muli %scan3A_406, %mul3A_480 : i32
      %add3A_482 = arith.constant 2 : i32
      %add3A_483 = arith.addi %add3A_482, %mul3A_481 : i32
      %dma_wait3A_484 = arith.constant 0 : i32
      %dma_wait3A_485 = tpu.memref_slice %arg2[%dma_wait3A_484] : memref<640000xi32, #tpu.memory_space<hbm>> -> memref<80xi32, #tpu.memory_space<hbm>>
      %dma_wait3A_486 = arith.constant 0 : i32
      %dma_wait3A_487 = tpu.memref_slice %arg2[%dma_wait3A_486] : memref<640000xi32, #tpu.memory_space<hbm>> -> memref<80xi32, #tpu.memory_space<hbm>>
      tpu.wait_dma2 semaphore(%arg18 : memref<!tpu.dma_semaphore, #tpu.memory_space<semaphore_mem>>) src(%dma_wait3A_487 : memref<80xi32, #tpu.memory_space<hbm>>) dst(%arg6 : memref<80xi32, #tpu.memory_space<vmem>>)
      %dma_wait3A_488 = arith.constant 0 : i32
      %dma_wait3A_489 = tpu.memref_slice %arg2[%dma_wait3A_488] : memref<640000xi32, #tpu.memory_space<hbm>> -> memref<80xi32, #tpu.memory_space<hbm>>
      %dma_wait3A_490 = arith.constant 0 : i32
      %dma_wait3A_491 = tpu.memref_slice %arg2[%dma_wait3A_490] : memref<640000xi32, #tpu.memory_space<hbm>> -> memref<80xi32, #tpu.memory_space<hbm>>
      tpu.wait_dma2 semaphore(%arg18 : memref<!tpu.dma_semaphore, #tpu.memory_space<semaphore_mem>>) src(%dma_wait3A_491 : memref<80xi32, #tpu.memory_space<hbm>>) dst(%arg9 : memref<80xi32, #tpu.memory_space<vmem>>)
      %dma_wait3A_492 = arith.constant 0 : i32
      %dma_wait3A_493 = tpu.memref_slice %arg3[%dma_wait3A_492] : memref<320000xf32, #tpu.memory_space<hbm>> -> memref<80xf32, #tpu.memory_space<hbm>>
      %dma_wait3A_494 = arith.constant 0 : i32
      %dma_wait3A_495 = tpu.memref_slice %arg3[%dma_wait3A_494] : memref<320000xf32, #tpu.memory_space<hbm>> -> memref<80xf32, #tpu.memory_space<hbm>>
      tpu.wait_dma2 semaphore(%arg18 : memref<!tpu.dma_semaphore, #tpu.memory_space<semaphore_mem>>) src(%dma_wait3A_495 : memref<80xf32, #tpu.memory_space<hbm>>) dst(%arg12 : memref<80xf32, #tpu.memory_space<vmem>>)
      %dma_wait3A_496 = arith.constant 0 : i32
      %dma_wait3A_497 = arith.constant 0 : i32
      %dma_wait3A_498 = tpu.memref_slice %arg16[%dma_wait3A_496, %dma_wait3A_497] : memref<80x128xf32, #tpu.memory_space<vmem>> -> memref<40x128xf32, #tpu.memory_space<vmem>>
      %dma_wait3A_499 = arith.constant 0 : i32
      %dma_wait3A_500 = tpu.memref_slice %arg10[%dma_wait3A_499] : memref<80xi32, #tpu.memory_space<vmem>> -> memref<40xi32, #tpu.memory_space<vmem>>
      %dma_wait3A_501 = arith.constant 0 : i32
      %dma_wait3A_502 = arith.constant 0 : i32
      %dma_wait3A_503 = tpu.memref_slice %arg17[%dma_wait3A_501, %dma_wait3A_502] : memref<10240x128xf32, #tpu.memory_space<vmem_shared>> -> memref<10240x128xf32, #tpu.memory_space<vmem_shared>>
      tpu.wait_indirect_dma semaphore(%arg20 : memref<!tpu.dma_semaphore, #tpu.memory_space<semaphore_mem>>) src(%dma_wait3A_498 : memref<40x128xf32, #tpu.memory_space<vmem>>) dst(%dma_wait3A_503 : memref<10240x128xf32, #tpu.memory_space<vmem_shared>>)
      %dma_wait3A_504 = arith.constant 40 : i32
      %dma_wait3A_505 = arith.constant 0 : i32
      %dma_wait3A_506 = tpu.memref_slice %arg16[%dma_wait3A_504, %dma_wait3A_505] : memref<80x128xf32, #tpu.memory_space<vmem>> -> memref<40x128xf32, #tpu.memory_space<vmem>>
      %dma_wait3A_507 = arith.constant 40 : i32
      %dma_wait3A_508 = tpu.memref_slice %arg10[%dma_wait3A_507] : memref<80xi32, #tpu.memory_space<vmem>> -> memref<40xi32, #tpu.memory_space<vmem>>
      %dma_wait3A_509 = arith.constant 0 : i32
      %dma_wait3A_510 = arith.constant 0 : i32
      %dma_wait3A_511 = tpu.memref_slice %arg17[%dma_wait3A_509, %dma_wait3A_510] : memref<10240x128xf32, #tpu.memory_space<vmem_shared>> -> memref<10240x128xf32, #tpu.memory_space<vmem_shared>>
      tpu.wait_indirect_dma semaphore(%arg20 : memref<!tpu.dma_semaphore, #tpu.memory_space<semaphore_mem>>) src(%dma_wait3A_506 : memref<40x128xf32, #tpu.memory_space<vmem>>) dst(%dma_wait3A_511 : memref<10240x128xf32, #tpu.memory_space<vmem_shared>>)
      %dma_start3A_512 = arith.constant 0 : i32
      %dma_start3A_513 = arith.constant 0 : i32
      %dma_start3A_514 = tpu.memref_slice %arg4[%dma_start3A_512, %dma_start3A_513] : memref<10000x128xf32, #tpu.memory_space<hbm>> -> memref<10000x128xf32, #tpu.memory_space<hbm>>
      tpu.enqueue_indirect_dma source(%dma_start3A_514 : memref<10000x128xf32, #tpu.memory_space<hbm>>) target(%arg16 : memref<80x128xf32, #tpu.memory_space<vmem>>) offsets(%arg6 : memref<80xi32, #tpu.memory_space<vmem>>) semaphore(%arg19 : memref<!tpu.dma_semaphore, #tpu.memory_space<semaphore_mem>>)
      %add3A_515 = arith.constant 2 : i32
      %add3A_516 = arith.addi %add3A_483, %add3A_515 : i32
      %mul3A_517 = arith.constant 80 : i32
      %mul3A_518 = arith.muli %add3A_516, %mul3A_517 : i32
      %add3A_519 = arith.addi %mul3A_2, %mul3A_518 : i32
      %add3A_520 = arith.constant 320000 : i32
      %add3A_521 = arith.addi %add3A_520, %add3A_519 : i32
      %dma_start3A_522 = tpu.memref_slice %arg2[%add3A_521] : memref<640000xi32, #tpu.memory_space<hbm>> -> memref<80xi32, #tpu.memory_space<hbm>>
      %dma_start3A_523 = tpu.memref_slice %arg2[%add3A_521] : memref<640000xi32, #tpu.memory_space<hbm>> -> memref<80xi32, #tpu.memory_space<hbm>>
      tpu.enqueue_dma source(%dma_start3A_523 : memref<80xi32, #tpu.memory_space<hbm>>) target(%arg7 : memref<80xi32, #tpu.memory_space<vmem>>) target_semaphore(%arg18 : memref<!tpu.dma_semaphore, #tpu.memory_space<semaphore_mem>>)
      %dma_start3A_524 = tpu.memref_slice %arg2[%add3A_519] : memref<640000xi32, #tpu.memory_space<hbm>> -> memref<80xi32, #tpu.memory_space<hbm>>
      %dma_start3A_525 = tpu.memref_slice %arg2[%add3A_519] : memref<640000xi32, #tpu.memory_space<hbm>> -> memref<80xi32, #tpu.memory_space<hbm>>
      tpu.enqueue_dma source(%dma_start3A_525 : memref<80xi32, #tpu.memory_space<hbm>>) target(%arg10 : memref<80xi32, #tpu.memory_space<vmem>>) target_semaphore(%arg18 : memref<!tpu.dma_semaphore, #tpu.memory_space<semaphore_mem>>)
      %dma_start3A_526 = tpu.memref_slice %arg3[%add3A_519] : memref<320000xf32, #tpu.memory_space<hbm>> -> memref<80xf32, #tpu.memory_space<hbm>>
      %dma_start3A_527 = tpu.memref_slice %arg3[%add3A_519] : memref<320000xf32, #tpu.memory_space<hbm>> -> memref<80xf32, #tpu.memory_space<hbm>>
      tpu.enqueue_dma source(%dma_start3A_527 : memref<80xf32, #tpu.memory_space<hbm>>) target(%arg13 : memref<80xf32, #tpu.memory_space<vmem>>) target_semaphore(%arg18 : memref<!tpu.dma_semaphore, #tpu.memory_space<semaphore_mem>>)
      %dma_wait3A_528 = arith.constant 0 : i32
      %dma_wait3A_529 = arith.constant 0 : i32
      %dma_wait3A_530 = tpu.memref_slice %arg4[%dma_wait3A_528, %dma_wait3A_529] : memref<10000x128xf32, #tpu.memory_space<hbm>> -> memref<10000x128xf32, #tpu.memory_space<hbm>>
      tpu.wait_indirect_dma semaphore(%arg19 : memref<!tpu.dma_semaphore, #tpu.memory_space<semaphore_mem>>) src(%dma_wait3A_530 : memref<10000x128xf32, #tpu.memory_space<hbm>>) dst(%arg15 : memref<80x128xf32, #tpu.memory_space<vmem>>)
      %parallel_loop3A_531 = arith.constant 0 : i32
      %parallel_loop3A_532 = arith.constant 40 : i32
      %parallel_loop3A_533 = arith.constant 1 : i32
      scf.for %parallel_loop3A_845 = %parallel_loop3A_531 to %parallel_loop3A_532 step %parallel_loop3A_533  : i32 {
        %parallel_loop3A_846 = vector.broadcast %parallel_loop3A_845 : i32 to vector<16xi32>
        %parallel_loop3A_847 = tpu.vector_load_idx %arg14[%parallel_loop3A_846] : memref<80xf32, #tpu.memory_space<vmem>>[vector<16xi32>], vector<16xf32>,
        %parallel_loop3A_848 = arith.index_cast %parallel_loop3A_845 : i32 to index
        %parallel_loop3A_849 = arith.constant 0 : index
        %parallel_loop3A_850 = tpu.vector_load %arg15[%parallel_loop3A_848, %parallel_loop3A_849] {strides = array<i32>} : memref<80x128xf32, #tpu.memory_space<vmem>>, vector<16xf32>,
        %parallel_loop3A_851 = arith.mulf %parallel_loop3A_850, %parallel_loop3A_847 : vector<16xf32>
        %parallel_loop3A_852 = arith.index_cast %parallel_loop3A_845 : i32 to index
        %parallel_loop3A_853 = arith.constant 0 : index
        %parallel_loop3A_854 = tpu.vector_load %arg15[%parallel_loop3A_852, %parallel_loop3A_853] {strides = array<i32>} : memref<80x128xf32, #tpu.memory_space<vmem>>, vector<16xf32>,
        tpu.vector_store %arg15[%parallel_loop3A_852, %parallel_loop3A_853], %parallel_loop3A_851 {strides = array<i32>} : memref<80x128xf32, #tpu.memory_space<vmem>>, vector<16xf32>,
        %parallel_loop3A_855 = arith.index_cast %parallel_loop3A_845 : i32 to index
        %parallel_loop3A_856 = arith.constant 16 : index
        %parallel_loop3A_857 = tpu.vector_load %arg15[%parallel_loop3A_855, %parallel_loop3A_856] {strides = array<i32>} : memref<80x128xf32, #tpu.memory_space<vmem>>, vector<16xf32>,
        %parallel_loop3A_858 = arith.mulf %parallel_loop3A_857, %parallel_loop3A_847 : vector<16xf32>
        %parallel_loop3A_859 = arith.index_cast %parallel_loop3A_845 : i32 to index
        %parallel_loop3A_860 = arith.constant 16 : index
        %parallel_loop3A_861 = tpu.vector_load %arg15[%parallel_loop3A_859, %parallel_loop3A_860] {strides = array<i32>} : memref<80x128xf32, #tpu.memory_space<vmem>>, vector<16xf32>,
        tpu.vector_store %arg15[%parallel_loop3A_859, %parallel_loop3A_860], %parallel_loop3A_858 {strides = array<i32>} : memref<80x128xf32, #tpu.memory_space<vmem>>, vector<16xf32>,
        %parallel_loop3A_862 = arith.index_cast %parallel_loop3A_845 : i32 to index
        %parallel_loop3A_863 = arith.constant 32 : index
        %parallel_loop3A_864 = tpu.vector_load %arg15[%parallel_loop3A_862, %parallel_loop3A_863] {strides = array<i32>} : memref<80x128xf32, #tpu.memory_space<vmem>>, vector<16xf32>,
        %parallel_loop3A_865 = arith.mulf %parallel_loop3A_864, %parallel_loop3A_847 : vector<16xf32>
        %parallel_loop3A_866 = arith.index_cast %parallel_loop3A_845 : i32 to index
        %parallel_loop3A_867 = arith.constant 32 : index
        %parallel_loop3A_868 = tpu.vector_load %arg15[%parallel_loop3A_866, %parallel_loop3A_867] {strides = array<i32>} : memref<80x128xf32, #tpu.memory_space<vmem>>, vector<16xf32>,
        tpu.vector_store %arg15[%parallel_loop3A_866, %parallel_loop3A_867], %parallel_loop3A_865 {strides = array<i32>} : memref<80x128xf32, #tpu.memory_space<vmem>>, vector<16xf32>,
        %parallel_loop3A_869 = arith.index_cast %parallel_loop3A_845 : i32 to index
        %parallel_loop3A_870 = arith.constant 48 : index
        %parallel_loop3A_871 = tpu.vector_load %arg15[%parallel_loop3A_869, %parallel_loop3A_870] {strides = array<i32>} : memref<80x128xf32, #tpu.memory_space<vmem>>, vector<16xf32>,
        %parallel_loop3A_872 = arith.mulf %parallel_loop3A_871, %parallel_loop3A_847 : vector<16xf32>
        %parallel_loop3A_873 = arith.index_cast %parallel_loop3A_845 : i32 to index
        %parallel_loop3A_874 = arith.constant 48 : index
        %parallel_loop3A_875 = tpu.vector_load %arg15[%parallel_loop3A_873, %parallel_loop3A_874] {strides = array<i32>} : memref<80x128xf32, #tpu.memory_space<vmem>>, vector<16xf32>,
        tpu.vector_store %arg15[%parallel_loop3A_873, %parallel_loop3A_874], %parallel_loop3A_872 {strides = array<i32>} : memref<80x128xf32, #tpu.memory_space<vmem>>, vector<16xf32>,
        %parallel_loop3A_876 = arith.index_cast %parallel_loop3A_845 : i32 to index
        %parallel_loop3A_877 = arith.constant 64 : index
        %parallel_loop3A_878 = tpu.vector_load %arg15[%parallel_loop3A_876, %parallel_loop3A_877] {strides = array<i32>} : memref<80x128xf32, #tpu.memory_space<vmem>>, vector<16xf32>,
        %parallel_loop3A_879 = arith.mulf %parallel_loop3A_878, %parallel_loop3A_847 : vector<16xf32>
        %parallel_loop3A_880 = arith.index_cast %parallel_loop3A_845 : i32 to index
        %parallel_loop3A_881 = arith.constant 64 : index
        %parallel_loop3A_882 = tpu.vector_load %arg15[%parallel_loop3A_880, %parallel_loop3A_881] {strides = array<i32>} : memref<80x128xf32, #tpu.memory_space<vmem>>, vector<16xf32>,
        tpu.vector_store %arg15[%parallel_loop3A_880, %parallel_loop3A_881], %parallel_loop3A_879 {strides = array<i32>} : memref<80x128xf32, #tpu.memory_space<vmem>>, vector<16xf32>,
        %parallel_loop3A_883 = arith.index_cast %parallel_loop3A_845 : i32 to index
        %parallel_loop3A_884 = arith.constant 80 : index
        %parallel_loop3A_885 = tpu.vector_load %arg15[%parallel_loop3A_883, %parallel_loop3A_884] {strides = array<i32>} : memref<80x128xf32, #tpu.memory_space<vmem>>, vector<16xf32>,
        %parallel_loop3A_886 = arith.mulf %parallel_loop3A_885, %parallel_loop3A_847 : vector<16xf32>
        %parallel_loop3A_887 = arith.index_cast %parallel_loop3A_845 : i32 to index
        %parallel_loop3A_888 = arith.constant 80 : index
        %parallel_loop3A_889 = tpu.vector_load %arg15[%parallel_loop3A_887, %parallel_loop3A_888] {strides = array<i32>} : memref<80x128xf32, #tpu.memory_space<vmem>>, vector<16xf32>,
        tpu.vector_store %arg15[%parallel_loop3A_887, %parallel_loop3A_888], %parallel_loop3A_886 {strides = array<i32>} : memref<80x128xf32, #tpu.memory_space<vmem>>, vector<16xf32>,
        %parallel_loop3A_890 = arith.index_cast %parallel_loop3A_845 : i32 to index
        %parallel_loop3A_891 = arith.constant 96 : index
        %parallel_loop3A_892 = tpu.vector_load %arg15[%parallel_loop3A_890, %parallel_loop3A_891] {strides = array<i32>} : memref<80x128xf32, #tpu.memory_space<vmem>>, vector<16xf32>,
        %parallel_loop3A_893 = arith.mulf %parallel_loop3A_892, %parallel_loop3A_847 : vector<16xf32>
        %parallel_loop3A_894 = arith.index_cast %parallel_loop3A_845 : i32 to index
        %parallel_loop3A_895 = arith.constant 96 : index
        %parallel_loop3A_896 = tpu.vector_load %arg15[%parallel_loop3A_894, %parallel_loop3A_895] {strides = array<i32>} : memref<80x128xf32, #tpu.memory_space<vmem>>, vector<16xf32>,
        tpu.vector_store %arg15[%parallel_loop3A_894, %parallel_loop3A_895], %parallel_loop3A_893 {strides = array<i32>} : memref<80x128xf32, #tpu.memory_space<vmem>>, vector<16xf32>,
        %parallel_loop3A_897 = arith.index_cast %parallel_loop3A_845 : i32 to index
        %parallel_loop3A_898 = arith.constant 112 : index
        %parallel_loop3A_899 = tpu.vector_load %arg15[%parallel_loop3A_897, %parallel_loop3A_898] {strides = array<i32>} : memref<80x128xf32, #tpu.memory_space<vmem>>, vector<16xf32>,
        %parallel_loop3A_900 = arith.mulf %parallel_loop3A_899, %parallel_loop3A_847 : vector<16xf32>
        %parallel_loop3A_901 = arith.index_cast %parallel_loop3A_845 : i32 to index
        %parallel_loop3A_902 = arith.constant 112 : index
        %parallel_loop3A_903 = tpu.vector_load %arg15[%parallel_loop3A_901, %parallel_loop3A_902] {strides = array<i32>} : memref<80x128xf32, #tpu.memory_space<vmem>>, vector<16xf32>,
        tpu.vector_store %arg15[%parallel_loop3A_901, %parallel_loop3A_902], %parallel_loop3A_900 {strides = array<i32>} : memref<80x128xf32, #tpu.memory_space<vmem>>, vector<16xf32>,
      } {sc.loop_unroll_factor = 2 : i64, sc.parallel_access}
      %dma_start3A_534 = arith.constant 0 : i32
      %dma_start3A_535 = arith.constant 0 : i32
      %dma_start3A_536 = tpu.memref_slice %arg15[%dma_start3A_534, %dma_start3A_535] : memref<80x128xf32, #tpu.memory_space<vmem>> -> memref<40x128xf32, #tpu.memory_space<vmem>>
      %dma_start3A_537 = arith.constant 0 : i32
      %dma_start3A_538 = tpu.memref_slice %arg11[%dma_start3A_537] : memref<80xi32, #tpu.memory_space<vmem>> -> memref<40xi32, #tpu.memory_space<vmem>>
      %dma_start3A_539 = arith.constant 0 : i32
      %dma_start3A_540 = arith.constant 0 : i32
      %dma_start3A_541 = tpu.memref_slice %arg17[%dma_start3A_539, %dma_start3A_540] : memref<10240x128xf32, #tpu.memory_space<vmem_shared>> -> memref<10240x128xf32, #tpu.memory_space<vmem_shared>>
      tpu.enqueue_indirect_dma source(%dma_start3A_536 : memref<40x128xf32, #tpu.memory_space<vmem>>) target(%dma_start3A_541 : memref<10240x128xf32, #tpu.memory_space<vmem_shared>>) offsets(%dma_start3A_538 : memref<40xi32, #tpu.memory_space<vmem>>) semaphore(%arg20 : memref<!tpu.dma_semaphore, #tpu.memory_space<semaphore_mem>>) {add = true}
      %parallel_loop3A_542 = arith.constant 40 : i32
      %parallel_loop3A_543 = arith.constant 80 : i32
      %parallel_loop3A_544 = arith.constant 1 : i32
      scf.for %parallel_loop3A_845 = %parallel_loop3A_542 to %parallel_loop3A_543 step %parallel_loop3A_544  : i32 {
        %parallel_loop3A_846 = vector.broadcast %parallel_loop3A_845 : i32 to vector<16xi32>
        %parallel_loop3A_847 = tpu.vector_load_idx %arg14[%parallel_loop3A_846] : memref<80xf32, #tpu.memory_space<vmem>>[vector<16xi32>], vector<16xf32>,
        %parallel_loop3A_848 = arith.index_cast %parallel_loop3A_845 : i32 to index
        %parallel_loop3A_849 = arith.constant 0 : index
        %parallel_loop3A_850 = tpu.vector_load %arg15[%parallel_loop3A_848, %parallel_loop3A_849] {strides = array<i32>} : memref<80x128xf32, #tpu.memory_space<vmem>>, vector<16xf32>,
        %parallel_loop3A_851 = arith.mulf %parallel_loop3A_850, %parallel_loop3A_847 : vector<16xf32>
        %parallel_loop3A_852 = arith.index_cast %parallel_loop3A_845 : i32 to index
        %parallel_loop3A_853 = arith.constant 0 : index
        %parallel_loop3A_854 = tpu.vector_load %arg15[%parallel_loop3A_852, %parallel_loop3A_853] {strides = array<i32>} : memref<80x128xf32, #tpu.memory_space<vmem>>, vector<16xf32>,
        tpu.vector_store %arg15[%parallel_loop3A_852, %parallel_loop3A_853], %parallel_loop3A_851 {strides = array<i32>} : memref<80x128xf32, #tpu.memory_space<vmem>>, vector<16xf32>,
        %parallel_loop3A_855 = arith.index_cast %parallel_loop3A_845 : i32 to index
        %parallel_loop3A_856 = arith.constant 16 : index
        %parallel_loop3A_857 = tpu.vector_load %arg15[%parallel_loop3A_855, %parallel_loop3A_856] {strides = array<i32>} : memref<80x128xf32, #tpu.memory_space<vmem>>, vector<16xf32>,
        %parallel_loop3A_858 = arith.mulf %parallel_loop3A_857, %parallel_loop3A_847 : vector<16xf32>
        %parallel_loop3A_859 = arith.index_cast %parallel_loop3A_845 : i32 to index
        %parallel_loop3A_860 = arith.constant 16 : index
        %parallel_loop3A_861 = tpu.vector_load %arg15[%parallel_loop3A_859, %parallel_loop3A_860] {strides = array<i32>} : memref<80x128xf32, #tpu.memory_space<vmem>>, vector<16xf32>,
        tpu.vector_store %arg15[%parallel_loop3A_859, %parallel_loop3A_860], %parallel_loop3A_858 {strides = array<i32>} : memref<80x128xf32, #tpu.memory_space<vmem>>, vector<16xf32>,
        %parallel_loop3A_862 = arith.index_cast %parallel_loop3A_845 : i32 to index
        %parallel_loop3A_863 = arith.constant 32 : index
        %parallel_loop3A_864 = tpu.vector_load %arg15[%parallel_loop3A_862, %parallel_loop3A_863] {strides = array<i32>} : memref<80x128xf32, #tpu.memory_space<vmem>>, vector<16xf32>,
        %parallel_loop3A_865 = arith.mulf %parallel_loop3A_864, %parallel_loop3A_847 : vector<16xf32>
        %parallel_loop3A_866 = arith.index_cast %parallel_loop3A_845 : i32 to index
        %parallel_loop3A_867 = arith.constant 32 : index
        %parallel_loop3A_868 = tpu.vector_load %arg15[%parallel_loop3A_866, %parallel_loop3A_867] {strides = array<i32>} : memref<80x128xf32, #tpu.memory_space<vmem>>, vector<16xf32>,
        tpu.vector_store %arg15[%parallel_loop3A_866, %parallel_loop3A_867], %parallel_loop3A_865 {strides = array<i32>} : memref<80x128xf32, #tpu.memory_space<vmem>>, vector<16xf32>,
        %parallel_loop3A_869 = arith.index_cast %parallel_loop3A_845 : i32 to index
        %parallel_loop3A_870 = arith.constant 48 : index
        %parallel_loop3A_871 = tpu.vector_load %arg15[%parallel_loop3A_869, %parallel_loop3A_870] {strides = array<i32>} : memref<80x128xf32, #tpu.memory_space<vmem>>, vector<16xf32>,
        %parallel_loop3A_872 = arith.mulf %parallel_loop3A_871, %parallel_loop3A_847 : vector<16xf32>
        %parallel_loop3A_873 = arith.index_cast %parallel_loop3A_845 : i32 to index
        %parallel_loop3A_874 = arith.constant 48 : index
        %parallel_loop3A_875 = tpu.vector_load %arg15[%parallel_loop3A_873, %parallel_loop3A_874] {strides = array<i32>} : memref<80x128xf32, #tpu.memory_space<vmem>>, vector<16xf32>,
        tpu.vector_store %arg15[%parallel_loop3A_873, %parallel_loop3A_874], %parallel_loop3A_872 {strides = array<i32>} : memref<80x128xf32, #tpu.memory_space<vmem>>, vector<16xf32>,
        %parallel_loop3A_876 = arith.index_cast %parallel_loop3A_845 : i32 to index
        %parallel_loop3A_877 = arith.constant 64 : index
        %parallel_loop3A_878 = tpu.vector_load %arg15[%parallel_loop3A_876, %parallel_loop3A_877] {strides = array<i32>} : memref<80x128xf32, #tpu.memory_space<vmem>>, vector<16xf32>,
        %parallel_loop3A_879 = arith.mulf %parallel_loop3A_878, %parallel_loop3A_847 : vector<16xf32>
        %parallel_loop3A_880 = arith.index_cast %parallel_loop3A_845 : i32 to index
        %parallel_loop3A_881 = arith.constant 64 : index
        %parallel_loop3A_882 = tpu.vector_load %arg15[%parallel_loop3A_880, %parallel_loop3A_881] {strides = array<i32>} : memref<80x128xf32, #tpu.memory_space<vmem>>, vector<16xf32>,
        tpu.vector_store %arg15[%parallel_loop3A_880, %parallel_loop3A_881], %parallel_loop3A_879 {strides = array<i32>} : memref<80x128xf32, #tpu.memory_space<vmem>>, vector<16xf32>,
        %parallel_loop3A_883 = arith.index_cast %parallel_loop3A_845 : i32 to index
        %parallel_loop3A_884 = arith.constant 80 : index
        %parallel_loop3A_885 = tpu.vector_load %arg15[%parallel_loop3A_883, %parallel_loop3A_884] {strides = array<i32>} : memref<80x128xf32, #tpu.memory_space<vmem>>, vector<16xf32>,
        %parallel_loop3A_886 = arith.mulf %parallel_loop3A_885, %parallel_loop3A_847 : vector<16xf32>
        %parallel_loop3A_887 = arith.index_cast %parallel_loop3A_845 : i32 to index
        %parallel_loop3A_888 = arith.constant 80 : index
        %parallel_loop3A_889 = tpu.vector_load %arg15[%parallel_loop3A_887, %parallel_loop3A_888] {strides = array<i32>} : memref<80x128xf32, #tpu.memory_space<vmem>>, vector<16xf32>,
        tpu.vector_store %arg15[%parallel_loop3A_887, %parallel_loop3A_888], %parallel_loop3A_886 {strides = array<i32>} : memref<80x128xf32, #tpu.memory_space<vmem>>, vector<16xf32>,
        %parallel_loop3A_890 = arith.index_cast %parallel_loop3A_845 : i32 to index
        %parallel_loop3A_891 = arith.constant 96 : index
        %parallel_loop3A_892 = tpu.vector_load %arg15[%parallel_loop3A_890, %parallel_loop3A_891] {strides = array<i32>} : memref<80x128xf32, #tpu.memory_space<vmem>>, vector<16xf32>,
        %parallel_loop3A_893 = arith.mulf %parallel_loop3A_892, %parallel_loop3A_847 : vector<16xf32>
        %parallel_loop3A_894 = arith.index_cast %parallel_loop3A_845 : i32 to index
        %parallel_loop3A_895 = arith.constant 96 : index
        %parallel_loop3A_896 = tpu.vector_load %arg15[%parallel_loop3A_894, %parallel_loop3A_895] {strides = array<i32>} : memref<80x128xf32, #tpu.memory_space<vmem>>, vector<16xf32>,
        tpu.vector_store %arg15[%parallel_loop3A_894, %parallel_loop3A_895], %parallel_loop3A_893 {strides = array<i32>} : memref<80x128xf32, #tpu.memory_space<vmem>>, vector<16xf32>,
        %parallel_loop3A_897 = arith.index_cast %parallel_loop3A_845 : i32 to index
        %parallel_loop3A_898 = arith.constant 112 : index
        %parallel_loop3A_899 = tpu.vector_load %arg15[%parallel_loop3A_897, %parallel_loop3A_898] {strides = array<i32>} : memref<80x128xf32, #tpu.memory_space<vmem>>, vector<16xf32>,
        %parallel_loop3A_900 = arith.mulf %parallel_loop3A_899, %parallel_loop3A_847 : vector<16xf32>
        %parallel_loop3A_901 = arith.index_cast %parallel_loop3A_845 : i32 to index
        %parallel_loop3A_902 = arith.constant 112 : index
        %parallel_loop3A_903 = tpu.vector_load %arg15[%parallel_loop3A_901, %parallel_loop3A_902] {strides = array<i32>} : memref<80x128xf32, #tpu.memory_space<vmem>>, vector<16xf32>,
        tpu.vector_store %arg15[%parallel_loop3A_901, %parallel_loop3A_902], %parallel_loop3A_900 {strides = array<i32>} : memref<80x128xf32, #tpu.memory_space<vmem>>, vector<16xf32>,
      } {sc.loop_unroll_factor = 2 : i64, sc.parallel_access}
      %dma_start3A_545 = arith.constant 40 : i32
      %dma_start3A_546 = arith.constant 0 : i32
      %dma_start3A_547 = tpu.memref_slice %arg15[%dma_start3A_545, %dma_start3A_546] : memref<80x128xf32, #tpu.memory_space<vmem>> -> memref<40x128xf32, #tpu.memory_space<vmem>>
      %dma_start3A_548 = arith.constant 40 : i32
      %dma_start3A_549 = tpu.memref_slice %arg11[%dma_start3A_548] : memref<80xi32, #tpu.memory_space<vmem>> -> memref<40xi32, #tpu.memory_space<vmem>>
      %dma_start3A_550 = arith.constant 0 : i32
      %dma_start3A_551 = arith.constant 0 : i32
      %dma_start3A_552 = tpu.memref_slice %arg17[%dma_start3A_550, %dma_start3A_551] : memref<10240x128xf32, #tpu.memory_space<vmem_shared>> -> memref<10240x128xf32, #tpu.memory_space<vmem_shared>>
      tpu.enqueue_indirect_dma source(%dma_start3A_547 : memref<40x128xf32, #tpu.memory_space<vmem>>) target(%dma_start3A_552 : memref<10240x128xf32, #tpu.memory_space<vmem_shared>>) offsets(%dma_start3A_549 : memref<40xi32, #tpu.memory_space<vmem>>) semaphore(%arg20 : memref<!tpu.dma_semaphore, #tpu.memory_space<semaphore_mem>>) {add = true}
      %mul3A_553 = arith.constant 6 : i32
      %mul3A_554 = arith.muli %scan3A_406, %mul3A_553 : i32
      %add3A_555 = arith.constant 3 : i32
      %add3A_556 = arith.addi %add3A_555, %mul3A_554 : i32
      %dma_wait3A_557 = arith.constant 0 : i32
      %dma_wait3A_558 = tpu.memref_slice %arg2[%dma_wait3A_557] : memref<640000xi32, #tpu.memory_space<hbm>> -> memref<80xi32, #tpu.memory_space<hbm>>
      %dma_wait3A_559 = arith.constant 0 : i32
      %dma_wait3A_560 = tpu.memref_slice %arg2[%dma_wait3A_559] : memref<640000xi32, #tpu.memory_space<hbm>> -> memref<80xi32, #tpu.memory_space<hbm>>
      tpu.wait_dma2 semaphore(%arg18 : memref<!tpu.dma_semaphore, #tpu.memory_space<semaphore_mem>>) src(%dma_wait3A_560 : memref<80xi32, #tpu.memory_space<hbm>>) dst(%arg7 : memref<80xi32, #tpu.memory_space<vmem>>)
      %dma_wait3A_561 = arith.constant 0 : i32
      %dma_wait3A_562 = tpu.memref_slice %arg2[%dma_wait3A_561] : memref<640000xi32, #tpu.memory_space<hbm>> -> memref<80xi32, #tpu.memory_space<hbm>>
      %dma_wait3A_563 = arith.constant 0 : i32
      %dma_wait3A_564 = tpu.memref_slice %arg2[%dma_wait3A_563] : memref<640000xi32, #tpu.memory_space<hbm>> -> memref<80xi32, #tpu.memory_space<hbm>>
      tpu.wait_dma2 semaphore(%arg18 : memref<!tpu.dma_semaphore, #tpu.memory_space<semaphore_mem>>) src(%dma_wait3A_564 : memref<80xi32, #tpu.memory_space<hbm>>) dst(%arg10 : memref<80xi32, #tpu.memory_space<vmem>>)
      %dma_wait3A_565 = arith.constant 0 : i32
      %dma_wait3A_566 = tpu.memref_slice %arg3[%dma_wait3A_565] : memref<320000xf32, #tpu.memory_space<hbm>> -> memref<80xf32, #tpu.memory_space<hbm>>
      %dma_wait3A_567 = arith.constant 0 : i32
      %dma_wait3A_568 = tpu.memref_slice %arg3[%dma_wait3A_567] : memref<320000xf32, #tpu.memory_space<hbm>> -> memref<80xf32, #tpu.memory_space<hbm>>
      tpu.wait_dma2 semaphore(%arg18 : memref<!tpu.dma_semaphore, #tpu.memory_space<semaphore_mem>>) src(%dma_wait3A_568 : memref<80xf32, #tpu.memory_space<hbm>>) dst(%arg13 : memref<80xf32, #tpu.memory_space<vmem>>)
      %dma_wait3A_569 = arith.constant 0 : i32
      %dma_wait3A_570 = arith.constant 0 : i32
      %dma_wait3A_571 = tpu.memref_slice %arg15[%dma_wait3A_569, %dma_wait3A_570] : memref<80x128xf32, #tpu.memory_space<vmem>> -> memref<40x128xf32, #tpu.memory_space<vmem>>
      %dma_wait3A_572 = arith.constant 0 : i32
      %dma_wait3A_573 = tpu.memref_slice %arg11[%dma_wait3A_572] : memref<80xi32, #tpu.memory_space<vmem>> -> memref<40xi32, #tpu.memory_space<vmem>>
      %dma_wait3A_574 = arith.constant 0 : i32
      %dma_wait3A_575 = arith.constant 0 : i32
      %dma_wait3A_576 = tpu.memref_slice %arg17[%dma_wait3A_574, %dma_wait3A_575] : memref<10240x128xf32, #tpu.memory_space<vmem_shared>> -> memref<10240x128xf32, #tpu.memory_space<vmem_shared>>
      tpu.wait_indirect_dma semaphore(%arg20 : memref<!tpu.dma_semaphore, #tpu.memory_space<semaphore_mem>>) src(%dma_wait3A_571 : memref<40x128xf32, #tpu.memory_space<vmem>>) dst(%dma_wait3A_576 : memref<10240x128xf32, #tpu.memory_space<vmem_shared>>)
      %dma_wait3A_577 = arith.constant 40 : i32
      %dma_wait3A_578 = arith.constant 0 : i32
      %dma_wait3A_579 = tpu.memref_slice %arg15[%dma_wait3A_577, %dma_wait3A_578] : memref<80x128xf32, #tpu.memory_space<vmem>> -> memref<40x128xf32, #tpu.memory_space<vmem>>
      %dma_wait3A_580 = arith.constant 40 : i32
      %dma_wait3A_581 = tpu.memref_slice %arg11[%dma_wait3A_580] : memref<80xi32, #tpu.memory_space<vmem>> -> memref<40xi32, #tpu.memory_space<vmem>>
      %dma_wait3A_582 = arith.constant 0 : i32
      %dma_wait3A_583 = arith.constant 0 : i32
      %dma_wait3A_584 = tpu.memref_slice %arg17[%dma_wait3A_582, %dma_wait3A_583] : memref<10240x128xf32, #tpu.memory_space<vmem_shared>> -> memref<10240x128xf32, #tpu.memory_space<vmem_shared>>
      tpu.wait_indirect_dma semaphore(%arg20 : memref<!tpu.dma_semaphore, #tpu.memory_space<semaphore_mem>>) src(%dma_wait3A_579 : memref<40x128xf32, #tpu.memory_space<vmem>>) dst(%dma_wait3A_584 : memref<10240x128xf32, #tpu.memory_space<vmem_shared>>)
      %dma_start3A_585 = arith.constant 0 : i32
      %dma_start3A_586 = arith.constant 0 : i32
      %dma_start3A_587 = tpu.memref_slice %arg4[%dma_start3A_585, %dma_start3A_586] : memref<10000x128xf32, #tpu.memory_space<hbm>> -> memref<10000x128xf32, #tpu.memory_space<hbm>>
      tpu.enqueue_indirect_dma source(%dma_start3A_587 : memref<10000x128xf32, #tpu.memory_space<hbm>>) target(%arg15 : memref<80x128xf32, #tpu.memory_space<vmem>>) offsets(%arg7 : memref<80xi32, #tpu.memory_space<vmem>>) semaphore(%arg19 : memref<!tpu.dma_semaphore, #tpu.memory_space<semaphore_mem>>)
      %add3A_588 = arith.constant 2 : i32
      %add3A_589 = arith.addi %add3A_556, %add3A_588 : i32
      %mul3A_590 = arith.constant 80 : i32
      %mul3A_591 = arith.muli %add3A_589, %mul3A_590 : i32
      %add3A_592 = arith.addi %mul3A_2, %mul3A_591 : i32
      %add3A_593 = arith.constant 320000 : i32
      %add3A_594 = arith.addi %add3A_593, %add3A_592 : i32
      %dma_start3A_595 = tpu.memref_slice %arg2[%add3A_594] : memref<640000xi32, #tpu.memory_space<hbm>> -> memref<80xi32, #tpu.memory_space<hbm>>
      %dma_start3A_596 = tpu.memref_slice %arg2[%add3A_594] : memref<640000xi32, #tpu.memory_space<hbm>> -> memref<80xi32, #tpu.memory_space<hbm>>
      tpu.enqueue_dma source(%dma_start3A_596 : memref<80xi32, #tpu.memory_space<hbm>>) target(%arg8 : memref<80xi32, #tpu.memory_space<vmem>>) target_semaphore(%arg18 : memref<!tpu.dma_semaphore, #tpu.memory_space<semaphore_mem>>)
      %dma_start3A_597 = tpu.memref_slice %arg2[%add3A_592] : memref<640000xi32, #tpu.memory_space<hbm>> -> memref<80xi32, #tpu.memory_space<hbm>>
      %dma_start3A_598 = tpu.memref_slice %arg2[%add3A_592] : memref<640000xi32, #tpu.memory_space<hbm>> -> memref<80xi32, #tpu.memory_space<hbm>>
      tpu.enqueue_dma source(%dma_start3A_598 : memref<80xi32, #tpu.memory_space<hbm>>) target(%arg11 : memref<80xi32, #tpu.memory_space<vmem>>) target_semaphore(%arg18 : memref<!tpu.dma_semaphore, #tpu.memory_space<semaphore_mem>>)
      %dma_start3A_599 = tpu.memref_slice %arg3[%add3A_592] : memref<320000xf32, #tpu.memory_space<hbm>> -> memref<80xf32, #tpu.memory_space<hbm>>
      %dma_start3A_600 = tpu.memref_slice %arg3[%add3A_592] : memref<320000xf32, #tpu.memory_space<hbm>> -> memref<80xf32, #tpu.memory_space<hbm>>
      tpu.enqueue_dma source(%dma_start3A_600 : memref<80xf32, #tpu.memory_space<hbm>>) target(%arg14 : memref<80xf32, #tpu.memory_space<vmem>>) target_semaphore(%arg18 : memref<!tpu.dma_semaphore, #tpu.memory_space<semaphore_mem>>)
      %dma_wait3A_601 = arith.constant 0 : i32
      %dma_wait3A_602 = arith.constant 0 : i32
      %dma_wait3A_603 = tpu.memref_slice %arg4[%dma_wait3A_601, %dma_wait3A_602] : memref<10000x128xf32, #tpu.memory_space<hbm>> -> memref<10000x128xf32, #tpu.memory_space<hbm>>
      tpu.wait_indirect_dma semaphore(%arg19 : memref<!tpu.dma_semaphore, #tpu.memory_space<semaphore_mem>>) src(%dma_wait3A_603 : memref<10000x128xf32, #tpu.memory_space<hbm>>) dst(%arg16 : memref<80x128xf32, #tpu.memory_space<vmem>>)
      %parallel_loop3A_604 = arith.constant 0 : i32
      %parallel_loop3A_605 = arith.constant 40 : i32
      %parallel_loop3A_606 = arith.constant 1 : i32
      scf.for %parallel_loop3A_845 = %parallel_loop3A_604 to %parallel_loop3A_605 step %parallel_loop3A_606  : i32 {
        %parallel_loop3A_846 = vector.broadcast %parallel_loop3A_845 : i32 to vector<16xi32>
        %parallel_loop3A_847 = tpu.vector_load_idx %arg12[%parallel_loop3A_846] : memref<80xf32, #tpu.memory_space<vmem>>[vector<16xi32>], vector<16xf32>,
        %parallel_loop3A_848 = arith.index_cast %parallel_loop3A_845 : i32 to index
        %parallel_loop3A_849 = arith.constant 0 : index
        %parallel_loop3A_850 = tpu.vector_load %arg16[%parallel_loop3A_848, %parallel_loop3A_849] {strides = array<i32>} : memref<80x128xf32, #tpu.memory_space<vmem>>, vector<16xf32>,
        %parallel_loop3A_851 = arith.mulf %parallel_loop3A_850, %parallel_loop3A_847 : vector<16xf32>
        %parallel_loop3A_852 = arith.index_cast %parallel_loop3A_845 : i32 to index
        %parallel_loop3A_853 = arith.constant 0 : index
        %parallel_loop3A_854 = tpu.vector_load %arg16[%parallel_loop3A_852, %parallel_loop3A_853] {strides = array<i32>} : memref<80x128xf32, #tpu.memory_space<vmem>>, vector<16xf32>,
        tpu.vector_store %arg16[%parallel_loop3A_852, %parallel_loop3A_853], %parallel_loop3A_851 {strides = array<i32>} : memref<80x128xf32, #tpu.memory_space<vmem>>, vector<16xf32>,
        %parallel_loop3A_855 = arith.index_cast %parallel_loop3A_845 : i32 to index
        %parallel_loop3A_856 = arith.constant 16 : index
        %parallel_loop3A_857 = tpu.vector_load %arg16[%parallel_loop3A_855, %parallel_loop3A_856] {strides = array<i32>} : memref<80x128xf32, #tpu.memory_space<vmem>>, vector<16xf32>,
        %parallel_loop3A_858 = arith.mulf %parallel_loop3A_857, %parallel_loop3A_847 : vector<16xf32>
        %parallel_loop3A_859 = arith.index_cast %parallel_loop3A_845 : i32 to index
        %parallel_loop3A_860 = arith.constant 16 : index
        %parallel_loop3A_861 = tpu.vector_load %arg16[%parallel_loop3A_859, %parallel_loop3A_860] {strides = array<i32>} : memref<80x128xf32, #tpu.memory_space<vmem>>, vector<16xf32>,
        tpu.vector_store %arg16[%parallel_loop3A_859, %parallel_loop3A_860], %parallel_loop3A_858 {strides = array<i32>} : memref<80x128xf32, #tpu.memory_space<vmem>>, vector<16xf32>,
        %parallel_loop3A_862 = arith.index_cast %parallel_loop3A_845 : i32 to index
        %parallel_loop3A_863 = arith.constant 32 : index
        %parallel_loop3A_864 = tpu.vector_load %arg16[%parallel_loop3A_862, %parallel_loop3A_863] {strides = array<i32>} : memref<80x128xf32, #tpu.memory_space<vmem>>, vector<16xf32>,
        %parallel_loop3A_865 = arith.mulf %parallel_loop3A_864, %parallel_loop3A_847 : vector<16xf32>
        %parallel_loop3A_866 = arith.index_cast %parallel_loop3A_845 : i32 to index
        %parallel_loop3A_867 = arith.constant 32 : index
        %parallel_loop3A_868 = tpu.vector_load %arg16[%parallel_loop3A_866, %parallel_loop3A_867] {strides = array<i32>} : memref<80x128xf32, #tpu.memory_space<vmem>>, vector<16xf32>,
        tpu.vector_store %arg16[%parallel_loop3A_866, %parallel_loop3A_867], %parallel_loop3A_865 {strides = array<i32>} : memref<80x128xf32, #tpu.memory_space<vmem>>, vector<16xf32>,
        %parallel_loop3A_869 = arith.index_cast %parallel_loop3A_845 : i32 to index
        %parallel_loop3A_870 = arith.constant 48 : index
        %parallel_loop3A_871 = tpu.vector_load %arg16[%parallel_loop3A_869, %parallel_loop3A_870] {strides = array<i32>} : memref<80x128xf32, #tpu.memory_space<vmem>>, vector<16xf32>,
        %parallel_loop3A_872 = arith.mulf %parallel_loop3A_871, %parallel_loop3A_847 : vector<16xf32>
        %parallel_loop3A_873 = arith.index_cast %parallel_loop3A_845 : i32 to index
        %parallel_loop3A_874 = arith.constant 48 : index
        %parallel_loop3A_875 = tpu.vector_load %arg16[%parallel_loop3A_873, %parallel_loop3A_874] {strides = array<i32>} : memref<80x128xf32, #tpu.memory_space<vmem>>, vector<16xf32>,
        tpu.vector_store %arg16[%parallel_loop3A_873, %parallel_loop3A_874], %parallel_loop3A_872 {strides = array<i32>} : memref<80x128xf32, #tpu.memory_space<vmem>>, vector<16xf32>,
        %parallel_loop3A_876 = arith.index_cast %parallel_loop3A_845 : i32 to index
        %parallel_loop3A_877 = arith.constant 64 : index
        %parallel_loop3A_878 = tpu.vector_load %arg16[%parallel_loop3A_876, %parallel_loop3A_877] {strides = array<i32>} : memref<80x128xf32, #tpu.memory_space<vmem>>, vector<16xf32>,
        %parallel_loop3A_879 = arith.mulf %parallel_loop3A_878, %parallel_loop3A_847 : vector<16xf32>
        %parallel_loop3A_880 = arith.index_cast %parallel_loop3A_845 : i32 to index
        %parallel_loop3A_881 = arith.constant 64 : index
        %parallel_loop3A_882 = tpu.vector_load %arg16[%parallel_loop3A_880, %parallel_loop3A_881] {strides = array<i32>} : memref<80x128xf32, #tpu.memory_space<vmem>>, vector<16xf32>,
        tpu.vector_store %arg16[%parallel_loop3A_880, %parallel_loop3A_881], %parallel_loop3A_879 {strides = array<i32>} : memref<80x128xf32, #tpu.memory_space<vmem>>, vector<16xf32>,
        %parallel_loop3A_883 = arith.index_cast %parallel_loop3A_845 : i32 to index
        %parallel_loop3A_884 = arith.constant 80 : index
        %parallel_loop3A_885 = tpu.vector_load %arg16[%parallel_loop3A_883, %parallel_loop3A_884] {strides = array<i32>} : memref<80x128xf32, #tpu.memory_space<vmem>>, vector<16xf32>,
        %parallel_loop3A_886 = arith.mulf %parallel_loop3A_885, %parallel_loop3A_847 : vector<16xf32>
        %parallel_loop3A_887 = arith.index_cast %parallel_loop3A_845 : i32 to index
        %parallel_loop3A_888 = arith.constant 80 : index
        %parallel_loop3A_889 = tpu.vector_load %arg16[%parallel_loop3A_887, %parallel_loop3A_888] {strides = array<i32>} : memref<80x128xf32, #tpu.memory_space<vmem>>, vector<16xf32>,
        tpu.vector_store %arg16[%parallel_loop3A_887, %parallel_loop3A_888], %parallel_loop3A_886 {strides = array<i32>} : memref<80x128xf32, #tpu.memory_space<vmem>>, vector<16xf32>,
        %parallel_loop3A_890 = arith.index_cast %parallel_loop3A_845 : i32 to index
        %parallel_loop3A_891 = arith.constant 96 : index
        %parallel_loop3A_892 = tpu.vector_load %arg16[%parallel_loop3A_890, %parallel_loop3A_891] {strides = array<i32>} : memref<80x128xf32, #tpu.memory_space<vmem>>, vector<16xf32>,
        %parallel_loop3A_893 = arith.mulf %parallel_loop3A_892, %parallel_loop3A_847 : vector<16xf32>
        %parallel_loop3A_894 = arith.index_cast %parallel_loop3A_845 : i32 to index
        %parallel_loop3A_895 = arith.constant 96 : index
        %parallel_loop3A_896 = tpu.vector_load %arg16[%parallel_loop3A_894, %parallel_loop3A_895] {strides = array<i32>} : memref<80x128xf32, #tpu.memory_space<vmem>>, vector<16xf32>,
        tpu.vector_store %arg16[%parallel_loop3A_894, %parallel_loop3A_895], %parallel_loop3A_893 {strides = array<i32>} : memref<80x128xf32, #tpu.memory_space<vmem>>, vector<16xf32>,
        %parallel_loop3A_897 = arith.index_cast %parallel_loop3A_845 : i32 to index
        %parallel_loop3A_898 = arith.constant 112 : index
        %parallel_loop3A_899 = tpu.vector_load %arg16[%parallel_loop3A_897, %parallel_loop3A_898] {strides = array<i32>} : memref<80x128xf32, #tpu.memory_space<vmem>>, vector<16xf32>,
        %parallel_loop3A_900 = arith.mulf %parallel_loop3A_899, %parallel_loop3A_847 : vector<16xf32>
        %parallel_loop3A_901 = arith.index_cast %parallel_loop3A_845 : i32 to index
        %parallel_loop3A_902 = arith.constant 112 : index
        %parallel_loop3A_903 = tpu.vector_load %arg16[%parallel_loop3A_901, %parallel_loop3A_902] {strides = array<i32>} : memref<80x128xf32, #tpu.memory_space<vmem>>, vector<16xf32>,
        tpu.vector_store %arg16[%parallel_loop3A_901, %parallel_loop3A_902], %parallel_loop3A_900 {strides = array<i32>} : memref<80x128xf32, #tpu.memory_space<vmem>>, vector<16xf32>,
      } {sc.loop_unroll_factor = 2 : i64, sc.parallel_access}
      %dma_start3A_607 = arith.constant 0 : i32
      %dma_start3A_608 = arith.constant 0 : i32
      %dma_start3A_609 = tpu.memref_slice %arg16[%dma_start3A_607, %dma_start3A_608] : memref<80x128xf32, #tpu.memory_space<vmem>> -> memref<40x128xf32, #tpu.memory_space<vmem>>
      %dma_start3A_610 = arith.constant 0 : i32
      %dma_start3A_611 = tpu.memref_slice %arg9[%dma_start3A_610] : memref<80xi32, #tpu.memory_space<vmem>> -> memref<40xi32, #tpu.memory_space<vmem>>
      %dma_start3A_612 = arith.constant 0 : i32
      %dma_start3A_613 = arith.constant 0 : i32
      %dma_start3A_614 = tpu.memref_slice %arg17[%dma_start3A_612, %dma_start3A_613] : memref<10240x128xf32, #tpu.memory_space<vmem_shared>> -> memref<10240x128xf32, #tpu.memory_space<vmem_shared>>
      tpu.enqueue_indirect_dma source(%dma_start3A_609 : memref<40x128xf32, #tpu.memory_space<vmem>>) target(%dma_start3A_614 : memref<10240x128xf32, #tpu.memory_space<vmem_shared>>) offsets(%dma_start3A_611 : memref<40xi32, #tpu.memory_space<vmem>>) semaphore(%arg20 : memref<!tpu.dma_semaphore, #tpu.memory_space<semaphore_mem>>) {add = true}
      %parallel_loop3A_615 = arith.constant 40 : i32
      %parallel_loop3A_616 = arith.constant 80 : i32
      %parallel_loop3A_617 = arith.constant 1 : i32
      scf.for %parallel_loop3A_845 = %parallel_loop3A_615 to %parallel_loop3A_616 step %parallel_loop3A_617  : i32 {
        %parallel_loop3A_846 = vector.broadcast %parallel_loop3A_845 : i32 to vector<16xi32>
        %parallel_loop3A_847 = tpu.vector_load_idx %arg12[%parallel_loop3A_846] : memref<80xf32, #tpu.memory_space<vmem>>[vector<16xi32>], vector<16xf32>,
        %parallel_loop3A_848 = arith.index_cast %parallel_loop3A_845 : i32 to index
        %parallel_loop3A_849 = arith.constant 0 : index
        %parallel_loop3A_850 = tpu.vector_load %arg16[%parallel_loop3A_848, %parallel_loop3A_849] {strides = array<i32>} : memref<80x128xf32, #tpu.memory_space<vmem>>, vector<16xf32>,
        %parallel_loop3A_851 = arith.mulf %parallel_loop3A_850, %parallel_loop3A_847 : vector<16xf32>
        %parallel_loop3A_852 = arith.index_cast %parallel_loop3A_845 : i32 to index
        %parallel_loop3A_853 = arith.constant 0 : index
        %parallel_loop3A_854 = tpu.vector_load %arg16[%parallel_loop3A_852, %parallel_loop3A_853] {strides = array<i32>} : memref<80x128xf32, #tpu.memory_space<vmem>>, vector<16xf32>,
        tpu.vector_store %arg16[%parallel_loop3A_852, %parallel_loop3A_853], %parallel_loop3A_851 {strides = array<i32>} : memref<80x128xf32, #tpu.memory_space<vmem>>, vector<16xf32>,
        %parallel_loop3A_855 = arith.index_cast %parallel_loop3A_845 : i32 to index
        %parallel_loop3A_856 = arith.constant 16 : index
        %parallel_loop3A_857 = tpu.vector_load %arg16[%parallel_loop3A_855, %parallel_loop3A_856] {strides = array<i32>} : memref<80x128xf32, #tpu.memory_space<vmem>>, vector<16xf32>,
        %parallel_loop3A_858 = arith.mulf %parallel_loop3A_857, %parallel_loop3A_847 : vector<16xf32>
        %parallel_loop3A_859 = arith.index_cast %parallel_loop3A_845 : i32 to index
        %parallel_loop3A_860 = arith.constant 16 : index
        %parallel_loop3A_861 = tpu.vector_load %arg16[%parallel_loop3A_859, %parallel_loop3A_860] {strides = array<i32>} : memref<80x128xf32, #tpu.memory_space<vmem>>, vector<16xf32>,
        tpu.vector_store %arg16[%parallel_loop3A_859, %parallel_loop3A_860], %parallel_loop3A_858 {strides = array<i32>} : memref<80x128xf32, #tpu.memory_space<vmem>>, vector<16xf32>,
        %parallel_loop3A_862 = arith.index_cast %parallel_loop3A_845 : i32 to index
        %parallel_loop3A_863 = arith.constant 32 : index
        %parallel_loop3A_864 = tpu.vector_load %arg16[%parallel_loop3A_862, %parallel_loop3A_863] {strides = array<i32>} : memref<80x128xf32, #tpu.memory_space<vmem>>, vector<16xf32>,
        %parallel_loop3A_865 = arith.mulf %parallel_loop3A_864, %parallel_loop3A_847 : vector<16xf32>
        %parallel_loop3A_866 = arith.index_cast %parallel_loop3A_845 : i32 to index
        %parallel_loop3A_867 = arith.constant 32 : index
        %parallel_loop3A_868 = tpu.vector_load %arg16[%parallel_loop3A_866, %parallel_loop3A_867] {strides = array<i32>} : memref<80x128xf32, #tpu.memory_space<vmem>>, vector<16xf32>,
        tpu.vector_store %arg16[%parallel_loop3A_866, %parallel_loop3A_867], %parallel_loop3A_865 {strides = array<i32>} : memref<80x128xf32, #tpu.memory_space<vmem>>, vector<16xf32>,
        %parallel_loop3A_869 = arith.index_cast %parallel_loop3A_845 : i32 to index
        %parallel_loop3A_870 = arith.constant 48 : index
        %parallel_loop3A_871 = tpu.vector_load %arg16[%parallel_loop3A_869, %parallel_loop3A_870] {strides = array<i32>} : memref<80x128xf32, #tpu.memory_space<vmem>>, vector<16xf32>,
        %parallel_loop3A_872 = arith.mulf %parallel_loop3A_871, %parallel_loop3A_847 : vector<16xf32>
        %parallel_loop3A_873 = arith.index_cast %parallel_loop3A_845 : i32 to index
        %parallel_loop3A_874 = arith.constant 48 : index
        %parallel_loop3A_875 = tpu.vector_load %arg16[%parallel_loop3A_873, %parallel_loop3A_874] {strides = array<i32>} : memref<80x128xf32, #tpu.memory_space<vmem>>, vector<16xf32>,
        tpu.vector_store %arg16[%parallel_loop3A_873, %parallel_loop3A_874], %parallel_loop3A_872 {strides = array<i32>} : memref<80x128xf32, #tpu.memory_space<vmem>>, vector<16xf32>,
        %parallel_loop3A_876 = arith.index_cast %parallel_loop3A_845 : i32 to index
        %parallel_loop3A_877 = arith.constant 64 : index
        %parallel_loop3A_878 = tpu.vector_load %arg16[%parallel_loop3A_876, %parallel_loop3A_877] {strides = array<i32>} : memref<80x128xf32, #tpu.memory_space<vmem>>, vector<16xf32>,
        %parallel_loop3A_879 = arith.mulf %parallel_loop3A_878, %parallel_loop3A_847 : vector<16xf32>
        %parallel_loop3A_880 = arith.index_cast %parallel_loop3A_845 : i32 to index
        %parallel_loop3A_881 = arith.constant 64 : index
        %parallel_loop3A_882 = tpu.vector_load %arg16[%parallel_loop3A_880, %parallel_loop3A_881] {strides = array<i32>} : memref<80x128xf32, #tpu.memory_space<vmem>>, vector<16xf32>,
        tpu.vector_store %arg16[%parallel_loop3A_880, %parallel_loop3A_881], %parallel_loop3A_879 {strides = array<i32>} : memref<80x128xf32, #tpu.memory_space<vmem>>, vector<16xf32>,
        %parallel_loop3A_883 = arith.index_cast %parallel_loop3A_845 : i32 to index
        %parallel_loop3A_884 = arith.constant 80 : index
        %parallel_loop3A_885 = tpu.vector_load %arg16[%parallel_loop3A_883, %parallel_loop3A_884] {strides = array<i32>} : memref<80x128xf32, #tpu.memory_space<vmem>>, vector<16xf32>,
        %parallel_loop3A_886 = arith.mulf %parallel_loop3A_885, %parallel_loop3A_847 : vector<16xf32>
        %parallel_loop3A_887 = arith.index_cast %parallel_loop3A_845 : i32 to index
        %parallel_loop3A_888 = arith.constant 80 : index
        %parallel_loop3A_889 = tpu.vector_load %arg16[%parallel_loop3A_887, %parallel_loop3A_888] {strides = array<i32>} : memref<80x128xf32, #tpu.memory_space<vmem>>, vector<16xf32>,
        tpu.vector_store %arg16[%parallel_loop3A_887, %parallel_loop3A_888], %parallel_loop3A_886 {strides = array<i32>} : memref<80x128xf32, #tpu.memory_space<vmem>>, vector<16xf32>,
        %parallel_loop3A_890 = arith.index_cast %parallel_loop3A_845 : i32 to index
        %parallel_loop3A_891 = arith.constant 96 : index
        %parallel_loop3A_892 = tpu.vector_load %arg16[%parallel_loop3A_890, %parallel_loop3A_891] {strides = array<i32>} : memref<80x128xf32, #tpu.memory_space<vmem>>, vector<16xf32>,
        %parallel_loop3A_893 = arith.mulf %parallel_loop3A_892, %parallel_loop3A_847 : vector<16xf32>
        %parallel_loop3A_894 = arith.index_cast %parallel_loop3A_845 : i32 to index
        %parallel_loop3A_895 = arith.constant 96 : index
        %parallel_loop3A_896 = tpu.vector_load %arg16[%parallel_loop3A_894, %parallel_loop3A_895] {strides = array<i32>} : memref<80x128xf32, #tpu.memory_space<vmem>>, vector<16xf32>,
        tpu.vector_store %arg16[%parallel_loop3A_894, %parallel_loop3A_895], %parallel_loop3A_893 {strides = array<i32>} : memref<80x128xf32, #tpu.memory_space<vmem>>, vector<16xf32>,
        %parallel_loop3A_897 = arith.index_cast %parallel_loop3A_845 : i32 to index
        %parallel_loop3A_898 = arith.constant 112 : index
        %parallel_loop3A_899 = tpu.vector_load %arg16[%parallel_loop3A_897, %parallel_loop3A_898] {strides = array<i32>} : memref<80x128xf32, #tpu.memory_space<vmem>>, vector<16xf32>,
        %parallel_loop3A_900 = arith.mulf %parallel_loop3A_899, %parallel_loop3A_847 : vector<16xf32>
        %parallel_loop3A_901 = arith.index_cast %parallel_loop3A_845 : i32 to index
        %parallel_loop3A_902 = arith.constant 112 : index
        %parallel_loop3A_903 = tpu.vector_load %arg16[%parallel_loop3A_901, %parallel_loop3A_902] {strides = array<i32>} : memref<80x128xf32, #tpu.memory_space<vmem>>, vector<16xf32>,
        tpu.vector_store %arg16[%parallel_loop3A_901, %parallel_loop3A_902], %parallel_loop3A_900 {strides = array<i32>} : memref<80x128xf32, #tpu.memory_space<vmem>>, vector<16xf32>,
      } {sc.loop_unroll_factor = 2 : i64, sc.parallel_access}
      %dma_start3A_618 = arith.constant 40 : i32
      %dma_start3A_619 = arith.constant 0 : i32
      %dma_start3A_620 = tpu.memref_slice %arg16[%dma_start3A_618, %dma_start3A_619] : memref<80x128xf32, #tpu.memory_space<vmem>> -> memref<40x128xf32, #tpu.memory_space<vmem>>
      %dma_start3A_621 = arith.constant 40 : i32
      %dma_start3A_622 = tpu.memref_slice %arg9[%dma_start3A_621] : memref<80xi32, #tpu.memory_space<vmem>> -> memref<40xi32, #tpu.memory_space<vmem>>
      %dma_start3A_623 = arith.constant 0 : i32
      %dma_start3A_624 = arith.constant 0 : i32
      %dma_start3A_625 = tpu.memref_slice %arg17[%dma_start3A_623, %dma_start3A_624] : memref<10240x128xf32, #tpu.memory_space<vmem_shared>> -> memref<10240x128xf32, #tpu.memory_space<vmem_shared>>
      tpu.enqueue_indirect_dma source(%dma_start3A_620 : memref<40x128xf32, #tpu.memory_space<vmem>>) target(%dma_start3A_625 : memref<10240x128xf32, #tpu.memory_space<vmem_shared>>) offsets(%dma_start3A_622 : memref<40xi32, #tpu.memory_space<vmem>>) semaphore(%arg20 : memref<!tpu.dma_semaphore, #tpu.memory_space<semaphore_mem>>) {add = true}
      %mul3A_626 = arith.constant 6 : i32
      %mul3A_627 = arith.muli %scan3A_406, %mul3A_626 : i32
      %add3A_628 = arith.constant 4 : i32
      %add3A_629 = arith.addi %add3A_628, %mul3A_627 : i32
      %dma_wait3A_630 = arith.constant 0 : i32
      %dma_wait3A_631 = tpu.memref_slice %arg2[%dma_wait3A_630] : memref<640000xi32, #tpu.memory_space<hbm>> -> memref<80xi32, #tpu.memory_space<hbm>>
      %dma_wait3A_632 = arith.constant 0 : i32
      %dma_wait3A_633 = tpu.memref_slice %arg2[%dma_wait3A_632] : memref<640000xi32, #tpu.memory_space<hbm>> -> memref<80xi32, #tpu.memory_space<hbm>>
      tpu.wait_dma2 semaphore(%arg18 : memref<!tpu.dma_semaphore, #tpu.memory_space<semaphore_mem>>) src(%dma_wait3A_633 : memref<80xi32, #tpu.memory_space<hbm>>) dst(%arg8 : memref<80xi32, #tpu.memory_space<vmem>>)
      %dma_wait3A_634 = arith.constant 0 : i32
      %dma_wait3A_635 = tpu.memref_slice %arg2[%dma_wait3A_634] : memref<640000xi32, #tpu.memory_space<hbm>> -> memref<80xi32, #tpu.memory_space<hbm>>
      %dma_wait3A_636 = arith.constant 0 : i32
      %dma_wait3A_637 = tpu.memref_slice %arg2[%dma_wait3A_636] : memref<640000xi32, #tpu.memory_space<hbm>> -> memref<80xi32, #tpu.memory_space<hbm>>
      tpu.wait_dma2 semaphore(%arg18 : memref<!tpu.dma_semaphore, #tpu.memory_space<semaphore_mem>>) src(%dma_wait3A_637 : memref<80xi32, #tpu.memory_space<hbm>>) dst(%arg11 : memref<80xi32, #tpu.memory_space<vmem>>)
      %dma_wait3A_638 = arith.constant 0 : i32
      %dma_wait3A_639 = tpu.memref_slice %arg3[%dma_wait3A_638] : memref<320000xf32, #tpu.memory_space<hbm>> -> memref<80xf32, #tpu.memory_space<hbm>>
      %dma_wait3A_640 = arith.constant 0 : i32
      %dma_wait3A_641 = tpu.memref_slice %arg3[%dma_wait3A_640] : memref<320000xf32, #tpu.memory_space<hbm>> -> memref<80xf32, #tpu.memory_space<hbm>>
      tpu.wait_dma2 semaphore(%arg18 : memref<!tpu.dma_semaphore, #tpu.memory_space<semaphore_mem>>) src(%dma_wait3A_641 : memref<80xf32, #tpu.memory_space<hbm>>) dst(%arg14 : memref<80xf32, #tpu.memory_space<vmem>>)
      %dma_wait3A_642 = arith.constant 0 : i32
      %dma_wait3A_643 = arith.constant 0 : i32
      %dma_wait3A_644 = tpu.memref_slice %arg16[%dma_wait3A_642, %dma_wait3A_643] : memref<80x128xf32, #tpu.memory_space<vmem>> -> memref<40x128xf32, #tpu.memory_space<vmem>>
      %dma_wait3A_645 = arith.constant 0 : i32
      %dma_wait3A_646 = tpu.memref_slice %arg9[%dma_wait3A_645] : memref<80xi32, #tpu.memory_space<vmem>> -> memref<40xi32, #tpu.memory_space<vmem>>
      %dma_wait3A_647 = arith.constant 0 : i32
      %dma_wait3A_648 = arith.constant 0 : i32
      %dma_wait3A_649 = tpu.memref_slice %arg17[%dma_wait3A_647, %dma_wait3A_648] : memref<10240x128xf32, #tpu.memory_space<vmem_shared>> -> memref<10240x128xf32, #tpu.memory_space<vmem_shared>>
      tpu.wait_indirect_dma semaphore(%arg20 : memref<!tpu.dma_semaphore, #tpu.memory_space<semaphore_mem>>) src(%dma_wait3A_644 : memref<40x128xf32, #tpu.memory_space<vmem>>) dst(%dma_wait3A_649 : memref<10240x128xf32, #tpu.memory_space<vmem_shared>>)
      %dma_wait3A_650 = arith.constant 40 : i32
      %dma_wait3A_651 = arith.constant 0 : i32
      %dma_wait3A_652 = tpu.memref_slice %arg16[%dma_wait3A_650, %dma_wait3A_651] : memref<80x128xf32, #tpu.memory_space<vmem>> -> memref<40x128xf32, #tpu.memory_space<vmem>>
      %dma_wait3A_653 = arith.constant 40 : i32
      %dma_wait3A_654 = tpu.memref_slice %arg9[%dma_wait3A_653] : memref<80xi32, #tpu.memory_space<vmem>> -> memref<40xi32, #tpu.memory_space<vmem>>
      %dma_wait3A_655 = arith.constant 0 : i32
      %dma_wait3A_656 = arith.constant 0 : i32
      %dma_wait3A_657 = tpu.memref_slice %arg17[%dma_wait3A_655, %dma_wait3A_656] : memref<10240x128xf32, #tpu.memory_space<vmem_shared>> -> memref<10240x128xf32, #tpu.memory_space<vmem_shared>>
      tpu.wait_indirect_dma semaphore(%arg20 : memref<!tpu.dma_semaphore, #tpu.memory_space<semaphore_mem>>) src(%dma_wait3A_652 : memref<40x128xf32, #tpu.memory_space<vmem>>) dst(%dma_wait3A_657 : memref<10240x128xf32, #tpu.memory_space<vmem_shared>>)
      %dma_start3A_658 = arith.constant 0 : i32
      %dma_start3A_659 = arith.constant 0 : i32
      %dma_start3A_660 = tpu.memref_slice %arg4[%dma_start3A_658, %dma_start3A_659] : memref<10000x128xf32, #tpu.memory_space<hbm>> -> memref<10000x128xf32, #tpu.memory_space<hbm>>
      tpu.enqueue_indirect_dma source(%dma_start3A_660 : memref<10000x128xf32, #tpu.memory_space<hbm>>) target(%arg16 : memref<80x128xf32, #tpu.memory_space<vmem>>) offsets(%arg8 : memref<80xi32, #tpu.memory_space<vmem>>) semaphore(%arg19 : memref<!tpu.dma_semaphore, #tpu.memory_space<semaphore_mem>>)
      %add3A_661 = arith.constant 2 : i32
      %add3A_662 = arith.addi %add3A_629, %add3A_661 : i32
      %mul3A_663 = arith.constant 80 : i32
      %mul3A_664 = arith.muli %add3A_662, %mul3A_663 : i32
      %add3A_665 = arith.addi %mul3A_2, %mul3A_664 : i32
      %add3A_666 = arith.constant 320000 : i32
      %add3A_667 = arith.addi %add3A_666, %add3A_665 : i32
      %dma_start3A_668 = tpu.memref_slice %arg2[%add3A_667] : memref<640000xi32, #tpu.memory_space<hbm>> -> memref<80xi32, #tpu.memory_space<hbm>>
      %dma_start3A_669 = tpu.memref_slice %arg2[%add3A_667] : memref<640000xi32, #tpu.memory_space<hbm>> -> memref<80xi32, #tpu.memory_space<hbm>>
      tpu.enqueue_dma source(%dma_start3A_669 : memref<80xi32, #tpu.memory_space<hbm>>) target(%arg6 : memref<80xi32, #tpu.memory_space<vmem>>) target_semaphore(%arg18 : memref<!tpu.dma_semaphore, #tpu.memory_space<semaphore_mem>>)
      %dma_start3A_670 = tpu.memref_slice %arg2[%add3A_665] : memref<640000xi32, #tpu.memory_space<hbm>> -> memref<80xi32, #tpu.memory_space<hbm>>
      %dma_start3A_671 = tpu.memref_slice %arg2[%add3A_665] : memref<640000xi32, #tpu.memory_space<hbm>> -> memref<80xi32, #tpu.memory_space<hbm>>
      tpu.enqueue_dma source(%dma_start3A_671 : memref<80xi32, #tpu.memory_space<hbm>>) target(%arg9 : memref<80xi32, #tpu.memory_space<vmem>>) target_semaphore(%arg18 : memref<!tpu.dma_semaphore, #tpu.memory_space<semaphore_mem>>)
      %dma_start3A_672 = tpu.memref_slice %arg3[%add3A_665] : memref<320000xf32, #tpu.memory_space<hbm>> -> memref<80xf32, #tpu.memory_space<hbm>>
      %dma_start3A_673 = tpu.memref_slice %arg3[%add3A_665] : memref<320000xf32, #tpu.memory_space<hbm>> -> memref<80xf32, #tpu.memory_space<hbm>>
      tpu.enqueue_dma source(%dma_start3A_673 : memref<80xf32, #tpu.memory_space<hbm>>) target(%arg12 : memref<80xf32, #tpu.memory_space<vmem>>) target_semaphore(%arg18 : memref<!tpu.dma_semaphore, #tpu.memory_space<semaphore_mem>>)
      %dma_wait3A_674 = arith.constant 0 : i32
      %dma_wait3A_675 = arith.constant 0 : i32
      %dma_wait3A_676 = tpu.memref_slice %arg4[%dma_wait3A_674, %dma_wait3A_675] : memref<10000x128xf32, #tpu.memory_space<hbm>> -> memref<10000x128xf32, #tpu.memory_space<hbm>>
      tpu.wait_indirect_dma semaphore(%arg19 : memref<!tpu.dma_semaphore, #tpu.memory_space<semaphore_mem>>) src(%dma_wait3A_676 : memref<10000x128xf32, #tpu.memory_space<hbm>>) dst(%arg15 : memref<80x128xf32, #tpu.memory_space<vmem>>)
      %parallel_loop3A_677 = arith.constant 0 : i32
      %parallel_loop3A_678 = arith.constant 40 : i32
      %parallel_loop3A_679 = arith.constant 1 : i32
      scf.for %parallel_loop3A_845 = %parallel_loop3A_677 to %parallel_loop3A_678 step %parallel_loop3A_679  : i32 {
        %parallel_loop3A_846 = vector.broadcast %parallel_loop3A_845 : i32 to vector<16xi32>
        %parallel_loop3A_847 = tpu.vector_load_idx %arg13[%parallel_loop3A_846] : memref<80xf32, #tpu.memory_space<vmem>>[vector<16xi32>], vector<16xf32>,
        %parallel_loop3A_848 = arith.index_cast %parallel_loop3A_845 : i32 to index
        %parallel_loop3A_849 = arith.constant 0 : index
        %parallel_loop3A_850 = tpu.vector_load %arg15[%parallel_loop3A_848, %parallel_loop3A_849] {strides = array<i32>} : memref<80x128xf32, #tpu.memory_space<vmem>>, vector<16xf32>,
        %parallel_loop3A_851 = arith.mulf %parallel_loop3A_850, %parallel_loop3A_847 : vector<16xf32>
        %parallel_loop3A_852 = arith.index_cast %parallel_loop3A_845 : i32 to index
        %parallel_loop3A_853 = arith.constant 0 : index
        %parallel_loop3A_854 = tpu.vector_load %arg15[%parallel_loop3A_852, %parallel_loop3A_853] {strides = array<i32>} : memref<80x128xf32, #tpu.memory_space<vmem>>, vector<16xf32>,
        tpu.vector_store %arg15[%parallel_loop3A_852, %parallel_loop3A_853], %parallel_loop3A_851 {strides = array<i32>} : memref<80x128xf32, #tpu.memory_space<vmem>>, vector<16xf32>,
        %parallel_loop3A_855 = arith.index_cast %parallel_loop3A_845 : i32 to index
        %parallel_loop3A_856 = arith.constant 16 : index
        %parallel_loop3A_857 = tpu.vector_load %arg15[%parallel_loop3A_855, %parallel_loop3A_856] {strides = array<i32>} : memref<80x128xf32, #tpu.memory_space<vmem>>, vector<16xf32>,
        %parallel_loop3A_858 = arith.mulf %parallel_loop3A_857, %parallel_loop3A_847 : vector<16xf32>
        %parallel_loop3A_859 = arith.index_cast %parallel_loop3A_845 : i32 to index
        %parallel_loop3A_860 = arith.constant 16 : index
        %parallel_loop3A_861 = tpu.vector_load %arg15[%parallel_loop3A_859, %parallel_loop3A_860] {strides = array<i32>} : memref<80x128xf32, #tpu.memory_space<vmem>>, vector<16xf32>,
        tpu.vector_store %arg15[%parallel_loop3A_859, %parallel_loop3A_860], %parallel_loop3A_858 {strides = array<i32>} : memref<80x128xf32, #tpu.memory_space<vmem>>, vector<16xf32>,
        %parallel_loop3A_862 = arith.index_cast %parallel_loop3A_845 : i32 to index
        %parallel_loop3A_863 = arith.constant 32 : index
        %parallel_loop3A_864 = tpu.vector_load %arg15[%parallel_loop3A_862, %parallel_loop3A_863] {strides = array<i32>} : memref<80x128xf32, #tpu.memory_space<vmem>>, vector<16xf32>,
        %parallel_loop3A_865 = arith.mulf %parallel_loop3A_864, %parallel_loop3A_847 : vector<16xf32>
        %parallel_loop3A_866 = arith.index_cast %parallel_loop3A_845 : i32 to index
        %parallel_loop3A_867 = arith.constant 32 : index
        %parallel_loop3A_868 = tpu.vector_load %arg15[%parallel_loop3A_866, %parallel_loop3A_867] {strides = array<i32>} : memref<80x128xf32, #tpu.memory_space<vmem>>, vector<16xf32>,
        tpu.vector_store %arg15[%parallel_loop3A_866, %parallel_loop3A_867], %parallel_loop3A_865 {strides = array<i32>} : memref<80x128xf32, #tpu.memory_space<vmem>>, vector<16xf32>,
        %parallel_loop3A_869 = arith.index_cast %parallel_loop3A_845 : i32 to index
        %parallel_loop3A_870 = arith.constant 48 : index
        %parallel_loop3A_871 = tpu.vector_load %arg15[%parallel_loop3A_869, %parallel_loop3A_870] {strides = array<i32>} : memref<80x128xf32, #tpu.memory_space<vmem>>, vector<16xf32>,
        %parallel_loop3A_872 = arith.mulf %parallel_loop3A_871, %parallel_loop3A_847 : vector<16xf32>
        %parallel_loop3A_873 = arith.index_cast %parallel_loop3A_845 : i32 to index
        %parallel_loop3A_874 = arith.constant 48 : index
        %parallel_loop3A_875 = tpu.vector_load %arg15[%parallel_loop3A_873, %parallel_loop3A_874] {strides = array<i32>} : memref<80x128xf32, #tpu.memory_space<vmem>>, vector<16xf32>,
        tpu.vector_store %arg15[%parallel_loop3A_873, %parallel_loop3A_874], %parallel_loop3A_872 {strides = array<i32>} : memref<80x128xf32, #tpu.memory_space<vmem>>, vector<16xf32>,
        %parallel_loop3A_876 = arith.index_cast %parallel_loop3A_845 : i32 to index
        %parallel_loop3A_877 = arith.constant 64 : index
        %parallel_loop3A_878 = tpu.vector_load %arg15[%parallel_loop3A_876, %parallel_loop3A_877] {strides = array<i32>} : memref<80x128xf32, #tpu.memory_space<vmem>>, vector<16xf32>,
        %parallel_loop3A_879 = arith.mulf %parallel_loop3A_878, %parallel_loop3A_847 : vector<16xf32>
        %parallel_loop3A_880 = arith.index_cast %parallel_loop3A_845 : i32 to index
        %parallel_loop3A_881 = arith.constant 64 : index
        %parallel_loop3A_882 = tpu.vector_load %arg15[%parallel_loop3A_880, %parallel_loop3A_881] {strides = array<i32>} : memref<80x128xf32, #tpu.memory_space<vmem>>, vector<16xf32>,
        tpu.vector_store %arg15[%parallel_loop3A_880, %parallel_loop3A_881], %parallel_loop3A_879 {strides = array<i32>} : memref<80x128xf32, #tpu.memory_space<vmem>>, vector<16xf32>,
        %parallel_loop3A_883 = arith.index_cast %parallel_loop3A_845 : i32 to index
        %parallel_loop3A_884 = arith.constant 80 : index
        %parallel_loop3A_885 = tpu.vector_load %arg15[%parallel_loop3A_883, %parallel_loop3A_884] {strides = array<i32>} : memref<80x128xf32, #tpu.memory_space<vmem>>, vector<16xf32>,
        %parallel_loop3A_886 = arith.mulf %parallel_loop3A_885, %parallel_loop3A_847 : vector<16xf32>
        %parallel_loop3A_887 = arith.index_cast %parallel_loop3A_845 : i32 to index
        %parallel_loop3A_888 = arith.constant 80 : index
        %parallel_loop3A_889 = tpu.vector_load %arg15[%parallel_loop3A_887, %parallel_loop3A_888] {strides = array<i32>} : memref<80x128xf32, #tpu.memory_space<vmem>>, vector<16xf32>,
        tpu.vector_store %arg15[%parallel_loop3A_887, %parallel_loop3A_888], %parallel_loop3A_886 {strides = array<i32>} : memref<80x128xf32, #tpu.memory_space<vmem>>, vector<16xf32>,
        %parallel_loop3A_890 = arith.index_cast %parallel_loop3A_845 : i32 to index
        %parallel_loop3A_891 = arith.constant 96 : index
        %parallel_loop3A_892 = tpu.vector_load %arg15[%parallel_loop3A_890, %parallel_loop3A_891] {strides = array<i32>} : memref<80x128xf32, #tpu.memory_space<vmem>>, vector<16xf32>,
        %parallel_loop3A_893 = arith.mulf %parallel_loop3A_892, %parallel_loop3A_847 : vector<16xf32>
        %parallel_loop3A_894 = arith.index_cast %parallel_loop3A_845 : i32 to index
        %parallel_loop3A_895 = arith.constant 96 : index
        %parallel_loop3A_896 = tpu.vector_load %arg15[%parallel_loop3A_894, %parallel_loop3A_895] {strides = array<i32>} : memref<80x128xf32, #tpu.memory_space<vmem>>, vector<16xf32>,
        tpu.vector_store %arg15[%parallel_loop3A_894, %parallel_loop3A_895], %parallel_loop3A_893 {strides = array<i32>} : memref<80x128xf32, #tpu.memory_space<vmem>>, vector<16xf32>,
        %parallel_loop3A_897 = arith.index_cast %parallel_loop3A_845 : i32 to index
        %parallel_loop3A_898 = arith.constant 112 : index
        %parallel_loop3A_899 = tpu.vector_load %arg15[%parallel_loop3A_897, %parallel_loop3A_898] {strides = array<i32>} : memref<80x128xf32, #tpu.memory_space<vmem>>, vector<16xf32>,
        %parallel_loop3A_900 = arith.mulf %parallel_loop3A_899, %parallel_loop3A_847 : vector<16xf32>
        %parallel_loop3A_901 = arith.index_cast %parallel_loop3A_845 : i32 to index
        %parallel_loop3A_902 = arith.constant 112 : index
        %parallel_loop3A_903 = tpu.vector_load %arg15[%parallel_loop3A_901, %parallel_loop3A_902] {strides = array<i32>} : memref<80x128xf32, #tpu.memory_space<vmem>>, vector<16xf32>,
        tpu.vector_store %arg15[%parallel_loop3A_901, %parallel_loop3A_902], %parallel_loop3A_900 {strides = array<i32>} : memref<80x128xf32, #tpu.memory_space<vmem>>, vector<16xf32>,
      } {sc.loop_unroll_factor = 2 : i64, sc.parallel_access}
      %dma_start3A_680 = arith.constant 0 : i32
      %dma_start3A_681 = arith.constant 0 : i32
      %dma_start3A_682 = tpu.memref_slice %arg15[%dma_start3A_680, %dma_start3A_681] : memref<80x128xf32, #tpu.memory_space<vmem>> -> memref<40x128xf32, #tpu.memory_space<vmem>>
      %dma_start3A_683 = arith.constant 0 : i32
      %dma_start3A_684 = tpu.memref_slice %arg10[%dma_start3A_683] : memref<80xi32, #tpu.memory_space<vmem>> -> memref<40xi32, #tpu.memory_space<vmem>>
      %dma_start3A_685 = arith.constant 0 : i32
      %dma_start3A_686 = arith.constant 0 : i32
      %dma_start3A_687 = tpu.memref_slice %arg17[%dma_start3A_685, %dma_start3A_686] : memref<10240x128xf32, #tpu.memory_space<vmem_shared>> -> memref<10240x128xf32, #tpu.memory_space<vmem_shared>>
      tpu.enqueue_indirect_dma source(%dma_start3A_682 : memref<40x128xf32, #tpu.memory_space<vmem>>) target(%dma_start3A_687 : memref<10240x128xf32, #tpu.memory_space<vmem_shared>>) offsets(%dma_start3A_684 : memref<40xi32, #tpu.memory_space<vmem>>) semaphore(%arg20 : memref<!tpu.dma_semaphore, #tpu.memory_space<semaphore_mem>>) {add = true}
      %parallel_loop3A_688 = arith.constant 40 : i32
      %parallel_loop3A_689 = arith.constant 80 : i32
      %parallel_loop3A_690 = arith.constant 1 : i32
      scf.for %parallel_loop3A_845 = %parallel_loop3A_688 to %parallel_loop3A_689 step %parallel_loop3A_690  : i32 {
        %parallel_loop3A_846 = vector.broadcast %parallel_loop3A_845 : i32 to vector<16xi32>
        %parallel_loop3A_847 = tpu.vector_load_idx %arg13[%parallel_loop3A_846] : memref<80xf32, #tpu.memory_space<vmem>>[vector<16xi32>], vector<16xf32>,
        %parallel_loop3A_848 = arith.index_cast %parallel_loop3A_845 : i32 to index
        %parallel_loop3A_849 = arith.constant 0 : index
        %parallel_loop3A_850 = tpu.vector_load %arg15[%parallel_loop3A_848, %parallel_loop3A_849] {strides = array<i32>} : memref<80x128xf32, #tpu.memory_space<vmem>>, vector<16xf32>,
        %parallel_loop3A_851 = arith.mulf %parallel_loop3A_850, %parallel_loop3A_847 : vector<16xf32>
        %parallel_loop3A_852 = arith.index_cast %parallel_loop3A_845 : i32 to index
        %parallel_loop3A_853 = arith.constant 0 : index
        %parallel_loop3A_854 = tpu.vector_load %arg15[%parallel_loop3A_852, %parallel_loop3A_853] {strides = array<i32>} : memref<80x128xf32, #tpu.memory_space<vmem>>, vector<16xf32>,
        tpu.vector_store %arg15[%parallel_loop3A_852, %parallel_loop3A_853], %parallel_loop3A_851 {strides = array<i32>} : memref<80x128xf32, #tpu.memory_space<vmem>>, vector<16xf32>,
        %parallel_loop3A_855 = arith.index_cast %parallel_loop3A_845 : i32 to index
        %parallel_loop3A_856 = arith.constant 16 : index
        %parallel_loop3A_857 = tpu.vector_load %arg15[%parallel_loop3A_855, %parallel_loop3A_856] {strides = array<i32>} : memref<80x128xf32, #tpu.memory_space<vmem>>, vector<16xf32>,
        %parallel_loop3A_858 = arith.mulf %parallel_loop3A_857, %parallel_loop3A_847 : vector<16xf32>
        %parallel_loop3A_859 = arith.index_cast %parallel_loop3A_845 : i32 to index
        %parallel_loop3A_860 = arith.constant 16 : index
        %parallel_loop3A_861 = tpu.vector_load %arg15[%parallel_loop3A_859, %parallel_loop3A_860] {strides = array<i32>} : memref<80x128xf32, #tpu.memory_space<vmem>>, vector<16xf32>,
        tpu.vector_store %arg15[%parallel_loop3A_859, %parallel_loop3A_860], %parallel_loop3A_858 {strides = array<i32>} : memref<80x128xf32, #tpu.memory_space<vmem>>, vector<16xf32>,
        %parallel_loop3A_862 = arith.index_cast %parallel_loop3A_845 : i32 to index
        %parallel_loop3A_863 = arith.constant 32 : index
        %parallel_loop3A_864 = tpu.vector_load %arg15[%parallel_loop3A_862, %parallel_loop3A_863] {strides = array<i32>} : memref<80x128xf32, #tpu.memory_space<vmem>>, vector<16xf32>,
        %parallel_loop3A_865 = arith.mulf %parallel_loop3A_864, %parallel_loop3A_847 : vector<16xf32>
        %parallel_loop3A_866 = arith.index_cast %parallel_loop3A_845 : i32 to index
        %parallel_loop3A_867 = arith.constant 32 : index
        %parallel_loop3A_868 = tpu.vector_load %arg15[%parallel_loop3A_866, %parallel_loop3A_867] {strides = array<i32>} : memref<80x128xf32, #tpu.memory_space<vmem>>, vector<16xf32>,
        tpu.vector_store %arg15[%parallel_loop3A_866, %parallel_loop3A_867], %parallel_loop3A_865 {strides = array<i32>} : memref<80x128xf32, #tpu.memory_space<vmem>>, vector<16xf32>,
        %parallel_loop3A_869 = arith.index_cast %parallel_loop3A_845 : i32 to index
        %parallel_loop3A_870 = arith.constant 48 : index
        %parallel_loop3A_871 = tpu.vector_load %arg15[%parallel_loop3A_869, %parallel_loop3A_870] {strides = array<i32>} : memref<80x128xf32, #tpu.memory_space<vmem>>, vector<16xf32>,
        %parallel_loop3A_872 = arith.mulf %parallel_loop3A_871, %parallel_loop3A_847 : vector<16xf32>
        %parallel_loop3A_873 = arith.index_cast %parallel_loop3A_845 : i32 to index
        %parallel_loop3A_874 = arith.constant 48 : index
        %parallel_loop3A_875 = tpu.vector_load %arg15[%parallel_loop3A_873, %parallel_loop3A_874] {strides = array<i32>} : memref<80x128xf32, #tpu.memory_space<vmem>>, vector<16xf32>,
        tpu.vector_store %arg15[%parallel_loop3A_873, %parallel_loop3A_874], %parallel_loop3A_872 {strides = array<i32>} : memref<80x128xf32, #tpu.memory_space<vmem>>, vector<16xf32>,
        %parallel_loop3A_876 = arith.index_cast %parallel_loop3A_845 : i32 to index
        %parallel_loop3A_877 = arith.constant 64 : index
        %parallel_loop3A_878 = tpu.vector_load %arg15[%parallel_loop3A_876, %parallel_loop3A_877] {strides = array<i32>} : memref<80x128xf32, #tpu.memory_space<vmem>>, vector<16xf32>,
        %parallel_loop3A_879 = arith.mulf %parallel_loop3A_878, %parallel_loop3A_847 : vector<16xf32>
        %parallel_loop3A_880 = arith.index_cast %parallel_loop3A_845 : i32 to index
        %parallel_loop3A_881 = arith.constant 64 : index
        %parallel_loop3A_882 = tpu.vector_load %arg15[%parallel_loop3A_880, %parallel_loop3A_881] {strides = array<i32>} : memref<80x128xf32, #tpu.memory_space<vmem>>, vector<16xf32>,
        tpu.vector_store %arg15[%parallel_loop3A_880, %parallel_loop3A_881], %parallel_loop3A_879 {strides = array<i32>} : memref<80x128xf32, #tpu.memory_space<vmem>>, vector<16xf32>,
        %parallel_loop3A_883 = arith.index_cast %parallel_loop3A_845 : i32 to index
        %parallel_loop3A_884 = arith.constant 80 : index
        %parallel_loop3A_885 = tpu.vector_load %arg15[%parallel_loop3A_883, %parallel_loop3A_884] {strides = array<i32>} : memref<80x128xf32, #tpu.memory_space<vmem>>, vector<16xf32>,
        %parallel_loop3A_886 = arith.mulf %parallel_loop3A_885, %parallel_loop3A_847 : vector<16xf32>
        %parallel_loop3A_887 = arith.index_cast %parallel_loop3A_845 : i32 to index
        %parallel_loop3A_888 = arith.constant 80 : index
        %parallel_loop3A_889 = tpu.vector_load %arg15[%parallel_loop3A_887, %parallel_loop3A_888] {strides = array<i32>} : memref<80x128xf32, #tpu.memory_space<vmem>>, vector<16xf32>,
        tpu.vector_store %arg15[%parallel_loop3A_887, %parallel_loop3A_888], %parallel_loop3A_886 {strides = array<i32>} : memref<80x128xf32, #tpu.memory_space<vmem>>, vector<16xf32>,
        %parallel_loop3A_890 = arith.index_cast %parallel_loop3A_845 : i32 to index
        %parallel_loop3A_891 = arith.constant 96 : index
        %parallel_loop3A_892 = tpu.vector_load %arg15[%parallel_loop3A_890, %parallel_loop3A_891] {strides = array<i32>} : memref<80x128xf32, #tpu.memory_space<vmem>>, vector<16xf32>,
        %parallel_loop3A_893 = arith.mulf %parallel_loop3A_892, %parallel_loop3A_847 : vector<16xf32>
        %parallel_loop3A_894 = arith.index_cast %parallel_loop3A_845 : i32 to index
        %parallel_loop3A_895 = arith.constant 96 : index
        %parallel_loop3A_896 = tpu.vector_load %arg15[%parallel_loop3A_894, %parallel_loop3A_895] {strides = array<i32>} : memref<80x128xf32, #tpu.memory_space<vmem>>, vector<16xf32>,
        tpu.vector_store %arg15[%parallel_loop3A_894, %parallel_loop3A_895], %parallel_loop3A_893 {strides = array<i32>} : memref<80x128xf32, #tpu.memory_space<vmem>>, vector<16xf32>,
        %parallel_loop3A_897 = arith.index_cast %parallel_loop3A_845 : i32 to index
        %parallel_loop3A_898 = arith.constant 112 : index
        %parallel_loop3A_899 = tpu.vector_load %arg15[%parallel_loop3A_897, %parallel_loop3A_898] {strides = array<i32>} : memref<80x128xf32, #tpu.memory_space<vmem>>, vector<16xf32>,
        %parallel_loop3A_900 = arith.mulf %parallel_loop3A_899, %parallel_loop3A_847 : vector<16xf32>
        %parallel_loop3A_901 = arith.index_cast %parallel_loop3A_845 : i32 to index
        %parallel_loop3A_902 = arith.constant 112 : index
        %parallel_loop3A_903 = tpu.vector_load %arg15[%parallel_loop3A_901, %parallel_loop3A_902] {strides = array<i32>} : memref<80x128xf32, #tpu.memory_space<vmem>>, vector<16xf32>,
        tpu.vector_store %arg15[%parallel_loop3A_901, %parallel_loop3A_902], %parallel_loop3A_900 {strides = array<i32>} : memref<80x128xf32, #tpu.memory_space<vmem>>, vector<16xf32>,
      } {sc.loop_unroll_factor = 2 : i64, sc.parallel_access}
      %dma_start3A_691 = arith.constant 40 : i32
      %dma_start3A_692 = arith.constant 0 : i32
      %dma_start3A_693 = tpu.memref_slice %arg15[%dma_start3A_691, %dma_start3A_692] : memref<80x128xf32, #tpu.memory_space<vmem>> -> memref<40x128xf32, #tpu.memory_space<vmem>>
      %dma_start3A_694 = arith.constant 40 : i32
      %dma_start3A_695 = tpu.memref_slice %arg10[%dma_start3A_694] : memref<80xi32, #tpu.memory_space<vmem>> -> memref<40xi32, #tpu.memory_space<vmem>>
      %dma_start3A_696 = arith.constant 0 : i32
      %dma_start3A_697 = arith.constant 0 : i32
      %dma_start3A_698 = tpu.memref_slice %arg17[%dma_start3A_696, %dma_start3A_697] : memref<10240x128xf32, #tpu.memory_space<vmem_shared>> -> memref<10240x128xf32, #tpu.memory_space<vmem_shared>>
      tpu.enqueue_indirect_dma source(%dma_start3A_693 : memref<40x128xf32, #tpu.memory_space<vmem>>) target(%dma_start3A_698 : memref<10240x128xf32, #tpu.memory_space<vmem_shared>>) offsets(%dma_start3A_695 : memref<40xi32, #tpu.memory_space<vmem>>) semaphore(%arg20 : memref<!tpu.dma_semaphore, #tpu.memory_space<semaphore_mem>>) {add = true}
      %mul3A_699 = arith.constant 6 : i32
      %mul3A_700 = arith.muli %scan3A_406, %mul3A_699 : i32
      %add3A_701 = arith.constant 5 : i32
      %add3A_702 = arith.addi %add3A_701, %mul3A_700 : i32
      %dma_wait3A_703 = arith.constant 0 : i32
      %dma_wait3A_704 = tpu.memref_slice %arg2[%dma_wait3A_703] : memref<640000xi32, #tpu.memory_space<hbm>> -> memref<80xi32, #tpu.memory_space<hbm>>
      %dma_wait3A_705 = arith.constant 0 : i32
      %dma_wait3A_706 = tpu.memref_slice %arg2[%dma_wait3A_705] : memref<640000xi32, #tpu.memory_space<hbm>> -> memref<80xi32, #tpu.memory_space<hbm>>
      tpu.wait_dma2 semaphore(%arg18 : memref<!tpu.dma_semaphore, #tpu.memory_space<semaphore_mem>>) src(%dma_wait3A_706 : memref<80xi32, #tpu.memory_space<hbm>>) dst(%arg6 : memref<80xi32, #tpu.memory_space<vmem>>)
      %dma_wait3A_707 = arith.constant 0 : i32
      %dma_wait3A_708 = tpu.memref_slice %arg2[%dma_wait3A_707] : memref<640000xi32, #tpu.memory_space<hbm>> -> memref<80xi32, #tpu.memory_space<hbm>>
      %dma_wait3A_709 = arith.constant 0 : i32
      %dma_wait3A_710 = tpu.memref_slice %arg2[%dma_wait3A_709] : memref<640000xi32, #tpu.memory_space<hbm>> -> memref<80xi32, #tpu.memory_space<hbm>>
      tpu.wait_dma2 semaphore(%arg18 : memref<!tpu.dma_semaphore, #tpu.memory_space<semaphore_mem>>) src(%dma_wait3A_710 : memref<80xi32, #tpu.memory_space<hbm>>) dst(%arg9 : memref<80xi32, #tpu.memory_space<vmem>>)
      %dma_wait3A_711 = arith.constant 0 : i32
      %dma_wait3A_712 = tpu.memref_slice %arg3[%dma_wait3A_711] : memref<320000xf32, #tpu.memory_space<hbm>> -> memref<80xf32, #tpu.memory_space<hbm>>
      %dma_wait3A_713 = arith.constant 0 : i32
      %dma_wait3A_714 = tpu.memref_slice %arg3[%dma_wait3A_713] : memref<320000xf32, #tpu.memory_space<hbm>> -> memref<80xf32, #tpu.memory_space<hbm>>
      tpu.wait_dma2 semaphore(%arg18 : memref<!tpu.dma_semaphore, #tpu.memory_space<semaphore_mem>>) src(%dma_wait3A_714 : memref<80xf32, #tpu.memory_space<hbm>>) dst(%arg12 : memref<80xf32, #tpu.memory_space<vmem>>)
      %dma_wait3A_715 = arith.constant 0 : i32
      %dma_wait3A_716 = arith.constant 0 : i32
      %dma_wait3A_717 = tpu.memref_slice %arg15[%dma_wait3A_715, %dma_wait3A_716] : memref<80x128xf32, #tpu.memory_space<vmem>> -> memref<40x128xf32, #tpu.memory_space<vmem>>
      %dma_wait3A_718 = arith.constant 0 : i32
      %dma_wait3A_719 = tpu.memref_slice %arg10[%dma_wait3A_718] : memref<80xi32, #tpu.memory_space<vmem>> -> memref<40xi32, #tpu.memory_space<vmem>>
      %dma_wait3A_720 = arith.constant 0 : i32
      %dma_wait3A_721 = arith.constant 0 : i32
      %dma_wait3A_722 = tpu.memref_slice %arg17[%dma_wait3A_720, %dma_wait3A_721] : memref<10240x128xf32, #tpu.memory_space<vmem_shared>> -> memref<10240x128xf32, #tpu.memory_space<vmem_shared>>
      tpu.wait_indirect_dma semaphore(%arg20 : memref<!tpu.dma_semaphore, #tpu.memory_space<semaphore_mem>>) src(%dma_wait3A_717 : memref<40x128xf32, #tpu.memory_space<vmem>>) dst(%dma_wait3A_722 : memref<10240x128xf32, #tpu.memory_space<vmem_shared>>)
      %dma_wait3A_723 = arith.constant 40 : i32
      %dma_wait3A_724 = arith.constant 0 : i32
      %dma_wait3A_725 = tpu.memref_slice %arg15[%dma_wait3A_723, %dma_wait3A_724] : memref<80x128xf32, #tpu.memory_space<vmem>> -> memref<40x128xf32, #tpu.memory_space<vmem>>
      %dma_wait3A_726 = arith.constant 40 : i32
      %dma_wait3A_727 = tpu.memref_slice %arg10[%dma_wait3A_726] : memref<80xi32, #tpu.memory_space<vmem>> -> memref<40xi32, #tpu.memory_space<vmem>>
      %dma_wait3A_728 = arith.constant 0 : i32
      %dma_wait3A_729 = arith.constant 0 : i32
      %dma_wait3A_730 = tpu.memref_slice %arg17[%dma_wait3A_728, %dma_wait3A_729] : memref<10240x128xf32, #tpu.memory_space<vmem_shared>> -> memref<10240x128xf32, #tpu.memory_space<vmem_shared>>
      tpu.wait_indirect_dma semaphore(%arg20 : memref<!tpu.dma_semaphore, #tpu.memory_space<semaphore_mem>>) src(%dma_wait3A_725 : memref<40x128xf32, #tpu.memory_space<vmem>>) dst(%dma_wait3A_730 : memref<10240x128xf32, #tpu.memory_space<vmem_shared>>)
      %dma_start3A_731 = arith.constant 0 : i32
      %dma_start3A_732 = arith.constant 0 : i32
      %dma_start3A_733 = tpu.memref_slice %arg4[%dma_start3A_731, %dma_start3A_732] : memref<10000x128xf32, #tpu.memory_space<hbm>> -> memref<10000x128xf32, #tpu.memory_space<hbm>>
      tpu.enqueue_indirect_dma source(%dma_start3A_733 : memref<10000x128xf32, #tpu.memory_space<hbm>>) target(%arg15 : memref<80x128xf32, #tpu.memory_space<vmem>>) offsets(%arg6 : memref<80xi32, #tpu.memory_space<vmem>>) semaphore(%arg19 : memref<!tpu.dma_semaphore, #tpu.memory_space<semaphore_mem>>)
      %add3A_734 = arith.constant 2 : i32
      %add3A_735 = arith.addi %add3A_702, %add3A_734 : i32
      %mul3A_736 = arith.constant 80 : i32
      %mul3A_737 = arith.muli %add3A_735, %mul3A_736 : i32
      %add3A_738 = arith.addi %mul3A_2, %mul3A_737 : i32
      %add3A_739 = arith.constant 320000 : i32
      %add3A_740 = arith.addi %add3A_739, %add3A_738 : i32
      %dma_start3A_741 = tpu.memref_slice %arg2[%add3A_740] : memref<640000xi32, #tpu.memory_space<hbm>> -> memref<80xi32, #tpu.memory_space<hbm>>
      %dma_start3A_742 = tpu.memref_slice %arg2[%add3A_740] : memref<640000xi32, #tpu.memory_space<hbm>> -> memref<80xi32, #tpu.memory_space<hbm>>
      tpu.enqueue_dma source(%dma_start3A_742 : memref<80xi32, #tpu.memory_space<hbm>>) target(%arg7 : memref<80xi32, #tpu.memory_space<vmem>>) target_semaphore(%arg18 : memref<!tpu.dma_semaphore, #tpu.memory_space<semaphore_mem>>)
      %dma_start3A_743 = tpu.memref_slice %arg2[%add3A_738] : memref<640000xi32, #tpu.memory_space<hbm>> -> memref<80xi32, #tpu.memory_space<hbm>>
      %dma_start3A_744 = tpu.memref_slice %arg2[%add3A_738] : memref<640000xi32, #tpu.memory_space<hbm>> -> memref<80xi32, #tpu.memory_space<hbm>>
      tpu.enqueue_dma source(%dma_start3A_744 : memref<80xi32, #tpu.memory_space<hbm>>) target(%arg10 : memref<80xi32, #tpu.memory_space<vmem>>) target_semaphore(%arg18 : memref<!tpu.dma_semaphore, #tpu.memory_space<semaphore_mem>>)
      %dma_start3A_745 = tpu.memref_slice %arg3[%add3A_738] : memref<320000xf32, #tpu.memory_space<hbm>> -> memref<80xf32, #tpu.memory_space<hbm>>
      %dma_start3A_746 = tpu.memref_slice %arg3[%add3A_738] : memref<320000xf32, #tpu.memory_space<hbm>> -> memref<80xf32, #tpu.memory_space<hbm>>
      tpu.enqueue_dma source(%dma_start3A_746 : memref<80xf32, #tpu.memory_space<hbm>>) target(%arg13 : memref<80xf32, #tpu.memory_space<vmem>>) target_semaphore(%arg18 : memref<!tpu.dma_semaphore, #tpu.memory_space<semaphore_mem>>)
      %dma_wait3A_747 = arith.constant 0 : i32
      %dma_wait3A_748 = arith.constant 0 : i32
      %dma_wait3A_749 = tpu.memref_slice %arg4[%dma_wait3A_747, %dma_wait3A_748] : memref<10000x128xf32, #tpu.memory_space<hbm>> -> memref<10000x128xf32, #tpu.memory_space<hbm>>
      tpu.wait_indirect_dma semaphore(%arg19 : memref<!tpu.dma_semaphore, #tpu.memory_space<semaphore_mem>>) src(%dma_wait3A_749 : memref<10000x128xf32, #tpu.memory_space<hbm>>) dst(%arg16 : memref<80x128xf32, #tpu.memory_space<vmem>>)
      %parallel_loop3A_750 = arith.constant 0 : i32
      %parallel_loop3A_751 = arith.constant 40 : i32
      %parallel_loop3A_752 = arith.constant 1 : i32
      scf.for %parallel_loop3A_845 = %parallel_loop3A_750 to %parallel_loop3A_751 step %parallel_loop3A_752  : i32 {
        %parallel_loop3A_846 = vector.broadcast %parallel_loop3A_845 : i32 to vector<16xi32>
        %parallel_loop3A_847 = tpu.vector_load_idx %arg14[%parallel_loop3A_846] : memref<80xf32, #tpu.memory_space<vmem>>[vector<16xi32>], vector<16xf32>,
        %parallel_loop3A_848 = arith.index_cast %parallel_loop3A_845 : i32 to index
        %parallel_loop3A_849 = arith.constant 0 : index
        %parallel_loop3A_850 = tpu.vector_load %arg16[%parallel_loop3A_848, %parallel_loop3A_849] {strides = array<i32>} : memref<80x128xf32, #tpu.memory_space<vmem>>, vector<16xf32>,
        %parallel_loop3A_851 = arith.mulf %parallel_loop3A_850, %parallel_loop3A_847 : vector<16xf32>
        %parallel_loop3A_852 = arith.index_cast %parallel_loop3A_845 : i32 to index
        %parallel_loop3A_853 = arith.constant 0 : index
        %parallel_loop3A_854 = tpu.vector_load %arg16[%parallel_loop3A_852, %parallel_loop3A_853] {strides = array<i32>} : memref<80x128xf32, #tpu.memory_space<vmem>>, vector<16xf32>,
        tpu.vector_store %arg16[%parallel_loop3A_852, %parallel_loop3A_853], %parallel_loop3A_851 {strides = array<i32>} : memref<80x128xf32, #tpu.memory_space<vmem>>, vector<16xf32>,
        %parallel_loop3A_855 = arith.index_cast %parallel_loop3A_845 : i32 to index
        %parallel_loop3A_856 = arith.constant 16 : index
        %parallel_loop3A_857 = tpu.vector_load %arg16[%parallel_loop3A_855, %parallel_loop3A_856] {strides = array<i32>} : memref<80x128xf32, #tpu.memory_space<vmem>>, vector<16xf32>,
        %parallel_loop3A_858 = arith.mulf %parallel_loop3A_857, %parallel_loop3A_847 : vector<16xf32>
        %parallel_loop3A_859 = arith.index_cast %parallel_loop3A_845 : i32 to index
        %parallel_loop3A_860 = arith.constant 16 : index
        %parallel_loop3A_861 = tpu.vector_load %arg16[%parallel_loop3A_859, %parallel_loop3A_860] {strides = array<i32>} : memref<80x128xf32, #tpu.memory_space<vmem>>, vector<16xf32>,
        tpu.vector_store %arg16[%parallel_loop3A_859, %parallel_loop3A_860], %parallel_loop3A_858 {strides = array<i32>} : memref<80x128xf32, #tpu.memory_space<vmem>>, vector<16xf32>,
        %parallel_loop3A_862 = arith.index_cast %parallel_loop3A_845 : i32 to index
        %parallel_loop3A_863 = arith.constant 32 : index
        %parallel_loop3A_864 = tpu.vector_load %arg16[%parallel_loop3A_862, %parallel_loop3A_863] {strides = array<i32>} : memref<80x128xf32, #tpu.memory_space<vmem>>, vector<16xf32>,
        %parallel_loop3A_865 = arith.mulf %parallel_loop3A_864, %parallel_loop3A_847 : vector<16xf32>
        %parallel_loop3A_866 = arith.index_cast %parallel_loop3A_845 : i32 to index
        %parallel_loop3A_867 = arith.constant 32 : index
        %parallel_loop3A_868 = tpu.vector_load %arg16[%parallel_loop3A_866, %parallel_loop3A_867] {strides = array<i32>} : memref<80x128xf32, #tpu.memory_space<vmem>>, vector<16xf32>,
        tpu.vector_store %arg16[%parallel_loop3A_866, %parallel_loop3A_867], %parallel_loop3A_865 {strides = array<i32>} : memref<80x128xf32, #tpu.memory_space<vmem>>, vector<16xf32>,
        %parallel_loop3A_869 = arith.index_cast %parallel_loop3A_845 : i32 to index
        %parallel_loop3A_870 = arith.constant 48 : index
        %parallel_loop3A_871 = tpu.vector_load %arg16[%parallel_loop3A_869, %parallel_loop3A_870] {strides = array<i32>} : memref<80x128xf32, #tpu.memory_space<vmem>>, vector<16xf32>,
        %parallel_loop3A_872 = arith.mulf %parallel_loop3A_871, %parallel_loop3A_847 : vector<16xf32>
        %parallel_loop3A_873 = arith.index_cast %parallel_loop3A_845 : i32 to index
        %parallel_loop3A_874 = arith.constant 48 : index
        %parallel_loop3A_875 = tpu.vector_load %arg16[%parallel_loop3A_873, %parallel_loop3A_874] {strides = array<i32>} : memref<80x128xf32, #tpu.memory_space<vmem>>, vector<16xf32>,
        tpu.vector_store %arg16[%parallel_loop3A_873, %parallel_loop3A_874], %parallel_loop3A_872 {strides = array<i32>} : memref<80x128xf32, #tpu.memory_space<vmem>>, vector<16xf32>,
        %parallel_loop3A_876 = arith.index_cast %parallel_loop3A_845 : i32 to index
        %parallel_loop3A_877 = arith.constant 64 : index
        %parallel_loop3A_878 = tpu.vector_load %arg16[%parallel_loop3A_876, %parallel_loop3A_877] {strides = array<i32>} : memref<80x128xf32, #tpu.memory_space<vmem>>, vector<16xf32>,
        %parallel_loop3A_879 = arith.mulf %parallel_loop3A_878, %parallel_loop3A_847 : vector<16xf32>
        %parallel_loop3A_880 = arith.index_cast %parallel_loop3A_845 : i32 to index
        %parallel_loop3A_881 = arith.constant 64 : index
        %parallel_loop3A_882 = tpu.vector_load %arg16[%parallel_loop3A_880, %parallel_loop3A_881] {strides = array<i32>} : memref<80x128xf32, #tpu.memory_space<vmem>>, vector<16xf32>,
        tpu.vector_store %arg16[%parallel_loop3A_880, %parallel_loop3A_881], %parallel_loop3A_879 {strides = array<i32>} : memref<80x128xf32, #tpu.memory_space<vmem>>, vector<16xf32>,
        %parallel_loop3A_883 = arith.index_cast %parallel_loop3A_845 : i32 to index
        %parallel_loop3A_884 = arith.constant 80 : index
        %parallel_loop3A_885 = tpu.vector_load %arg16[%parallel_loop3A_883, %parallel_loop3A_884] {strides = array<i32>} : memref<80x128xf32, #tpu.memory_space<vmem>>, vector<16xf32>,
        %parallel_loop3A_886 = arith.mulf %parallel_loop3A_885, %parallel_loop3A_847 : vector<16xf32>
        %parallel_loop3A_887 = arith.index_cast %parallel_loop3A_845 : i32 to index
        %parallel_loop3A_888 = arith.constant 80 : index
        %parallel_loop3A_889 = tpu.vector_load %arg16[%parallel_loop3A_887, %parallel_loop3A_888] {strides = array<i32>} : memref<80x128xf32, #tpu.memory_space<vmem>>, vector<16xf32>,
        tpu.vector_store %arg16[%parallel_loop3A_887, %parallel_loop3A_888], %parallel_loop3A_886 {strides = array<i32>} : memref<80x128xf32, #tpu.memory_space<vmem>>, vector<16xf32>,
        %parallel_loop3A_890 = arith.index_cast %parallel_loop3A_845 : i32 to index
        %parallel_loop3A_891 = arith.constant 96 : index
        %parallel_loop3A_892 = tpu.vector_load %arg16[%parallel_loop3A_890, %parallel_loop3A_891] {strides = array<i32>} : memref<80x128xf32, #tpu.memory_space<vmem>>, vector<16xf32>,
        %parallel_loop3A_893 = arith.mulf %parallel_loop3A_892, %parallel_loop3A_847 : vector<16xf32>
        %parallel_loop3A_894 = arith.index_cast %parallel_loop3A_845 : i32 to index
        %parallel_loop3A_895 = arith.constant 96 : index
        %parallel_loop3A_896 = tpu.vector_load %arg16[%parallel_loop3A_894, %parallel_loop3A_895] {strides = array<i32>} : memref<80x128xf32, #tpu.memory_space<vmem>>, vector<16xf32>,
        tpu.vector_store %arg16[%parallel_loop3A_894, %parallel_loop3A_895], %parallel_loop3A_893 {strides = array<i32>} : memref<80x128xf32, #tpu.memory_space<vmem>>, vector<16xf32>,
        %parallel_loop3A_897 = arith.index_cast %parallel_loop3A_845 : i32 to index
        %parallel_loop3A_898 = arith.constant 112 : index
        %parallel_loop3A_899 = tpu.vector_load %arg16[%parallel_loop3A_897, %parallel_loop3A_898] {strides = array<i32>} : memref<80x128xf32, #tpu.memory_space<vmem>>, vector<16xf32>,
        %parallel_loop3A_900 = arith.mulf %parallel_loop3A_899, %parallel_loop3A_847 : vector<16xf32>
        %parallel_loop3A_901 = arith.index_cast %parallel_loop3A_845 : i32 to index
        %parallel_loop3A_902 = arith.constant 112 : index
        %parallel_loop3A_903 = tpu.vector_load %arg16[%parallel_loop3A_901, %parallel_loop3A_902] {strides = array<i32>} : memref<80x128xf32, #tpu.memory_space<vmem>>, vector<16xf32>,
        tpu.vector_store %arg16[%parallel_loop3A_901, %parallel_loop3A_902], %parallel_loop3A_900 {strides = array<i32>} : memref<80x128xf32, #tpu.memory_space<vmem>>, vector<16xf32>,
      } {sc.loop_unroll_factor = 2 : i64, sc.parallel_access}
      %dma_start3A_753 = arith.constant 0 : i32
      %dma_start3A_754 = arith.constant 0 : i32
      %dma_start3A_755 = tpu.memref_slice %arg16[%dma_start3A_753, %dma_start3A_754] : memref<80x128xf32, #tpu.memory_space<vmem>> -> memref<40x128xf32, #tpu.memory_space<vmem>>
      %dma_start3A_756 = arith.constant 0 : i32
      %dma_start3A_757 = tpu.memref_slice %arg11[%dma_start3A_756] : memref<80xi32, #tpu.memory_space<vmem>> -> memref<40xi32, #tpu.memory_space<vmem>>
      %dma_start3A_758 = arith.constant 0 : i32
      %dma_start3A_759 = arith.constant 0 : i32
      %dma_start3A_760 = tpu.memref_slice %arg17[%dma_start3A_758, %dma_start3A_759] : memref<10240x128xf32, #tpu.memory_space<vmem_shared>> -> memref<10240x128xf32, #tpu.memory_space<vmem_shared>>
      tpu.enqueue_indirect_dma source(%dma_start3A_755 : memref<40x128xf32, #tpu.memory_space<vmem>>) target(%dma_start3A_760 : memref<10240x128xf32, #tpu.memory_space<vmem_shared>>) offsets(%dma_start3A_757 : memref<40xi32, #tpu.memory_space<vmem>>) semaphore(%arg20 : memref<!tpu.dma_semaphore, #tpu.memory_space<semaphore_mem>>) {add = true}
      %parallel_loop3A_761 = arith.constant 40 : i32
      %parallel_loop3A_762 = arith.constant 80 : i32
      %parallel_loop3A_763 = arith.constant 1 : i32
      scf.for %parallel_loop3A_845 = %parallel_loop3A_761 to %parallel_loop3A_762 step %parallel_loop3A_763  : i32 {
        %parallel_loop3A_846 = vector.broadcast %parallel_loop3A_845 : i32 to vector<16xi32>
        %parallel_loop3A_847 = tpu.vector_load_idx %arg14[%parallel_loop3A_846] : memref<80xf32, #tpu.memory_space<vmem>>[vector<16xi32>], vector<16xf32>,
        %parallel_loop3A_848 = arith.index_cast %parallel_loop3A_845 : i32 to index
        %parallel_loop3A_849 = arith.constant 0 : index
        %parallel_loop3A_850 = tpu.vector_load %arg16[%parallel_loop3A_848, %parallel_loop3A_849] {strides = array<i32>} : memref<80x128xf32, #tpu.memory_space<vmem>>, vector<16xf32>,
        %parallel_loop3A_851 = arith.mulf %parallel_loop3A_850, %parallel_loop3A_847 : vector<16xf32>
        %parallel_loop3A_852 = arith.index_cast %parallel_loop3A_845 : i32 to index
        %parallel_loop3A_853 = arith.constant 0 : index
        %parallel_loop3A_854 = tpu.vector_load %arg16[%parallel_loop3A_852, %parallel_loop3A_853] {strides = array<i32>} : memref<80x128xf32, #tpu.memory_space<vmem>>, vector<16xf32>,
        tpu.vector_store %arg16[%parallel_loop3A_852, %parallel_loop3A_853], %parallel_loop3A_851 {strides = array<i32>} : memref<80x128xf32, #tpu.memory_space<vmem>>, vector<16xf32>,
        %parallel_loop3A_855 = arith.index_cast %parallel_loop3A_845 : i32 to index
        %parallel_loop3A_856 = arith.constant 16 : index
        %parallel_loop3A_857 = tpu.vector_load %arg16[%parallel_loop3A_855, %parallel_loop3A_856] {strides = array<i32>} : memref<80x128xf32, #tpu.memory_space<vmem>>, vector<16xf32>,
        %parallel_loop3A_858 = arith.mulf %parallel_loop3A_857, %parallel_loop3A_847 : vector<16xf32>
        %parallel_loop3A_859 = arith.index_cast %parallel_loop3A_845 : i32 to index
        %parallel_loop3A_860 = arith.constant 16 : index
        %parallel_loop3A_861 = tpu.vector_load %arg16[%parallel_loop3A_859, %parallel_loop3A_860] {strides = array<i32>} : memref<80x128xf32, #tpu.memory_space<vmem>>, vector<16xf32>,
        tpu.vector_store %arg16[%parallel_loop3A_859, %parallel_loop3A_860], %parallel_loop3A_858 {strides = array<i32>} : memref<80x128xf32, #tpu.memory_space<vmem>>, vector<16xf32>,
        %parallel_loop3A_862 = arith.index_cast %parallel_loop3A_845 : i32 to index
        %parallel_loop3A_863 = arith.constant 32 : index
        %parallel_loop3A_864 = tpu.vector_load %arg16[%parallel_loop3A_862, %parallel_loop3A_863] {strides = array<i32>} : memref<80x128xf32, #tpu.memory_space<vmem>>, vector<16xf32>,
        %parallel_loop3A_865 = arith.mulf %parallel_loop3A_864, %parallel_loop3A_847 : vector<16xf32>
        %parallel_loop3A_866 = arith.index_cast %parallel_loop3A_845 : i32 to index
        %parallel_loop3A_867 = arith.constant 32 : index
        %parallel_loop3A_868 = tpu.vector_load %arg16[%parallel_loop3A_866, %parallel_loop3A_867] {strides = array<i32>} : memref<80x128xf32, #tpu.memory_space<vmem>>, vector<16xf32>,
        tpu.vector_store %arg16[%parallel_loop3A_866, %parallel_loop3A_867], %parallel_loop3A_865 {strides = array<i32>} : memref<80x128xf32, #tpu.memory_space<vmem>>, vector<16xf32>,
        %parallel_loop3A_869 = arith.index_cast %parallel_loop3A_845 : i32 to index
        %parallel_loop3A_870 = arith.constant 48 : index
        %parallel_loop3A_871 = tpu.vector_load %arg16[%parallel_loop3A_869, %parallel_loop3A_870] {strides = array<i32>} : memref<80x128xf32, #tpu.memory_space<vmem>>, vector<16xf32>,
        %parallel_loop3A_872 = arith.mulf %parallel_loop3A_871, %parallel_loop3A_847 : vector<16xf32>
        %parallel_loop3A_873 = arith.index_cast %parallel_loop3A_845 : i32 to index
        %parallel_loop3A_874 = arith.constant 48 : index
        %parallel_loop3A_875 = tpu.vector_load %arg16[%parallel_loop3A_873, %parallel_loop3A_874] {strides = array<i32>} : memref<80x128xf32, #tpu.memory_space<vmem>>, vector<16xf32>,
        tpu.vector_store %arg16[%parallel_loop3A_873, %parallel_loop3A_874], %parallel_loop3A_872 {strides = array<i32>} : memref<80x128xf32, #tpu.memory_space<vmem>>, vector<16xf32>,
        %parallel_loop3A_876 = arith.index_cast %parallel_loop3A_845 : i32 to index
        %parallel_loop3A_877 = arith.constant 64 : index
        %parallel_loop3A_878 = tpu.vector_load %arg16[%parallel_loop3A_876, %parallel_loop3A_877] {strides = array<i32>} : memref<80x128xf32, #tpu.memory_space<vmem>>, vector<16xf32>,
        %parallel_loop3A_879 = arith.mulf %parallel_loop3A_878, %parallel_loop3A_847 : vector<16xf32>
        %parallel_loop3A_880 = arith.index_cast %parallel_loop3A_845 : i32 to index
        %parallel_loop3A_881 = arith.constant 64 : index
        %parallel_loop3A_882 = tpu.vector_load %arg16[%parallel_loop3A_880, %parallel_loop3A_881] {strides = array<i32>} : memref<80x128xf32, #tpu.memory_space<vmem>>, vector<16xf32>,
        tpu.vector_store %arg16[%parallel_loop3A_880, %parallel_loop3A_881], %parallel_loop3A_879 {strides = array<i32>} : memref<80x128xf32, #tpu.memory_space<vmem>>, vector<16xf32>,
        %parallel_loop3A_883 = arith.index_cast %parallel_loop3A_845 : i32 to index
        %parallel_loop3A_884 = arith.constant 80 : index
        %parallel_loop3A_885 = tpu.vector_load %arg16[%parallel_loop3A_883, %parallel_loop3A_884] {strides = array<i32>} : memref<80x128xf32, #tpu.memory_space<vmem>>, vector<16xf32>,
        %parallel_loop3A_886 = arith.mulf %parallel_loop3A_885, %parallel_loop3A_847 : vector<16xf32>
        %parallel_loop3A_887 = arith.index_cast %parallel_loop3A_845 : i32 to index
        %parallel_loop3A_888 = arith.constant 80 : index
        %parallel_loop3A_889 = tpu.vector_load %arg16[%parallel_loop3A_887, %parallel_loop3A_888] {strides = array<i32>} : memref<80x128xf32, #tpu.memory_space<vmem>>, vector<16xf32>,
        tpu.vector_store %arg16[%parallel_loop3A_887, %parallel_loop3A_888], %parallel_loop3A_886 {strides = array<i32>} : memref<80x128xf32, #tpu.memory_space<vmem>>, vector<16xf32>,
        %parallel_loop3A_890 = arith.index_cast %parallel_loop3A_845 : i32 to index
        %parallel_loop3A_891 = arith.constant 96 : index
        %parallel_loop3A_892 = tpu.vector_load %arg16[%parallel_loop3A_890, %parallel_loop3A_891] {strides = array<i32>} : memref<80x128xf32, #tpu.memory_space<vmem>>, vector<16xf32>,
        %parallel_loop3A_893 = arith.mulf %parallel_loop3A_892, %parallel_loop3A_847 : vector<16xf32>
        %parallel_loop3A_894 = arith.index_cast %parallel_loop3A_845 : i32 to index
        %parallel_loop3A_895 = arith.constant 96 : index
        %parallel_loop3A_896 = tpu.vector_load %arg16[%parallel_loop3A_894, %parallel_loop3A_895] {strides = array<i32>} : memref<80x128xf32, #tpu.memory_space<vmem>>, vector<16xf32>,
        tpu.vector_store %arg16[%parallel_loop3A_894, %parallel_loop3A_895], %parallel_loop3A_893 {strides = array<i32>} : memref<80x128xf32, #tpu.memory_space<vmem>>, vector<16xf32>,
        %parallel_loop3A_897 = arith.index_cast %parallel_loop3A_845 : i32 to index
        %parallel_loop3A_898 = arith.constant 112 : index
        %parallel_loop3A_899 = tpu.vector_load %arg16[%parallel_loop3A_897, %parallel_loop3A_898] {strides = array<i32>} : memref<80x128xf32, #tpu.memory_space<vmem>>, vector<16xf32>,
        %parallel_loop3A_900 = arith.mulf %parallel_loop3A_899, %parallel_loop3A_847 : vector<16xf32>
        %parallel_loop3A_901 = arith.index_cast %parallel_loop3A_845 : i32 to index
        %parallel_loop3A_902 = arith.constant 112 : index
        %parallel_loop3A_903 = tpu.vector_load %arg16[%parallel_loop3A_901, %parallel_loop3A_902] {strides = array<i32>} : memref<80x128xf32, #tpu.memory_space<vmem>>, vector<16xf32>,
        tpu.vector_store %arg16[%parallel_loop3A_901, %parallel_loop3A_902], %parallel_loop3A_900 {strides = array<i32>} : memref<80x128xf32, #tpu.memory_space<vmem>>, vector<16xf32>,
      } {sc.loop_unroll_factor = 2 : i64, sc.parallel_access}
      %dma_start3A_764 = arith.constant 40 : i32
      %dma_start3A_765 = arith.constant 0 : i32
      %dma_start3A_766 = tpu.memref_slice %arg16[%dma_start3A_764, %dma_start3A_765] : memref<80x128xf32, #tpu.memory_space<vmem>> -> memref<40x128xf32, #tpu.memory_space<vmem>>
      %dma_start3A_767 = arith.constant 40 : i32
      %dma_start3A_768 = tpu.memref_slice %arg11[%dma_start3A_767] : memref<80xi32, #tpu.memory_space<vmem>> -> memref<40xi32, #tpu.memory_space<vmem>>
      %dma_start3A_769 = arith.constant 0 : i32
      %dma_start3A_770 = arith.constant 0 : i32
      %dma_start3A_771 = tpu.memref_slice %arg17[%dma_start3A_769, %dma_start3A_770] : memref<10240x128xf32, #tpu.memory_space<vmem_shared>> -> memref<10240x128xf32, #tpu.memory_space<vmem_shared>>
      tpu.enqueue_indirect_dma source(%dma_start3A_766 : memref<40x128xf32, #tpu.memory_space<vmem>>) target(%dma_start3A_771 : memref<10240x128xf32, #tpu.memory_space<vmem_shared>>) offsets(%dma_start3A_768 : memref<40xi32, #tpu.memory_space<vmem>>) semaphore(%arg20 : memref<!tpu.dma_semaphore, #tpu.memory_space<semaphore_mem>>) {add = true}
      %mul3A_772 = arith.constant 6 : i32
      %mul3A_773 = arith.muli %scan3A_406, %mul3A_772 : i32
      %add3A_774 = arith.constant 6 : i32
      %add3A_775 = arith.addi %add3A_774, %mul3A_773 : i32
      %dma_wait3A_776 = arith.constant 0 : i32
      %dma_wait3A_777 = tpu.memref_slice %arg2[%dma_wait3A_776] : memref<640000xi32, #tpu.memory_space<hbm>> -> memref<80xi32, #tpu.memory_space<hbm>>
      %dma_wait3A_778 = arith.constant 0 : i32
      %dma_wait3A_779 = tpu.memref_slice %arg2[%dma_wait3A_778] : memref<640000xi32, #tpu.memory_space<hbm>> -> memref<80xi32, #tpu.memory_space<hbm>>
      tpu.wait_dma2 semaphore(%arg18 : memref<!tpu.dma_semaphore, #tpu.memory_space<semaphore_mem>>) src(%dma_wait3A_779 : memref<80xi32, #tpu.memory_space<hbm>>) dst(%arg7 : memref<80xi32, #tpu.memory_space<vmem>>)
      %dma_wait3A_780 = arith.constant 0 : i32
      %dma_wait3A_781 = tpu.memref_slice %arg2[%dma_wait3A_780] : memref<640000xi32, #tpu.memory_space<hbm>> -> memref<80xi32, #tpu.memory_space<hbm>>
      %dma_wait3A_782 = arith.constant 0 : i32
      %dma_wait3A_783 = tpu.memref_slice %arg2[%dma_wait3A_782] : memref<640000xi32, #tpu.memory_space<hbm>> -> memref<80xi32, #tpu.memory_space<hbm>>
      tpu.wait_dma2 semaphore(%arg18 : memref<!tpu.dma_semaphore, #tpu.memory_space<semaphore_mem>>) src(%dma_wait3A_783 : memref<80xi32, #tpu.memory_space<hbm>>) dst(%arg10 : memref<80xi32, #tpu.memory_space<vmem>>)
      %dma_wait3A_784 = arith.constant 0 : i32
      %dma_wait3A_785 = tpu.memref_slice %arg3[%dma_wait3A_784] : memref<320000xf32, #tpu.memory_space<hbm>> -> memref<80xf32, #tpu.memory_space<hbm>>
      %dma_wait3A_786 = arith.constant 0 : i32
      %dma_wait3A_787 = tpu.memref_slice %arg3[%dma_wait3A_786] : memref<320000xf32, #tpu.memory_space<hbm>> -> memref<80xf32, #tpu.memory_space<hbm>>
      tpu.wait_dma2 semaphore(%arg18 : memref<!tpu.dma_semaphore, #tpu.memory_space<semaphore_mem>>) src(%dma_wait3A_787 : memref<80xf32, #tpu.memory_space<hbm>>) dst(%arg13 : memref<80xf32, #tpu.memory_space<vmem>>)
      %dma_wait3A_788 = arith.constant 0 : i32
      %dma_wait3A_789 = arith.constant 0 : i32
      %dma_wait3A_790 = tpu.memref_slice %arg16[%dma_wait3A_788, %dma_wait3A_789] : memref<80x128xf32, #tpu.memory_space<vmem>> -> memref<40x128xf32, #tpu.memory_space<vmem>>
      %dma_wait3A_791 = arith.constant 0 : i32
      %dma_wait3A_792 = tpu.memref_slice %arg11[%dma_wait3A_791] : memref<80xi32, #tpu.memory_space<vmem>> -> memref<40xi32, #tpu.memory_space<vmem>>
      %dma_wait3A_793 = arith.constant 0 : i32
      %dma_wait3A_794 = arith.constant 0 : i32
      %dma_wait3A_795 = tpu.memref_slice %arg17[%dma_wait3A_793, %dma_wait3A_794] : memref<10240x128xf32, #tpu.memory_space<vmem_shared>> -> memref<10240x128xf32, #tpu.memory_space<vmem_shared>>
      tpu.wait_indirect_dma semaphore(%arg20 : memref<!tpu.dma_semaphore, #tpu.memory_space<semaphore_mem>>) src(%dma_wait3A_790 : memref<40x128xf32, #tpu.memory_space<vmem>>) dst(%dma_wait3A_795 : memref<10240x128xf32, #tpu.memory_space<vmem_shared>>)
      %dma_wait3A_796 = arith.constant 40 : i32
      %dma_wait3A_797 = arith.constant 0 : i32
      %dma_wait3A_798 = tpu.memref_slice %arg16[%dma_wait3A_796, %dma_wait3A_797] : memref<80x128xf32, #tpu.memory_space<vmem>> -> memref<40x128xf32, #tpu.memory_space<vmem>>
      %dma_wait3A_799 = arith.constant 40 : i32
      %dma_wait3A_800 = tpu.memref_slice %arg11[%dma_wait3A_799] : memref<80xi32, #tpu.memory_space<vmem>> -> memref<40xi32, #tpu.memory_space<vmem>>
      %dma_wait3A_801 = arith.constant 0 : i32
      %dma_wait3A_802 = arith.constant 0 : i32
      %dma_wait3A_803 = tpu.memref_slice %arg17[%dma_wait3A_801, %dma_wait3A_802] : memref<10240x128xf32, #tpu.memory_space<vmem_shared>> -> memref<10240x128xf32, #tpu.memory_space<vmem_shared>>
      tpu.wait_indirect_dma semaphore(%arg20 : memref<!tpu.dma_semaphore, #tpu.memory_space<semaphore_mem>>) src(%dma_wait3A_798 : memref<40x128xf32, #tpu.memory_space<vmem>>) dst(%dma_wait3A_803 : memref<10240x128xf32, #tpu.memory_space<vmem_shared>>)
      %dma_start3A_804 = arith.constant 0 : i32
      %dma_start3A_805 = arith.constant 0 : i32
      %dma_start3A_806 = tpu.memref_slice %arg4[%dma_start3A_804, %dma_start3A_805] : memref<10000x128xf32, #tpu.memory_space<hbm>> -> memref<10000x128xf32, #tpu.memory_space<hbm>>
      tpu.enqueue_indirect_dma source(%dma_start3A_806 : memref<10000x128xf32, #tpu.memory_space<hbm>>) target(%arg16 : memref<80x128xf32, #tpu.memory_space<vmem>>) offsets(%arg7 : memref<80xi32, #tpu.memory_space<vmem>>) semaphore(%arg19 : memref<!tpu.dma_semaphore, #tpu.memory_space<semaphore_mem>>)
      %add3A_807 = arith.constant 2 : i32
      %add3A_808 = arith.addi %add3A_775, %add3A_807 : i32
      %mul3A_809 = arith.constant 80 : i32
      %mul3A_810 = arith.muli %add3A_808, %mul3A_809 : i32
      %add3A_811 = arith.addi %mul3A_2, %mul3A_810 : i32
      %add3A_812 = arith.constant 320000 : i32
      %add3A_813 = arith.addi %add3A_812, %add3A_811 : i32
      %dma_start3A_814 = tpu.memref_slice %arg2[%add3A_813] : memref<640000xi32, #tpu.memory_space<hbm>> -> memref<80xi32, #tpu.memory_space<hbm>>
      %dma_start3A_815 = tpu.memref_slice %arg2[%add3A_813] : memref<640000xi32, #tpu.memory_space<hbm>> -> memref<80xi32, #tpu.memory_space<hbm>>
      tpu.enqueue_dma source(%dma_start3A_815 : memref<80xi32, #tpu.memory_space<hbm>>) target(%arg8 : memref<80xi32, #tpu.memory_space<vmem>>) target_semaphore(%arg18 : memref<!tpu.dma_semaphore, #tpu.memory_space<semaphore_mem>>)
      %dma_start3A_816 = tpu.memref_slice %arg2[%add3A_811] : memref<640000xi32, #tpu.memory_space<hbm>> -> memref<80xi32, #tpu.memory_space<hbm>>
      %dma_start3A_817 = tpu.memref_slice %arg2[%add3A_811] : memref<640000xi32, #tpu.memory_space<hbm>> -> memref<80xi32, #tpu.memory_space<hbm>>
      tpu.enqueue_dma source(%dma_start3A_817 : memref<80xi32, #tpu.memory_space<hbm>>) target(%arg11 : memref<80xi32, #tpu.memory_space<vmem>>) target_semaphore(%arg18 : memref<!tpu.dma_semaphore, #tpu.memory_space<semaphore_mem>>)
      %dma_start3A_818 = tpu.memref_slice %arg3[%add3A_811] : memref<320000xf32, #tpu.memory_space<hbm>> -> memref<80xf32, #tpu.memory_space<hbm>>
      %dma_start3A_819 = tpu.memref_slice %arg3[%add3A_811] : memref<320000xf32, #tpu.memory_space<hbm>> -> memref<80xf32, #tpu.memory_space<hbm>>
      tpu.enqueue_dma source(%dma_start3A_819 : memref<80xf32, #tpu.memory_space<hbm>>) target(%arg14 : memref<80xf32, #tpu.memory_space<vmem>>) target_semaphore(%arg18 : memref<!tpu.dma_semaphore, #tpu.memory_space<semaphore_mem>>)
      %dma_wait3A_820 = arith.constant 0 : i32
      %dma_wait3A_821 = arith.constant 0 : i32
      %dma_wait3A_822 = tpu.memref_slice %arg4[%dma_wait3A_820, %dma_wait3A_821] : memref<10000x128xf32, #tpu.memory_space<hbm>> -> memref<10000x128xf32, #tpu.memory_space<hbm>>
      tpu.wait_indirect_dma semaphore(%arg19 : memref<!tpu.dma_semaphore, #tpu.memory_space<semaphore_mem>>) src(%dma_wait3A_822 : memref<10000x128xf32, #tpu.memory_space<hbm>>) dst(%arg15 : memref<80x128xf32, #tpu.memory_space<vmem>>)
      %parallel_loop3A_823 = arith.constant 0 : i32
      %parallel_loop3A_824 = arith.constant 40 : i32
      %parallel_loop3A_825 = arith.constant 1 : i32
      scf.for %parallel_loop3A_845 = %parallel_loop3A_823 to %parallel_loop3A_824 step %parallel_loop3A_825  : i32 {
        %parallel_loop3A_846 = vector.broadcast %parallel_loop3A_845 : i32 to vector<16xi32>
        %parallel_loop3A_847 = tpu.vector_load_idx %arg12[%parallel_loop3A_846] : memref<80xf32, #tpu.memory_space<vmem>>[vector<16xi32>], vector<16xf32>,
        %parallel_loop3A_848 = arith.index_cast %parallel_loop3A_845 : i32 to index
        %parallel_loop3A_849 = arith.constant 0 : index
        %parallel_loop3A_850 = tpu.vector_load %arg15[%parallel_loop3A_848, %parallel_loop3A_849] {strides = array<i32>} : memref<80x128xf32, #tpu.memory_space<vmem>>, vector<16xf32>,
        %parallel_loop3A_851 = arith.mulf %parallel_loop3A_850, %parallel_loop3A_847 : vector<16xf32>
        %parallel_loop3A_852 = arith.index_cast %parallel_loop3A_845 : i32 to index
        %parallel_loop3A_853 = arith.constant 0 : index
        %parallel_loop3A_854 = tpu.vector_load %arg15[%parallel_loop3A_852, %parallel_loop3A_853] {strides = array<i32>} : memref<80x128xf32, #tpu.memory_space<vmem>>, vector<16xf32>,
        tpu.vector_store %arg15[%parallel_loop3A_852, %parallel_loop3A_853], %parallel_loop3A_851 {strides = array<i32>} : memref<80x128xf32, #tpu.memory_space<vmem>>, vector<16xf32>,
        %parallel_loop3A_855 = arith.index_cast %parallel_loop3A_845 : i32 to index
        %parallel_loop3A_856 = arith.constant 16 : index
        %parallel_loop3A_857 = tpu.vector_load %arg15[%parallel_loop3A_855, %parallel_loop3A_856] {strides = array<i32>} : memref<80x128xf32, #tpu.memory_space<vmem>>, vector<16xf32>,
        %parallel_loop3A_858 = arith.mulf %parallel_loop3A_857, %parallel_loop3A_847 : vector<16xf32>
        %parallel_loop3A_859 = arith.index_cast %parallel_loop3A_845 : i32 to index
        %parallel_loop3A_860 = arith.constant 16 : index
        %parallel_loop3A_861 = tpu.vector_load %arg15[%parallel_loop3A_859, %parallel_loop3A_860] {strides = array<i32>} : memref<80x128xf32, #tpu.memory_space<vmem>>, vector<16xf32>,
        tpu.vector_store %arg15[%parallel_loop3A_859, %parallel_loop3A_860], %parallel_loop3A_858 {strides = array<i32>} : memref<80x128xf32, #tpu.memory_space<vmem>>, vector<16xf32>,
        %parallel_loop3A_862 = arith.index_cast %parallel_loop3A_845 : i32 to index
        %parallel_loop3A_863 = arith.constant 32 : index
        %parallel_loop3A_864 = tpu.vector_load %arg15[%parallel_loop3A_862, %parallel_loop3A_863] {strides = array<i32>} : memref<80x128xf32, #tpu.memory_space<vmem>>, vector<16xf32>,
        %parallel_loop3A_865 = arith.mulf %parallel_loop3A_864, %parallel_loop3A_847 : vector<16xf32>
        %parallel_loop3A_866 = arith.index_cast %parallel_loop3A_845 : i32 to index
        %parallel_loop3A_867 = arith.constant 32 : index
        %parallel_loop3A_868 = tpu.vector_load %arg15[%parallel_loop3A_866, %parallel_loop3A_867] {strides = array<i32>} : memref<80x128xf32, #tpu.memory_space<vmem>>, vector<16xf32>,
        tpu.vector_store %arg15[%parallel_loop3A_866, %parallel_loop3A_867], %parallel_loop3A_865 {strides = array<i32>} : memref<80x128xf32, #tpu.memory_space<vmem>>, vector<16xf32>,
        %parallel_loop3A_869 = arith.index_cast %parallel_loop3A_845 : i32 to index
        %parallel_loop3A_870 = arith.constant 48 : index
        %parallel_loop3A_871 = tpu.vector_load %arg15[%parallel_loop3A_869, %parallel_loop3A_870] {strides = array<i32>} : memref<80x128xf32, #tpu.memory_space<vmem>>, vector<16xf32>,
        %parallel_loop3A_872 = arith.mulf %parallel_loop3A_871, %parallel_loop3A_847 : vector<16xf32>
        %parallel_loop3A_873 = arith.index_cast %parallel_loop3A_845 : i32 to index
        %parallel_loop3A_874 = arith.constant 48 : index
        %parallel_loop3A_875 = tpu.vector_load %arg15[%parallel_loop3A_873, %parallel_loop3A_874] {strides = array<i32>} : memref<80x128xf32, #tpu.memory_space<vmem>>, vector<16xf32>,
        tpu.vector_store %arg15[%parallel_loop3A_873, %parallel_loop3A_874], %parallel_loop3A_872 {strides = array<i32>} : memref<80x128xf32, #tpu.memory_space<vmem>>, vector<16xf32>,
        %parallel_loop3A_876 = arith.index_cast %parallel_loop3A_845 : i32 to index
        %parallel_loop3A_877 = arith.constant 64 : index
        %parallel_loop3A_878 = tpu.vector_load %arg15[%parallel_loop3A_876, %parallel_loop3A_877] {strides = array<i32>} : memref<80x128xf32, #tpu.memory_space<vmem>>, vector<16xf32>,
        %parallel_loop3A_879 = arith.mulf %parallel_loop3A_878, %parallel_loop3A_847 : vector<16xf32>
        %parallel_loop3A_880 = arith.index_cast %parallel_loop3A_845 : i32 to index
        %parallel_loop3A_881 = arith.constant 64 : index
        %parallel_loop3A_882 = tpu.vector_load %arg15[%parallel_loop3A_880, %parallel_loop3A_881] {strides = array<i32>} : memref<80x128xf32, #tpu.memory_space<vmem>>, vector<16xf32>,
        tpu.vector_store %arg15[%parallel_loop3A_880, %parallel_loop3A_881], %parallel_loop3A_879 {strides = array<i32>} : memref<80x128xf32, #tpu.memory_space<vmem>>, vector<16xf32>,
        %parallel_loop3A_883 = arith.index_cast %parallel_loop3A_845 : i32 to index
        %parallel_loop3A_884 = arith.constant 80 : index
        %parallel_loop3A_885 = tpu.vector_load %arg15[%parallel_loop3A_883, %parallel_loop3A_884] {strides = array<i32>} : memref<80x128xf32, #tpu.memory_space<vmem>>, vector<16xf32>,
        %parallel_loop3A_886 = arith.mulf %parallel_loop3A_885, %parallel_loop3A_847 : vector<16xf32>
        %parallel_loop3A_887 = arith.index_cast %parallel_loop3A_845 : i32 to index
        %parallel_loop3A_888 = arith.constant 80 : index
        %parallel_loop3A_889 = tpu.vector_load %arg15[%parallel_loop3A_887, %parallel_loop3A_888] {strides = array<i32>} : memref<80x128xf32, #tpu.memory_space<vmem>>, vector<16xf32>,
        tpu.vector_store %arg15[%parallel_loop3A_887, %parallel_loop3A_888], %parallel_loop3A_886 {strides = array<i32>} : memref<80x128xf32, #tpu.memory_space<vmem>>, vector<16xf32>,
        %parallel_loop3A_890 = arith.index_cast %parallel_loop3A_845 : i32 to index
        %parallel_loop3A_891 = arith.constant 96 : index
        %parallel_loop3A_892 = tpu.vector_load %arg15[%parallel_loop3A_890, %parallel_loop3A_891] {strides = array<i32>} : memref<80x128xf32, #tpu.memory_space<vmem>>, vector<16xf32>,
        %parallel_loop3A_893 = arith.mulf %parallel_loop3A_892, %parallel_loop3A_847 : vector<16xf32>
        %parallel_loop3A_894 = arith.index_cast %parallel_loop3A_845 : i32 to index
        %parallel_loop3A_895 = arith.constant 96 : index
        %parallel_loop3A_896 = tpu.vector_load %arg15[%parallel_loop3A_894, %parallel_loop3A_895] {strides = array<i32>} : memref<80x128xf32, #tpu.memory_space<vmem>>, vector<16xf32>,
        tpu.vector_store %arg15[%parallel_loop3A_894, %parallel_loop3A_895], %parallel_loop3A_893 {strides = array<i32>} : memref<80x128xf32, #tpu.memory_space<vmem>>, vector<16xf32>,
        %parallel_loop3A_897 = arith.index_cast %parallel_loop3A_845 : i32 to index
        %parallel_loop3A_898 = arith.constant 112 : index
        %parallel_loop3A_899 = tpu.vector_load %arg15[%parallel_loop3A_897, %parallel_loop3A_898] {strides = array<i32>} : memref<80x128xf32, #tpu.memory_space<vmem>>, vector<16xf32>,
        %parallel_loop3A_900 = arith.mulf %parallel_loop3A_899, %parallel_loop3A_847 : vector<16xf32>
        %parallel_loop3A_901 = arith.index_cast %parallel_loop3A_845 : i32 to index
        %parallel_loop3A_902 = arith.constant 112 : index
        %parallel_loop3A_903 = tpu.vector_load %arg15[%parallel_loop3A_901, %parallel_loop3A_902] {strides = array<i32>} : memref<80x128xf32, #tpu.memory_space<vmem>>, vector<16xf32>,
        tpu.vector_store %arg15[%parallel_loop3A_901, %parallel_loop3A_902], %parallel_loop3A_900 {strides = array<i32>} : memref<80x128xf32, #tpu.memory_space<vmem>>, vector<16xf32>,
      } {sc.loop_unroll_factor = 2 : i64, sc.parallel_access}
      %dma_start3A_826 = arith.constant 0 : i32
      %dma_start3A_827 = arith.constant 0 : i32
      %dma_start3A_828 = tpu.memref_slice %arg15[%dma_start3A_826, %dma_start3A_827] : memref<80x128xf32, #tpu.memory_space<vmem>> -> memref<40x128xf32, #tpu.memory_space<vmem>>
      %dma_start3A_829 = arith.constant 0 : i32
      %dma_start3A_830 = tpu.memref_slice %arg9[%dma_start3A_829] : memref<80xi32, #tpu.memory_space<vmem>> -> memref<40xi32, #tpu.memory_space<vmem>>
      %dma_start3A_831 = arith.constant 0 : i32
      %dma_start3A_832 = arith.constant 0 : i32
      %dma_start3A_833 = tpu.memref_slice %arg17[%dma_start3A_831, %dma_start3A_832] : memref<10240x128xf32, #tpu.memory_space<vmem_shared>> -> memref<10240x128xf32, #tpu.memory_space<vmem_shared>>
      tpu.enqueue_indirect_dma source(%dma_start3A_828 : memref<40x128xf32, #tpu.memory_space<vmem>>) target(%dma_start3A_833 : memref<10240x128xf32, #tpu.memory_space<vmem_shared>>) offsets(%dma_start3A_830 : memref<40xi32, #tpu.memory_space<vmem>>) semaphore(%arg20 : memref<!tpu.dma_semaphore, #tpu.memory_space<semaphore_mem>>) {add = true}
      %parallel_loop3A_834 = arith.constant 40 : i32
      %parallel_loop3A_835 = arith.constant 80 : i32
      %parallel_loop3A_836 = arith.constant 1 : i32
      scf.for %parallel_loop3A_845 = %parallel_loop3A_834 to %parallel_loop3A_835 step %parallel_loop3A_836  : i32 {
        %parallel_loop3A_846 = vector.broadcast %parallel_loop3A_845 : i32 to vector<16xi32>
        %parallel_loop3A_847 = tpu.vector_load_idx %arg12[%parallel_loop3A_846] : memref<80xf32, #tpu.memory_space<vmem>>[vector<16xi32>], vector<16xf32>,
        %parallel_loop3A_848 = arith.index_cast %parallel_loop3A_845 : i32 to index
        %parallel_loop3A_849 = arith.constant 0 : index
        %parallel_loop3A_850 = tpu.vector_load %arg15[%parallel_loop3A_848, %parallel_loop3A_849] {strides = array<i32>} : memref<80x128xf32, #tpu.memory_space<vmem>>, vector<16xf32>,
        %parallel_loop3A_851 = arith.mulf %parallel_loop3A_850, %parallel_loop3A_847 : vector<16xf32>
        %parallel_loop3A_852 = arith.index_cast %parallel_loop3A_845 : i32 to index
        %parallel_loop3A_853 = arith.constant 0 : index
        %parallel_loop3A_854 = tpu.vector_load %arg15[%parallel_loop3A_852, %parallel_loop3A_853] {strides = array<i32>} : memref<80x128xf32, #tpu.memory_space<vmem>>, vector<16xf32>,
        tpu.vector_store %arg15[%parallel_loop3A_852, %parallel_loop3A_853], %parallel_loop3A_851 {strides = array<i32>} : memref<80x128xf32, #tpu.memory_space<vmem>>, vector<16xf32>,
        %parallel_loop3A_855 = arith.index_cast %parallel_loop3A_845 : i32 to index
        %parallel_loop3A_856 = arith.constant 16 : index
        %parallel_loop3A_857 = tpu.vector_load %arg15[%parallel_loop3A_855, %parallel_loop3A_856] {strides = array<i32>} : memref<80x128xf32, #tpu.memory_space<vmem>>, vector<16xf32>,
        %parallel_loop3A_858 = arith.mulf %parallel_loop3A_857, %parallel_loop3A_847 : vector<16xf32>
        %parallel_loop3A_859 = arith.index_cast %parallel_loop3A_845 : i32 to index
        %parallel_loop3A_860 = arith.constant 16 : index
        %parallel_loop3A_861 = tpu.vector_load %arg15[%parallel_loop3A_859, %parallel_loop3A_860] {strides = array<i32>} : memref<80x128xf32, #tpu.memory_space<vmem>>, vector<16xf32>,
        tpu.vector_store %arg15[%parallel_loop3A_859, %parallel_loop3A_860], %parallel_loop3A_858 {strides = array<i32>} : memref<80x128xf32, #tpu.memory_space<vmem>>, vector<16xf32>,
        %parallel_loop3A_862 = arith.index_cast %parallel_loop3A_845 : i32 to index
        %parallel_loop3A_863 = arith.constant 32 : index
        %parallel_loop3A_864 = tpu.vector_load %arg15[%parallel_loop3A_862, %parallel_loop3A_863] {strides = array<i32>} : memref<80x128xf32, #tpu.memory_space<vmem>>, vector<16xf32>,
        %parallel_loop3A_865 = arith.mulf %parallel_loop3A_864, %parallel_loop3A_847 : vector<16xf32>
        %parallel_loop3A_866 = arith.index_cast %parallel_loop3A_845 : i32 to index
        %parallel_loop3A_867 = arith.constant 32 : index
        %parallel_loop3A_868 = tpu.vector_load %arg15[%parallel_loop3A_866, %parallel_loop3A_867] {strides = array<i32>} : memref<80x128xf32, #tpu.memory_space<vmem>>, vector<16xf32>,
        tpu.vector_store %arg15[%parallel_loop3A_866, %parallel_loop3A_867], %parallel_loop3A_865 {strides = array<i32>} : memref<80x128xf32, #tpu.memory_space<vmem>>, vector<16xf32>,
        %parallel_loop3A_869 = arith.index_cast %parallel_loop3A_845 : i32 to index
        %parallel_loop3A_870 = arith.constant 48 : index
        %parallel_loop3A_871 = tpu.vector_load %arg15[%parallel_loop3A_869, %parallel_loop3A_870] {strides = array<i32>} : memref<80x128xf32, #tpu.memory_space<vmem>>, vector<16xf32>,
        %parallel_loop3A_872 = arith.mulf %parallel_loop3A_871, %parallel_loop3A_847 : vector<16xf32>
        %parallel_loop3A_873 = arith.index_cast %parallel_loop3A_845 : i32 to index
        %parallel_loop3A_874 = arith.constant 48 : index
        %parallel_loop3A_875 = tpu.vector_load %arg15[%parallel_loop3A_873, %parallel_loop3A_874] {strides = array<i32>} : memref<80x128xf32, #tpu.memory_space<vmem>>, vector<16xf32>,
        tpu.vector_store %arg15[%parallel_loop3A_873, %parallel_loop3A_874], %parallel_loop3A_872 {strides = array<i32>} : memref<80x128xf32, #tpu.memory_space<vmem>>, vector<16xf32>,
        %parallel_loop3A_876 = arith.index_cast %parallel_loop3A_845 : i32 to index
        %parallel_loop3A_877 = arith.constant 64 : index
        %parallel_loop3A_878 = tpu.vector_load %arg15[%parallel_loop3A_876, %parallel_loop3A_877] {strides = array<i32>} : memref<80x128xf32, #tpu.memory_space<vmem>>, vector<16xf32>,
        %parallel_loop3A_879 = arith.mulf %parallel_loop3A_878, %parallel_loop3A_847 : vector<16xf32>
        %parallel_loop3A_880 = arith.index_cast %parallel_loop3A_845 : i32 to index
        %parallel_loop3A_881 = arith.constant 64 : index
        %parallel_loop3A_882 = tpu.vector_load %arg15[%parallel_loop3A_880, %parallel_loop3A_881] {strides = array<i32>} : memref<80x128xf32, #tpu.memory_space<vmem>>, vector<16xf32>,
        tpu.vector_store %arg15[%parallel_loop3A_880, %parallel_loop3A_881], %parallel_loop3A_879 {strides = array<i32>} : memref<80x128xf32, #tpu.memory_space<vmem>>, vector<16xf32>,
        %parallel_loop3A_883 = arith.index_cast %parallel_loop3A_845 : i32 to index
        %parallel_loop3A_884 = arith.constant 80 : index
        %parallel_loop3A_885 = tpu.vector_load %arg15[%parallel_loop3A_883, %parallel_loop3A_884] {strides = array<i32>} : memref<80x128xf32, #tpu.memory_space<vmem>>, vector<16xf32>,
        %parallel_loop3A_886 = arith.mulf %parallel_loop3A_885, %parallel_loop3A_847 : vector<16xf32>
        %parallel_loop3A_887 = arith.index_cast %parallel_loop3A_845 : i32 to index
        %parallel_loop3A_888 = arith.constant 80 : index
        %parallel_loop3A_889 = tpu.vector_load %arg15[%parallel_loop3A_887, %parallel_loop3A_888] {strides = array<i32>} : memref<80x128xf32, #tpu.memory_space<vmem>>, vector<16xf32>,
        tpu.vector_store %arg15[%parallel_loop3A_887, %parallel_loop3A_888], %parallel_loop3A_886 {strides = array<i32>} : memref<80x128xf32, #tpu.memory_space<vmem>>, vector<16xf32>,
        %parallel_loop3A_890 = arith.index_cast %parallel_loop3A_845 : i32 to index
        %parallel_loop3A_891 = arith.constant 96 : index
        %parallel_loop3A_892 = tpu.vector_load %arg15[%parallel_loop3A_890, %parallel_loop3A_891] {strides = array<i32>} : memref<80x128xf32, #tpu.memory_space<vmem>>, vector<16xf32>,
        %parallel_loop3A_893 = arith.mulf %parallel_loop3A_892, %parallel_loop3A_847 : vector<16xf32>
        %parallel_loop3A_894 = arith.index_cast %parallel_loop3A_845 : i32 to index
        %parallel_loop3A_895 = arith.constant 96 : index
        %parallel_loop3A_896 = tpu.vector_load %arg15[%parallel_loop3A_894, %parallel_loop3A_895] {strides = array<i32>} : memref<80x128xf32, #tpu.memory_space<vmem>>, vector<16xf32>,
        tpu.vector_store %arg15[%parallel_loop3A_894, %parallel_loop3A_895], %parallel_loop3A_893 {strides = array<i32>} : memref<80x128xf32, #tpu.memory_space<vmem>>, vector<16xf32>,
        %parallel_loop3A_897 = arith.index_cast %parallel_loop3A_845 : i32 to index
        %parallel_loop3A_898 = arith.constant 112 : index
        %parallel_loop3A_899 = tpu.vector_load %arg15[%parallel_loop3A_897, %parallel_loop3A_898] {strides = array<i32>} : memref<80x128xf32, #tpu.memory_space<vmem>>, vector<16xf32>,
        %parallel_loop3A_900 = arith.mulf %parallel_loop3A_899, %parallel_loop3A_847 : vector<16xf32>
        %parallel_loop3A_901 = arith.index_cast %parallel_loop3A_845 : i32 to index
        %parallel_loop3A_902 = arith.constant 112 : index
        %parallel_loop3A_903 = tpu.vector_load %arg15[%parallel_loop3A_901, %parallel_loop3A_902] {strides = array<i32>} : memref<80x128xf32, #tpu.memory_space<vmem>>, vector<16xf32>,
        tpu.vector_store %arg15[%parallel_loop3A_901, %parallel_loop3A_902], %parallel_loop3A_900 {strides = array<i32>} : memref<80x128xf32, #tpu.memory_space<vmem>>, vector<16xf32>,
      } {sc.loop_unroll_factor = 2 : i64, sc.parallel_access}
      %dma_start3A_837 = arith.constant 40 : i32
      %dma_start3A_838 = arith.constant 0 : i32
      %dma_start3A_839 = tpu.memref_slice %arg15[%dma_start3A_837, %dma_start3A_838] : memref<80x128xf32, #tpu.memory_space<vmem>> -> memref<40x128xf32, #tpu.memory_space<vmem>>
      %dma_start3A_840 = arith.constant 40 : i32
      %dma_start3A_841 = tpu.memref_slice %arg9[%dma_start3A_840] : memref<80xi32, #tpu.memory_space<vmem>> -> memref<40xi32, #tpu.memory_space<vmem>>
      %dma_start3A_842 = arith.constant 0 : i32
      %dma_start3A_843 = arith.constant 0 : i32
      %dma_start3A_844 = tpu.memref_slice %arg17[%dma_start3A_842, %dma_start3A_843] : memref<10240x128xf32, #tpu.memory_space<vmem_shared>> -> memref<10240x128xf32, #tpu.memory_space<vmem_shared>>
      tpu.enqueue_indirect_dma source(%dma_start3A_839 : memref<40x128xf32, #tpu.memory_space<vmem>>) target(%dma_start3A_844 : memref<10240x128xf32, #tpu.memory_space<vmem_shared>>) offsets(%dma_start3A_841 : memref<40xi32, #tpu.memory_space<vmem>>) semaphore(%arg20 : memref<!tpu.dma_semaphore, #tpu.memory_space<semaphore_mem>>) {add = true}
    }
    %scan3A_127 = arith.constant 20 : i32
    %dma_wait3A_128 = arith.constant 0 : i32
    %dma_wait3A_129 = tpu.memref_slice %arg2[%dma_wait3A_128] : memref<640000xi32, #tpu.memory_space<hbm>> -> memref<80xi32, #tpu.memory_space<hbm>>
    %dma_wait3A_130 = arith.constant 0 : i32
    %dma_wait3A_131 = tpu.memref_slice %arg2[%dma_wait3A_130] : memref<640000xi32, #tpu.memory_space<hbm>> -> memref<80xi32, #tpu.memory_space<hbm>>
    tpu.wait_dma2 semaphore(%arg18 : memref<!tpu.dma_semaphore, #tpu.memory_space<semaphore_mem>>) src(%dma_wait3A_131 : memref<80xi32, #tpu.memory_space<hbm>>) dst(%arg8 : memref<80xi32, #tpu.memory_space<vmem>>)
    %dma_wait3A_132 = arith.constant 0 : i32
    %dma_wait3A_133 = tpu.memref_slice %arg2[%dma_wait3A_132] : memref<640000xi32, #tpu.memory_space<hbm>> -> memref<80xi32, #tpu.memory_space<hbm>>
    %dma_wait3A_134 = arith.constant 0 : i32
    %dma_wait3A_135 = tpu.memref_slice %arg2[%dma_wait3A_134] : memref<640000xi32, #tpu.memory_space<hbm>> -> memref<80xi32, #tpu.memory_space<hbm>>
    tpu.wait_dma2 semaphore(%arg18 : memref<!tpu.dma_semaphore, #tpu.memory_space<semaphore_mem>>) src(%dma_wait3A_135 : memref<80xi32, #tpu.memory_space<hbm>>) dst(%arg11 : memref<80xi32, #tpu.memory_space<vmem>>)
    %dma_wait3A_136 = arith.constant 0 : i32
    %dma_wait3A_137 = tpu.memref_slice %arg3[%dma_wait3A_136] : memref<320000xf32, #tpu.memory_space<hbm>> -> memref<80xf32, #tpu.memory_space<hbm>>
    %dma_wait3A_138 = arith.constant 0 : i32
    %dma_wait3A_139 = tpu.memref_slice %arg3[%dma_wait3A_138] : memref<320000xf32, #tpu.memory_space<hbm>> -> memref<80xf32, #tpu.memory_space<hbm>>
    tpu.wait_dma2 semaphore(%arg18 : memref<!tpu.dma_semaphore, #tpu.memory_space<semaphore_mem>>) src(%dma_wait3A_139 : memref<80xf32, #tpu.memory_space<hbm>>) dst(%arg14 : memref<80xf32, #tpu.memory_space<vmem>>)
    %dma_wait3A_140 = arith.constant 0 : i32
    %dma_wait3A_141 = arith.constant 0 : i32
    %dma_wait3A_142 = tpu.memref_slice %arg15[%dma_wait3A_140, %dma_wait3A_141] : memref<80x128xf32, #tpu.memory_space<vmem>> -> memref<40x128xf32, #tpu.memory_space<vmem>>
    %dma_wait3A_143 = arith.constant 0 : i32
    %dma_wait3A_144 = tpu.memref_slice %arg9[%dma_wait3A_143] : memref<80xi32, #tpu.memory_space<vmem>> -> memref<40xi32, #tpu.memory_space<vmem>>
    %dma_wait3A_145 = arith.constant 0 : i32
    %dma_wait3A_146 = arith.constant 0 : i32
    %dma_wait3A_147 = tpu.memref_slice %arg17[%dma_wait3A_145, %dma_wait3A_146] : memref<10240x128xf32, #tpu.memory_space<vmem_shared>> -> memref<10240x128xf32, #tpu.memory_space<vmem_shared>>
    tpu.wait_indirect_dma semaphore(%arg20 : memref<!tpu.dma_semaphore, #tpu.memory_space<semaphore_mem>>) src(%dma_wait3A_142 : memref<40x128xf32, #tpu.memory_space<vmem>>) dst(%dma_wait3A_147 : memref<10240x128xf32, #tpu.memory_space<vmem_shared>>)
    %dma_wait3A_148 = arith.constant 40 : i32
    %dma_wait3A_149 = arith.constant 0 : i32
    %dma_wait3A_150 = tpu.memref_slice %arg15[%dma_wait3A_148, %dma_wait3A_149] : memref<80x128xf32, #tpu.memory_space<vmem>> -> memref<40x128xf32, #tpu.memory_space<vmem>>
    %dma_wait3A_151 = arith.constant 40 : i32
    %dma_wait3A_152 = tpu.memref_slice %arg9[%dma_wait3A_151] : memref<80xi32, #tpu.memory_space<vmem>> -> memref<40xi32, #tpu.memory_space<vmem>>
    %dma_wait3A_153 = arith.constant 0 : i32
    %dma_wait3A_154 = arith.constant 0 : i32
    %dma_wait3A_155 = tpu.memref_slice %arg17[%dma_wait3A_153, %dma_wait3A_154] : memref<10240x128xf32, #tpu.memory_space<vmem_shared>> -> memref<10240x128xf32, #tpu.memory_space<vmem_shared>>
    tpu.wait_indirect_dma semaphore(%arg20 : memref<!tpu.dma_semaphore, #tpu.memory_space<semaphore_mem>>) src(%dma_wait3A_150 : memref<40x128xf32, #tpu.memory_space<vmem>>) dst(%dma_wait3A_155 : memref<10240x128xf32, #tpu.memory_space<vmem_shared>>)
    %dma_start3A_156 = arith.constant 0 : i32
    %dma_start3A_157 = arith.constant 0 : i32
    %dma_start3A_158 = tpu.memref_slice %arg4[%dma_start3A_156, %dma_start3A_157] : memref<10000x128xf32, #tpu.memory_space<hbm>> -> memref<10000x128xf32, #tpu.memory_space<hbm>>
    tpu.enqueue_indirect_dma source(%dma_start3A_158 : memref<10000x128xf32, #tpu.memory_space<hbm>>) target(%arg15 : memref<80x128xf32, #tpu.memory_space<vmem>>) offsets(%arg8 : memref<80xi32, #tpu.memory_space<vmem>>) semaphore(%arg19 : memref<!tpu.dma_semaphore, #tpu.memory_space<semaphore_mem>>)
    %add3A_159 = arith.constant 9840 : i32
    %add3A_160 = arith.addi %mul3A_2, %add3A_159 : i32
    %add3A_161 = arith.constant 320000 : i32
    %add3A_162 = arith.addi %add3A_161, %add3A_160 : i32
    %dma_start3A_163 = tpu.memref_slice %arg2[%add3A_162] : memref<640000xi32, #tpu.memory_space<hbm>> -> memref<80xi32, #tpu.memory_space<hbm>>
    %dma_start3A_164 = tpu.memref_slice %arg2[%add3A_162] : memref<640000xi32, #tpu.memory_space<hbm>> -> memref<80xi32, #tpu.memory_space<hbm>>
    tpu.enqueue_dma source(%dma_start3A_164 : memref<80xi32, #tpu.memory_space<hbm>>) target(%arg6 : memref<80xi32, #tpu.memory_space<vmem>>) target_semaphore(%arg18 : memref<!tpu.dma_semaphore, #tpu.memory_space<semaphore_mem>>)
    %dma_start3A_165 = tpu.memref_slice %arg2[%add3A_160] : memref<640000xi32, #tpu.memory_space<hbm>> -> memref<80xi32, #tpu.memory_space<hbm>>
    %dma_start3A_166 = tpu.memref_slice %arg2[%add3A_160] : memref<640000xi32, #tpu.memory_space<hbm>> -> memref<80xi32, #tpu.memory_space<hbm>>
    tpu.enqueue_dma source(%dma_start3A_166 : memref<80xi32, #tpu.memory_space<hbm>>) target(%arg9 : memref<80xi32, #tpu.memory_space<vmem>>) target_semaphore(%arg18 : memref<!tpu.dma_semaphore, #tpu.memory_space<semaphore_mem>>)
    %dma_start3A_167 = tpu.memref_slice %arg3[%add3A_160] : memref<320000xf32, #tpu.memory_space<hbm>> -> memref<80xf32, #tpu.memory_space<hbm>>
    %dma_start3A_168 = tpu.memref_slice %arg3[%add3A_160] : memref<320000xf32, #tpu.memory_space<hbm>> -> memref<80xf32, #tpu.memory_space<hbm>>
    tpu.enqueue_dma source(%dma_start3A_168 : memref<80xf32, #tpu.memory_space<hbm>>) target(%arg12 : memref<80xf32, #tpu.memory_space<vmem>>) target_semaphore(%arg18 : memref<!tpu.dma_semaphore, #tpu.memory_space<semaphore_mem>>)
    %dma_wait3A_169 = arith.constant 0 : i32
    %dma_wait3A_170 = arith.constant 0 : i32
    %dma_wait3A_171 = tpu.memref_slice %arg4[%dma_wait3A_169, %dma_wait3A_170] : memref<10000x128xf32, #tpu.memory_space<hbm>> -> memref<10000x128xf32, #tpu.memory_space<hbm>>
    tpu.wait_indirect_dma semaphore(%arg19 : memref<!tpu.dma_semaphore, #tpu.memory_space<semaphore_mem>>) src(%dma_wait3A_171 : memref<10000x128xf32, #tpu.memory_space<hbm>>) dst(%arg16 : memref<80x128xf32, #tpu.memory_space<vmem>>)
    %parallel_loop3A_172 = arith.constant 0 : i32
    %parallel_loop3A_173 = arith.constant 40 : i32
    %parallel_loop3A_174 = arith.constant 1 : i32
    scf.for %parallel_loop3A_406 = %parallel_loop3A_172 to %parallel_loop3A_173 step %parallel_loop3A_174  : i32 {
      %parallel_loop3A_407 = vector.broadcast %parallel_loop3A_406 : i32 to vector<16xi32>
      %parallel_loop3A_408 = tpu.vector_load_idx %arg13[%parallel_loop3A_407] : memref<80xf32, #tpu.memory_space<vmem>>[vector<16xi32>], vector<16xf32>,
      %parallel_loop3A_409 = arith.index_cast %parallel_loop3A_406 : i32 to index
      %parallel_loop3A_410 = arith.constant 0 : index
      %parallel_loop3A_411 = tpu.vector_load %arg16[%parallel_loop3A_409, %parallel_loop3A_410] {strides = array<i32>} : memref<80x128xf32, #tpu.memory_space<vmem>>, vector<16xf32>,
      %parallel_loop3A_412 = arith.mulf %parallel_loop3A_411, %parallel_loop3A_408 : vector<16xf32>
      %parallel_loop3A_413 = arith.index_cast %parallel_loop3A_406 : i32 to index
      %parallel_loop3A_414 = arith.constant 0 : index
      %parallel_loop3A_415 = tpu.vector_load %arg16[%parallel_loop3A_413, %parallel_loop3A_414] {strides = array<i32>} : memref<80x128xf32, #tpu.memory_space<vmem>>, vector<16xf32>,
      tpu.vector_store %arg16[%parallel_loop3A_413, %parallel_loop3A_414], %parallel_loop3A_412 {strides = array<i32>} : memref<80x128xf32, #tpu.memory_space<vmem>>, vector<16xf32>,
      %parallel_loop3A_416 = arith.index_cast %parallel_loop3A_406 : i32 to index
      %parallel_loop3A_417 = arith.constant 16 : index
      %parallel_loop3A_418 = tpu.vector_load %arg16[%parallel_loop3A_416, %parallel_loop3A_417] {strides = array<i32>} : memref<80x128xf32, #tpu.memory_space<vmem>>, vector<16xf32>,
      %parallel_loop3A_419 = arith.mulf %parallel_loop3A_418, %parallel_loop3A_408 : vector<16xf32>
      %parallel_loop3A_420 = arith.index_cast %parallel_loop3A_406 : i32 to index
      %parallel_loop3A_421 = arith.constant 16 : index
      %parallel_loop3A_422 = tpu.vector_load %arg16[%parallel_loop3A_420, %parallel_loop3A_421] {strides = array<i32>} : memref<80x128xf32, #tpu.memory_space<vmem>>, vector<16xf32>,
      tpu.vector_store %arg16[%parallel_loop3A_420, %parallel_loop3A_421], %parallel_loop3A_419 {strides = array<i32>} : memref<80x128xf32, #tpu.memory_space<vmem>>, vector<16xf32>,
      %parallel_loop3A_423 = arith.index_cast %parallel_loop3A_406 : i32 to index
      %parallel_loop3A_424 = arith.constant 32 : index
      %parallel_loop3A_425 = tpu.vector_load %arg16[%parallel_loop3A_423, %parallel_loop3A_424] {strides = array<i32>} : memref<80x128xf32, #tpu.memory_space<vmem>>, vector<16xf32>,
      %parallel_loop3A_426 = arith.mulf %parallel_loop3A_425, %parallel_loop3A_408 : vector<16xf32>
      %parallel_loop3A_427 = arith.index_cast %parallel_loop3A_406 : i32 to index
      %parallel_loop3A_428 = arith.constant 32 : index
      %parallel_loop3A_429 = tpu.vector_load %arg16[%parallel_loop3A_427, %parallel_loop3A_428] {strides = array<i32>} : memref<80x128xf32, #tpu.memory_space<vmem>>, vector<16xf32>,
      tpu.vector_store %arg16[%parallel_loop3A_427, %parallel_loop3A_428], %parallel_loop3A_426 {strides = array<i32>} : memref<80x128xf32, #tpu.memory_space<vmem>>, vector<16xf32>,
      %parallel_loop3A_430 = arith.index_cast %parallel_loop3A_406 : i32 to index
      %parallel_loop3A_431 = arith.constant 48 : index
      %parallel_loop3A_432 = tpu.vector_load %arg16[%parallel_loop3A_430, %parallel_loop3A_431] {strides = array<i32>} : memref<80x128xf32, #tpu.memory_space<vmem>>, vector<16xf32>,
      %parallel_loop3A_433 = arith.mulf %parallel_loop3A_432, %parallel_loop3A_408 : vector<16xf32>
      %parallel_loop3A_434 = arith.index_cast %parallel_loop3A_406 : i32 to index
      %parallel_loop3A_435 = arith.constant 48 : index
      %parallel_loop3A_436 = tpu.vector_load %arg16[%parallel_loop3A_434, %parallel_loop3A_435] {strides = array<i32>} : memref<80x128xf32, #tpu.memory_space<vmem>>, vector<16xf32>,
      tpu.vector_store %arg16[%parallel_loop3A_434, %parallel_loop3A_435], %parallel_loop3A_433 {strides = array<i32>} : memref<80x128xf32, #tpu.memory_space<vmem>>, vector<16xf32>,
      %parallel_loop3A_437 = arith.index_cast %parallel_loop3A_406 : i32 to index
      %parallel_loop3A_438 = arith.constant 64 : index
      %parallel_loop3A_439 = tpu.vector_load %arg16[%parallel_loop3A_437, %parallel_loop3A_438] {strides = array<i32>} : memref<80x128xf32, #tpu.memory_space<vmem>>, vector<16xf32>,
      %parallel_loop3A_440 = arith.mulf %parallel_loop3A_439, %parallel_loop3A_408 : vector<16xf32>
      %parallel_loop3A_441 = arith.index_cast %parallel_loop3A_406 : i32 to index
      %parallel_loop3A_442 = arith.constant 64 : index
      %parallel_loop3A_443 = tpu.vector_load %arg16[%parallel_loop3A_441, %parallel_loop3A_442] {strides = array<i32>} : memref<80x128xf32, #tpu.memory_space<vmem>>, vector<16xf32>,
      tpu.vector_store %arg16[%parallel_loop3A_441, %parallel_loop3A_442], %parallel_loop3A_440 {strides = array<i32>} : memref<80x128xf32, #tpu.memory_space<vmem>>, vector<16xf32>,
      %parallel_loop3A_444 = arith.index_cast %parallel_loop3A_406 : i32 to index
      %parallel_loop3A_445 = arith.constant 80 : index
      %parallel_loop3A_446 = tpu.vector_load %arg16[%parallel_loop3A_444, %parallel_loop3A_445] {strides = array<i32>} : memref<80x128xf32, #tpu.memory_space<vmem>>, vector<16xf32>,
      %parallel_loop3A_447 = arith.mulf %parallel_loop3A_446, %parallel_loop3A_408 : vector<16xf32>
      %parallel_loop3A_448 = arith.index_cast %parallel_loop3A_406 : i32 to index
      %parallel_loop3A_449 = arith.constant 80 : index
      %parallel_loop3A_450 = tpu.vector_load %arg16[%parallel_loop3A_448, %parallel_loop3A_449] {strides = array<i32>} : memref<80x128xf32, #tpu.memory_space<vmem>>, vector<16xf32>,
      tpu.vector_store %arg16[%parallel_loop3A_448, %parallel_loop3A_449], %parallel_loop3A_447 {strides = array<i32>} : memref<80x128xf32, #tpu.memory_space<vmem>>, vector<16xf32>,
      %parallel_loop3A_451 = arith.index_cast %parallel_loop3A_406 : i32 to index
      %parallel_loop3A_452 = arith.constant 96 : index
      %parallel_loop3A_453 = tpu.vector_load %arg16[%parallel_loop3A_451, %parallel_loop3A_452] {strides = array<i32>} : memref<80x128xf32, #tpu.memory_space<vmem>>, vector<16xf32>,
      %parallel_loop3A_454 = arith.mulf %parallel_loop3A_453, %parallel_loop3A_408 : vector<16xf32>
      %parallel_loop3A_455 = arith.index_cast %parallel_loop3A_406 : i32 to index
      %parallel_loop3A_456 = arith.constant 96 : index
      %parallel_loop3A_457 = tpu.vector_load %arg16[%parallel_loop3A_455, %parallel_loop3A_456] {strides = array<i32>} : memref<80x128xf32, #tpu.memory_space<vmem>>, vector<16xf32>,
      tpu.vector_store %arg16[%parallel_loop3A_455, %parallel_loop3A_456], %parallel_loop3A_454 {strides = array<i32>} : memref<80x128xf32, #tpu.memory_space<vmem>>, vector<16xf32>,
      %parallel_loop3A_458 = arith.index_cast %parallel_loop3A_406 : i32 to index
      %parallel_loop3A_459 = arith.constant 112 : index
      %parallel_loop3A_460 = tpu.vector_load %arg16[%parallel_loop3A_458, %parallel_loop3A_459] {strides = array<i32>} : memref<80x128xf32, #tpu.memory_space<vmem>>, vector<16xf32>,
      %parallel_loop3A_461 = arith.mulf %parallel_loop3A_460, %parallel_loop3A_408 : vector<16xf32>
      %parallel_loop3A_462 = arith.index_cast %parallel_loop3A_406 : i32 to index
      %parallel_loop3A_463 = arith.constant 112 : index
      %parallel_loop3A_464 = tpu.vector_load %arg16[%parallel_loop3A_462, %parallel_loop3A_463] {strides = array<i32>} : memref<80x128xf32, #tpu.memory_space<vmem>>, vector<16xf32>,
      tpu.vector_store %arg16[%parallel_loop3A_462, %parallel_loop3A_463], %parallel_loop3A_461 {strides = array<i32>} : memref<80x128xf32, #tpu.memory_space<vmem>>, vector<16xf32>,
    } {sc.loop_unroll_factor = 2 : i64, sc.parallel_access}
    %dma_start3A_175 = arith.constant 0 : i32
    %dma_start3A_176 = arith.constant 0 : i32
    %dma_start3A_177 = tpu.memref_slice %arg16[%dma_start3A_175, %dma_start3A_176] : memref<80x128xf32, #tpu.memory_space<vmem>> -> memref<40x128xf32, #tpu.memory_space<vmem>>
    %dma_start3A_178 = arith.constant 0 : i32
    %dma_start3A_179 = tpu.memref_slice %arg10[%dma_start3A_178] : memref<80xi32, #tpu.memory_space<vmem>> -> memref<40xi32, #tpu.memory_space<vmem>>
    %dma_start3A_180 = arith.constant 0 : i32
    %dma_start3A_181 = arith.constant 0 : i32
    %dma_start3A_182 = tpu.memref_slice %arg17[%dma_start3A_180, %dma_start3A_181] : memref<10240x128xf32, #tpu.memory_space<vmem_shared>> -> memref<10240x128xf32, #tpu.memory_space<vmem_shared>>
    tpu.enqueue_indirect_dma source(%dma_start3A_177 : memref<40x128xf32, #tpu.memory_space<vmem>>) target(%dma_start3A_182 : memref<10240x128xf32, #tpu.memory_space<vmem_shared>>) offsets(%dma_start3A_179 : memref<40xi32, #tpu.memory_space<vmem>>) semaphore(%arg20 : memref<!tpu.dma_semaphore, #tpu.memory_space<semaphore_mem>>) {add = true}
    %parallel_loop3A_183 = arith.constant 40 : i32
    %parallel_loop3A_184 = arith.constant 80 : i32
    %parallel_loop3A_185 = arith.constant 1 : i32
    scf.for %parallel_loop3A_406 = %parallel_loop3A_183 to %parallel_loop3A_184 step %parallel_loop3A_185  : i32 {
      %parallel_loop3A_407 = vector.broadcast %parallel_loop3A_406 : i32 to vector<16xi32>
      %parallel_loop3A_408 = tpu.vector_load_idx %arg13[%parallel_loop3A_407] : memref<80xf32, #tpu.memory_space<vmem>>[vector<16xi32>], vector<16xf32>,
      %parallel_loop3A_409 = arith.index_cast %parallel_loop3A_406 : i32 to index
      %parallel_loop3A_410 = arith.constant 0 : index
      %parallel_loop3A_411 = tpu.vector_load %arg16[%parallel_loop3A_409, %parallel_loop3A_410] {strides = array<i32>} : memref<80x128xf32, #tpu.memory_space<vmem>>, vector<16xf32>,
      %parallel_loop3A_412 = arith.mulf %parallel_loop3A_411, %parallel_loop3A_408 : vector<16xf32>
      %parallel_loop3A_413 = arith.index_cast %parallel_loop3A_406 : i32 to index
      %parallel_loop3A_414 = arith.constant 0 : index
      %parallel_loop3A_415 = tpu.vector_load %arg16[%parallel_loop3A_413, %parallel_loop3A_414] {strides = array<i32>} : memref<80x128xf32, #tpu.memory_space<vmem>>, vector<16xf32>,
      tpu.vector_store %arg16[%parallel_loop3A_413, %parallel_loop3A_414], %parallel_loop3A_412 {strides = array<i32>} : memref<80x128xf32, #tpu.memory_space<vmem>>, vector<16xf32>,
      %parallel_loop3A_416 = arith.index_cast %parallel_loop3A_406 : i32 to index
      %parallel_loop3A_417 = arith.constant 16 : index
      %parallel_loop3A_418 = tpu.vector_load %arg16[%parallel_loop3A_416, %parallel_loop3A_417] {strides = array<i32>} : memref<80x128xf32, #tpu.memory_space<vmem>>, vector<16xf32>,
      %parallel_loop3A_419 = arith.mulf %parallel_loop3A_418, %parallel_loop3A_408 : vector<16xf32>
      %parallel_loop3A_420 = arith.index_cast %parallel_loop3A_406 : i32 to index
      %parallel_loop3A_421 = arith.constant 16 : index
      %parallel_loop3A_422 = tpu.vector_load %arg16[%parallel_loop3A_420, %parallel_loop3A_421] {strides = array<i32>} : memref<80x128xf32, #tpu.memory_space<vmem>>, vector<16xf32>,
      tpu.vector_store %arg16[%parallel_loop3A_420, %parallel_loop3A_421], %parallel_loop3A_419 {strides = array<i32>} : memref<80x128xf32, #tpu.memory_space<vmem>>, vector<16xf32>,
      %parallel_loop3A_423 = arith.index_cast %parallel_loop3A_406 : i32 to index
      %parallel_loop3A_424 = arith.constant 32 : index
      %parallel_loop3A_425 = tpu.vector_load %arg16[%parallel_loop3A_423, %parallel_loop3A_424] {strides = array<i32>} : memref<80x128xf32, #tpu.memory_space<vmem>>, vector<16xf32>,
      %parallel_loop3A_426 = arith.mulf %parallel_loop3A_425, %parallel_loop3A_408 : vector<16xf32>
      %parallel_loop3A_427 = arith.index_cast %parallel_loop3A_406 : i32 to index
      %parallel_loop3A_428 = arith.constant 32 : index
      %parallel_loop3A_429 = tpu.vector_load %arg16[%parallel_loop3A_427, %parallel_loop3A_428] {strides = array<i32>} : memref<80x128xf32, #tpu.memory_space<vmem>>, vector<16xf32>,
      tpu.vector_store %arg16[%parallel_loop3A_427, %parallel_loop3A_428], %parallel_loop3A_426 {strides = array<i32>} : memref<80x128xf32, #tpu.memory_space<vmem>>, vector<16xf32>,
      %parallel_loop3A_430 = arith.index_cast %parallel_loop3A_406 : i32 to index
      %parallel_loop3A_431 = arith.constant 48 : index
      %parallel_loop3A_432 = tpu.vector_load %arg16[%parallel_loop3A_430, %parallel_loop3A_431] {strides = array<i32>} : memref<80x128xf32, #tpu.memory_space<vmem>>, vector<16xf32>,
      %parallel_loop3A_433 = arith.mulf %parallel_loop3A_432, %parallel_loop3A_408 : vector<16xf32>
      %parallel_loop3A_434 = arith.index_cast %parallel_loop3A_406 : i32 to index
      %parallel_loop3A_435 = arith.constant 48 : index
      %parallel_loop3A_436 = tpu.vector_load %arg16[%parallel_loop3A_434, %parallel_loop3A_435] {strides = array<i32>} : memref<80x128xf32, #tpu.memory_space<vmem>>, vector<16xf32>,
      tpu.vector_store %arg16[%parallel_loop3A_434, %parallel_loop3A_435], %parallel_loop3A_433 {strides = array<i32>} : memref<80x128xf32, #tpu.memory_space<vmem>>, vector<16xf32>,
      %parallel_loop3A_437 = arith.index_cast %parallel_loop3A_406 : i32 to index
      %parallel_loop3A_438 = arith.constant 64 : index
      %parallel_loop3A_439 = tpu.vector_load %arg16[%parallel_loop3A_437, %parallel_loop3A_438] {strides = array<i32>} : memref<80x128xf32, #tpu.memory_space<vmem>>, vector<16xf32>,
      %parallel_loop3A_440 = arith.mulf %parallel_loop3A_439, %parallel_loop3A_408 : vector<16xf32>
      %parallel_loop3A_441 = arith.index_cast %parallel_loop3A_406 : i32 to index
      %parallel_loop3A_442 = arith.constant 64 : index
      %parallel_loop3A_443 = tpu.vector_load %arg16[%parallel_loop3A_441, %parallel_loop3A_442] {strides = array<i32>} : memref<80x128xf32, #tpu.memory_space<vmem>>, vector<16xf32>,
      tpu.vector_store %arg16[%parallel_loop3A_441, %parallel_loop3A_442], %parallel_loop3A_440 {strides = array<i32>} : memref<80x128xf32, #tpu.memory_space<vmem>>, vector<16xf32>,
      %parallel_loop3A_444 = arith.index_cast %parallel_loop3A_406 : i32 to index
      %parallel_loop3A_445 = arith.constant 80 : index
      %parallel_loop3A_446 = tpu.vector_load %arg16[%parallel_loop3A_444, %parallel_loop3A_445] {strides = array<i32>} : memref<80x128xf32, #tpu.memory_space<vmem>>, vector<16xf32>,
      %parallel_loop3A_447 = arith.mulf %parallel_loop3A_446, %parallel_loop3A_408 : vector<16xf32>
      %parallel_loop3A_448 = arith.index_cast %parallel_loop3A_406 : i32 to index
      %parallel_loop3A_449 = arith.constant 80 : index
      %parallel_loop3A_450 = tpu.vector_load %arg16[%parallel_loop3A_448, %parallel_loop3A_449] {strides = array<i32>} : memref<80x128xf32, #tpu.memory_space<vmem>>, vector<16xf32>,
      tpu.vector_store %arg16[%parallel_loop3A_448, %parallel_loop3A_449], %parallel_loop3A_447 {strides = array<i32>} : memref<80x128xf32, #tpu.memory_space<vmem>>, vector<16xf32>,
      %parallel_loop3A_451 = arith.index_cast %parallel_loop3A_406 : i32 to index
      %parallel_loop3A_452 = arith.constant 96 : index
      %parallel_loop3A_453 = tpu.vector_load %arg16[%parallel_loop3A_451, %parallel_loop3A_452] {strides = array<i32>} : memref<80x128xf32, #tpu.memory_space<vmem>>, vector<16xf32>,
      %parallel_loop3A_454 = arith.mulf %parallel_loop3A_453, %parallel_loop3A_408 : vector<16xf32>
      %parallel_loop3A_455 = arith.index_cast %parallel_loop3A_406 : i32 to index
      %parallel_loop3A_456 = arith.constant 96 : index
      %parallel_loop3A_457 = tpu.vector_load %arg16[%parallel_loop3A_455, %parallel_loop3A_456] {strides = array<i32>} : memref<80x128xf32, #tpu.memory_space<vmem>>, vector<16xf32>,
      tpu.vector_store %arg16[%parallel_loop3A_455, %parallel_loop3A_456], %parallel_loop3A_454 {strides = array<i32>} : memref<80x128xf32, #tpu.memory_space<vmem>>, vector<16xf32>,
      %parallel_loop3A_458 = arith.index_cast %parallel_loop3A_406 : i32 to index
      %parallel_loop3A_459 = arith.constant 112 : index
      %parallel_loop3A_460 = tpu.vector_load %arg16[%parallel_loop3A_458, %parallel_loop3A_459] {strides = array<i32>} : memref<80x128xf32, #tpu.memory_space<vmem>>, vector<16xf32>,
      %parallel_loop3A_461 = arith.mulf %parallel_loop3A_460, %parallel_loop3A_408 : vector<16xf32>
      %parallel_loop3A_462 = arith.index_cast %parallel_loop3A_406 : i32 to index
      %parallel_loop3A_463 = arith.constant 112 : index
      %parallel_loop3A_464 = tpu.vector_load %arg16[%parallel_loop3A_462, %parallel_loop3A_463] {strides = array<i32>} : memref<80x128xf32, #tpu.memory_space<vmem>>, vector<16xf32>,
      tpu.vector_store %arg16[%parallel_loop3A_462, %parallel_loop3A_463], %parallel_loop3A_461 {strides = array<i32>} : memref<80x128xf32, #tpu.memory_space<vmem>>, vector<16xf32>,
    } {sc.loop_unroll_factor = 2 : i64, sc.parallel_access}
    %dma_start3A_186 = arith.constant 40 : i32
    %dma_start3A_187 = arith.constant 0 : i32
    %dma_start3A_188 = tpu.memref_slice %arg16[%dma_start3A_186, %dma_start3A_187] : memref<80x128xf32, #tpu.memory_space<vmem>> -> memref<40x128xf32, #tpu.memory_space<vmem>>
    %dma_start3A_189 = arith.constant 40 : i32
    %dma_start3A_190 = tpu.memref_slice %arg10[%dma_start3A_189] : memref<80xi32, #tpu.memory_space<vmem>> -> memref<40xi32, #tpu.memory_space<vmem>>
    %dma_start3A_191 = arith.constant 0 : i32
    %dma_start3A_192 = arith.constant 0 : i32
    %dma_start3A_193 = tpu.memref_slice %arg17[%dma_start3A_191, %dma_start3A_192] : memref<10240x128xf32, #tpu.memory_space<vmem_shared>> -> memref<10240x128xf32, #tpu.memory_space<vmem_shared>>
    tpu.enqueue_indirect_dma source(%dma_start3A_188 : memref<40x128xf32, #tpu.memory_space<vmem>>) target(%dma_start3A_193 : memref<10240x128xf32, #tpu.memory_space<vmem_shared>>) offsets(%dma_start3A_190 : memref<40xi32, #tpu.memory_space<vmem>>) semaphore(%arg20 : memref<!tpu.dma_semaphore, #tpu.memory_space<semaphore_mem>>) {add = true}
    %dma_wait3A_194 = arith.constant 0 : i32
    %dma_wait3A_195 = tpu.memref_slice %arg2[%dma_wait3A_194] : memref<640000xi32, #tpu.memory_space<hbm>> -> memref<80xi32, #tpu.memory_space<hbm>>
    %dma_wait3A_196 = arith.constant 0 : i32
    %dma_wait3A_197 = tpu.memref_slice %arg2[%dma_wait3A_196] : memref<640000xi32, #tpu.memory_space<hbm>> -> memref<80xi32, #tpu.memory_space<hbm>>
    tpu.wait_dma2 semaphore(%arg18 : memref<!tpu.dma_semaphore, #tpu.memory_space<semaphore_mem>>) src(%dma_wait3A_197 : memref<80xi32, #tpu.memory_space<hbm>>) dst(%arg6 : memref<80xi32, #tpu.memory_space<vmem>>)
    %dma_wait3A_198 = arith.constant 0 : i32
    %dma_wait3A_199 = tpu.memref_slice %arg2[%dma_wait3A_198] : memref<640000xi32, #tpu.memory_space<hbm>> -> memref<80xi32, #tpu.memory_space<hbm>>
    %dma_wait3A_200 = arith.constant 0 : i32
    %dma_wait3A_201 = tpu.memref_slice %arg2[%dma_wait3A_200] : memref<640000xi32, #tpu.memory_space<hbm>> -> memref<80xi32, #tpu.memory_space<hbm>>
    tpu.wait_dma2 semaphore(%arg18 : memref<!tpu.dma_semaphore, #tpu.memory_space<semaphore_mem>>) src(%dma_wait3A_201 : memref<80xi32, #tpu.memory_space<hbm>>) dst(%arg9 : memref<80xi32, #tpu.memory_space<vmem>>)
    %dma_wait3A_202 = arith.constant 0 : i32
    %dma_wait3A_203 = tpu.memref_slice %arg3[%dma_wait3A_202] : memref<320000xf32, #tpu.memory_space<hbm>> -> memref<80xf32, #tpu.memory_space<hbm>>
    %dma_wait3A_204 = arith.constant 0 : i32
    %dma_wait3A_205 = tpu.memref_slice %arg3[%dma_wait3A_204] : memref<320000xf32, #tpu.memory_space<hbm>> -> memref<80xf32, #tpu.memory_space<hbm>>
    tpu.wait_dma2 semaphore(%arg18 : memref<!tpu.dma_semaphore, #tpu.memory_space<semaphore_mem>>) src(%dma_wait3A_205 : memref<80xf32, #tpu.memory_space<hbm>>) dst(%arg12 : memref<80xf32, #tpu.memory_space<vmem>>)
    %dma_wait3A_206 = arith.constant 0 : i32
    %dma_wait3A_207 = arith.constant 0 : i32
    %dma_wait3A_208 = tpu.memref_slice %arg16[%dma_wait3A_206, %dma_wait3A_207] : memref<80x128xf32, #tpu.memory_space<vmem>> -> memref<40x128xf32, #tpu.memory_space<vmem>>
    %dma_wait3A_209 = arith.constant 0 : i32
    %dma_wait3A_210 = tpu.memref_slice %arg10[%dma_wait3A_209] : memref<80xi32, #tpu.memory_space<vmem>> -> memref<40xi32, #tpu.memory_space<vmem>>
    %dma_wait3A_211 = arith.constant 0 : i32
    %dma_wait3A_212 = arith.constant 0 : i32
    %dma_wait3A_213 = tpu.memref_slice %arg17[%dma_wait3A_211, %dma_wait3A_212] : memref<10240x128xf32, #tpu.memory_space<vmem_shared>> -> memref<10240x128xf32, #tpu.memory_space<vmem_shared>>
    tpu.wait_indirect_dma semaphore(%arg20 : memref<!tpu.dma_semaphore, #tpu.memory_space<semaphore_mem>>) src(%dma_wait3A_208 : memref<40x128xf32, #tpu.memory_space<vmem>>) dst(%dma_wait3A_213 : memref<10240x128xf32, #tpu.memory_space<vmem_shared>>)
    %dma_wait3A_214 = arith.constant 40 : i32
    %dma_wait3A_215 = arith.constant 0 : i32
    %dma_wait3A_216 = tpu.memref_slice %arg16[%dma_wait3A_214, %dma_wait3A_215] : memref<80x128xf32, #tpu.memory_space<vmem>> -> memref<40x128xf32, #tpu.memory_space<vmem>>
    %dma_wait3A_217 = arith.constant 40 : i32
    %dma_wait3A_218 = tpu.memref_slice %arg10[%dma_wait3A_217] : memref<80xi32, #tpu.memory_space<vmem>> -> memref<40xi32, #tpu.memory_space<vmem>>
    %dma_wait3A_219 = arith.constant 0 : i32
    %dma_wait3A_220 = arith.constant 0 : i32
    %dma_wait3A_221 = tpu.memref_slice %arg17[%dma_wait3A_219, %dma_wait3A_220] : memref<10240x128xf32, #tpu.memory_space<vmem_shared>> -> memref<10240x128xf32, #tpu.memory_space<vmem_shared>>
    tpu.wait_indirect_dma semaphore(%arg20 : memref<!tpu.dma_semaphore, #tpu.memory_space<semaphore_mem>>) src(%dma_wait3A_216 : memref<40x128xf32, #tpu.memory_space<vmem>>) dst(%dma_wait3A_221 : memref<10240x128xf32, #tpu.memory_space<vmem_shared>>)
    %dma_start3A_222 = arith.constant 0 : i32
    %dma_start3A_223 = arith.constant 0 : i32
    %dma_start3A_224 = tpu.memref_slice %arg4[%dma_start3A_222, %dma_start3A_223] : memref<10000x128xf32, #tpu.memory_space<hbm>> -> memref<10000x128xf32, #tpu.memory_space<hbm>>
    tpu.enqueue_indirect_dma source(%dma_start3A_224 : memref<10000x128xf32, #tpu.memory_space<hbm>>) target(%arg16 : memref<80x128xf32, #tpu.memory_space<vmem>>) offsets(%arg6 : memref<80xi32, #tpu.memory_space<vmem>>) semaphore(%arg19 : memref<!tpu.dma_semaphore, #tpu.memory_space<semaphore_mem>>)
    %add3A_225 = arith.constant 9920 : i32
    %add3A_226 = arith.addi %mul3A_2, %add3A_225 : i32
    %add3A_227 = arith.constant 320000 : i32
    %add3A_228 = arith.addi %add3A_227, %add3A_226 : i32
    %dma_start3A_229 = tpu.memref_slice %arg2[%add3A_228] : memref<640000xi32, #tpu.memory_space<hbm>> -> memref<80xi32, #tpu.memory_space<hbm>>
    %dma_start3A_230 = tpu.memref_slice %arg2[%add3A_228] : memref<640000xi32, #tpu.memory_space<hbm>> -> memref<80xi32, #tpu.memory_space<hbm>>
    tpu.enqueue_dma source(%dma_start3A_230 : memref<80xi32, #tpu.memory_space<hbm>>) target(%arg7 : memref<80xi32, #tpu.memory_space<vmem>>) target_semaphore(%arg18 : memref<!tpu.dma_semaphore, #tpu.memory_space<semaphore_mem>>)
    %dma_start3A_231 = tpu.memref_slice %arg2[%add3A_226] : memref<640000xi32, #tpu.memory_space<hbm>> -> memref<80xi32, #tpu.memory_space<hbm>>
    %dma_start3A_232 = tpu.memref_slice %arg2[%add3A_226] : memref<640000xi32, #tpu.memory_space<hbm>> -> memref<80xi32, #tpu.memory_space<hbm>>
    tpu.enqueue_dma source(%dma_start3A_232 : memref<80xi32, #tpu.memory_space<hbm>>) target(%arg10 : memref<80xi32, #tpu.memory_space<vmem>>) target_semaphore(%arg18 : memref<!tpu.dma_semaphore, #tpu.memory_space<semaphore_mem>>)
    %dma_start3A_233 = tpu.memref_slice %arg3[%add3A_226] : memref<320000xf32, #tpu.memory_space<hbm>> -> memref<80xf32, #tpu.memory_space<hbm>>
    %dma_start3A_234 = tpu.memref_slice %arg3[%add3A_226] : memref<320000xf32, #tpu.memory_space<hbm>> -> memref<80xf32, #tpu.memory_space<hbm>>
    tpu.enqueue_dma source(%dma_start3A_234 : memref<80xf32, #tpu.memory_space<hbm>>) target(%arg13 : memref<80xf32, #tpu.memory_space<vmem>>) target_semaphore(%arg18 : memref<!tpu.dma_semaphore, #tpu.memory_space<semaphore_mem>>)
    %dma_wait3A_235 = arith.constant 0 : i32
    %dma_wait3A_236 = arith.constant 0 : i32
    %dma_wait3A_237 = tpu.memref_slice %arg4[%dma_wait3A_235, %dma_wait3A_236] : memref<10000x128xf32, #tpu.memory_space<hbm>> -> memref<10000x128xf32, #tpu.memory_space<hbm>>
    tpu.wait_indirect_dma semaphore(%arg19 : memref<!tpu.dma_semaphore, #tpu.memory_space<semaphore_mem>>) src(%dma_wait3A_237 : memref<10000x128xf32, #tpu.memory_space<hbm>>) dst(%arg15 : memref<80x128xf32, #tpu.memory_space<vmem>>)
    %parallel_loop3A_238 = arith.constant 0 : i32
    %parallel_loop3A_239 = arith.constant 40 : i32
    %parallel_loop3A_240 = arith.constant 1 : i32
    scf.for %parallel_loop3A_406 = %parallel_loop3A_238 to %parallel_loop3A_239 step %parallel_loop3A_240  : i32 {
      %parallel_loop3A_407 = vector.broadcast %parallel_loop3A_406 : i32 to vector<16xi32>
      %parallel_loop3A_408 = tpu.vector_load_idx %arg14[%parallel_loop3A_407] : memref<80xf32, #tpu.memory_space<vmem>>[vector<16xi32>], vector<16xf32>,
      %parallel_loop3A_409 = arith.index_cast %parallel_loop3A_406 : i32 to index
      %parallel_loop3A_410 = arith.constant 0 : index
      %parallel_loop3A_411 = tpu.vector_load %arg15[%parallel_loop3A_409, %parallel_loop3A_410] {strides = array<i32>} : memref<80x128xf32, #tpu.memory_space<vmem>>, vector<16xf32>,
      %parallel_loop3A_412 = arith.mulf %parallel_loop3A_411, %parallel_loop3A_408 : vector<16xf32>
      %parallel_loop3A_413 = arith.index_cast %parallel_loop3A_406 : i32 to index
      %parallel_loop3A_414 = arith.constant 0 : index
      %parallel_loop3A_415 = tpu.vector_load %arg15[%parallel_loop3A_413, %parallel_loop3A_414] {strides = array<i32>} : memref<80x128xf32, #tpu.memory_space<vmem>>, vector<16xf32>,
      tpu.vector_store %arg15[%parallel_loop3A_413, %parallel_loop3A_414], %parallel_loop3A_412 {strides = array<i32>} : memref<80x128xf32, #tpu.memory_space<vmem>>, vector<16xf32>,
      %parallel_loop3A_416 = arith.index_cast %parallel_loop3A_406 : i32 to index
      %parallel_loop3A_417 = arith.constant 16 : index
      %parallel_loop3A_418 = tpu.vector_load %arg15[%parallel_loop3A_416, %parallel_loop3A_417] {strides = array<i32>} : memref<80x128xf32, #tpu.memory_space<vmem>>, vector<16xf32>,
      %parallel_loop3A_419 = arith.mulf %parallel_loop3A_418, %parallel_loop3A_408 : vector<16xf32>
      %parallel_loop3A_420 = arith.index_cast %parallel_loop3A_406 : i32 to index
      %parallel_loop3A_421 = arith.constant 16 : index
      %parallel_loop3A_422 = tpu.vector_load %arg15[%parallel_loop3A_420, %parallel_loop3A_421] {strides = array<i32>} : memref<80x128xf32, #tpu.memory_space<vmem>>, vector<16xf32>,
      tpu.vector_store %arg15[%parallel_loop3A_420, %parallel_loop3A_421], %parallel_loop3A_419 {strides = array<i32>} : memref<80x128xf32, #tpu.memory_space<vmem>>, vector<16xf32>,
      %parallel_loop3A_423 = arith.index_cast %parallel_loop3A_406 : i32 to index
      %parallel_loop3A_424 = arith.constant 32 : index
      %parallel_loop3A_425 = tpu.vector_load %arg15[%parallel_loop3A_423, %parallel_loop3A_424] {strides = array<i32>} : memref<80x128xf32, #tpu.memory_space<vmem>>, vector<16xf32>,
      %parallel_loop3A_426 = arith.mulf %parallel_loop3A_425, %parallel_loop3A_408 : vector<16xf32>
      %parallel_loop3A_427 = arith.index_cast %parallel_loop3A_406 : i32 to index
      %parallel_loop3A_428 = arith.constant 32 : index
      %parallel_loop3A_429 = tpu.vector_load %arg15[%parallel_loop3A_427, %parallel_loop3A_428] {strides = array<i32>} : memref<80x128xf32, #tpu.memory_space<vmem>>, vector<16xf32>,
      tpu.vector_store %arg15[%parallel_loop3A_427, %parallel_loop3A_428], %parallel_loop3A_426 {strides = array<i32>} : memref<80x128xf32, #tpu.memory_space<vmem>>, vector<16xf32>,
      %parallel_loop3A_430 = arith.index_cast %parallel_loop3A_406 : i32 to index
      %parallel_loop3A_431 = arith.constant 48 : index
      %parallel_loop3A_432 = tpu.vector_load %arg15[%parallel_loop3A_430, %parallel_loop3A_431] {strides = array<i32>} : memref<80x128xf32, #tpu.memory_space<vmem>>, vector<16xf32>,
      %parallel_loop3A_433 = arith.mulf %parallel_loop3A_432, %parallel_loop3A_408 : vector<16xf32>
      %parallel_loop3A_434 = arith.index_cast %parallel_loop3A_406 : i32 to index
      %parallel_loop3A_435 = arith.constant 48 : index
      %parallel_loop3A_436 = tpu.vector_load %arg15[%parallel_loop3A_434, %parallel_loop3A_435] {strides = array<i32>} : memref<80x128xf32, #tpu.memory_space<vmem>>, vector<16xf32>,
      tpu.vector_store %arg15[%parallel_loop3A_434, %parallel_loop3A_435], %parallel_loop3A_433 {strides = array<i32>} : memref<80x128xf32, #tpu.memory_space<vmem>>, vector<16xf32>,
      %parallel_loop3A_437 = arith.index_cast %parallel_loop3A_406 : i32 to index
      %parallel_loop3A_438 = arith.constant 64 : index
      %parallel_loop3A_439 = tpu.vector_load %arg15[%parallel_loop3A_437, %parallel_loop3A_438] {strides = array<i32>} : memref<80x128xf32, #tpu.memory_space<vmem>>, vector<16xf32>,
      %parallel_loop3A_440 = arith.mulf %parallel_loop3A_439, %parallel_loop3A_408 : vector<16xf32>
      %parallel_loop3A_441 = arith.index_cast %parallel_loop3A_406 : i32 to index
      %parallel_loop3A_442 = arith.constant 64 : index
      %parallel_loop3A_443 = tpu.vector_load %arg15[%parallel_loop3A_441, %parallel_loop3A_442] {strides = array<i32>} : memref<80x128xf32, #tpu.memory_space<vmem>>, vector<16xf32>,
      tpu.vector_store %arg15[%parallel_loop3A_441, %parallel_loop3A_442], %parallel_loop3A_440 {strides = array<i32>} : memref<80x128xf32, #tpu.memory_space<vmem>>, vector<16xf32>,
      %parallel_loop3A_444 = arith.index_cast %parallel_loop3A_406 : i32 to index
      %parallel_loop3A_445 = arith.constant 80 : index
      %parallel_loop3A_446 = tpu.vector_load %arg15[%parallel_loop3A_444, %parallel_loop3A_445] {strides = array<i32>} : memref<80x128xf32, #tpu.memory_space<vmem>>, vector<16xf32>,
      %parallel_loop3A_447 = arith.mulf %parallel_loop3A_446, %parallel_loop3A_408 : vector<16xf32>
      %parallel_loop3A_448 = arith.index_cast %parallel_loop3A_406 : i32 to index
      %parallel_loop3A_449 = arith.constant 80 : index
      %parallel_loop3A_450 = tpu.vector_load %arg15[%parallel_loop3A_448, %parallel_loop3A_449] {strides = array<i32>} : memref<80x128xf32, #tpu.memory_space<vmem>>, vector<16xf32>,
      tpu.vector_store %arg15[%parallel_loop3A_448, %parallel_loop3A_449], %parallel_loop3A_447 {strides = array<i32>} : memref<80x128xf32, #tpu.memory_space<vmem>>, vector<16xf32>,
      %parallel_loop3A_451 = arith.index_cast %parallel_loop3A_406 : i32 to index
      %parallel_loop3A_452 = arith.constant 96 : index
      %parallel_loop3A_453 = tpu.vector_load %arg15[%parallel_loop3A_451, %parallel_loop3A_452] {strides = array<i32>} : memref<80x128xf32, #tpu.memory_space<vmem>>, vector<16xf32>,
      %parallel_loop3A_454 = arith.mulf %parallel_loop3A_453, %parallel_loop3A_408 : vector<16xf32>
      %parallel_loop3A_455 = arith.index_cast %parallel_loop3A_406 : i32 to index
      %parallel_loop3A_456 = arith.constant 96 : index
      %parallel_loop3A_457 = tpu.vector_load %arg15[%parallel_loop3A_455, %parallel_loop3A_456] {strides = array<i32>} : memref<80x128xf32, #tpu.memory_space<vmem>>, vector<16xf32>,
      tpu.vector_store %arg15[%parallel_loop3A_455, %parallel_loop3A_456], %parallel_loop3A_454 {strides = array<i32>} : memref<80x128xf32, #tpu.memory_space<vmem>>, vector<16xf32>,
      %parallel_loop3A_458 = arith.index_cast %parallel_loop3A_406 : i32 to index
      %parallel_loop3A_459 = arith.constant 112 : index
      %parallel_loop3A_460 = tpu.vector_load %arg15[%parallel_loop3A_458, %parallel_loop3A_459] {strides = array<i32>} : memref<80x128xf32, #tpu.memory_space<vmem>>, vector<16xf32>,
      %parallel_loop3A_461 = arith.mulf %parallel_loop3A_460, %parallel_loop3A_408 : vector<16xf32>
      %parallel_loop3A_462 = arith.index_cast %parallel_loop3A_406 : i32 to index
      %parallel_loop3A_463 = arith.constant 112 : index
      %parallel_loop3A_464 = tpu.vector_load %arg15[%parallel_loop3A_462, %parallel_loop3A_463] {strides = array<i32>} : memref<80x128xf32, #tpu.memory_space<vmem>>, vector<16xf32>,
      tpu.vector_store %arg15[%parallel_loop3A_462, %parallel_loop3A_463], %parallel_loop3A_461 {strides = array<i32>} : memref<80x128xf32, #tpu.memory_space<vmem>>, vector<16xf32>,
    } {sc.loop_unroll_factor = 2 : i64, sc.parallel_access}
    %dma_start3A_241 = arith.constant 0 : i32
    %dma_start3A_242 = arith.constant 0 : i32
    %dma_start3A_243 = tpu.memref_slice %arg15[%dma_start3A_241, %dma_start3A_242] : memref<80x128xf32, #tpu.memory_space<vmem>> -> memref<40x128xf32, #tpu.memory_space<vmem>>
    %dma_start3A_244 = arith.constant 0 : i32
    %dma_start3A_245 = tpu.memref_slice %arg11[%dma_start3A_244] : memref<80xi32, #tpu.memory_space<vmem>> -> memref<40xi32, #tpu.memory_space<vmem>>
    %dma_start3A_246 = arith.constant 0 : i32
    %dma_start3A_247 = arith.constant 0 : i32
    %dma_start3A_248 = tpu.memref_slice %arg17[%dma_start3A_246, %dma_start3A_247] : memref<10240x128xf32, #tpu.memory_space<vmem_shared>> -> memref<10240x128xf32, #tpu.memory_space<vmem_shared>>
    tpu.enqueue_indirect_dma source(%dma_start3A_243 : memref<40x128xf32, #tpu.memory_space<vmem>>) target(%dma_start3A_248 : memref<10240x128xf32, #tpu.memory_space<vmem_shared>>) offsets(%dma_start3A_245 : memref<40xi32, #tpu.memory_space<vmem>>) semaphore(%arg20 : memref<!tpu.dma_semaphore, #tpu.memory_space<semaphore_mem>>) {add = true}
    %parallel_loop3A_249 = arith.constant 40 : i32
    %parallel_loop3A_250 = arith.constant 80 : i32
    %parallel_loop3A_251 = arith.constant 1 : i32
    scf.for %parallel_loop3A_406 = %parallel_loop3A_249 to %parallel_loop3A_250 step %parallel_loop3A_251  : i32 {
      %parallel_loop3A_407 = vector.broadcast %parallel_loop3A_406 : i32 to vector<16xi32>
      %parallel_loop3A_408 = tpu.vector_load_idx %arg14[%parallel_loop3A_407] : memref<80xf32, #tpu.memory_space<vmem>>[vector<16xi32>], vector<16xf32>,
      %parallel_loop3A_409 = arith.index_cast %parallel_loop3A_406 : i32 to index
      %parallel_loop3A_410 = arith.constant 0 : index
      %parallel_loop3A_411 = tpu.vector_load %arg15[%parallel_loop3A_409, %parallel_loop3A_410] {strides = array<i32>} : memref<80x128xf32, #tpu.memory_space<vmem>>, vector<16xf32>,
      %parallel_loop3A_412 = arith.mulf %parallel_loop3A_411, %parallel_loop3A_408 : vector<16xf32>
      %parallel_loop3A_413 = arith.index_cast %parallel_loop3A_406 : i32 to index
      %parallel_loop3A_414 = arith.constant 0 : index
      %parallel_loop3A_415 = tpu.vector_load %arg15[%parallel_loop3A_413, %parallel_loop3A_414] {strides = array<i32>} : memref<80x128xf32, #tpu.memory_space<vmem>>, vector<16xf32>,
      tpu.vector_store %arg15[%parallel_loop3A_413, %parallel_loop3A_414], %parallel_loop3A_412 {strides = array<i32>} : memref<80x128xf32, #tpu.memory_space<vmem>>, vector<16xf32>,
      %parallel_loop3A_416 = arith.index_cast %parallel_loop3A_406 : i32 to index
      %parallel_loop3A_417 = arith.constant 16 : index
      %parallel_loop3A_418 = tpu.vector_load %arg15[%parallel_loop3A_416, %parallel_loop3A_417] {strides = array<i32>} : memref<80x128xf32, #tpu.memory_space<vmem>>, vector<16xf32>,
      %parallel_loop3A_419 = arith.mulf %parallel_loop3A_418, %parallel_loop3A_408 : vector<16xf32>
      %parallel_loop3A_420 = arith.index_cast %parallel_loop3A_406 : i32 to index
      %parallel_loop3A_421 = arith.constant 16 : index
      %parallel_loop3A_422 = tpu.vector_load %arg15[%parallel_loop3A_420, %parallel_loop3A_421] {strides = array<i32>} : memref<80x128xf32, #tpu.memory_space<vmem>>, vector<16xf32>,
      tpu.vector_store %arg15[%parallel_loop3A_420, %parallel_loop3A_421], %parallel_loop3A_419 {strides = array<i32>} : memref<80x128xf32, #tpu.memory_space<vmem>>, vector<16xf32>,
      %parallel_loop3A_423 = arith.index_cast %parallel_loop3A_406 : i32 to index
      %parallel_loop3A_424 = arith.constant 32 : index
      %parallel_loop3A_425 = tpu.vector_load %arg15[%parallel_loop3A_423, %parallel_loop3A_424] {strides = array<i32>} : memref<80x128xf32, #tpu.memory_space<vmem>>, vector<16xf32>,
      %parallel_loop3A_426 = arith.mulf %parallel_loop3A_425, %parallel_loop3A_408 : vector<16xf32>
      %parallel_loop3A_427 = arith.index_cast %parallel_loop3A_406 : i32 to index
      %parallel_loop3A_428 = arith.constant 32 : index
      %parallel_loop3A_429 = tpu.vector_load %arg15[%parallel_loop3A_427, %parallel_loop3A_428] {strides = array<i32>} : memref<80x128xf32, #tpu.memory_space<vmem>>, vector<16xf32>,
      tpu.vector_store %arg15[%parallel_loop3A_427, %parallel_loop3A_428], %parallel_loop3A_426 {strides = array<i32>} : memref<80x128xf32, #tpu.memory_space<vmem>>, vector<16xf32>,
      %parallel_loop3A_430 = arith.index_cast %parallel_loop3A_406 : i32 to index
      %parallel_loop3A_431 = arith.constant 48 : index
      %parallel_loop3A_432 = tpu.vector_load %arg15[%parallel_loop3A_430, %parallel_loop3A_431] {strides = array<i32>} : memref<80x128xf32, #tpu.memory_space<vmem>>, vector<16xf32>,
      %parallel_loop3A_433 = arith.mulf %parallel_loop3A_432, %parallel_loop3A_408 : vector<16xf32>
      %parallel_loop3A_434 = arith.index_cast %parallel_loop3A_406 : i32 to index
      %parallel_loop3A_435 = arith.constant 48 : index
      %parallel_loop3A_436 = tpu.vector_load %arg15[%parallel_loop3A_434, %parallel_loop3A_435] {strides = array<i32>} : memref<80x128xf32, #tpu.memory_space<vmem>>, vector<16xf32>,
      tpu.vector_store %arg15[%parallel_loop3A_434, %parallel_loop3A_435], %parallel_loop3A_433 {strides = array<i32>} : memref<80x128xf32, #tpu.memory_space<vmem>>, vector<16xf32>,
      %parallel_loop3A_437 = arith.index_cast %parallel_loop3A_406 : i32 to index
      %parallel_loop3A_438 = arith.constant 64 : index
      %parallel_loop3A_439 = tpu.vector_load %arg15[%parallel_loop3A_437, %parallel_loop3A_438] {strides = array<i32>} : memref<80x128xf32, #tpu.memory_space<vmem>>, vector<16xf32>,
      %parallel_loop3A_440 = arith.mulf %parallel_loop3A_439, %parallel_loop3A_408 : vector<16xf32>
      %parallel_loop3A_441 = arith.index_cast %parallel_loop3A_406 : i32 to index
      %parallel_loop3A_442 = arith.constant 64 : index
      %parallel_loop3A_443 = tpu.vector_load %arg15[%parallel_loop3A_441, %parallel_loop3A_442] {strides = array<i32>} : memref<80x128xf32, #tpu.memory_space<vmem>>, vector<16xf32>,
      tpu.vector_store %arg15[%parallel_loop3A_441, %parallel_loop3A_442], %parallel_loop3A_440 {strides = array<i32>} : memref<80x128xf32, #tpu.memory_space<vmem>>, vector<16xf32>,
      %parallel_loop3A_444 = arith.index_cast %parallel_loop3A_406 : i32 to index
      %parallel_loop3A_445 = arith.constant 80 : index
      %parallel_loop3A_446 = tpu.vector_load %arg15[%parallel_loop3A_444, %parallel_loop3A_445] {strides = array<i32>} : memref<80x128xf32, #tpu.memory_space<vmem>>, vector<16xf32>,
      %parallel_loop3A_447 = arith.mulf %parallel_loop3A_446, %parallel_loop3A_408 : vector<16xf32>
      %parallel_loop3A_448 = arith.index_cast %parallel_loop3A_406 : i32 to index
      %parallel_loop3A_449 = arith.constant 80 : index
      %parallel_loop3A_450 = tpu.vector_load %arg15[%parallel_loop3A_448, %parallel_loop3A_449] {strides = array<i32>} : memref<80x128xf32, #tpu.memory_space<vmem>>, vector<16xf32>,
      tpu.vector_store %arg15[%parallel_loop3A_448, %parallel_loop3A_449], %parallel_loop3A_447 {strides = array<i32>} : memref<80x128xf32, #tpu.memory_space<vmem>>, vector<16xf32>,
      %parallel_loop3A_451 = arith.index_cast %parallel_loop3A_406 : i32 to index
      %parallel_loop3A_452 = arith.constant 96 : index
      %parallel_loop3A_453 = tpu.vector_load %arg15[%parallel_loop3A_451, %parallel_loop3A_452] {strides = array<i32>} : memref<80x128xf32, #tpu.memory_space<vmem>>, vector<16xf32>,
      %parallel_loop3A_454 = arith.mulf %parallel_loop3A_453, %parallel_loop3A_408 : vector<16xf32>
      %parallel_loop3A_455 = arith.index_cast %parallel_loop3A_406 : i32 to index
      %parallel_loop3A_456 = arith.constant 96 : index
      %parallel_loop3A_457 = tpu.vector_load %arg15[%parallel_loop3A_455, %parallel_loop3A_456] {strides = array<i32>} : memref<80x128xf32, #tpu.memory_space<vmem>>, vector<16xf32>,
      tpu.vector_store %arg15[%parallel_loop3A_455, %parallel_loop3A_456], %parallel_loop3A_454 {strides = array<i32>} : memref<80x128xf32, #tpu.memory_space<vmem>>, vector<16xf32>,
      %parallel_loop3A_458 = arith.index_cast %parallel_loop3A_406 : i32 to index
      %parallel_loop3A_459 = arith.constant 112 : index
      %parallel_loop3A_460 = tpu.vector_load %arg15[%parallel_loop3A_458, %parallel_loop3A_459] {strides = array<i32>} : memref<80x128xf32, #tpu.memory_space<vmem>>, vector<16xf32>,
      %parallel_loop3A_461 = arith.mulf %parallel_loop3A_460, %parallel_loop3A_408 : vector<16xf32>
      %parallel_loop3A_462 = arith.index_cast %parallel_loop3A_406 : i32 to index
      %parallel_loop3A_463 = arith.constant 112 : index
      %parallel_loop3A_464 = tpu.vector_load %arg15[%parallel_loop3A_462, %parallel_loop3A_463] {strides = array<i32>} : memref<80x128xf32, #tpu.memory_space<vmem>>, vector<16xf32>,
      tpu.vector_store %arg15[%parallel_loop3A_462, %parallel_loop3A_463], %parallel_loop3A_461 {strides = array<i32>} : memref<80x128xf32, #tpu.memory_space<vmem>>, vector<16xf32>,
    } {sc.loop_unroll_factor = 2 : i64, sc.parallel_access}
    %dma_start3A_252 = arith.constant 40 : i32
    %dma_start3A_253 = arith.constant 0 : i32
    %dma_start3A_254 = tpu.memref_slice %arg15[%dma_start3A_252, %dma_start3A_253] : memref<80x128xf32, #tpu.memory_space<vmem>> -> memref<40x128xf32, #tpu.memory_space<vmem>>
    %dma_start3A_255 = arith.constant 40 : i32
    %dma_start3A_256 = tpu.memref_slice %arg11[%dma_start3A_255] : memref<80xi32, #tpu.memory_space<vmem>> -> memref<40xi32, #tpu.memory_space<vmem>>
    %dma_start3A_257 = arith.constant 0 : i32
    %dma_start3A_258 = arith.constant 0 : i32
    %dma_start3A_259 = tpu.memref_slice %arg17[%dma_start3A_257, %dma_start3A_258] : memref<10240x128xf32, #tpu.memory_space<vmem_shared>> -> memref<10240x128xf32, #tpu.memory_space<vmem_shared>>
    tpu.enqueue_indirect_dma source(%dma_start3A_254 : memref<40x128xf32, #tpu.memory_space<vmem>>) target(%dma_start3A_259 : memref<10240x128xf32, #tpu.memory_space<vmem_shared>>) offsets(%dma_start3A_256 : memref<40xi32, #tpu.memory_space<vmem>>) semaphore(%arg20 : memref<!tpu.dma_semaphore, #tpu.memory_space<semaphore_mem>>) {add = true}
    %dma_wait3A_260 = arith.constant 0 : i32
    %dma_wait3A_261 = tpu.memref_slice %arg2[%dma_wait3A_260] : memref<640000xi32, #tpu.memory_space<hbm>> -> memref<80xi32, #tpu.memory_space<hbm>>
    %dma_wait3A_262 = arith.constant 0 : i32
    %dma_wait3A_263 = tpu.memref_slice %arg2[%dma_wait3A_262] : memref<640000xi32, #tpu.memory_space<hbm>> -> memref<80xi32, #tpu.memory_space<hbm>>
    tpu.wait_dma2 semaphore(%arg18 : memref<!tpu.dma_semaphore, #tpu.memory_space<semaphore_mem>>) src(%dma_wait3A_263 : memref<80xi32, #tpu.memory_space<hbm>>) dst(%arg7 : memref<80xi32, #tpu.memory_space<vmem>>)
    %dma_wait3A_264 = arith.constant 0 : i32
    %dma_wait3A_265 = tpu.memref_slice %arg2[%dma_wait3A_264] : memref<640000xi32, #tpu.memory_space<hbm>> -> memref<80xi32, #tpu.memory_space<hbm>>
    %dma_wait3A_266 = arith.constant 0 : i32
    %dma_wait3A_267 = tpu.memref_slice %arg2[%dma_wait3A_266] : memref<640000xi32, #tpu.memory_space<hbm>> -> memref<80xi32, #tpu.memory_space<hbm>>
    tpu.wait_dma2 semaphore(%arg18 : memref<!tpu.dma_semaphore, #tpu.memory_space<semaphore_mem>>) src(%dma_wait3A_267 : memref<80xi32, #tpu.memory_space<hbm>>) dst(%arg10 : memref<80xi32, #tpu.memory_space<vmem>>)
    %dma_wait3A_268 = arith.constant 0 : i32
    %dma_wait3A_269 = tpu.memref_slice %arg3[%dma_wait3A_268] : memref<320000xf32, #tpu.memory_space<hbm>> -> memref<80xf32, #tpu.memory_space<hbm>>
    %dma_wait3A_270 = arith.constant 0 : i32
    %dma_wait3A_271 = tpu.memref_slice %arg3[%dma_wait3A_270] : memref<320000xf32, #tpu.memory_space<hbm>> -> memref<80xf32, #tpu.memory_space<hbm>>
    tpu.wait_dma2 semaphore(%arg18 : memref<!tpu.dma_semaphore, #tpu.memory_space<semaphore_mem>>) src(%dma_wait3A_271 : memref<80xf32, #tpu.memory_space<hbm>>) dst(%arg13 : memref<80xf32, #tpu.memory_space<vmem>>)
    %dma_wait3A_272 = arith.constant 0 : i32
    %dma_wait3A_273 = arith.constant 0 : i32
    %dma_wait3A_274 = tpu.memref_slice %arg15[%dma_wait3A_272, %dma_wait3A_273] : memref<80x128xf32, #tpu.memory_space<vmem>> -> memref<40x128xf32, #tpu.memory_space<vmem>>
    %dma_wait3A_275 = arith.constant 0 : i32
    %dma_wait3A_276 = tpu.memref_slice %arg11[%dma_wait3A_275] : memref<80xi32, #tpu.memory_space<vmem>> -> memref<40xi32, #tpu.memory_space<vmem>>
    %dma_wait3A_277 = arith.constant 0 : i32
    %dma_wait3A_278 = arith.constant 0 : i32
    %dma_wait3A_279 = tpu.memref_slice %arg17[%dma_wait3A_277, %dma_wait3A_278] : memref<10240x128xf32, #tpu.memory_space<vmem_shared>> -> memref<10240x128xf32, #tpu.memory_space<vmem_shared>>
    tpu.wait_indirect_dma semaphore(%arg20 : memref<!tpu.dma_semaphore, #tpu.memory_space<semaphore_mem>>) src(%dma_wait3A_274 : memref<40x128xf32, #tpu.memory_space<vmem>>) dst(%dma_wait3A_279 : memref<10240x128xf32, #tpu.memory_space<vmem_shared>>)
    %dma_wait3A_280 = arith.constant 40 : i32
    %dma_wait3A_281 = arith.constant 0 : i32
    %dma_wait3A_282 = tpu.memref_slice %arg15[%dma_wait3A_280, %dma_wait3A_281] : memref<80x128xf32, #tpu.memory_space<vmem>> -> memref<40x128xf32, #tpu.memory_space<vmem>>
    %dma_wait3A_283 = arith.constant 40 : i32
    %dma_wait3A_284 = tpu.memref_slice %arg11[%dma_wait3A_283] : memref<80xi32, #tpu.memory_space<vmem>> -> memref<40xi32, #tpu.memory_space<vmem>>
    %dma_wait3A_285 = arith.constant 0 : i32
    %dma_wait3A_286 = arith.constant 0 : i32
    %dma_wait3A_287 = tpu.memref_slice %arg17[%dma_wait3A_285, %dma_wait3A_286] : memref<10240x128xf32, #tpu.memory_space<vmem_shared>> -> memref<10240x128xf32, #tpu.memory_space<vmem_shared>>
    tpu.wait_indirect_dma semaphore(%arg20 : memref<!tpu.dma_semaphore, #tpu.memory_space<semaphore_mem>>) src(%dma_wait3A_282 : memref<40x128xf32, #tpu.memory_space<vmem>>) dst(%dma_wait3A_287 : memref<10240x128xf32, #tpu.memory_space<vmem_shared>>)
    %dma_start3A_288 = arith.constant 0 : i32
    %dma_start3A_289 = arith.constant 0 : i32
    %dma_start3A_290 = tpu.memref_slice %arg4[%dma_start3A_288, %dma_start3A_289] : memref<10000x128xf32, #tpu.memory_space<hbm>> -> memref<10000x128xf32, #tpu.memory_space<hbm>>
    tpu.enqueue_indirect_dma source(%dma_start3A_290 : memref<10000x128xf32, #tpu.memory_space<hbm>>) target(%arg15 : memref<80x128xf32, #tpu.memory_space<vmem>>) offsets(%arg7 : memref<80xi32, #tpu.memory_space<vmem>>) semaphore(%arg19 : memref<!tpu.dma_semaphore, #tpu.memory_space<semaphore_mem>>)
    %dma_wait3A_291 = arith.constant 0 : i32
    %dma_wait3A_292 = arith.constant 0 : i32
    %dma_wait3A_293 = tpu.memref_slice %arg4[%dma_wait3A_291, %dma_wait3A_292] : memref<10000x128xf32, #tpu.memory_space<hbm>> -> memref<10000x128xf32, #tpu.memory_space<hbm>>
    tpu.wait_indirect_dma semaphore(%arg19 : memref<!tpu.dma_semaphore, #tpu.memory_space<semaphore_mem>>) src(%dma_wait3A_293 : memref<10000x128xf32, #tpu.memory_space<hbm>>) dst(%arg16 : memref<80x128xf32, #tpu.memory_space<vmem>>)
    %parallel_loop3A_294 = arith.constant 0 : i32
    %parallel_loop3A_295 = arith.constant 40 : i32
    %parallel_loop3A_296 = arith.constant 1 : i32
    scf.for %parallel_loop3A_406 = %parallel_loop3A_294 to %parallel_loop3A_295 step %parallel_loop3A_296  : i32 {
      %parallel_loop3A_407 = vector.broadcast %parallel_loop3A_406 : i32 to vector<16xi32>
      %parallel_loop3A_408 = tpu.vector_load_idx %arg12[%parallel_loop3A_407] : memref<80xf32, #tpu.memory_space<vmem>>[vector<16xi32>], vector<16xf32>,
      %parallel_loop3A_409 = arith.index_cast %parallel_loop3A_406 : i32 to index
      %parallel_loop3A_410 = arith.constant 0 : index
      %parallel_loop3A_411 = tpu.vector_load %arg16[%parallel_loop3A_409, %parallel_loop3A_410] {strides = array<i32>} : memref<80x128xf32, #tpu.memory_space<vmem>>, vector<16xf32>,
      %parallel_loop3A_412 = arith.mulf %parallel_loop3A_411, %parallel_loop3A_408 : vector<16xf32>
      %parallel_loop3A_413 = arith.index_cast %parallel_loop3A_406 : i32 to index
      %parallel_loop3A_414 = arith.constant 0 : index
      %parallel_loop3A_415 = tpu.vector_load %arg16[%parallel_loop3A_413, %parallel_loop3A_414] {strides = array<i32>} : memref<80x128xf32, #tpu.memory_space<vmem>>, vector<16xf32>,
      tpu.vector_store %arg16[%parallel_loop3A_413, %parallel_loop3A_414], %parallel_loop3A_412 {strides = array<i32>} : memref<80x128xf32, #tpu.memory_space<vmem>>, vector<16xf32>,
      %parallel_loop3A_416 = arith.index_cast %parallel_loop3A_406 : i32 to index
      %parallel_loop3A_417 = arith.constant 16 : index
      %parallel_loop3A_418 = tpu.vector_load %arg16[%parallel_loop3A_416, %parallel_loop3A_417] {strides = array<i32>} : memref<80x128xf32, #tpu.memory_space<vmem>>, vector<16xf32>,
      %parallel_loop3A_419 = arith.mulf %parallel_loop3A_418, %parallel_loop3A_408 : vector<16xf32>
      %parallel_loop3A_420 = arith.index_cast %parallel_loop3A_406 : i32 to index
      %parallel_loop3A_421 = arith.constant 16 : index
      %parallel_loop3A_422 = tpu.vector_load %arg16[%parallel_loop3A_420, %parallel_loop3A_421] {strides = array<i32>} : memref<80x128xf32, #tpu.memory_space<vmem>>, vector<16xf32>,
      tpu.vector_store %arg16[%parallel_loop3A_420, %parallel_loop3A_421], %parallel_loop3A_419 {strides = array<i32>} : memref<80x128xf32, #tpu.memory_space<vmem>>, vector<16xf32>,
      %parallel_loop3A_423 = arith.index_cast %parallel_loop3A_406 : i32 to index
      %parallel_loop3A_424 = arith.constant 32 : index
      %parallel_loop3A_425 = tpu.vector_load %arg16[%parallel_loop3A_423, %parallel_loop3A_424] {strides = array<i32>} : memref<80x128xf32, #tpu.memory_space<vmem>>, vector<16xf32>,
      %parallel_loop3A_426 = arith.mulf %parallel_loop3A_425, %parallel_loop3A_408 : vector<16xf32>
      %parallel_loop3A_427 = arith.index_cast %parallel_loop3A_406 : i32 to index
      %parallel_loop3A_428 = arith.constant 32 : index
      %parallel_loop3A_429 = tpu.vector_load %arg16[%parallel_loop3A_427, %parallel_loop3A_428] {strides = array<i32>} : memref<80x128xf32, #tpu.memory_space<vmem>>, vector<16xf32>,
      tpu.vector_store %arg16[%parallel_loop3A_427, %parallel_loop3A_428], %parallel_loop3A_426 {strides = array<i32>} : memref<80x128xf32, #tpu.memory_space<vmem>>, vector<16xf32>,
      %parallel_loop3A_430 = arith.index_cast %parallel_loop3A_406 : i32 to index
      %parallel_loop3A_431 = arith.constant 48 : index
      %parallel_loop3A_432 = tpu.vector_load %arg16[%parallel_loop3A_430, %parallel_loop3A_431] {strides = array<i32>} : memref<80x128xf32, #tpu.memory_space<vmem>>, vector<16xf32>,
      %parallel_loop3A_433 = arith.mulf %parallel_loop3A_432, %parallel_loop3A_408 : vector<16xf32>
      %parallel_loop3A_434 = arith.index_cast %parallel_loop3A_406 : i32 to index
      %parallel_loop3A_435 = arith.constant 48 : index
      %parallel_loop3A_436 = tpu.vector_load %arg16[%parallel_loop3A_434, %parallel_loop3A_435] {strides = array<i32>} : memref<80x128xf32, #tpu.memory_space<vmem>>, vector<16xf32>,
      tpu.vector_store %arg16[%parallel_loop3A_434, %parallel_loop3A_435], %parallel_loop3A_433 {strides = array<i32>} : memref<80x128xf32, #tpu.memory_space<vmem>>, vector<16xf32>,
      %parallel_loop3A_437 = arith.index_cast %parallel_loop3A_406 : i32 to index
      %parallel_loop3A_438 = arith.constant 64 : index
      %parallel_loop3A_439 = tpu.vector_load %arg16[%parallel_loop3A_437, %parallel_loop3A_438] {strides = array<i32>} : memref<80x128xf32, #tpu.memory_space<vmem>>, vector<16xf32>,
      %parallel_loop3A_440 = arith.mulf %parallel_loop3A_439, %parallel_loop3A_408 : vector<16xf32>
      %parallel_loop3A_441 = arith.index_cast %parallel_loop3A_406 : i32 to index
      %parallel_loop3A_442 = arith.constant 64 : index
      %parallel_loop3A_443 = tpu.vector_load %arg16[%parallel_loop3A_441, %parallel_loop3A_442] {strides = array<i32>} : memref<80x128xf32, #tpu.memory_space<vmem>>, vector<16xf32>,
      tpu.vector_store %arg16[%parallel_loop3A_441, %parallel_loop3A_442], %parallel_loop3A_440 {strides = array<i32>} : memref<80x128xf32, #tpu.memory_space<vmem>>, vector<16xf32>,
      %parallel_loop3A_444 = arith.index_cast %parallel_loop3A_406 : i32 to index
      %parallel_loop3A_445 = arith.constant 80 : index
      %parallel_loop3A_446 = tpu.vector_load %arg16[%parallel_loop3A_444, %parallel_loop3A_445] {strides = array<i32>} : memref<80x128xf32, #tpu.memory_space<vmem>>, vector<16xf32>,
      %parallel_loop3A_447 = arith.mulf %parallel_loop3A_446, %parallel_loop3A_408 : vector<16xf32>
      %parallel_loop3A_448 = arith.index_cast %parallel_loop3A_406 : i32 to index
      %parallel_loop3A_449 = arith.constant 80 : index
      %parallel_loop3A_450 = tpu.vector_load %arg16[%parallel_loop3A_448, %parallel_loop3A_449] {strides = array<i32>} : memref<80x128xf32, #tpu.memory_space<vmem>>, vector<16xf32>,
      tpu.vector_store %arg16[%parallel_loop3A_448, %parallel_loop3A_449], %parallel_loop3A_447 {strides = array<i32>} : memref<80x128xf32, #tpu.memory_space<vmem>>, vector<16xf32>,
      %parallel_loop3A_451 = arith.index_cast %parallel_loop3A_406 : i32 to index
      %parallel_loop3A_452 = arith.constant 96 : index
      %parallel_loop3A_453 = tpu.vector_load %arg16[%parallel_loop3A_451, %parallel_loop3A_452] {strides = array<i32>} : memref<80x128xf32, #tpu.memory_space<vmem>>, vector<16xf32>,
      %parallel_loop3A_454 = arith.mulf %parallel_loop3A_453, %parallel_loop3A_408 : vector<16xf32>
      %parallel_loop3A_455 = arith.index_cast %parallel_loop3A_406 : i32 to index
      %parallel_loop3A_456 = arith.constant 96 : index
      %parallel_loop3A_457 = tpu.vector_load %arg16[%parallel_loop3A_455, %parallel_loop3A_456] {strides = array<i32>} : memref<80x128xf32, #tpu.memory_space<vmem>>, vector<16xf32>,
      tpu.vector_store %arg16[%parallel_loop3A_455, %parallel_loop3A_456], %parallel_loop3A_454 {strides = array<i32>} : memref<80x128xf32, #tpu.memory_space<vmem>>, vector<16xf32>,
      %parallel_loop3A_458 = arith.index_cast %parallel_loop3A_406 : i32 to index
      %parallel_loop3A_459 = arith.constant 112 : index
      %parallel_loop3A_460 = tpu.vector_load %arg16[%parallel_loop3A_458, %parallel_loop3A_459] {strides = array<i32>} : memref<80x128xf32, #tpu.memory_space<vmem>>, vector<16xf32>,
      %parallel_loop3A_461 = arith.mulf %parallel_loop3A_460, %parallel_loop3A_408 : vector<16xf32>
      %parallel_loop3A_462 = arith.index_cast %parallel_loop3A_406 : i32 to index
      %parallel_loop3A_463 = arith.constant 112 : index
      %parallel_loop3A_464 = tpu.vector_load %arg16[%parallel_loop3A_462, %parallel_loop3A_463] {strides = array<i32>} : memref<80x128xf32, #tpu.memory_space<vmem>>, vector<16xf32>,
      tpu.vector_store %arg16[%parallel_loop3A_462, %parallel_loop3A_463], %parallel_loop3A_461 {strides = array<i32>} : memref<80x128xf32, #tpu.memory_space<vmem>>, vector<16xf32>,
    } {sc.loop_unroll_factor = 2 : i64, sc.parallel_access}
    %dma_start3A_297 = arith.constant 0 : i32
    %dma_start3A_298 = arith.constant 0 : i32
    %dma_start3A_299 = tpu.memref_slice %arg16[%dma_start3A_297, %dma_start3A_298] : memref<80x128xf32, #tpu.memory_space<vmem>> -> memref<40x128xf32, #tpu.memory_space<vmem>>
    %dma_start3A_300 = arith.constant 0 : i32
    %dma_start3A_301 = tpu.memref_slice %arg9[%dma_start3A_300] : memref<80xi32, #tpu.memory_space<vmem>> -> memref<40xi32, #tpu.memory_space<vmem>>
    %dma_start3A_302 = arith.constant 0 : i32
    %dma_start3A_303 = arith.constant 0 : i32
    %dma_start3A_304 = tpu.memref_slice %arg17[%dma_start3A_302, %dma_start3A_303] : memref<10240x128xf32, #tpu.memory_space<vmem_shared>> -> memref<10240x128xf32, #tpu.memory_space<vmem_shared>>
    tpu.enqueue_indirect_dma source(%dma_start3A_299 : memref<40x128xf32, #tpu.memory_space<vmem>>) target(%dma_start3A_304 : memref<10240x128xf32, #tpu.memory_space<vmem_shared>>) offsets(%dma_start3A_301 : memref<40xi32, #tpu.memory_space<vmem>>) semaphore(%arg20 : memref<!tpu.dma_semaphore, #tpu.memory_space<semaphore_mem>>) {add = true}
    %parallel_loop3A_305 = arith.constant 40 : i32
    %parallel_loop3A_306 = arith.constant 80 : i32
    %parallel_loop3A_307 = arith.constant 1 : i32
    scf.for %parallel_loop3A_406 = %parallel_loop3A_305 to %parallel_loop3A_306 step %parallel_loop3A_307  : i32 {
      %parallel_loop3A_407 = vector.broadcast %parallel_loop3A_406 : i32 to vector<16xi32>
      %parallel_loop3A_408 = tpu.vector_load_idx %arg12[%parallel_loop3A_407] : memref<80xf32, #tpu.memory_space<vmem>>[vector<16xi32>], vector<16xf32>,
      %parallel_loop3A_409 = arith.index_cast %parallel_loop3A_406 : i32 to index
      %parallel_loop3A_410 = arith.constant 0 : index
      %parallel_loop3A_411 = tpu.vector_load %arg16[%parallel_loop3A_409, %parallel_loop3A_410] {strides = array<i32>} : memref<80x128xf32, #tpu.memory_space<vmem>>, vector<16xf32>,
      %parallel_loop3A_412 = arith.mulf %parallel_loop3A_411, %parallel_loop3A_408 : vector<16xf32>
      %parallel_loop3A_413 = arith.index_cast %parallel_loop3A_406 : i32 to index
      %parallel_loop3A_414 = arith.constant 0 : index
      %parallel_loop3A_415 = tpu.vector_load %arg16[%parallel_loop3A_413, %parallel_loop3A_414] {strides = array<i32>} : memref<80x128xf32, #tpu.memory_space<vmem>>, vector<16xf32>,
      tpu.vector_store %arg16[%parallel_loop3A_413, %parallel_loop3A_414], %parallel_loop3A_412 {strides = array<i32>} : memref<80x128xf32, #tpu.memory_space<vmem>>, vector<16xf32>,
      %parallel_loop3A_416 = arith.index_cast %parallel_loop3A_406 : i32 to index
      %parallel_loop3A_417 = arith.constant 16 : index
      %parallel_loop3A_418 = tpu.vector_load %arg16[%parallel_loop3A_416, %parallel_loop3A_417] {strides = array<i32>} : memref<80x128xf32, #tpu.memory_space<vmem>>, vector<16xf32>,
      %parallel_loop3A_419 = arith.mulf %parallel_loop3A_418, %parallel_loop3A_408 : vector<16xf32>
      %parallel_loop3A_420 = arith.index_cast %parallel_loop3A_406 : i32 to index
      %parallel_loop3A_421 = arith.constant 16 : index
      %parallel_loop3A_422 = tpu.vector_load %arg16[%parallel_loop3A_420, %parallel_loop3A_421] {strides = array<i32>} : memref<80x128xf32, #tpu.memory_space<vmem>>, vector<16xf32>,
      tpu.vector_store %arg16[%parallel_loop3A_420, %parallel_loop3A_421], %parallel_loop3A_419 {strides = array<i32>} : memref<80x128xf32, #tpu.memory_space<vmem>>, vector<16xf32>,
      %parallel_loop3A_423 = arith.index_cast %parallel_loop3A_406 : i32 to index
      %parallel_loop3A_424 = arith.constant 32 : index
      %parallel_loop3A_425 = tpu.vector_load %arg16[%parallel_loop3A_423, %parallel_loop3A_424] {strides = array<i32>} : memref<80x128xf32, #tpu.memory_space<vmem>>, vector<16xf32>,
      %parallel_loop3A_426 = arith.mulf %parallel_loop3A_425, %parallel_loop3A_408 : vector<16xf32>
      %parallel_loop3A_427 = arith.index_cast %parallel_loop3A_406 : i32 to index
      %parallel_loop3A_428 = arith.constant 32 : index
      %parallel_loop3A_429 = tpu.vector_load %arg16[%parallel_loop3A_427, %parallel_loop3A_428] {strides = array<i32>} : memref<80x128xf32, #tpu.memory_space<vmem>>, vector<16xf32>,
      tpu.vector_store %arg16[%parallel_loop3A_427, %parallel_loop3A_428], %parallel_loop3A_426 {strides = array<i32>} : memref<80x128xf32, #tpu.memory_space<vmem>>, vector<16xf32>,
      %parallel_loop3A_430 = arith.index_cast %parallel_loop3A_406 : i32 to index
      %parallel_loop3A_431 = arith.constant 48 : index
      %parallel_loop3A_432 = tpu.vector_load %arg16[%parallel_loop3A_430, %parallel_loop3A_431] {strides = array<i32>} : memref<80x128xf32, #tpu.memory_space<vmem>>, vector<16xf32>,
      %parallel_loop3A_433 = arith.mulf %parallel_loop3A_432, %parallel_loop3A_408 : vector<16xf32>
      %parallel_loop3A_434 = arith.index_cast %parallel_loop3A_406 : i32 to index
      %parallel_loop3A_435 = arith.constant 48 : index
      %parallel_loop3A_436 = tpu.vector_load %arg16[%parallel_loop3A_434, %parallel_loop3A_435] {strides = array<i32>} : memref<80x128xf32, #tpu.memory_space<vmem>>, vector<16xf32>,
      tpu.vector_store %arg16[%parallel_loop3A_434, %parallel_loop3A_435], %parallel_loop3A_433 {strides = array<i32>} : memref<80x128xf32, #tpu.memory_space<vmem>>, vector<16xf32>,
      %parallel_loop3A_437 = arith.index_cast %parallel_loop3A_406 : i32 to index
      %parallel_loop3A_438 = arith.constant 64 : index
      %parallel_loop3A_439 = tpu.vector_load %arg16[%parallel_loop3A_437, %parallel_loop3A_438] {strides = array<i32>} : memref<80x128xf32, #tpu.memory_space<vmem>>, vector<16xf32>,
      %parallel_loop3A_440 = arith.mulf %parallel_loop3A_439, %parallel_loop3A_408 : vector<16xf32>
      %parallel_loop3A_441 = arith.index_cast %parallel_loop3A_406 : i32 to index
      %parallel_loop3A_442 = arith.constant 64 : index
      %parallel_loop3A_443 = tpu.vector_load %arg16[%parallel_loop3A_441, %parallel_loop3A_442] {strides = array<i32>} : memref<80x128xf32, #tpu.memory_space<vmem>>, vector<16xf32>,
      tpu.vector_store %arg16[%parallel_loop3A_441, %parallel_loop3A_442], %parallel_loop3A_440 {strides = array<i32>} : memref<80x128xf32, #tpu.memory_space<vmem>>, vector<16xf32>,
      %parallel_loop3A_444 = arith.index_cast %parallel_loop3A_406 : i32 to index
      %parallel_loop3A_445 = arith.constant 80 : index
      %parallel_loop3A_446 = tpu.vector_load %arg16[%parallel_loop3A_444, %parallel_loop3A_445] {strides = array<i32>} : memref<80x128xf32, #tpu.memory_space<vmem>>, vector<16xf32>,
      %parallel_loop3A_447 = arith.mulf %parallel_loop3A_446, %parallel_loop3A_408 : vector<16xf32>
      %parallel_loop3A_448 = arith.index_cast %parallel_loop3A_406 : i32 to index
      %parallel_loop3A_449 = arith.constant 80 : index
      %parallel_loop3A_450 = tpu.vector_load %arg16[%parallel_loop3A_448, %parallel_loop3A_449] {strides = array<i32>} : memref<80x128xf32, #tpu.memory_space<vmem>>, vector<16xf32>,
      tpu.vector_store %arg16[%parallel_loop3A_448, %parallel_loop3A_449], %parallel_loop3A_447 {strides = array<i32>} : memref<80x128xf32, #tpu.memory_space<vmem>>, vector<16xf32>,
      %parallel_loop3A_451 = arith.index_cast %parallel_loop3A_406 : i32 to index
      %parallel_loop3A_452 = arith.constant 96 : index
      %parallel_loop3A_453 = tpu.vector_load %arg16[%parallel_loop3A_451, %parallel_loop3A_452] {strides = array<i32>} : memref<80x128xf32, #tpu.memory_space<vmem>>, vector<16xf32>,
      %parallel_loop3A_454 = arith.mulf %parallel_loop3A_453, %parallel_loop3A_408 : vector<16xf32>
      %parallel_loop3A_455 = arith.index_cast %parallel_loop3A_406 : i32 to index
      %parallel_loop3A_456 = arith.constant 96 : index
      %parallel_loop3A_457 = tpu.vector_load %arg16[%parallel_loop3A_455, %parallel_loop3A_456] {strides = array<i32>} : memref<80x128xf32, #tpu.memory_space<vmem>>, vector<16xf32>,
      tpu.vector_store %arg16[%parallel_loop3A_455, %parallel_loop3A_456], %parallel_loop3A_454 {strides = array<i32>} : memref<80x128xf32, #tpu.memory_space<vmem>>, vector<16xf32>,
      %parallel_loop3A_458 = arith.index_cast %parallel_loop3A_406 : i32 to index
      %parallel_loop3A_459 = arith.constant 112 : index
      %parallel_loop3A_460 = tpu.vector_load %arg16[%parallel_loop3A_458, %parallel_loop3A_459] {strides = array<i32>} : memref<80x128xf32, #tpu.memory_space<vmem>>, vector<16xf32>,
      %parallel_loop3A_461 = arith.mulf %parallel_loop3A_460, %parallel_loop3A_408 : vector<16xf32>
      %parallel_loop3A_462 = arith.index_cast %parallel_loop3A_406 : i32 to index
      %parallel_loop3A_463 = arith.constant 112 : index
      %parallel_loop3A_464 = tpu.vector_load %arg16[%parallel_loop3A_462, %parallel_loop3A_463] {strides = array<i32>} : memref<80x128xf32, #tpu.memory_space<vmem>>, vector<16xf32>,
      tpu.vector_store %arg16[%parallel_loop3A_462, %parallel_loop3A_463], %parallel_loop3A_461 {strides = array<i32>} : memref<80x128xf32, #tpu.memory_space<vmem>>, vector<16xf32>,
    } {sc.loop_unroll_factor = 2 : i64, sc.parallel_access}
    %dma_start3A_308 = arith.constant 40 : i32
    %dma_start3A_309 = arith.constant 0 : i32
    %dma_start3A_310 = tpu.memref_slice %arg16[%dma_start3A_308, %dma_start3A_309] : memref<80x128xf32, #tpu.memory_space<vmem>> -> memref<40x128xf32, #tpu.memory_space<vmem>>
    %dma_start3A_311 = arith.constant 40 : i32
    %dma_start3A_312 = tpu.memref_slice %arg9[%dma_start3A_311] : memref<80xi32, #tpu.memory_space<vmem>> -> memref<40xi32, #tpu.memory_space<vmem>>
    %dma_start3A_313 = arith.constant 0 : i32
    %dma_start3A_314 = arith.constant 0 : i32
    %dma_start3A_315 = tpu.memref_slice %arg17[%dma_start3A_313, %dma_start3A_314] : memref<10240x128xf32, #tpu.memory_space<vmem_shared>> -> memref<10240x128xf32, #tpu.memory_space<vmem_shared>>
    tpu.enqueue_indirect_dma source(%dma_start3A_310 : memref<40x128xf32, #tpu.memory_space<vmem>>) target(%dma_start3A_315 : memref<10240x128xf32, #tpu.memory_space<vmem_shared>>) offsets(%dma_start3A_312 : memref<40xi32, #tpu.memory_space<vmem>>) semaphore(%arg20 : memref<!tpu.dma_semaphore, #tpu.memory_space<semaphore_mem>>) {add = true}
    %dma_wait3A_316 = arith.constant 0 : i32
    %dma_wait3A_317 = arith.constant 0 : i32
    %dma_wait3A_318 = tpu.memref_slice %arg16[%dma_wait3A_316, %dma_wait3A_317] : memref<80x128xf32, #tpu.memory_space<vmem>> -> memref<40x128xf32, #tpu.memory_space<vmem>>
    %dma_wait3A_319 = arith.constant 0 : i32
    %dma_wait3A_320 = tpu.memref_slice %arg9[%dma_wait3A_319] : memref<80xi32, #tpu.memory_space<vmem>> -> memref<40xi32, #tpu.memory_space<vmem>>
    %dma_wait3A_321 = arith.constant 0 : i32
    %dma_wait3A_322 = arith.constant 0 : i32
    %dma_wait3A_323 = tpu.memref_slice %arg17[%dma_wait3A_321, %dma_wait3A_322] : memref<10240x128xf32, #tpu.memory_space<vmem_shared>> -> memref<10240x128xf32, #tpu.memory_space<vmem_shared>>
    tpu.wait_indirect_dma semaphore(%arg20 : memref<!tpu.dma_semaphore, #tpu.memory_space<semaphore_mem>>) src(%dma_wait3A_318 : memref<40x128xf32, #tpu.memory_space<vmem>>) dst(%dma_wait3A_323 : memref<10240x128xf32, #tpu.memory_space<vmem_shared>>)
    %dma_wait3A_324 = arith.constant 40 : i32
    %dma_wait3A_325 = arith.constant 0 : i32
    %dma_wait3A_326 = tpu.memref_slice %arg16[%dma_wait3A_324, %dma_wait3A_325] : memref<80x128xf32, #tpu.memory_space<vmem>> -> memref<40x128xf32, #tpu.memory_space<vmem>>
    %dma_wait3A_327 = arith.constant 40 : i32
    %dma_wait3A_328 = tpu.memref_slice %arg9[%dma_wait3A_327] : memref<80xi32, #tpu.memory_space<vmem>> -> memref<40xi32, #tpu.memory_space<vmem>>
    %dma_wait3A_329 = arith.constant 0 : i32
    %dma_wait3A_330 = arith.constant 0 : i32
    %dma_wait3A_331 = tpu.memref_slice %arg17[%dma_wait3A_329, %dma_wait3A_330] : memref<10240x128xf32, #tpu.memory_space<vmem_shared>> -> memref<10240x128xf32, #tpu.memory_space<vmem_shared>>
    tpu.wait_indirect_dma semaphore(%arg20 : memref<!tpu.dma_semaphore, #tpu.memory_space<semaphore_mem>>) src(%dma_wait3A_326 : memref<40x128xf32, #tpu.memory_space<vmem>>) dst(%dma_wait3A_331 : memref<10240x128xf32, #tpu.memory_space<vmem_shared>>)
    %dma_wait3A_332 = arith.constant 0 : i32
    %dma_wait3A_333 = arith.constant 0 : i32
    %dma_wait3A_334 = tpu.memref_slice %arg4[%dma_wait3A_332, %dma_wait3A_333] : memref<10000x128xf32, #tpu.memory_space<hbm>> -> memref<10000x128xf32, #tpu.memory_space<hbm>>
    tpu.wait_indirect_dma semaphore(%arg19 : memref<!tpu.dma_semaphore, #tpu.memory_space<semaphore_mem>>) src(%dma_wait3A_334 : memref<10000x128xf32, #tpu.memory_space<hbm>>) dst(%arg15 : memref<80x128xf32, #tpu.memory_space<vmem>>)
    %parallel_loop3A_335 = arith.constant 0 : i32
    %parallel_loop3A_336 = arith.constant 40 : i32
    %parallel_loop3A_337 = arith.constant 1 : i32
    scf.for %parallel_loop3A_406 = %parallel_loop3A_335 to %parallel_loop3A_336 step %parallel_loop3A_337  : i32 {
      %parallel_loop3A_407 = vector.broadcast %parallel_loop3A_406 : i32 to vector<16xi32>
      %parallel_loop3A_408 = tpu.vector_load_idx %arg13[%parallel_loop3A_407] : memref<80xf32, #tpu.memory_space<vmem>>[vector<16xi32>], vector<16xf32>,
      %parallel_loop3A_409 = arith.index_cast %parallel_loop3A_406 : i32 to index
      %parallel_loop3A_410 = arith.constant 0 : index
      %parallel_loop3A_411 = tpu.vector_load %arg15[%parallel_loop3A_409, %parallel_loop3A_410] {strides = array<i32>} : memref<80x128xf32, #tpu.memory_space<vmem>>, vector<16xf32>,
      %parallel_loop3A_412 = arith.mulf %parallel_loop3A_411, %parallel_loop3A_408 : vector<16xf32>
      %parallel_loop3A_413 = arith.index_cast %parallel_loop3A_406 : i32 to index
      %parallel_loop3A_414 = arith.constant 0 : index
      %parallel_loop3A_415 = tpu.vector_load %arg15[%parallel_loop3A_413, %parallel_loop3A_414] {strides = array<i32>} : memref<80x128xf32, #tpu.memory_space<vmem>>, vector<16xf32>,
      tpu.vector_store %arg15[%parallel_loop3A_413, %parallel_loop3A_414], %parallel_loop3A_412 {strides = array<i32>} : memref<80x128xf32, #tpu.memory_space<vmem>>, vector<16xf32>,
      %parallel_loop3A_416 = arith.index_cast %parallel_loop3A_406 : i32 to index
      %parallel_loop3A_417 = arith.constant 16 : index
      %parallel_loop3A_418 = tpu.vector_load %arg15[%parallel_loop3A_416, %parallel_loop3A_417] {strides = array<i32>} : memref<80x128xf32, #tpu.memory_space<vmem>>, vector<16xf32>,
      %parallel_loop3A_419 = arith.mulf %parallel_loop3A_418, %parallel_loop3A_408 : vector<16xf32>
      %parallel_loop3A_420 = arith.index_cast %parallel_loop3A_406 : i32 to index
      %parallel_loop3A_421 = arith.constant 16 : index
      %parallel_loop3A_422 = tpu.vector_load %arg15[%parallel_loop3A_420, %parallel_loop3A_421] {strides = array<i32>} : memref<80x128xf32, #tpu.memory_space<vmem>>, vector<16xf32>,
      tpu.vector_store %arg15[%parallel_loop3A_420, %parallel_loop3A_421], %parallel_loop3A_419 {strides = array<i32>} : memref<80x128xf32, #tpu.memory_space<vmem>>, vector<16xf32>,
      %parallel_loop3A_423 = arith.index_cast %parallel_loop3A_406 : i32 to index
      %parallel_loop3A_424 = arith.constant 32 : index
      %parallel_loop3A_425 = tpu.vector_load %arg15[%parallel_loop3A_423, %parallel_loop3A_424] {strides = array<i32>} : memref<80x128xf32, #tpu.memory_space<vmem>>, vector<16xf32>,
      %parallel_loop3A_426 = arith.mulf %parallel_loop3A_425, %parallel_loop3A_408 : vector<16xf32>
      %parallel_loop3A_427 = arith.index_cast %parallel_loop3A_406 : i32 to index
      %parallel_loop3A_428 = arith.constant 32 : index
      %parallel_loop3A_429 = tpu.vector_load %arg15[%parallel_loop3A_427, %parallel_loop3A_428] {strides = array<i32>} : memref<80x128xf32, #tpu.memory_space<vmem>>, vector<16xf32>,
      tpu.vector_store %arg15[%parallel_loop3A_427, %parallel_loop3A_428], %parallel_loop3A_426 {strides = array<i32>} : memref<80x128xf32, #tpu.memory_space<vmem>>, vector<16xf32>,
      %parallel_loop3A_430 = arith.index_cast %parallel_loop3A_406 : i32 to index
      %parallel_loop3A_431 = arith.constant 48 : index
      %parallel_loop3A_432 = tpu.vector_load %arg15[%parallel_loop3A_430, %parallel_loop3A_431] {strides = array<i32>} : memref<80x128xf32, #tpu.memory_space<vmem>>, vector<16xf32>,
      %parallel_loop3A_433 = arith.mulf %parallel_loop3A_432, %parallel_loop3A_408 : vector<16xf32>
      %parallel_loop3A_434 = arith.index_cast %parallel_loop3A_406 : i32 to index
      %parallel_loop3A_435 = arith.constant 48 : index
      %parallel_loop3A_436 = tpu.vector_load %arg15[%parallel_loop3A_434, %parallel_loop3A_435] {strides = array<i32>} : memref<80x128xf32, #tpu.memory_space<vmem>>, vector<16xf32>,
      tpu.vector_store %arg15[%parallel_loop3A_434, %parallel_loop3A_435], %parallel_loop3A_433 {strides = array<i32>} : memref<80x128xf32, #tpu.memory_space<vmem>>, vector<16xf32>,
      %parallel_loop3A_437 = arith.index_cast %parallel_loop3A_406 : i32 to index
      %parallel_loop3A_438 = arith.constant 64 : index
      %parallel_loop3A_439 = tpu.vector_load %arg15[%parallel_loop3A_437, %parallel_loop3A_438] {strides = array<i32>} : memref<80x128xf32, #tpu.memory_space<vmem>>, vector<16xf32>,
      %parallel_loop3A_440 = arith.mulf %parallel_loop3A_439, %parallel_loop3A_408 : vector<16xf32>
      %parallel_loop3A_441 = arith.index_cast %parallel_loop3A_406 : i32 to index
      %parallel_loop3A_442 = arith.constant 64 : index
      %parallel_loop3A_443 = tpu.vector_load %arg15[%parallel_loop3A_441, %parallel_loop3A_442] {strides = array<i32>} : memref<80x128xf32, #tpu.memory_space<vmem>>, vector<16xf32>,
      tpu.vector_store %arg15[%parallel_loop3A_441, %parallel_loop3A_442], %parallel_loop3A_440 {strides = array<i32>} : memref<80x128xf32, #tpu.memory_space<vmem>>, vector<16xf32>,
      %parallel_loop3A_444 = arith.index_cast %parallel_loop3A_406 : i32 to index
      %parallel_loop3A_445 = arith.constant 80 : index
      %parallel_loop3A_446 = tpu.vector_load %arg15[%parallel_loop3A_444, %parallel_loop3A_445] {strides = array<i32>} : memref<80x128xf32, #tpu.memory_space<vmem>>, vector<16xf32>,
      %parallel_loop3A_447 = arith.mulf %parallel_loop3A_446, %parallel_loop3A_408 : vector<16xf32>
      %parallel_loop3A_448 = arith.index_cast %parallel_loop3A_406 : i32 to index
      %parallel_loop3A_449 = arith.constant 80 : index
      %parallel_loop3A_450 = tpu.vector_load %arg15[%parallel_loop3A_448, %parallel_loop3A_449] {strides = array<i32>} : memref<80x128xf32, #tpu.memory_space<vmem>>, vector<16xf32>,
      tpu.vector_store %arg15[%parallel_loop3A_448, %parallel_loop3A_449], %parallel_loop3A_447 {strides = array<i32>} : memref<80x128xf32, #tpu.memory_space<vmem>>, vector<16xf32>,
      %parallel_loop3A_451 = arith.index_cast %parallel_loop3A_406 : i32 to index
      %parallel_loop3A_452 = arith.constant 96 : index
      %parallel_loop3A_453 = tpu.vector_load %arg15[%parallel_loop3A_451, %parallel_loop3A_452] {strides = array<i32>} : memref<80x128xf32, #tpu.memory_space<vmem>>, vector<16xf32>,
      %parallel_loop3A_454 = arith.mulf %parallel_loop3A_453, %parallel_loop3A_408 : vector<16xf32>
      %parallel_loop3A_455 = arith.index_cast %parallel_loop3A_406 : i32 to index
      %parallel_loop3A_456 = arith.constant 96 : index
      %parallel_loop3A_457 = tpu.vector_load %arg15[%parallel_loop3A_455, %parallel_loop3A_456] {strides = array<i32>} : memref<80x128xf32, #tpu.memory_space<vmem>>, vector<16xf32>,
      tpu.vector_store %arg15[%parallel_loop3A_455, %parallel_loop3A_456], %parallel_loop3A_454 {strides = array<i32>} : memref<80x128xf32, #tpu.memory_space<vmem>>, vector<16xf32>,
      %parallel_loop3A_458 = arith.index_cast %parallel_loop3A_406 : i32 to index
      %parallel_loop3A_459 = arith.constant 112 : index
      %parallel_loop3A_460 = tpu.vector_load %arg15[%parallel_loop3A_458, %parallel_loop3A_459] {strides = array<i32>} : memref<80x128xf32, #tpu.memory_space<vmem>>, vector<16xf32>,
      %parallel_loop3A_461 = arith.mulf %parallel_loop3A_460, %parallel_loop3A_408 : vector<16xf32>
      %parallel_loop3A_462 = arith.index_cast %parallel_loop3A_406 : i32 to index
      %parallel_loop3A_463 = arith.constant 112 : index
      %parallel_loop3A_464 = tpu.vector_load %arg15[%parallel_loop3A_462, %parallel_loop3A_463] {strides = array<i32>} : memref<80x128xf32, #tpu.memory_space<vmem>>, vector<16xf32>,
      tpu.vector_store %arg15[%parallel_loop3A_462, %parallel_loop3A_463], %parallel_loop3A_461 {strides = array<i32>} : memref<80x128xf32, #tpu.memory_space<vmem>>, vector<16xf32>,
    } {sc.loop_unroll_factor = 2 : i64, sc.parallel_access}
    %dma_start3A_338 = arith.constant 0 : i32
    %dma_start3A_339 = arith.constant 0 : i32
    %dma_start3A_340 = tpu.memref_slice %arg15[%dma_start3A_338, %dma_start3A_339] : memref<80x128xf32, #tpu.memory_space<vmem>> -> memref<40x128xf32, #tpu.memory_space<vmem>>
    %dma_start3A_341 = arith.constant 0 : i32
    %dma_start3A_342 = tpu.memref_slice %arg10[%dma_start3A_341] : memref<80xi32, #tpu.memory_space<vmem>> -> memref<40xi32, #tpu.memory_space<vmem>>
    %dma_start3A_343 = arith.constant 0 : i32
    %dma_start3A_344 = arith.constant 0 : i32
    %dma_start3A_345 = tpu.memref_slice %arg17[%dma_start3A_343, %dma_start3A_344] : memref<10240x128xf32, #tpu.memory_space<vmem_shared>> -> memref<10240x128xf32, #tpu.memory_space<vmem_shared>>
    tpu.enqueue_indirect_dma source(%dma_start3A_340 : memref<40x128xf32, #tpu.memory_space<vmem>>) target(%dma_start3A_345 : memref<10240x128xf32, #tpu.memory_space<vmem_shared>>) offsets(%dma_start3A_342 : memref<40xi32, #tpu.memory_space<vmem>>) semaphore(%arg20 : memref<!tpu.dma_semaphore, #tpu.memory_space<semaphore_mem>>) {add = true}
    %parallel_loop3A_346 = arith.constant 40 : i32
    %parallel_loop3A_347 = arith.constant 80 : i32
    %parallel_loop3A_348 = arith.constant 1 : i32
    scf.for %parallel_loop3A_406 = %parallel_loop3A_346 to %parallel_loop3A_347 step %parallel_loop3A_348  : i32 {
      %parallel_loop3A_407 = vector.broadcast %parallel_loop3A_406 : i32 to vector<16xi32>
      %parallel_loop3A_408 = tpu.vector_load_idx %arg13[%parallel_loop3A_407] : memref<80xf32, #tpu.memory_space<vmem>>[vector<16xi32>], vector<16xf32>,
      %parallel_loop3A_409 = arith.index_cast %parallel_loop3A_406 : i32 to index
      %parallel_loop3A_410 = arith.constant 0 : index
      %parallel_loop3A_411 = tpu.vector_load %arg15[%parallel_loop3A_409, %parallel_loop3A_410] {strides = array<i32>} : memref<80x128xf32, #tpu.memory_space<vmem>>, vector<16xf32>,
      %parallel_loop3A_412 = arith.mulf %parallel_loop3A_411, %parallel_loop3A_408 : vector<16xf32>
      %parallel_loop3A_413 = arith.index_cast %parallel_loop3A_406 : i32 to index
      %parallel_loop3A_414 = arith.constant 0 : index
      %parallel_loop3A_415 = tpu.vector_load %arg15[%parallel_loop3A_413, %parallel_loop3A_414] {strides = array<i32>} : memref<80x128xf32, #tpu.memory_space<vmem>>, vector<16xf32>,
      tpu.vector_store %arg15[%parallel_loop3A_413, %parallel_loop3A_414], %parallel_loop3A_412 {strides = array<i32>} : memref<80x128xf32, #tpu.memory_space<vmem>>, vector<16xf32>,
      %parallel_loop3A_416 = arith.index_cast %parallel_loop3A_406 : i32 to index
      %parallel_loop3A_417 = arith.constant 16 : index
      %parallel_loop3A_418 = tpu.vector_load %arg15[%parallel_loop3A_416, %parallel_loop3A_417] {strides = array<i32>} : memref<80x128xf32, #tpu.memory_space<vmem>>, vector<16xf32>,
      %parallel_loop3A_419 = arith.mulf %parallel_loop3A_418, %parallel_loop3A_408 : vector<16xf32>
      %parallel_loop3A_420 = arith.index_cast %parallel_loop3A_406 : i32 to index
      %parallel_loop3A_421 = arith.constant 16 : index
      %parallel_loop3A_422 = tpu.vector_load %arg15[%parallel_loop3A_420, %parallel_loop3A_421] {strides = array<i32>} : memref<80x128xf32, #tpu.memory_space<vmem>>, vector<16xf32>,
      tpu.vector_store %arg15[%parallel_loop3A_420, %parallel_loop3A_421], %parallel_loop3A_419 {strides = array<i32>} : memref<80x128xf32, #tpu.memory_space<vmem>>, vector<16xf32>,
      %parallel_loop3A_423 = arith.index_cast %parallel_loop3A_406 : i32 to index
      %parallel_loop3A_424 = arith.constant 32 : index
      %parallel_loop3A_425 = tpu.vector_load %arg15[%parallel_loop3A_423, %parallel_loop3A_424] {strides = array<i32>} : memref<80x128xf32, #tpu.memory_space<vmem>>, vector<16xf32>,
      %parallel_loop3A_426 = arith.mulf %parallel_loop3A_425, %parallel_loop3A_408 : vector<16xf32>
      %parallel_loop3A_427 = arith.index_cast %parallel_loop3A_406 : i32 to index
      %parallel_loop3A_428 = arith.constant 32 : index
      %parallel_loop3A_429 = tpu.vector_load %arg15[%parallel_loop3A_427, %parallel_loop3A_428] {strides = array<i32>} : memref<80x128xf32, #tpu.memory_space<vmem>>, vector<16xf32>,
      tpu.vector_store %arg15[%parallel_loop3A_427, %parallel_loop3A_428], %parallel_loop3A_426 {strides = array<i32>} : memref<80x128xf32, #tpu.memory_space<vmem>>, vector<16xf32>,
      %parallel_loop3A_430 = arith.index_cast %parallel_loop3A_406 : i32 to index
      %parallel_loop3A_431 = arith.constant 48 : index
      %parallel_loop3A_432 = tpu.vector_load %arg15[%parallel_loop3A_430, %parallel_loop3A_431] {strides = array<i32>} : memref<80x128xf32, #tpu.memory_space<vmem>>, vector<16xf32>,
      %parallel_loop3A_433 = arith.mulf %parallel_loop3A_432, %parallel_loop3A_408 : vector<16xf32>
      %parallel_loop3A_434 = arith.index_cast %parallel_loop3A_406 : i32 to index
      %parallel_loop3A_435 = arith.constant 48 : index
      %parallel_loop3A_436 = tpu.vector_load %arg15[%parallel_loop3A_434, %parallel_loop3A_435] {strides = array<i32>} : memref<80x128xf32, #tpu.memory_space<vmem>>, vector<16xf32>,
      tpu.vector_store %arg15[%parallel_loop3A_434, %parallel_loop3A_435], %parallel_loop3A_433 {strides = array<i32>} : memref<80x128xf32, #tpu.memory_space<vmem>>, vector<16xf32>,
      %parallel_loop3A_437 = arith.index_cast %parallel_loop3A_406 : i32 to index
      %parallel_loop3A_438 = arith.constant 64 : index
      %parallel_loop3A_439 = tpu.vector_load %arg15[%parallel_loop3A_437, %parallel_loop3A_438] {strides = array<i32>} : memref<80x128xf32, #tpu.memory_space<vmem>>, vector<16xf32>,
      %parallel_loop3A_440 = arith.mulf %parallel_loop3A_439, %parallel_loop3A_408 : vector<16xf32>
      %parallel_loop3A_441 = arith.index_cast %parallel_loop3A_406 : i32 to index
      %parallel_loop3A_442 = arith.constant 64 : index
      %parallel_loop3A_443 = tpu.vector_load %arg15[%parallel_loop3A_441, %parallel_loop3A_442] {strides = array<i32>} : memref<80x128xf32, #tpu.memory_space<vmem>>, vector<16xf32>,
      tpu.vector_store %arg15[%parallel_loop3A_441, %parallel_loop3A_442], %parallel_loop3A_440 {strides = array<i32>} : memref<80x128xf32, #tpu.memory_space<vmem>>, vector<16xf32>,
      %parallel_loop3A_444 = arith.index_cast %parallel_loop3A_406 : i32 to index
      %parallel_loop3A_445 = arith.constant 80 : index
      %parallel_loop3A_446 = tpu.vector_load %arg15[%parallel_loop3A_444, %parallel_loop3A_445] {strides = array<i32>} : memref<80x128xf32, #tpu.memory_space<vmem>>, vector<16xf32>,
      %parallel_loop3A_447 = arith.mulf %parallel_loop3A_446, %parallel_loop3A_408 : vector<16xf32>
      %parallel_loop3A_448 = arith.index_cast %parallel_loop3A_406 : i32 to index
      %parallel_loop3A_449 = arith.constant 80 : index
      %parallel_loop3A_450 = tpu.vector_load %arg15[%parallel_loop3A_448, %parallel_loop3A_449] {strides = array<i32>} : memref<80x128xf32, #tpu.memory_space<vmem>>, vector<16xf32>,
      tpu.vector_store %arg15[%parallel_loop3A_448, %parallel_loop3A_449], %parallel_loop3A_447 {strides = array<i32>} : memref<80x128xf32, #tpu.memory_space<vmem>>, vector<16xf32>,
      %parallel_loop3A_451 = arith.index_cast %parallel_loop3A_406 : i32 to index
      %parallel_loop3A_452 = arith.constant 96 : index
      %parallel_loop3A_453 = tpu.vector_load %arg15[%parallel_loop3A_451, %parallel_loop3A_452] {strides = array<i32>} : memref<80x128xf32, #tpu.memory_space<vmem>>, vector<16xf32>,
      %parallel_loop3A_454 = arith.mulf %parallel_loop3A_453, %parallel_loop3A_408 : vector<16xf32>
      %parallel_loop3A_455 = arith.index_cast %parallel_loop3A_406 : i32 to index
      %parallel_loop3A_456 = arith.constant 96 : index
      %parallel_loop3A_457 = tpu.vector_load %arg15[%parallel_loop3A_455, %parallel_loop3A_456] {strides = array<i32>} : memref<80x128xf32, #tpu.memory_space<vmem>>, vector<16xf32>,
      tpu.vector_store %arg15[%parallel_loop3A_455, %parallel_loop3A_456], %parallel_loop3A_454 {strides = array<i32>} : memref<80x128xf32, #tpu.memory_space<vmem>>, vector<16xf32>,
      %parallel_loop3A_458 = arith.index_cast %parallel_loop3A_406 : i32 to index
      %parallel_loop3A_459 = arith.constant 112 : index
      %parallel_loop3A_460 = tpu.vector_load %arg15[%parallel_loop3A_458, %parallel_loop3A_459] {strides = array<i32>} : memref<80x128xf32, #tpu.memory_space<vmem>>, vector<16xf32>,
      %parallel_loop3A_461 = arith.mulf %parallel_loop3A_460, %parallel_loop3A_408 : vector<16xf32>
      %parallel_loop3A_462 = arith.index_cast %parallel_loop3A_406 : i32 to index
      %parallel_loop3A_463 = arith.constant 112 : index
      %parallel_loop3A_464 = tpu.vector_load %arg15[%parallel_loop3A_462, %parallel_loop3A_463] {strides = array<i32>} : memref<80x128xf32, #tpu.memory_space<vmem>>, vector<16xf32>,
      tpu.vector_store %arg15[%parallel_loop3A_462, %parallel_loop3A_463], %parallel_loop3A_461 {strides = array<i32>} : memref<80x128xf32, #tpu.memory_space<vmem>>, vector<16xf32>,
    } {sc.loop_unroll_factor = 2 : i64, sc.parallel_access}
    %dma_start3A_349 = arith.constant 40 : i32
    %dma_start3A_350 = arith.constant 0 : i32
    %dma_start3A_351 = tpu.memref_slice %arg15[%dma_start3A_349, %dma_start3A_350] : memref<80x128xf32, #tpu.memory_space<vmem>> -> memref<40x128xf32, #tpu.memory_space<vmem>>
    %dma_start3A_352 = arith.constant 40 : i32
    %dma_start3A_353 = tpu.memref_slice %arg10[%dma_start3A_352] : memref<80xi32, #tpu.memory_space<vmem>> -> memref<40xi32, #tpu.memory_space<vmem>>
    %dma_start3A_354 = arith.constant 0 : i32
    %dma_start3A_355 = arith.constant 0 : i32
    %dma_start3A_356 = tpu.memref_slice %arg17[%dma_start3A_354, %dma_start3A_355] : memref<10240x128xf32, #tpu.memory_space<vmem_shared>> -> memref<10240x128xf32, #tpu.memory_space<vmem_shared>>
    tpu.enqueue_indirect_dma source(%dma_start3A_351 : memref<40x128xf32, #tpu.memory_space<vmem>>) target(%dma_start3A_356 : memref<10240x128xf32, #tpu.memory_space<vmem_shared>>) offsets(%dma_start3A_353 : memref<40xi32, #tpu.memory_space<vmem>>) semaphore(%arg20 : memref<!tpu.dma_semaphore, #tpu.memory_space<semaphore_mem>>) {add = true}
    %dma_wait3A_357 = arith.constant 0 : i32
    %dma_wait3A_358 = arith.constant 0 : i32
    %dma_wait3A_359 = tpu.memref_slice %arg15[%dma_wait3A_357, %dma_wait3A_358] : memref<80x128xf32, #tpu.memory_space<vmem>> -> memref<40x128xf32, #tpu.memory_space<vmem>>
    %dma_wait3A_360 = arith.constant 0 : i32
    %dma_wait3A_361 = tpu.memref_slice %arg10[%dma_wait3A_360] : memref<80xi32, #tpu.memory_space<vmem>> -> memref<40xi32, #tpu.memory_space<vmem>>
    %dma_wait3A_362 = arith.constant 0 : i32
    %dma_wait3A_363 = arith.constant 0 : i32
    %dma_wait3A_364 = tpu.memref_slice %arg17[%dma_wait3A_362, %dma_wait3A_363] : memref<10240x128xf32, #tpu.memory_space<vmem_shared>> -> memref<10240x128xf32, #tpu.memory_space<vmem_shared>>
    tpu.wait_indirect_dma semaphore(%arg20 : memref<!tpu.dma_semaphore, #tpu.memory_space<semaphore_mem>>) src(%dma_wait3A_359 : memref<40x128xf32, #tpu.memory_space<vmem>>) dst(%dma_wait3A_364 : memref<10240x128xf32, #tpu.memory_space<vmem_shared>>)
    %dma_wait3A_365 = arith.constant 40 : i32
    %dma_wait3A_366 = arith.constant 0 : i32
    %dma_wait3A_367 = tpu.memref_slice %arg15[%dma_wait3A_365, %dma_wait3A_366] : memref<80x128xf32, #tpu.memory_space<vmem>> -> memref<40x128xf32, #tpu.memory_space<vmem>>
    %dma_wait3A_368 = arith.constant 40 : i32
    %dma_wait3A_369 = tpu.memref_slice %arg10[%dma_wait3A_368] : memref<80xi32, #tpu.memory_space<vmem>> -> memref<40xi32, #tpu.memory_space<vmem>>
    %dma_wait3A_370 = arith.constant 0 : i32
    %dma_wait3A_371 = arith.constant 0 : i32
    %dma_wait3A_372 = tpu.memref_slice %arg17[%dma_wait3A_370, %dma_wait3A_371] : memref<10240x128xf32, #tpu.memory_space<vmem_shared>> -> memref<10240x128xf32, #tpu.memory_space<vmem_shared>>
    tpu.wait_indirect_dma semaphore(%arg20 : memref<!tpu.dma_semaphore, #tpu.memory_space<semaphore_mem>>) src(%dma_wait3A_367 : memref<40x128xf32, #tpu.memory_space<vmem>>) dst(%dma_wait3A_372 : memref<10240x128xf32, #tpu.memory_space<vmem_shared>>)
    %barrier3A_373 = arith.constant 0 : index
    tpu.barrier barrier_id(%barrier3A_373)
    %mul3A_374 = arith.constant 640 : i32
    %mul3A_375 = arith.muli %arg1, %mul3A_374 : i32
    %add3A_376 = arith.constant 0 : i32
    %add3A_377 = arith.addi %mul3A_375, %add3A_376 : i32
    "tpu.region"() ({
      %run_scoped3A = tpu.sem_alloc : memref<!tpu.dma_semaphore, #tpu.memory_space<semaphore_mem>>
      %dma_start3A_406 = arith.constant 0 : i32
      %dma_start3A_407 = tpu.memref_slice %arg5[%arg0, %add3A_377, %dma_start3A_406] : memref<2x10240x128xf32, #tpu.memory_space<hbm>> -> memref<1x80x128xf32, #tpu.memory_space<hbm>>
      %dma_start3A_408 = tpu.memref_squeeze %dma_start3A_407 : memref<1x80x128xf32, #tpu.memory_space<hbm>> -> memref<80x128xf32, #tpu.memory_space<hbm>>
      %dma_start3A_409 = arith.constant 0 : i32
      %dma_start3A_410 = tpu.memref_slice %arg17[%add3A_377, %dma_start3A_409] : memref<10240x128xf32, #tpu.memory_space<vmem_shared>> -> memref<80x128xf32, #tpu.memory_space<vmem_shared>>
      tpu.enqueue_dma source(%dma_start3A_410 : memref<80x128xf32, #tpu.memory_space<vmem_shared>>) target(%dma_start3A_408 : memref<80x128xf32, #tpu.memory_space<hbm>>) target_semaphore(%run_scoped3A : memref<!tpu.dma_semaphore, #tpu.memory_space<semaphore_mem>>)
      %dma_wait3A_411 = arith.constant 0 : i32
      %dma_wait3A_412 = tpu.memref_slice %arg5[%arg0, %add3A_377, %dma_wait3A_411] : memref<2x10240x128xf32, #tpu.memory_space<hbm>> -> memref<1x80x128xf32, #tpu.memory_space<hbm>>
      %dma_wait3A_413 = tpu.memref_squeeze %dma_wait3A_412 : memref<1x80x128xf32, #tpu.memory_space<hbm>> -> memref<80x128xf32, #tpu.memory_space<hbm>>
      %dma_wait3A_414 = arith.constant 0 : i32
      %dma_wait3A_415 = tpu.memref_slice %arg17[%add3A_377, %dma_wait3A_414] : memref<10240x128xf32, #tpu.memory_space<vmem_shared>> -> memref<80x128xf32, #tpu.memory_space<vmem_shared>>
      tpu.wait_dma2 semaphore(%run_scoped3A : memref<!tpu.dma_semaphore, #tpu.memory_space<semaphore_mem>>) src(%dma_wait3A_415 : memref<80x128xf32, #tpu.memory_space<vmem_shared>>) dst(%dma_wait3A_413 : memref<80x128xf32, #tpu.memory_space<hbm>>)
      tpu.yield
    }) : () -> ()
    %mul3A_378 = arith.constant 640 : i32
    %mul3A_379 = arith.muli %arg1, %mul3A_378 : i32
    %add3A_380 = arith.constant 80 : i32
    %add3A_381 = arith.addi %mul3A_379, %add3A_380 : i32
    "tpu.region"() ({
      %run_scoped3A = tpu.sem_alloc : memref<!tpu.dma_semaphore, #tpu.memory_space<semaphore_mem>>
      %dma_start3A_406 = arith.constant 0 : i32
      %dma_start3A_407 = tpu.memref_slice %arg5[%arg0, %add3A_381, %dma_start3A_406] : memref<2x10240x128xf32, #tpu.memory_space<hbm>> -> memref<1x80x128xf32, #tpu.memory_space<hbm>>
      %dma_start3A_408 = tpu.memref_squeeze %dma_start3A_407 : memref<1x80x128xf32, #tpu.memory_space<hbm>> -> memref<80x128xf32, #tpu.memory_space<hbm>>
      %dma_start3A_409 = arith.constant 0 : i32
      %dma_start3A_410 = tpu.memref_slice %arg17[%add3A_381, %dma_start3A_409] : memref<10240x128xf32, #tpu.memory_space<vmem_shared>> -> memref<80x128xf32, #tpu.memory_space<vmem_shared>>
      tpu.enqueue_dma source(%dma_start3A_410 : memref<80x128xf32, #tpu.memory_space<vmem_shared>>) target(%dma_start3A_408 : memref<80x128xf32, #tpu.memory_space<hbm>>) target_semaphore(%run_scoped3A : memref<!tpu.dma_semaphore, #tpu.memory_space<semaphore_mem>>)
      %dma_wait3A_411 = arith.constant 0 : i32
      %dma_wait3A_412 = tpu.memref_slice %arg5[%arg0, %add3A_381, %dma_wait3A_411] : memref<2x10240x128xf32, #tpu.memory_space<hbm>> -> memref<1x80x128xf32, #tpu.memory_space<hbm>>
      %dma_wait3A_413 = tpu.memref_squeeze %dma_wait3A_412 : memref<1x80x128xf32, #tpu.memory_space<hbm>> -> memref<80x128xf32, #tpu.memory_space<hbm>>
      %dma_wait3A_414 = arith.constant 0 : i32
      %dma_wait3A_415 = tpu.memref_slice %arg17[%add3A_381, %dma_wait3A_414] : memref<10240x128xf32, #tpu.memory_space<vmem_shared>> -> memref<80x128xf32, #tpu.memory_space<vmem_shared>>
      tpu.wait_dma2 semaphore(%run_scoped3A : memref<!tpu.dma_semaphore, #tpu.memory_space<semaphore_mem>>) src(%dma_wait3A_415 : memref<80x128xf32, #tpu.memory_space<vmem_shared>>) dst(%dma_wait3A_413 : memref<80x128xf32, #tpu.memory_space<hbm>>)
      tpu.yield
    }) : () -> ()
    %mul3A_382 = arith.constant 640 : i32
    %mul3A_383 = arith.muli %arg1, %mul3A_382 : i32
    %add3A_384 = arith.constant 160 : i32
    %add3A_385 = arith.addi %mul3A_383, %add3A_384 : i32
    "tpu.region"() ({
      %run_scoped3A = tpu.sem_alloc : memref<!tpu.dma_semaphore, #tpu.memory_space<semaphore_mem>>
      %dma_start3A_406 = arith.constant 0 : i32
      %dma_start3A_407 = tpu.memref_slice %arg5[%arg0, %add3A_385, %dma_start3A_406] : memref<2x10240x128xf32, #tpu.memory_space<hbm>> -> memref<1x80x128xf32, #tpu.memory_space<hbm>>
      %dma_start3A_408 = tpu.memref_squeeze %dma_start3A_407 : memref<1x80x128xf32, #tpu.memory_space<hbm>> -> memref<80x128xf32, #tpu.memory_space<hbm>>
      %dma_start3A_409 = arith.constant 0 : i32
      %dma_start3A_410 = tpu.memref_slice %arg17[%add3A_385, %dma_start3A_409] : memref<10240x128xf32, #tpu.memory_space<vmem_shared>> -> memref<80x128xf32, #tpu.memory_space<vmem_shared>>
      tpu.enqueue_dma source(%dma_start3A_410 : memref<80x128xf32, #tpu.memory_space<vmem_shared>>) target(%dma_start3A_408 : memref<80x128xf32, #tpu.memory_space<hbm>>) target_semaphore(%run_scoped3A : memref<!tpu.dma_semaphore, #tpu.memory_space<semaphore_mem>>)
      %dma_wait3A_411 = arith.constant 0 : i32
      %dma_wait3A_412 = tpu.memref_slice %arg5[%arg0, %add3A_385, %dma_wait3A_411] : memref<2x10240x128xf32, #tpu.memory_space<hbm>> -> memref<1x80x128xf32, #tpu.memory_space<hbm>>
      %dma_wait3A_413 = tpu.memref_squeeze %dma_wait3A_412 : memref<1x80x128xf32, #tpu.memory_space<hbm>> -> memref<80x128xf32, #tpu.memory_space<hbm>>
      %dma_wait3A_414 = arith.constant 0 : i32
      %dma_wait3A_415 = tpu.memref_slice %arg17[%add3A_385, %dma_wait3A_414] : memref<10240x128xf32, #tpu.memory_space<vmem_shared>> -> memref<80x128xf32, #tpu.memory_space<vmem_shared>>
      tpu.wait_dma2 semaphore(%run_scoped3A : memref<!tpu.dma_semaphore, #tpu.memory_space<semaphore_mem>>) src(%dma_wait3A_415 : memref<80x128xf32, #tpu.memory_space<vmem_shared>>) dst(%dma_wait3A_413 : memref<80x128xf32, #tpu.memory_space<hbm>>)
      tpu.yield
    }) : () -> ()
    %mul3A_386 = arith.constant 640 : i32
    %mul3A_387 = arith.muli %arg1, %mul3A_386 : i32
    %add3A_388 = arith.constant 240 : i32
    %add3A_389 = arith.addi %mul3A_387, %add3A_388 : i32
    "tpu.region"() ({
      %run_scoped3A = tpu.sem_alloc : memref<!tpu.dma_semaphore, #tpu.memory_space<semaphore_mem>>
      %dma_start3A_406 = arith.constant 0 : i32
      %dma_start3A_407 = tpu.memref_slice %arg5[%arg0, %add3A_389, %dma_start3A_406] : memref<2x10240x128xf32, #tpu.memory_space<hbm>> -> memref<1x80x128xf32, #tpu.memory_space<hbm>>
      %dma_start3A_408 = tpu.memref_squeeze %dma_start3A_407 : memref<1x80x128xf32, #tpu.memory_space<hbm>> -> memref<80x128xf32, #tpu.memory_space<hbm>>
      %dma_start3A_409 = arith.constant 0 : i32
      %dma_start3A_410 = tpu.memref_slice %arg17[%add3A_389, %dma_start3A_409] : memref<10240x128xf32, #tpu.memory_space<vmem_shared>> -> memref<80x128xf32, #tpu.memory_space<vmem_shared>>
      tpu.enqueue_dma source(%dma_start3A_410 : memref<80x128xf32, #tpu.memory_space<vmem_shared>>) target(%dma_start3A_408 : memref<80x128xf32, #tpu.memory_space<hbm>>) target_semaphore(%run_scoped3A : memref<!tpu.dma_semaphore, #tpu.memory_space<semaphore_mem>>)
      %dma_wait3A_411 = arith.constant 0 : i32
      %dma_wait3A_412 = tpu.memref_slice %arg5[%arg0, %add3A_389, %dma_wait3A_411] : memref<2x10240x128xf32, #tpu.memory_space<hbm>> -> memref<1x80x128xf32, #tpu.memory_space<hbm>>
      %dma_wait3A_413 = tpu.memref_squeeze %dma_wait3A_412 : memref<1x80x128xf32, #tpu.memory_space<hbm>> -> memref<80x128xf32, #tpu.memory_space<hbm>>
      %dma_wait3A_414 = arith.constant 0 : i32
      %dma_wait3A_415 = tpu.memref_slice %arg17[%add3A_389, %dma_wait3A_414] : memref<10240x128xf32, #tpu.memory_space<vmem_shared>> -> memref<80x128xf32, #tpu.memory_space<vmem_shared>>
      tpu.wait_dma2 semaphore(%run_scoped3A : memref<!tpu.dma_semaphore, #tpu.memory_space<semaphore_mem>>) src(%dma_wait3A_415 : memref<80x128xf32, #tpu.memory_space<vmem_shared>>) dst(%dma_wait3A_413 : memref<80x128xf32, #tpu.memory_space<hbm>>)
      tpu.yield
    }) : () -> ()
    %mul3A_390 = arith.constant 640 : i32
    %mul3A_391 = arith.muli %arg1, %mul3A_390 : i32
    %add3A_392 = arith.constant 320 : i32
    %add3A_393 = arith.addi %mul3A_391, %add3A_392 : i32
    "tpu.region"() ({
      %run_scoped3A = tpu.sem_alloc : memref<!tpu.dma_semaphore, #tpu.memory_space<semaphore_mem>>
      %dma_start3A_406 = arith.constant 0 : i32
      %dma_start3A_407 = tpu.memref_slice %arg5[%arg0, %add3A_393, %dma_start3A_406] : memref<2x10240x128xf32, #tpu.memory_space<hbm>> -> memref<1x80x128xf32, #tpu.memory_space<hbm>>
      %dma_start3A_408 = tpu.memref_squeeze %dma_start3A_407 : memref<1x80x128xf32, #tpu.memory_space<hbm>> -> memref<80x128xf32, #tpu.memory_space<hbm>>
      %dma_start3A_409 = arith.constant 0 : i32
      %dma_start3A_410 = tpu.memref_slice %arg17[%add3A_393, %dma_start3A_409] : memref<10240x128xf32, #tpu.memory_space<vmem_shared>> -> memref<80x128xf32, #tpu.memory_space<vmem_shared>>
      tpu.enqueue_dma source(%dma_start3A_410 : memref<80x128xf32, #tpu.memory_space<vmem_shared>>) target(%dma_start3A_408 : memref<80x128xf32, #tpu.memory_space<hbm>>) target_semaphore(%run_scoped3A : memref<!tpu.dma_semaphore, #tpu.memory_space<semaphore_mem>>)
      %dma_wait3A_411 = arith.constant 0 : i32
      %dma_wait3A_412 = tpu.memref_slice %arg5[%arg0, %add3A_393, %dma_wait3A_411] : memref<2x10240x128xf32, #tpu.memory_space<hbm>> -> memref<1x80x128xf32, #tpu.memory_space<hbm>>
      %dma_wait3A_413 = tpu.memref_squeeze %dma_wait3A_412 : memref<1x80x128xf32, #tpu.memory_space<hbm>> -> memref<80x128xf32, #tpu.memory_space<hbm>>
      %dma_wait3A_414 = arith.constant 0 : i32
      %dma_wait3A_415 = tpu.memref_slice %arg17[%add3A_393, %dma_wait3A_414] : memref<10240x128xf32, #tpu.memory_space<vmem_shared>> -> memref<80x128xf32, #tpu.memory_space<vmem_shared>>
      tpu.wait_dma2 semaphore(%run_scoped3A : memref<!tpu.dma_semaphore, #tpu.memory_space<semaphore_mem>>) src(%dma_wait3A_415 : memref<80x128xf32, #tpu.memory_space<vmem_shared>>) dst(%dma_wait3A_413 : memref<80x128xf32, #tpu.memory_space<hbm>>)
      tpu.yield
    }) : () -> ()
    %mul3A_394 = arith.constant 640 : i32
    %mul3A_395 = arith.muli %arg1, %mul3A_394 : i32
    %add3A_396 = arith.constant 400 : i32
    %add3A_397 = arith.addi %mul3A_395, %add3A_396 : i32
    "tpu.region"() ({
      %run_scoped3A = tpu.sem_alloc : memref<!tpu.dma_semaphore, #tpu.memory_space<semaphore_mem>>
      %dma_start3A_406 = arith.constant 0 : i32
      %dma_start3A_407 = tpu.memref_slice %arg5[%arg0, %add3A_397, %dma_start3A_406] : memref<2x10240x128xf32, #tpu.memory_space<hbm>> -> memref<1x80x128xf32, #tpu.memory_space<hbm>>
      %dma_start3A_408 = tpu.memref_squeeze %dma_start3A_407 : memref<1x80x128xf32, #tpu.memory_space<hbm>> -> memref<80x128xf32, #tpu.memory_space<hbm>>
      %dma_start3A_409 = arith.constant 0 : i32
      %dma_start3A_410 = tpu.memref_slice %arg17[%add3A_397, %dma_start3A_409] : memref<10240x128xf32, #tpu.memory_space<vmem_shared>> -> memref<80x128xf32, #tpu.memory_space<vmem_shared>>
      tpu.enqueue_dma source(%dma_start3A_410 : memref<80x128xf32, #tpu.memory_space<vmem_shared>>) target(%dma_start3A_408 : memref<80x128xf32, #tpu.memory_space<hbm>>) target_semaphore(%run_scoped3A : memref<!tpu.dma_semaphore, #tpu.memory_space<semaphore_mem>>)
      %dma_wait3A_411 = arith.constant 0 : i32
      %dma_wait3A_412 = tpu.memref_slice %arg5[%arg0, %add3A_397, %dma_wait3A_411] : memref<2x10240x128xf32, #tpu.memory_space<hbm>> -> memref<1x80x128xf32, #tpu.memory_space<hbm>>
      %dma_wait3A_413 = tpu.memref_squeeze %dma_wait3A_412 : memref<1x80x128xf32, #tpu.memory_space<hbm>> -> memref<80x128xf32, #tpu.memory_space<hbm>>
      %dma_wait3A_414 = arith.constant 0 : i32
      %dma_wait3A_415 = tpu.memref_slice %arg17[%add3A_397, %dma_wait3A_414] : memref<10240x128xf32, #tpu.memory_space<vmem_shared>> -> memref<80x128xf32, #tpu.memory_space<vmem_shared>>
      tpu.wait_dma2 semaphore(%run_scoped3A : memref<!tpu.dma_semaphore, #tpu.memory_space<semaphore_mem>>) src(%dma_wait3A_415 : memref<80x128xf32, #tpu.memory_space<vmem_shared>>) dst(%dma_wait3A_413 : memref<80x128xf32, #tpu.memory_space<hbm>>)
      tpu.yield
    }) : () -> ()
    %mul3A_398 = arith.constant 640 : i32
    %mul3A_399 = arith.muli %arg1, %mul3A_398 : i32
    %add3A_400 = arith.constant 480 : i32
    %add3A_401 = arith.addi %mul3A_399, %add3A_400 : i32
    "tpu.region"() ({
      %run_scoped3A = tpu.sem_alloc : memref<!tpu.dma_semaphore, #tpu.memory_space<semaphore_mem>>
      %dma_start3A_406 = arith.constant 0 : i32
      %dma_start3A_407 = tpu.memref_slice %arg5[%arg0, %add3A_401, %dma_start3A_406] : memref<2x10240x128xf32, #tpu.memory_space<hbm>> -> memref<1x80x128xf32, #tpu.memory_space<hbm>>
      %dma_start3A_408 = tpu.memref_squeeze %dma_start3A_407 : memref<1x80x128xf32, #tpu.memory_space<hbm>> -> memref<80x128xf32, #tpu.memory_space<hbm>>
      %dma_start3A_409 = arith.constant 0 : i32
      %dma_start3A_410 = tpu.memref_slice %arg17[%add3A_401, %dma_start3A_409] : memref<10240x128xf32, #tpu.memory_space<vmem_shared>> -> memref<80x128xf32, #tpu.memory_space<vmem_shared>>
      tpu.enqueue_dma source(%dma_start3A_410 : memref<80x128xf32, #tpu.memory_space<vmem_shared>>) target(%dma_start3A_408 : memref<80x128xf32, #tpu.memory_space<hbm>>) target_semaphore(%run_scoped3A : memref<!tpu.dma_semaphore, #tpu.memory_space<semaphore_mem>>)
      %dma_wait3A_411 = arith.constant 0 : i32
      %dma_wait3A_412 = tpu.memref_slice %arg5[%arg0, %add3A_401, %dma_wait3A_411] : memref<2x10240x128xf32, #tpu.memory_space<hbm>> -> memref<1x80x128xf32, #tpu.memory_space<hbm>>
      %dma_wait3A_413 = tpu.memref_squeeze %dma_wait3A_412 : memref<1x80x128xf32, #tpu.memory_space<hbm>> -> memref<80x128xf32, #tpu.memory_space<hbm>>
      %dma_wait3A_414 = arith.constant 0 : i32
      %dma_wait3A_415 = tpu.memref_slice %arg17[%add3A_401, %dma_wait3A_414] : memref<10240x128xf32, #tpu.memory_space<vmem_shared>> -> memref<80x128xf32, #tpu.memory_space<vmem_shared>>
      tpu.wait_dma2 semaphore(%run_scoped3A : memref<!tpu.dma_semaphore, #tpu.memory_space<semaphore_mem>>) src(%dma_wait3A_415 : memref<80x128xf32, #tpu.memory_space<vmem_shared>>) dst(%dma_wait3A_413 : memref<80x128xf32, #tpu.memory_space<hbm>>)
      tpu.yield
    }) : () -> ()
    %mul3A_402 = arith.constant 640 : i32
    %mul3A_403 = arith.muli %arg1, %mul3A_402 : i32
    %add3A_404 = arith.constant 560 : i32
    %add3A_405 = arith.addi %mul3A_403, %add3A_404 : i32
    "tpu.region"() ({
      %run_scoped3A = tpu.sem_alloc : memref<!tpu.dma_semaphore, #tpu.memory_space<semaphore_mem>>
      %dma_start3A_406 = arith.constant 0 : i32
      %dma_start3A_407 = tpu.memref_slice %arg5[%arg0, %add3A_405, %dma_start3A_406] : memref<2x10240x128xf32, #tpu.memory_space<hbm>> -> memref<1x80x128xf32, #tpu.memory_space<hbm>>
      %dma_start3A_408 = tpu.memref_squeeze %dma_start3A_407 : memref<1x80x128xf32, #tpu.memory_space<hbm>> -> memref<80x128xf32, #tpu.memory_space<hbm>>
      %dma_start3A_409 = arith.constant 0 : i32
      %dma_start3A_410 = tpu.memref_slice %arg17[%add3A_405, %dma_start3A_409] : memref<10240x128xf32, #tpu.memory_space<vmem_shared>> -> memref<80x128xf32, #tpu.memory_space<vmem_shared>>
      tpu.enqueue_dma source(%dma_start3A_410 : memref<80x128xf32, #tpu.memory_space<vmem_shared>>) target(%dma_start3A_408 : memref<80x128xf32, #tpu.memory_space<hbm>>) target_semaphore(%run_scoped3A : memref<!tpu.dma_semaphore, #tpu.memory_space<semaphore_mem>>)
      %dma_wait3A_411 = arith.constant 0 : i32
      %dma_wait3A_412 = tpu.memref_slice %arg5[%arg0, %add3A_405, %dma_wait3A_411] : memref<2x10240x128xf32, #tpu.memory_space<hbm>> -> memref<1x80x128xf32, #tpu.memory_space<hbm>>
      %dma_wait3A_413 = tpu.memref_squeeze %dma_wait3A_412 : memref<1x80x128xf32, #tpu.memory_space<hbm>> -> memref<80x128xf32, #tpu.memory_space<hbm>>
      %dma_wait3A_414 = arith.constant 0 : i32
      %dma_wait3A_415 = tpu.memref_slice %arg17[%add3A_405, %dma_wait3A_414] : memref<10240x128xf32, #tpu.memory_space<vmem_shared>> -> memref<80x128xf32, #tpu.memory_space<vmem_shared>>
      tpu.wait_dma2 semaphore(%run_scoped3A : memref<!tpu.dma_semaphore, #tpu.memory_space<semaphore_mem>>) src(%dma_wait3A_415 : memref<80x128xf32, #tpu.memory_space<vmem_shared>>) dst(%dma_wait3A_413 : memref<80x128xf32, #tpu.memory_space<hbm>>)
      tpu.yield
    }) : () -> ()
    return
  }
}

module attributes {stable_mosaic.version = 14 : i64} {
  func.func @_combine_body(%arg0: i32, %arg1: memref<2x10000x128xf32, #tpu.memory_space<vmem>>, %arg2: memref<10000x128xf32, #tpu.memory_space<vmem>>) attributes {dimension_semantics = [#tpu.dimension_semantics<arbitrary>], iteration_bounds = array<i64: 1>, scalar_prefetch = 0 : i64, scratch_operands = 0 : i64, tpu.core_type = #tpu.core_type<tc>, window_params = [{transform_indices = @transform_0, window_bounds = array<i64: 2, 10000, 128>}, {transform_indices = @transform_1, window_bounds = array<i64: 10000, 128>}]} {
    %get3A = arith.constant 0 : index
    %get3A_0 = arith.constant 0 : index
    %get3A_1 = arith.constant 0 : index
    %get3A_2 = vector.load %arg1[%get3A, %get3A_0, %get3A_1] : memref<2x10000x128xf32, #tpu.memory_space<vmem>>, vector<1x10000x128xf32>
    %get3A_3 = vector.shape_cast %get3A_2 : vector<1x10000x128xf32> to vector<10000x128xf32>
    %get3A_4 = arith.constant 1 : index
    %get3A_5 = arith.constant 0 : index
    %get3A_6 = arith.constant 0 : index
    %get3A_7 = vector.load %arg1[%get3A_4, %get3A_5, %get3A_6] : memref<2x10000x128xf32, #tpu.memory_space<vmem>>, vector<1x10000x128xf32>
    %get3A_8 = vector.shape_cast %get3A_7 : vector<1x10000x128xf32> to vector<10000x128xf32>
    %add3A = arith.addf %get3A_3, %get3A_8 : vector<10000x128xf32>
    %ge3A = arith.constant 0.000000e+00 : f32
    %ge3A_9 = vector.broadcast %ge3A : f32 to vector<10000x128xf32>
    %ge3A_10 = arith.cmpf oge, %add3A, %ge3A_9 : vector<10000x128xf32>
    %mul3A = arith.constant 2.000000e-01 : f32
    %mul3A_11 = vector.broadcast %mul3A : f32 to vector<10000x128xf32>
    %mul3A_12 = arith.mulf %mul3A_11, %add3A : vector<10000x128xf32>
    %select_n3A = arith.select %ge3A_10, %add3A, %mul3A_12 : vector<10000x128xi1>, vector<10000x128xf32>
    %swap3A = arith.constant 0 : index
    %swap3A_13 = arith.constant 0 : index
    %swap3A_14 = vector.load %arg2[%swap3A, %swap3A_13] : memref<10000x128xf32, #tpu.memory_space<vmem>>, vector<10000x128xf32>
    tpu.vector_store %arg2[%swap3A, %swap3A_13], %select_n3A {strides = array<i32>} : memref<10000x128xf32, #tpu.memory_space<vmem>>, vector<10000x128xf32>,
    return
  }
  func.func @transform_0(%arg0: i32) -> (i32, i32, i32) {
    %c0_i32 = arith.constant 0 : i32
    %c0_i32_0 = arith.constant 0 : i32
    %c0_i32_1 = arith.constant 0 : i32
    return %c0_i32, %arg0, %c0_i32_0 : i32, i32, i32
  }
  func.func @transform_1(%arg0: i32) -> (i32, i32) {
    %c0_i32 = arith.constant 0 : i32
    %c0_i32_0 = arith.constant 0 : i32
    return %arg0, %c0_i32 : i32, i32
  }
}

</mosaic_0001>

<sc_bundles>
// kernel: kernel.4.cloned.1.call-start
scs
__scs_entry_jumppad:
0x0: {  	(pc) =	sbr.rel $0x88, $3  }
0x1: {  	(tag) =	ssettag $0x0;
	lr =	simm.s32 $0x1  }
0x2: {  	[smem:$0x3F9E] =	sst lr;
	_ =	strace $0xD0000000  }
0x3: {  	_ = 	snop  }
0x4: {  	_ = 	snop  }
0x5: {  	_ = 	snop  }
0x6: {  	_ = 	snop  }
0x7: {  	_ = 	snop  }
__scs_overlays_trampoline_lowered:
0x8: {  	[smem:$0x3FAD] =	sst s0  }
0x9: {  	[smem:$0x3FAE] =	sst s1  }
0xa: {  	[smem:$0x3FAF] =	sst s2  }
0xb: {  	[smem:$0x3FB0] =	sst s3  }
0xc: {  	[smem:$0x3FB1] =	sst s4  }
0xd: {  	[smem:$0x3FB2] =	sst s5  }
0xe: {  	[smem:$0x3FB3] =	sst s6  }
0xf: {  	[smem:$0x3FB4] =	sst s7  }
0x10: {  	[smem:$0x3FB5] =	sst s8  }
0x11: {  	[smem:$0x3FB6] =	sst s9;
	s0 =	simm.s32 @!p0 $0x0  }
0x12: {  	s1 =	sld [smem:$0x3F9C];
	s0 =	simm.s32 @p0 $0x1  }
0x13: {  	[smem:$0x3FB7] =	sst s0;
	s0 =	simm.s32 @!p1 $0x0  }
0x14: {  	s2 =	sld [smem:$0x3F9B];
	s0 =	simm.s32 @p1 $0x1  }
0x15: {  	[smem:$0x3FB8] =	sst s0;
	s0 =	simm.s32 @!p2 $0x0  }
0x16: {  	s3 =	sld [smem:$0x3FDB];
	s0 =	simm.s32 @p2 $0x1  }
0x17: {  	s4 =	simm.s32 $0x1BF5;
	[smem:$0x3FBA] =	sst s0  }
0x18: {  	s0 =	sld [smem:$0x3F9D];
	_ =	swait.ge [sflag:s4], $0x0  }
0x19: {  	s7 =	sld [smem:$0x3F9E]  }
0x1a: {  	s8 =	sadd.s32 $0xFFFFE003, lr  }
0x1b: {  	s9 =	sadd.s32 $0xFFFFFEF7, lr;
	s5 =	simm.s32 $0xFFFFFFFF;
	p2 =	slt.u32 s8, $0xFFFFF086  }
0x1c: {  	p1 =	slt.u32 s9, $0xF7A;
	s5 =	simm.s32 @!p2 $0x0  }
0x1d: {  	s5 =	simm.s32 @p1 $0x1;
	p0 =	seq.s32 s7, s2  }
0x1e: {  	s7 =	smul.u32 @!p0 $0xF7A, s2;
	p2 =	seq.s32 @!p0 s5, $0x0  }
0x1f: {  	s9 =	smul.u32 $0xF7A, s1;
	s8 =	simm.s32 @!p0 $0x1BF5;
	p2 =	por !p2, p0  }
0x20: {  	[sflag:s8] =	ssyncset.s32 @!p0 $0xFFFFF086;
	s6 =	sadd.s32 @!p0 s3, s7;
	s7 =	simm.s32 @!p0 $0x108  }
0x21: {  	s3 =	sadd.s32 s3, s9;
	s6 =	sadd.s32 @!p0 $0x88, s6;
	s7 =	simm.s32 @p2 $0x1082  }
0x22: {  	[simem:s7], [sflag:s8] =	dma.local @!p0 [hbm:s6], $0xF7A  }
0x23: {  	s9 =	sor.u32 $0xD0000000, s2;
	s6 =	simm.s32 $0x108;
	_ =	swait.ge @!p0 [sflag:s8], $0x0  }
0x24: {  	s3 =	sadd.s32 $0x88, s3;
	s6 =	simm.s32 @!p1 $0x1082;
	[sflag:s4] =	ssyncset.s32 $0xFFFFF086  }
0x25: {  	[simem:s6], [sflag:s4] =	dma.local [hbm:s3], $0xF7A  }
0x26: {  	[smem:$0x3F9E] =	sst s1;
	(tag) =	ssettag s2;
	_ =	strace s9  }
0x27: {  	s1 =	sld [smem:$0x3FAE]  }
0x28: {  	s2 =	sld [smem:$0x3FAF]  }
0x29: {  	s4 =	sld [smem:$0x3FB1]  }
0x2a: {  	p0 =	seq.s32 s5, $0x0;
	s5 =	sld [smem:$0x3FB2]  }
0x2b: {  	s6 =	sld [smem:$0x3FB3]  }
0x2c: {  	s7 =	sld [smem:$0x3FB4]  }
0x2d: {  	s3 =	simm.s32 $0x108;
	s8 =	sld [smem:$0x3FB5]  }
0x2e: {  	s3 =	simm.s32 @!p0 $0x1082;
	s9 =	sld [smem:$0x3FB6]  }
0x2f: {  	lr =	sadd.s32 s0, s3;
	s0 =	sld [smem:$0x3FAD]  }
0x30: {  	s3 =	sld [smem:$0x3FB0]  }
0x31: {  	[smem:$0x3FB9] =	sst s10  }
0x32: {  	s10 =	sld [smem:$0x3FB7];
	_ =	sdelay $0x3  }
0x33: {  	p0 =	seq.s32 s10, $0x1;
	s10 =	sld [smem:$0x3FB9];
	_ =	sdelay $0x3  }
0x34: {  	[smem:$0x3FB9] =	sst s10  }
0x35: {  	s10 =	sld [smem:$0x3FB8];
	_ =	sdelay $0x3  }
0x36: {  	p1 =	seq.s32 s10, $0x1;
	s10 =	sld [smem:$0x3FB9];
	_ =	sdelay $0x3  }
0x37: {  	[smem:$0x3FB9] =	sst s10  }
0x38: {  	s10 =	sld [smem:$0x3FBA]  }
0x39: {  	_ = 	snop;
	(pc) =	sbr.ind lr, $3  }
0x3a: {  	_ = 	snop  }
0x3b: {  	_ = 	snop  }
0x3c: {  	p2 =	seq.s32 s10, $0x1;
	s10 =	sld [smem:$0x3FB9]  }
0x3d: {  	_ =	shalt  }
0x3e: {  	_ =	shalt  }
0x3f: {  	_ =	shalt  }
0x40: {  	_ =	shalt  }
0x41: {  	_ =	shalt  }
0x42: {  	_ =	shalt  }
0x43: {  	_ =	shalt  }
0x44: {  	_ =	shalt  }
0x45: {  	_ =	shalt  }
0x46: {  	_ =	shalt  }
0x47: {  	_ =	shalt  }
0x48: {  	_ =	shalt  }
0x49: {  	_ =	shalt  }
0x4a: {  	_ =	shalt  }
0x4b: {  	_ =	shalt  }
0x4c: {  	_ =	shalt  }
0x4d: {  	_ =	shalt  }
0x4e: {  	_ =	shalt  }
0x4f: {  	_ =	shalt  }
0x50: {  	_ =	shalt  }
0x51: {  	_ =	shalt  }
0x52: {  	_ =	shalt  }
0x53: {  	_ =	shalt  }
0x54: {  	_ =	shalt  }
0x55: {  	_ =	shalt  }
0x56: {  	_ =	shalt  }
0x57: {  	_ =	shalt  }
0x58: {  	_ =	shalt  }
0x59: {  	_ =	shalt  }
0x5a: {  	_ =	shalt  }
0x5b: {  	_ =	shalt  }
0x5c: {  	_ =	shalt  }
0x5d: {  	_ =	shalt  }
0x5e: {  	_ =	shalt  }
0x5f: {  	_ =	shalt  }
0x60: {  	_ =	shalt  }
0x61: {  	_ =	shalt  }
0x62: {  	_ =	shalt  }
0x63: {  	_ =	shalt  }
0x64: {  	_ =	shalt  }
0x65: {  	_ =	shalt  }
0x66: {  	_ =	shalt  }
0x67: {  	_ =	shalt  }
0x68: {  	_ =	shalt  }
0x69: {  	_ =	shalt  }
0x6a: {  	_ =	shalt  }
0x6b: {  	_ =	shalt  }
0x6c: {  	_ =	shalt  }
0x6d: {  	_ =	shalt  }
0x6e: {  	_ =	shalt  }
0x6f: {  	_ =	shalt  }
0x70: {  	_ =	shalt  }
0x71: {  	_ =	shalt  }
0x72: {  	_ =	shalt  }
0x73: {  	_ =	shalt  }
0x74: {  	_ =	shalt  }
0x75: {  	_ =	shalt  }
0x76: {  	_ =	shalt  }
0x77: {  	_ =	shalt  }
0x78: {  	_ =	shalt  }
0x79: {  	_ =	shalt  }
0x7a: {  	_ =	shalt  }
0x7b: {  	_ =	shalt  }
0x7c: {  	_ =	shalt  }
0x7d: {  	_ =	shalt  }
0x7e: {  	_ =	shalt  }
0x7f: {  	_ =	shalt  }
0x80: {  	_ =	shalt  }
0x81: {  	_ =	shalt  }
0x82: {  	_ =	shalt  }
0x83: {  	_ =	shalt  }
0x84: {  	_ =	shalt  }
0x85: {  	_ =	shalt  }
0x86: {  	_ =	shalt  }
0x87: {  	_ =	shalt  }
.Lfunc_end0:
.L_simem_size_0:
called_computation_lowered:
.L_overlay_start_0:
0x88: {  	s2 =	sld [smem:$0x3FD9]  }
0x89: {  	s3 =	sld [smem:$0x3FFE];
	_ =	sdelay $0x1  }
0x8a: {  	s1 =	srdreg.scid  }
0x8b: {  	s0 =	sand.u32 $0x1, s1  }
0x8c: {  	s17 =	sshll.u32 s0, $0xA;
	s2 =	sadd.s32 s3, s2  }
0x8d: {  	s2 =	sadd.s32 s2, s17  }
0x8e: {  	[smem:$0x3FC5] =	sst s2  }
0x8f: {  	_ = 	snop  }
0x90: {  	s2 =	sld [smem:$0x3FC8]  }
0x91: {  	s18 =	sld [smem:$0x3FC7]  }
0x92: {  	s4 =	sld [smem:$0x3FD0];
	(tm) =	ssettm $0x1  }
0x93: {  	s5 =	sld [smem:$0x3FFB];
	_ =	sdelay $0x3  }
0x94: {  	_ =	strace s5  }
0x95: {  	s5 =	sld [smem:$0x3FFC];
	_ =	sdelay $0x3  }
0x96: {  	_ =	strace s5  }
0x97: {  	s5 =	sld [smem:$0x3FFD];
	_ =	sdelay $0x3  }
0x98: {  	_ =	strace s5  }
0x99: {  	_ =	strace $0x8FFFFFFF  }
0x9a: {  	s19 =	sld [smem:$0x3FDB];
	_ =	sdelay $0x1  }
0x9b: {  	s6 =	simm.s32 $_scs_section_size  }
0x9c: {  	s7 =	simm.s32 $_size__tile_overlayer_lowered;
	s8 =	simm.s32 $_tile_overlayer_lowered  }
0x9d: {  	s22 =	simm.s32 $0x1BFF;
	s21 =	sshll.u32 s8, $0x1;
	s5 =	sadd.s32 s6, s19  }
0x9e: {  	s9 =	simm.s32 $0x0;
	s20 =	sshll.u32 s7, $0x1;
	s7 =	sadd.s32 s21, s5  }
0x9f: {  	[timem:s9], [sflag:s22] =	dma.local [hbm:s7], s20  }
0xa0: {  	_ =	swait.ge [sflag:s22], s20  }
0xa1: {  	s6 =	ssub.s32 $0x0, s20;
	[sflag:s22] =	ssyncset.done $0x0  }
0xa2: {  	[sflag:s22] =	ssyncadd.s32 s6;
	_ =	sdelay $0x1  }
0xa3: {  	s23 =	simm.s32 $0x1B8B  }
0xa4: {  	_ =	swait.ge [sflag:s23], $0x1  }
0xa5: {  	[sflag:s23] =	ssyncset.done $0x0  }
0xa6: {  	s25 =	simm.s32 $0x1B8E;
	s24 =	sld [smem:$0x3FFE];
	[sflag:s23] =	ssyncadd.s32 $0xFFFFFFFF  }
0xa7: {  	s26 =	simm.s32 $execute0_lowered;
	[smem:$0x3FD2] =	sst s25  }
0xa8: {  	s7 =	sshll.u32 s26, $0x1;
	_ =	strace $0x80000046;
	[dreg:$0x1] =	wrdreg $0xFFFFFFFF  }
0xa9: {  	s28 =	simm.s32 $_size_execute0_lowered;
	s5 =	sadd.s32 s5, s7;
	[dreg:$0x0] =	wrdreg $0x0  }
0xaa: {  	s7 =	sshll.u32 s28, $0x1;
	[dreg:$0x2] =	wrdreg s5  }
0xab: {  	[dreg:$0x3] =	wrdreg s7  }
0xac: {  	[dreg:$0x4] =	wrdreg $0xC0  }
0xad: {  	_ =	task [dreg:s9], $0x5FFFF  }
0xae: {  	[dreg:$0x1] =	wrdreg $0xFFFFFFFF  }
0xaf: {  	[dreg:$0x0] =	wrdreg $0x60  }
0xb0: {  	[dreg:$0x2] =	wrdreg s4  }
0xb1: {  	[dreg:$0x3] =	wrdreg s2  }
0xb2: {  	[dreg:$0x4] =	wrdreg s18  }
0xb3: {  	[dreg:$0x5] =	wrdreg s24  }
0xb4: {  	[dreg:$0x6] =	wrdreg $0x54800  }
0xb5: {  	[dreg:$0x7] =	wrdreg $0x9  }
0xb6: {  	_ =	task.clear_ibuf [dreg:s9], $0x8FFFF;
	_ =	strace $0x90000046  }
0xb7: {  	s29 =	simm.s32 $0x9;
	_ =	strace $0x80000048  }
0xb8: {  	_ =	swait.ge [sflag:s29], $0x1  }
0xb9: {  	[sflag:s29] =	ssyncadd.s32 $0xFFFFFFFF  }
0xba: {  	_ =	strace $0x90000048  }
0xbb: {  	_ =	sfence  }
0xbc: {  	s30 =	sld [smem:$0x0];
	_ =	sdelay $0x2  }
0xbd: {  	s31 =	sshll.u32 s1, $0xD;
	s1 =	sshrl.u32 s1, $0x2  }
0xbe: {  	s3 =	sand.u32 $0x4000, s31;
	s1 =	sadd.s32 s1, s30  }
0xbf: {  	s0 =	sor.u32 s3, s0;
	s1 =	sshll.u32 s1, $0x11  }
0xc0: {  	s0 =	sor.u32 s1, s0  }
0xc1: {  	s0 =	sadd.s32 $0x8F2B, s0  }
0xc2: {  	[sflag:s0] =	ssyncadd.remote.s32 $0x1  }
0xc3: {  	_ =	sfence.sel $0xFFFF  }
0xc4: {  	[dreg:$0x0] =	wrdreg $0xFFFFFFFF;
	(pc) =	sbr.abs _section_cstart, $3  }
0xc5: {  	[dreg:$0x1] =	wrdreg $0xFFFFFFFF  }
0xc6: {  	_ =	task.clear_ibuf [dreg:s9], $0x2FFFF;
	_ =	strace $0x9FFFFFFF  }
0xc7: {  	(tm) =	ssettm $0x7FFFFFFF  }
tec
execute0_lowered:
.L_overlay_start_1:
0x0: {  	(tag) =	ssettag $0x1  }
0x1: {  	s1 =	rddreg [dreg:$0x0]  }
0x2: {  	s2 =	rddreg [dreg:$0x1]  }
0x3: {  	s3 =	rddreg [dreg:$0x2]  }
0x4: {  	s0 =	rddreg [dreg:$0x3]  }
0x5: {  	s4 =	rddreg [dreg:$0x4];
	s16 =	simm.s32 $0x0;
	s5 =	srdreg.scid  }
0x6: {  	s10 =	stileid.u32;
	[smem:$0x7FF] =	sst s16;
	s5 =	sand.u32 $0x1, s5  }
0x7: {  	s7 =	smul.u32 $0x50000, s10;
	s8 =	sadd.s32 $0x600, s0;
	s9 =	sshll.u32 s10, $0x1  }
0x8: {  	s10 =	smul.u32 $0x14000, s10;
	_ =	strace $0x80000047;
	s6 =	ssub.s32 $0x2, s5  }
0x9: {  	s9 =	sor.u32 s5, s9;
	s5 =	smul.u32 $0x140000, s5;
	s21 =	sshrl.u32 s6, $0x1  }
0xa: {  	s7 =	sshrl.u32 s7, $0x2;
	s22 =	sor.u32 $0x2800, s10;
	s23 =	sadd.s32 $0x5000, s10  }
0xb: {  	s11 =	sadd.s32 $0x7800, s10;
	s24 =	sadd.s32 $0xA000, s10;
	s13 =	sadd.s32 $0xC800, s10  }
0xc: {  	s26 =	sadd.s32 $0xF000, s10;
	s0 =	ssub.s32 s6, s21;
	s6 =	smul.u32 $0x2710, s9  }
0xd: {  	s28 =	sadd.s32 s7, s4;
	s29 =	sadd.s32 s22, s4;
	s12 =	sadd.s32 s11, s4  }
0xe: {  	s30 =	sadd.s32 s23, s4;
	s14 =	sadd.s32 s24, s4;
	[dreg:$0xa] =	wrdreg s12  }
0xf: {  	s25 =	sadd.s32 s13, s4;
	s15 =	sadd.s32 s26, s4;
	[dreg:$0xb] =	wrdreg s14  }
0x10: {  	s31 =	sadd.s32 s10, s5;
	s7 =	sadd.s32 s5, s22;
	[dreg:$0xc] =	wrdreg s25  }
0x11: {  	s10 =	sadd.s32 $0x11800, s10;
	s9 =	sadd.s32 s5, s23;
	[dreg:$0xd] =	wrdreg s15  }
0x12: {  	s11 =	sadd.s32 s5, s11;
	s20 =	sadd.s32 s5, s13;
	[dreg:$0x7] =	wrdreg s28  }
0x13: {  	s21 =	sadd.s32 s5, s26;
	s15 =	sshrl.u32 s31, $0x3;
	[dreg:$0x8] =	wrdreg s29  }
0x14: {  	s7 =	sshrl.u32 s7, $0x3;
	s0 =	smax.u32 s0, $0x1;
	[dreg:$0x9] =	wrdreg s30  }
0x15: {  	s17 =	sshrl.u32 s11, $0x3;
	s15 =	sadd.s32 s8, s15;
	[smem:$0x7F7] =	sst s0  }
0x16: {  	s22 =	sshrl.u32 s21, $0x3;
	s7 =	sadd.s32 s8, s7;
	[dreg:$0xe] =	wrdreg s15  }
0x17: {  	s23 =	sshrl.u32 s6, $0x3;
	s12 =	sadd.s32 $0xF0, s6;
	[dreg:$0xf] =	wrdreg s7  }
0x18: {  	s13 =	sadd.s32 $0x140, s6;
	s14 =	sadd.s32 $0x190, s6;
	[dreg:$0x1b] =	wrdreg s12  }
0x19: {  	s7 =	sshrl.u32 s9, $0x3;
	s15 =	sadd.s32 s5, s24;
	[dreg:$0x1c] =	wrdreg s13  }
0x1a: {  	s5 =	sadd.s32 s5, s10;
	s24 =	sadd.s32 s10, s4;
	[dreg:$0x1d] =	wrdreg s14  }
0x1b: {  	s25 =	sadd.s32 $0xA, s23;
	s7 =	sadd.s32 s8, s7;
	[dreg:$0x16] =	wrdreg s24  }
0x1c: {  	s26 =	sadd.s32 $0x14, s23;
	s31 =	sadd.s32 s1, s25;
	[dreg:$0x10] =	wrdreg s7  }
0x1d: {  	s14 =	simm.s32 $0x280;
	s10 =	sadd.s32 s1, s26;
	[dreg:$0x17] =	wrdreg s31  }
0x1e: {  	s9 =	simm.s32 $0x28;
	s11 =	sadd.s32 s2, s26;
	[dreg:$0x19] =	wrdreg s10  }
0x1f: {  	s18 =	sshrl.u32 s15, $0x3;
	s15 =	sadd.s32 $0x1E0, s6;
	[dreg:$0x1a] =	wrdreg s11  }
0x20: {  	s12 =	simm.s32 $0x3;
	s7 =	sadd.s32 s8, s17;
	[dreg:$0x1e] =	wrdreg s15  }
0x21: {  	s5 =	sshrl.u32 s5, $0x3;
	s19 =	sadd.s32 s8, s18;
	[dreg:$0x11] =	wrdreg s7  }
0x22: {  	s13 =	simm.s32 $0x228;
	s5 =	sadd.s32 s8, s5;
	[dreg:$0x12] =	wrdreg s19  }
0x23: {  	s17 =	sadd.s32 $0x230, s6;
	s6 =	sadd.s32 $0x280, s6;
	[dreg:$0x15] =	wrdreg s5  }
0x24: {  	s18 =	sadd.s32 s1, s23;
	s15 =	simm.s32 $0x480;
	[dreg:$0x1f] =	wrdreg s17  }
0x25: {  	s10 =	simm.s32 $0x1A8;
	s7 =	sshrl.u32 s20, $0x3;
	[smem:$0x7F1] =	sst s6  }
0x26: {  	s19 =	sadd.s32 $0x4CE, s23;
	s20 =	sadd.s32 s2, s23;
	[smem:$0x7FC] =	sst s18  }
0x27: {  	s5 =	sadd.s32 $0x4D8, s23;
	s23 =	sadd.s32 $0x9C40, s18;
	[smem:$0x7F2] =	sst s20  }
0x28: {  	s11 =	simm.s32 $0x1880;
	s24 =	sadd.s32 $0x9C4A, s18;
	[smem:$0x7F8] =	sst s23  }
0x29: {  	s26 =	sadd.s32 $0xA10E, s18;
	s31 =	sadd.s32 $0xA118, s18;
	[smem:$0x7F9] =	sst s24  }
0x2a: {  	s17 =	simm.s32 $0x180;
	s7 =	sadd.s32 s8, s7;
	[smem:$0x7FB] =	sst s26  }
0x2b: {  	s21 =	sadd.s32 s1, s19;
	s6 =	sadd.s32 s2, s19;
	[smem:$0x7FD] =	sst s31  }
0x2c: {  	s19 =	simm.s32 $0x1;
	s20 =	simm.s32 $0x50;
	[dreg:$0x13] =	wrdreg s7  }
0x2d: {  	s23 =	simm.s32 $0x200;
	s24 =	simm.s32 $0x380;
	[smem:$0x7F3] =	sst s21  }
0x2e: {  	s26 =	simm.s32 $0x100;
	s7 =	sadd.s32 s8, s22;
	[smem:$0x7F4] =	sst s6  }
0x2f: {  	s22 =	sadd.s32 s1, s5;
	s5 =	sadd.s32 s2, s5;
	[dreg:$0x14] =	wrdreg s7  }
0x30: {  	s21 =	simm.s32 $0x80;
	s8 =	simm.s32 $0x2;
	[smem:$0x7F5] =	sst s22  }
0x31: {  	s7 =	sadd.s32 s2, s25;
	[smem:$0x7F6] =	sst s5;
	s25 =	sadd.s32 $0x9C54, s18  }
0x32: {  	s18 =	simm.s32 $0x300;
	s22 =	simm.s32 $0x4080;
	[dreg:$0x18] =	wrdreg s7  }
0x33: {  	v0 =	vimm.f32 $0.0e+00;
	[smem:$0x7FA] =	sst s25;
	s25 =	simm.s32 $0x2C80;
	s7 =	simm.s32 $0x400  }
.LBB2_1:
0x34: {  	[dreg:$0x6] =	wrdreg s16;
	s0 =	simm.s32 $0x0;
	s5 =	simm.s32 $0x200  }
.LBB2_2:
0x35: {  	p0 =	sne.s32 s5, $0x9E00;
	[tilespmem:s0+$0x4F0] =	vst v0  }
0x36: {  	[tilespmem:s0+$0x480] =	vst v0  }
0x37: {  	[tilespmem:s0+$0x490] =	vst v0  }
.Ltmp0:
0x38: {  	[tilespmem:s0+$0x4A0] =	vst v0;
	(pc) =	sbr.rel @p0 .LBB2_2-.Ltmp0, $4  }
0x39: {  	[tilespmem:s0+$0x4B0] =	vst v0  }
0x3a: {  	[tilespmem:s0+$0x4C0] =	vst v0  }
0x3b: {  	[tilespmem:s0+$0x4D0] =	vst v0  }
0x3c: {  	[tilespmem:s0+$0x4E0] =	vst v0;
	s0 =	sshra.s32 s5, $0x2;
	s5 =	sadd.s32 $0x200, s5  }
0x3d: {  	[tilespmem:s0+$0x4F0] =	vst v0  }
0x3e: {  	[tilespmem:s0+$0x480] =	vst v0  }
0x3f: {  	[tilespmem:s0+$0x490] =	vst v0  }
0x40: {  	[tilespmem:s0+$0x4A0] =	vst v0  }
0x41: {  	[tilespmem:s0+$0x4B0] =	vst v0  }
0x42: {  	[tilespmem:s0+$0x4C0] =	vst v0  }
0x43: {  	[tilespmem:s0+$0x4D0] =	vst v0  }
0x44: {  	[tilespmem:s0+$0x4E0] =	vst v0;
	s5 =	simm.s32 $0x4  }
0x45: {  	[spmem:s28] =	stream.linear.scatter [tilespmem:s15], [sflag:$0x4], $0x2800, $0x38;
	[tilespmem:$0x19480] =	vst v63  }
0x46: {  	_ =	swait.ge [sflag:s5], $0x2800  }
0x47: {  	[sflag:s5] =	ssyncset.done $0x0  }
0x48: {  	[sflag:s5] =	ssyncadd.s32 $0xFFFFD800  }
0x49: {  	[spmem:s29] =	stream.linear.scatter [tilespmem:s15], [sflag:$0x4], $0x2800, $0x38;
	[tilespmem:$0x19480] =	vst v63  }
0x4a: {  	_ =	swait.ge [sflag:s5], $0x2800  }
0x4b: {  	[sflag:s5] =	ssyncset.done $0x0  }
0x4c: {  	[sflag:s5] =	ssyncadd.s32 $0xFFFFD800  }
0x4d: {  	[spmem:s30] =	stream.linear.scatter [tilespmem:s15], [sflag:$0x4], $0x2800, $0x38;
	[tilespmem:$0x19480] =	vst v63  }
0x4e: {  	_ =	swait.ge [sflag:s5], $0x2800  }
0x4f: {  	[sflag:s5] =	ssyncset.done $0x0  }
0x50: {  	s16 =	rddreg [dreg:$0xa];
	[sflag:s5] =	ssyncadd.s32 $0xFFFFD800  }
0x51: {  	[spmem:s16] =	stream.linear.scatter [tilespmem:s15], [sflag:$0x4], $0x2800, $0x38;
	[tilespmem:$0x19480] =	vst v63  }
0x52: {  	_ =	swait.ge [sflag:s5], $0x2800  }
0x53: {  	[sflag:s5] =	ssyncset.done $0x0  }
0x54: {  	s30 =	rddreg [dreg:$0xb];
	[sflag:s5] =	ssyncadd.s32 $0xFFFFD800  }
0x55: {  	[spmem:s30] =	stream.linear.scatter [tilespmem:s15], [sflag:$0x4], $0x2800, $0x38;
	[tilespmem:$0x19480] =	vst v63  }
0x56: {  	_ =	swait.ge [sflag:s5], $0x2800  }
0x57: {  	[sflag:s5] =	ssyncset.done $0x0  }
0x58: {  	s31 =	rddreg [dreg:$0xc];
	[sflag:s5] =	ssyncadd.s32 $0xFFFFD800  }
0x59: {  	[spmem:s31] =	stream.linear.scatter [tilespmem:s15], [sflag:$0x4], $0x2800, $0x38;
	[tilespmem:$0x19480] =	vst v63  }
0x5a: {  	_ =	swait.ge [sflag:s5], $0x2800  }
0x5b: {  	[sflag:s5] =	ssyncset.done $0x0  }
0x5c: {  	s6 =	rddreg [dreg:$0xd];
	[sflag:s5] =	ssyncadd.s32 $0xFFFFD800  }
0x5d: {  	[spmem:s6] =	stream.linear.scatter [tilespmem:s15], [sflag:$0x4], $0x2800, $0x38;
	[tilespmem:$0x19480] =	vst v63  }
0x5e: {  	_ =	swait.ge [sflag:s5], $0x2800  }
0x5f: {  	[sflag:s5] =	ssyncset.done $0x0  }
0x60: {  	s16 =	rddreg [dreg:$0x16];
	[sflag:s5] =	ssyncadd.s32 $0xFFFFD800  }
0x61: {  	[spmem:s16] =	stream.linear.scatter [tilespmem:s15], [sflag:$0x4], $0x2800, $0x38;
	[tilespmem:$0x19480] =	vst v63  }
0x62: {  	_ =	swait.ge [sflag:s5], $0x2800  }
0x63: {  	[sflag:s5] =	ssyncset.done $0x0  }
0x64: {  	[sflag:s5] =	ssyncadd.s32 $0xFFFFD800  }
0x65: {  	[bflag:$0x0] =	sbarrier.arrive $0xFFFF  }
0x66: {  	s30 =	sld [smem:$0x7F8];
	_ =	sdelay $0x1  }
0x67: {  	s0 =	simm.s32 $0x0;
	s31 =	sld [smem:$0x7FC]  }
0x68: {  	[tilespmem:s0], [sflag:$0x1] =	stream.linear.gather [hbm4b:s30+s0], $0x50, $0x38;
	[tilespmem:$0x19480] =	vst v63  }
0x69: {  	s6 =	sld [smem:$0x7F2]  }
0x6a: {  	[tilespmem:s17], [sflag:$0x1] =	stream.linear.gather [hbm4b:s31+s0], $0x50, $0x38;
	[tilespmem:$0x19480] =	vst v63  }
0x6b: {  	_ = 	snop  }
0x6c: {  	[tilespmem:s18], [sflag:$0x1] =	stream.linear.gather [hbm4b:s6+s0], $0x50, $0x38;
	[tilespmem:$0x19480] =	vst v63  }
0x6d: {  	_ =	swait.ge [sflag:s19], $0x50  }
0x6e: {  	[sflag:s19] =	ssyncset.done $0x0  }
0x6f: {  	[sflag:s19] =	ssyncadd.s32 $0xFFFFFFB0  }
0x70: {  	_ =	swait.ge [sflag:s19], $0x50  }
0x71: {  	[sflag:s19] =	ssyncset.done $0x0  }
0x72: {  	[sflag:s19] =	ssyncadd.s32 $0xFFFFFFB0  }
0x73: {  	_ =	swait.ge [sflag:s19], $0x50  }
0x74: {  	[sflag:s19] =	ssyncset.done $0x0  }
0x75: {  	s16 =	sld [smem:$0x7F9];
	[sflag:s19] =	ssyncadd.s32 $0xFFFFFFB0  }
0x76: {  	[tilespmem:s15], [sflag:$0x2] =	stream.indirect.gather [hbm4b:s3+s20], $0x80, s0, s20, $0xb8;
	[tilespmem:$0x19480] =	vst v63  }
0x77: {  	_ = 	snop  }
0x78: {  	[tilespmem:s21], [sflag:$0x1] =	stream.linear.gather [hbm4b:s16+s0], $0x50, $0x38;
	[tilespmem:$0x19480] =	vst v63  }
0x79: {  	s30 =	rddreg [dreg:$0x17]  }
0x7a: {  	[tilespmem:s23], [sflag:$0x1] =	stream.linear.gather [hbm4b:s30+s0], $0x50, $0x38;
	[tilespmem:$0x19480] =	vst v63  }
0x7b: {  	s31 =	rddreg [dreg:$0x18]  }
0x7c: {  	[tilespmem:s24], [sflag:$0x1] =	stream.linear.gather [hbm4b:s31+s0], $0x50, $0x38;
	[tilespmem:$0x19480] =	vst v63  }
0x7d: {  	_ =	swait.ge [sflag:s19], $0x50  }
0x7e: {  	[sflag:s19] =	ssyncset.done $0x0  }
0x7f: {  	[sflag:s19] =	ssyncadd.s32 $0xFFFFFFB0  }
0x80: {  	_ =	swait.ge [sflag:s19], $0x50  }
0x81: {  	[sflag:s19] =	ssyncset.done $0x0  }
0x82: {  	[sflag:s19] =	ssyncadd.s32 $0xFFFFFFB0  }
0x83: {  	_ =	swait.ge [sflag:s19], $0x50  }
0x84: {  	[sflag:s19] =	ssyncset.done $0x0  }
0x85: {  	s6 =	sld [smem:$0x7FA];
	[sflag:s19] =	ssyncadd.s32 $0xFFFFFFB0  }
0x86: {  	[tilespmem:s25], [sflag:$0x2] =	stream.indirect.gather [hbm4b:s3+s20], $0x80, s21, s20, $0xb8;
	[tilespmem:$0x19480] =	vst v63  }
0x87: {  	_ = 	snop  }
0x88: {  	v1 =	vmov s0;
	[tilespmem:s26], [sflag:$0x1] =	stream.linear.gather [hbm4b:s6+s0], $0x50, $0x38;
	[tilespmem:$0x19480] =	vst v63  }
0x89: {  	v1 =	vand.u32 $0xFFFFFFFE, v1;
	s16 =	rddreg [dreg:$0x19]  }
0x8a: {  	v1 =	vbroadcast v1, $0x0;
	[tilespmem:s14], [sflag:$0x1] =	stream.linear.gather [hbm4b:s16+s0], $0x50, $0x38;
	[tilespmem:$0x19480] =	vst v63  }
0x8b: {  	s30 =	rddreg [dreg:$0x1a]  }
0x8c: {  	[tilespmem:s7], [sflag:$0x1] =	stream.linear.gather [hbm4b:s30+s0], $0x50, $0x38;
	[tilespmem:$0x19480] =	vst v63  }
0x8d: {  	_ =	swait.ge [sflag:s8], $0x2800  }
0x8e: {  	[sflag:s8] =	ssyncset.done $0x0  }
0x8f: {  	[sflag:s8] =	ssyncadd.s32 $0xFFFFD800  }
0x90: {  	s16 =	simm.s32 $0x500;
	v2 =	vld.idx.msk [tilespmem:v1+s18+$0x0], $0xffff  }
0x91: {  	v1 =	vld [tilespmem:s16+$0xFFFFFFF0]  }
0x92: {  	v3 =	vld [tilespmem:s16+$0xFFFFFF80]  }
0x93: {  	s31 =	simm.s32 $0x1;
	v6 =	vld [tilespmem:s16+$0xFFFFFF90]  }
0x94: {  	v7 =	vmov s31;
	v8 =	vld [tilespmem:s16+$0xFFFFFFA0]  }
0x95: {  	v11 =	vld [tilespmem:s16+$0xFFFFFFB0]  }
0x96: {  	v5 =	vld [tilespmem:s16+$0xFFFFFFC0]  }
0x97: {  	v4 =	vld [tilespmem:s16+$0xFFFFFFD0];
	v9 =	vmul.f32 v1, v2  }
0x98: {  	v10 =	vmul.f32 v3, v2;
	v3 =	vld [tilespmem:s16+$0xFFFFFFE0]  }
0x99: {  	v1 =	vld.idx.msk [tilespmem:v7+s18+$0x0], $0xffff;
	v6 =	vmul.f32 v6, v2;
	[tilespmem:s16+$0xFFFFFFF0] =	vst v9  }
0x9a: {  	s29 =	simm.s32 $0x2;
	v7 =	vld [tilespmem:s16+$0x0];
	[tilespmem:s16+$0xFFFFFF80] =	vst v10;
	v9 =	vmul.f32 v8, v2  }
0x9b: {  	s28 =	simm.s32 $0x500;
	s0 =	simm.s32 $0x4;
	v10 =	vmov s29;
	[tilespmem:s16+$0xFFFFFF90] =	vst v6;
	v8 =	vmul.f32 v11, v2;
	v6 =	vld [tilespmem:s16+$0x10]  }
.LBB2_4:
0x9c: {  	p0 =	slt.u32 s0, $0x26;
	v10 =	vand.u32 $0xFFFFFFFE, v10;
	s5 =	sadd.s32 $0x1, s29;
	[tilespmem:s16+$0xFFFFFFA0] =	vst v9;
	v5 =	vmul.f32 v5, v2;
	v9 =	vld [tilespmem:s16+$0x20];
	s29 =	smov.u32 s0  }
0x9d: {  	v10 =	vbroadcast v10, $0x0;
	v11 =	vmov s5;
	[tilespmem:s16+$0xFFFFFFB0] =	vst v8;
	v4 =	vmul.f32 v4, v2;
	v8 =	vld [tilespmem:s16+$0x30]  }
0x9e: {  	[tilespmem:s16+$0xFFFFFFC0] =	vst v5;
	v2 =	vmul.f32 v3, v2;
	v3 =	vld [tilespmem:s16+$0x40]  }
0x9f: {  	[tilespmem:s16+$0xFFFFFFD0] =	vst v4;
	v4 =	vmul.f32 v7, v1;
	v5 =	vld [tilespmem:s16+$0x50]  }
0xa0: {  	[tilespmem:s16+$0xFFFFFFE0] =	vst v2;
	v2 =	vmul.f32 v6, v1;
	v6 =	vld [tilespmem:s16+$0x60]  }
0xa1: {  	[tilespmem:s16+$0x0] =	vst v4;
	v4 =	vmul.f32 v9, v1;
	v7 =	vld [tilespmem:s16+$0x70]  }
0xa2: {  	v9 =	vld.idx.msk [tilespmem:v11+s18+$0x0], $0xffff;
	[tilespmem:s16+$0x10] =	vst v2;
	v8 =	vmul.f32 v8, v1  }
0xa3: {  	s16 =	sadd.s32 $0x100, s16;
	v2 =	vld.idx.msk [tilespmem:v10+s18+$0x0], $0xffff;
	[tilespmem:s28+$0x20] =	vst v4;
	v3 =	vmul.f32 v3, v1  }
0xa4: {  	v4 =	vld [tilespmem:s16+$0xFFFFFFF0];
	[tilespmem:s28+$0x30] =	vst v8;
	v5 =	vmul.f32 v5, v1  }
0xa5: {  	v8 =	vld [tilespmem:s16+$0xFFFFFF80];
	[tilespmem:s28+$0x40] =	vst v3;
	v3 =	vmul.f32 v6, v1  }
0xa6: {  	v6 =	vld [tilespmem:s16+$0xFFFFFF90];
	[tilespmem:s28+$0x50] =	vst v5;
	v5 =	vmul.f32 v7, v1  }
0xa7: {  	v7 =	vld [tilespmem:s16+$0xFFFFFFA0];
	[tilespmem:s28+$0x60] =	vst v3  }
0xa8: {  	v1 =	vmov v9;
	v11 =	vld [tilespmem:s16+$0xFFFFFFB0];
	[tilespmem:s28+$0x70] =	vst v5;
	s28 =	smov.u32 s16  }
.Ltmp1:
0xa9: {  	v5 =	vld [tilespmem:s16+$0xFFFFFFC0];
	v9 =	vmul.f32 v4, v2;
	(pc) =	sbr.rel @p0 .LBB2_4-.Ltmp1, $4  }
0xaa: {  	v8 =	vmul.f32 v8, v2;
	v4 =	vld [tilespmem:s16+$0xFFFFFFD0]  }
0xab: {  	v6 =	vmul.f32 v6, v2;
	v3 =	vld [tilespmem:s16+$0xFFFFFFE0];
	[tilespmem:s16+$0xFFFFFFF0] =	vst v9  }
0xac: {  	[tilespmem:s16+$0xFFFFFF80] =	vst v8;
	v9 =	vmul.f32 v7, v2;
	v7 =	vld [tilespmem:s16+$0x0]  }
0xad: {  	s0 =	sadd.s32 $0x2, s0;
	v10 =	vmov s29;
	[tilespmem:s16+$0xFFFFFF90] =	vst v6;
	v8 =	vmul.f32 v11, v2;
	v6 =	vld [tilespmem:s16+$0x10]  }
0xae: {  	v11 =	vld [tilespmem:s16+$0x20]  }
0xaf: {  	v10 =	vand.u32 $0xFFFFFFFE, v10;
	s0 =	sadd.s32 $0x1, s29;
	v12 =	vld [tilespmem:s16+$0x30]  }
0xb0: {  	v14 =	vld [tilespmem:s16+$0x40];
	[tilespmem:s16+$0xFFFFFFA0] =	vst v9;
	v5 =	vmul.f32 v5, v2;
	v10 =	vbroadcast v10, $0x0;
	v13 =	vmov s0  }
0xb1: {  	v9 =	vld [tilespmem:s16+$0x50];
	[tilespmem:s16+$0xFFFFFFB0] =	vst v8;
	v4 =	vmul.f32 v4, v2  }
0xb2: {  	v8 =	vld [tilespmem:s16+$0x60];
	[tilespmem:s16+$0xFFFFFFC0] =	vst v5;
	v7 =	vmul.f32 v7, v1  }
0xb3: {  	s30 =	sadd.s32 $0x100, s16;
	v2 =	vmul.f32 v3, v2;
	v3 =	vld [tilespmem:s16+$0x70];
	[tilespmem:s16+$0xFFFFFFD0] =	vst v4  }
0xb4: {  	v4 =	vmul.f32 v6, v1;
	[tilespmem:s16+$0x0] =	vst v7;
	v7 =	vld [tilespmem:s30+$0xFFFFFFF0]  }
0xb5: {  	[tilespmem:s16+$0xFFFFFFE0] =	vst v2;
	v2 =	vmul.f32 v11, v1;
	v5 =	vld.idx.msk [tilespmem:v13+s18+$0x0], $0xffff  }
0xb6: {  	[tilespmem:s16+$0x10] =	vst v4;
	v4 =	vmul.f32 v12, v1;
	v6 =	vld.idx.msk [tilespmem:v10+s18+$0x0], $0xffff  }
0xb7: {  	[tilespmem:s28+$0x20] =	vst v2;
	v2 =	vmul.f32 v14, v1;
	v10 =	vld [tilespmem:s30+$0xFFFFFF80]  }
0xb8: {  	[tilespmem:s28+$0x30] =	vst v4;
	v4 =	vmul.f32 v9, v1;
	v9 =	vld [tilespmem:s30+$0xFFFFFF90]  }
0xb9: {  	[tilespmem:s28+$0x40] =	vst v2;
	v2 =	vmul.f32 v8, v1;
	v8 =	vld [tilespmem:s30+$0xFFFFFFA0]  }
0xba: {  	v1 =	vmul.f32 v3, v1;
	v3 =	vld [tilespmem:s30+$0xFFFFFFB0];
	[tilespmem:s28+$0x50] =	vst v4  }
0xbb: {  	[tilespmem:s28+$0x60] =	vst v2;
	v2 =	vld [tilespmem:s30+$0xFFFFFFC0];
	v4 =	vmul.f32 v7, v6  }
0xbc: {  	[tilespmem:s28+$0x70] =	vst v1;
	v1 =	vmul.f32 v10, v6;
	v7 =	vld [tilespmem:s30+$0xFFFFFFD0]  }
0xbd: {  	v10 =	vld [tilespmem:s30+$0xFFFFFFE0];
	v9 =	vmul.f32 v9, v6;
	[tilespmem:s30+$0xFFFFFFF0] =	vst v4  }
0xbe: {  	[tilespmem:s30+$0xFFFFFF80] =	vst v1;
	v1 =	vmul.f32 v8, v6;
	v4 =	vld [tilespmem:s30+$0x0]  }
0xbf: {  	v3 =	vmul.f32 v3, v6;
	v8 =	vld [tilespmem:s30+$0x10];
	[tilespmem:s30+$0xFFFFFF90] =	vst v9  }
0xc0: {  	[tilespmem:s30+$0xFFFFFFA0] =	vst v1;
	v1 =	vmul.f32 v2, v6;
	v2 =	vld [tilespmem:s30+$0x20]  }
0xc1: {  	[tilespmem:s30+$0xFFFFFFB0] =	vst v3;
	v3 =	vmul.f32 v7, v6;
	v7 =	vld [tilespmem:s30+$0x30]  }
0xc2: {  	[tilespmem:s30+$0xFFFFFFC0] =	vst v1;
	v1 =	vmul.f32 v10, v6;
	v6 =	vld [tilespmem:s30+$0x40]  }
0xc3: {  	[tilespmem:s30+$0xFFFFFFD0] =	vst v3;
	v3 =	vmul.f32 v4, v5;
	v4 =	vld [tilespmem:s30+$0x50]  }
0xc4: {  	[tilespmem:s30+$0xFFFFFFE0] =	vst v1;
	v1 =	vmul.f32 v8, v5;
	v8 =	vld [tilespmem:s30+$0x60]  }
0xc5: {  	s5 =	simm.s32 $0x28;
	[tilespmem:s30+$0x0] =	vst v3;
	v2 =	vmul.f32 v2, v5;
	v3 =	vld [tilespmem:s30+$0x70]  }
0xc6: {  	[tilespmem:s30+$0x10] =	vst v1;
	v1 =	vmul.f32 v7, v5;
	v7 =	vmov s5  }
0xc7: {  	[tilespmem:s30+$0x20] =	vst v2;
	v2 =	vmul.f32 v6, v5;
	v6 =	vand.u32 $0xFFFFFFFE, v7  }
0xc8: {  	[tilespmem:s30+$0x30] =	vst v1;
	v1 =	vmul.f32 v4, v5;
	v4 =	vbroadcast v6, $0x0  }
0xc9: {  	[tilespmem:s30+$0x40] =	vst v2;
	v2 =	vmul.f32 v8, v5  }
0xca: {  	[tilespmem:s30+$0x50] =	vst v1;
	v1 =	vmul.f32 v3, v5  }
0xcb: {  	[tilespmem:s30+$0x60] =	vst v2  }
0xcc: {  	[tilespmem:s30+$0x70] =	vst v1  }
0xcd: {  	[spmem:s4] =	stream.indirect.scatter.add.f32 [tilespmem:s15], [sflag:$0x3], $0x80, s17, s5, $0xb8;
	[tilespmem:$0x19480] =	vst v63  }
0xce: {  	s16 =	simm.s32 $0x1970;
	v2 =	vld.idx.msk [tilespmem:v4+s18+$0x0], $0xffff  }
0xcf: {  	v1 =	vld [tilespmem:s16+$0xFFFFFF80]  }
0xd0: {  	v3 =	vld [tilespmem:s16+$0xFFFFFF10]  }
0xd1: {  	s31 =	simm.s32 $0x29;
	v6 =	vld [tilespmem:s16+$0xFFFFFF20]  }
0xd2: {  	v7 =	vmov s31;
	v8 =	vld [tilespmem:s16+$0xFFFFFF30]  }
0xd3: {  	v11 =	vld [tilespmem:s16+$0xFFFFFF40]  }
0xd4: {  	v5 =	vld [tilespmem:s16+$0xFFFFFF50]  }
0xd5: {  	v4 =	vld [tilespmem:s16+$0xFFFFFF60];
	v9 =	vmul.f32 v1, v2  }
0xd6: {  	v10 =	vmul.f32 v3, v2;
	v3 =	vld [tilespmem:s16+$0xFFFFFF70]  }
0xd7: {  	v1 =	vld.idx.msk [tilespmem:v7+s18+$0x0], $0xffff;
	v6 =	vmul.f32 v6, v2;
	[tilespmem:s16+$0xFFFFFF80] =	vst v9  }
0xd8: {  	s29 =	simm.s32 $0x2A;
	v7 =	vld [tilespmem:s16+$0xFFFFFF90];
	[tilespmem:s16+$0xFFFFFF10] =	vst v10;
	v9 =	vmul.f32 v8, v2  }
0xd9: {  	s0 =	simm.s32 $0x2C;
	s28 =	simm.s32 $0x1970;
	v10 =	vmov s29;
	[tilespmem:s16+$0xFFFFFF20] =	vst v6;
	v8 =	vmul.f32 v11, v2;
	v6 =	vld [tilespmem:s16+$0xFFFFFFA0]  }
.LBB2_6:
0xda: {  	p0 =	slt.u32 s0, $0x4E;
	v10 =	vand.u32 $0xFFFFFFFE, v10;
	s5 =	sadd.s32 $0x1, s29;
	[tilespmem:s16+$0xFFFFFF30] =	vst v9;
	v5 =	vmul.f32 v5, v2;
	v9 =	vld [tilespmem:s16+$0xFFFFFFB0];
	s29 =	smov.u32 s0  }
0xdb: {  	v10 =	vbroadcast v10, $0x0;
	v11 =	vmov s5;
	[tilespmem:s16+$0xFFFFFF40] =	vst v8;
	v4 =	vmul.f32 v4, v2;
	v8 =	vld [tilespmem:s16+$0xFFFFFFC0]  }
0xdc: {  	[tilespmem:s16+$0xFFFFFF50] =	vst v5;
	v2 =	vmul.f32 v3, v2;
	v3 =	vld [tilespmem:s16+$0xFFFFFFD0]  }
0xdd: {  	[tilespmem:s16+$0xFFFFFF60] =	vst v4;
	v4 =	vmul.f32 v7, v1;
	v5 =	vld [tilespmem:s16+$0xFFFFFFE0]  }
0xde: {  	[tilespmem:s16+$0xFFFFFF70] =	vst v2;
	v2 =	vmul.f32 v6, v1;
	v6 =	vld [tilespmem:s16+$0xFFFFFFF0]  }
0xdf: {  	[tilespmem:s16+$0xFFFFFF90] =	vst v4;
	v4 =	vmul.f32 v9, v1;
	v7 =	vld [tilespmem:s16+$0x0]  }
0xe0: {  	v9 =	vld.idx.msk [tilespmem:v11+s18+$0x0], $0xffff;
	[tilespmem:s16+$0xFFFFFFA0] =	vst v2;
	v8 =	vmul.f32 v8, v1  }
0xe1: {  	s16 =	sadd.s32 $0x100, s16;
	v2 =	vld.idx.msk [tilespmem:v10+s18+$0x0], $0xffff;
	[tilespmem:s28+$0xFFFFFFB0] =	vst v4;
	v3 =	vmul.f32 v3, v1  }
0xe2: {  	v4 =	vld [tilespmem:s16+$0xFFFFFF80];
	[tilespmem:s28+$0xFFFFFFC0] =	vst v8;
	v5 =	vmul.f32 v5, v1  }
0xe3: {  	v8 =	vld [tilespmem:s16+$0xFFFFFF10];
	[tilespmem:s28+$0xFFFFFFD0] =	vst v3;
	v3 =	vmul.f32 v6, v1  }
0xe4: {  	v6 =	vld [tilespmem:s16+$0xFFFFFF20];
	[tilespmem:s28+$0xFFFFFFE0] =	vst v5;
	v5 =	vmul.f32 v7, v1  }
0xe5: {  	v7 =	vld [tilespmem:s16+$0xFFFFFF30];
	[tilespmem:s28+$0xFFFFFFF0] =	vst v3  }
0xe6: {  	v1 =	vmov v9;
	v11 =	vld [tilespmem:s16+$0xFFFFFF40];
	[tilespmem:s28+$0x0] =	vst v5;
	s28 =	smov.u32 s16  }
.Ltmp2:
0xe7: {  	v5 =	vld [tilespmem:s16+$0xFFFFFF50];
	v9 =	vmul.f32 v4, v2;
	(pc) =	sbr.rel @p0 .LBB2_6-.Ltmp2, $4  }
0xe8: {  	v8 =	vmul.f32 v8, v2;
	v4 =	vld [tilespmem:s16+$0xFFFFFF60]  }
0xe9: {  	v6 =	vmul.f32 v6, v2;
	v3 =	vld [tilespmem:s16+$0xFFFFFF70];
	[tilespmem:s16+$0xFFFFFF80] =	vst v9  }
0xea: {  	[tilespmem:s16+$0xFFFFFF10] =	vst v8;
	v9 =	vmul.f32 v7, v2;
	v7 =	vld [tilespmem:s16+$0xFFFFFF90]  }
0xeb: {  	s0 =	sadd.s32 $0x2, s0;
	v10 =	vmov s29;
	[tilespmem:s16+$0xFFFFFF20] =	vst v6;
	v8 =	vmul.f32 v11, v2;
	v6 =	vld [tilespmem:s16+$0xFFFFFFA0]  }
0xec: {  	v11 =	vld [tilespmem:s16+$0xFFFFFFB0]  }
0xed: {  	v10 =	vand.u32 $0xFFFFFFFE, v10;
	v12 =	vld [tilespmem:s16+$0xFFFFFFC0]  }
0xee: {  	v14 =	vld [tilespmem:s16+$0xFFFFFFD0];
	[tilespmem:s16+$0xFFFFFF30] =	vst v9;
	v5 =	vmul.f32 v5, v2;
	v10 =	vbroadcast v10, $0x0  }
0xef: {  	v44 =	vld [tilespmem:s16+$0xFFFFFFE0];
	[tilespmem:s16+$0xFFFFFF40] =	vst v8;
	v4 =	vmul.f32 v4, v2  }
0xf0: {  	v45 =	vld [tilespmem:s16+$0xFFFFFFF0];
	s31 =	sadd.s32 $0x100, s16;
	[tilespmem:s16+$0xFFFFFF50] =	vst v5;
	v2 =	vmul.f32 v3, v2  }
0xf1: {  	v50 =	vld [tilespmem:s31+$0xFFFFFF80];
	v7 =	vmul.f32 v7, v1;
	[tilespmem:s16+$0xFFFFFF60] =	vst v4  }
0xf2: {  	v51 =	vld [tilespmem:s31+$0xFFFFFF10];
	v46 =	vmul.f32 v6, v1;
	[tilespmem:s16+$0xFFFFFF70] =	vst v2  }
0xf3: {  	v3 =	vld [tilespmem:s16+$0x0];
	[tilespmem:s16+$0xFFFFFF90] =	vst v7;
	v2 =	vmul.f32 v11, v1  }
0xf4: {  	v49 =	vmul.f32 v12, v1;
	[tilespmem:s16+$0xFFFFFFA0] =	vst v46;
	v48 =	vld.idx.msk [tilespmem:v10+s18+$0x0], $0xffff  }
0xf5: {  	v53 =	vld [tilespmem:s31+$0xFFFFFF20];
	[tilespmem:s28+$0xFFFFFFB0] =	vst v2;
	v2 =	vmul.f32 v14, v1  }
0xf6: {  	s0 =	sadd.s32 $0x1, s29;
	v54 =	vld [tilespmem:s31+$0xFFFFFF30];
	v52 =	vmul.f32 v44, v1;
	[tilespmem:s28+$0xFFFFFFC0] =	vst v49  }
0xf7: {  	v13 =	vmov s0;
	v56 =	vld [tilespmem:s31+$0xFFFFFF60];
	[tilespmem:s28+$0xFFFFFFD0] =	vst v2;
	v2 =	vmul.f32 v45, v1  }
0xf8: {  	[tilespmem:s28+$0xFFFFFFE0] =	vst v52;
	v1 =	vmul.f32 v3, v1;
	v3 =	vld [tilespmem:s31+$0xFFFFFF40]  }
0xf9: {  	[tilespmem:s28+$0xFFFFFFF0] =	vst v2;
	v2 =	vld [tilespmem:s31+$0xFFFFFF50];
	v55 =	vmul.f32 v50, v48  }
0xfa: {  	v57 =	vld [tilespmem:s31+$0xFFFFFF70];
	[tilespmem:s28+$0x0] =	vst v1;
	v1 =	vmul.f32 v51, v48  }
0xfb: {  	v58 =	vld [tilespmem:s31+$0xFFFFFF90];
	v9 =	vmul.f32 v53, v48;
	[tilespmem:s31+$0xFFFFFF80] =	vst v55  }
0xfc: {  	v47 =	vld.idx.msk [tilespmem:v13+s18+$0x0], $0xffff;
	[tilespmem:s31+$0xFFFFFF10] =	vst v1;
	v1 =	vmul.f32 v54, v48  }
0xfd: {  	v59 =	vld [tilespmem:s31+$0xFFFFFFA0];
	[tilespmem:s31+$0xFFFFFF20] =	vst v9;
	v3 =	vmul.f32 v3, v48  }
0xfe: {  	[tilespmem:s31+$0xFFFFFF30] =	vst v1;
	v1 =	vmul.f32 v2, v48;
	v2 =	vld [tilespmem:s31+$0xFFFFFFB0]  }
0xff: {  	v60 =	vld [tilespmem:s31+$0xFFFFFFC0];
	[tilespmem:s31+$0xFFFFFF40] =	vst v3;
	v3 =	vmul.f32 v56, v48  }
0x100: {  	v61 =	vld [tilespmem:s31+$0xFFFFFFD0];
	[tilespmem:s31+$0xFFFFFF50] =	vst v1;
	v1 =	vmul.f32 v57, v48  }
0x101: {  	v62 =	vld [tilespmem:s31+$0xFFFFFFE0];
	[tilespmem:s31+$0xFFFFFF60] =	vst v3;
	v3 =	vmul.f32 v58, v47  }
0x102: {  	v63 =	vld [tilespmem:s31+$0xFFFFFFF0];
	[tilespmem:s31+$0xFFFFFF70] =	vst v1;
	v1 =	vmul.f32 v59, v47  }
0x103: {  	[tilespmem:s31+$0xFFFFFF90] =	vst v3;
	v3 =	vld [tilespmem:s31+$0x0];
	v2 =	vmul.f32 v2, v47  }
0x104: {  	[tilespmem:s31+$0xFFFFFFA0] =	vst v1;
	v1 =	vmul.f32 v60, v47  }
0x105: {  	[tilespmem:s31+$0xFFFFFFB0] =	vst v2;
	v2 =	vmul.f32 v61, v47  }
0x106: {  	[tilespmem:s31+$0xFFFFFFC0] =	vst v1;
	v1 =	vmul.f32 v62, v47  }
0x107: {  	[tilespmem:s31+$0xFFFFFFD0] =	vst v2;
	v2 =	vmul.f32 v63, v47  }
0x108: {  	[tilespmem:s31+$0xFFFFFFE0] =	vst v1;
	v1 =	vmul.f32 v3, v47  }
0x109: {  	[tilespmem:s31+$0xFFFFFFF0] =	vst v2  }
0x10a: {  	s16 =	simm.s32 $0x0;
	s28 =	simm.s32 $0x0;
	[tilespmem:s31+$0x0] =	vst v1  }
0x10b: {  	[spmem:s4] =	stream.indirect.scatter.add.f32 [tilespmem:s11], [sflag:$0x3], $0x80, s10, s9, $0xb8;
	[tilespmem:$0x19480] =	vst v63  }
.LBB2_8:
0x10c: {  	_ =	swait.ge [sflag:s19], $0x50  }
0x10d: {  	[sflag:s19] =	ssyncset.done $0x0  }
0x10e: {  	[sflag:s19] =	ssyncadd.s32 $0xFFFFFFB0  }
0x10f: {  	_ =	swait.ge [sflag:s19], $0x50  }
0x110: {  	[sflag:s19] =	ssyncset.done $0x0  }
0x111: {  	[sflag:s19] =	ssyncadd.s32 $0xFFFFFFB0  }
0x112: {  	_ =	swait.ge [sflag:s19], $0x50  }
0x113: {  	[sflag:s19] =	ssyncset.done $0x0  }
0x114: {  	[sflag:s19] =	ssyncadd.s32 $0xFFFFFFB0  }
0x115: {  	_ =	swait.ge [sflag:s12], $0x1400  }
0x116: {  	[sflag:s12] =	ssyncset.done $0x0  }
0x117: {  	[sflag:s12] =	ssyncadd.s32 $0xFFFFEC00  }
0x118: {  	s29 =	smul.u32 $0x1E0, s28;
	_ =	swait.ge [sflag:s12], $0x1400  }
0x119: {  	[sflag:s12] =	ssyncset.done $0x0;
	s0 =	rddreg [dreg:$0x1b]  }
0x11a: {  	[sflag:s12] =	ssyncadd.s32 $0xFFFFEC00;
	s0 =	sadd.s32 s29, s0  }
0x11b: {  	[tilespmem:s15], [sflag:$0x2] =	stream.indirect.gather [hbm4b:s3+s20], $0x80, s26, s20, $0xb8;
	[tilespmem:$0x19480] =	vst v63  }
0x11c: {  	s0 =	sshrl.u32 s0, $0x3  }
0x11d: {  	s5 =	sadd.s32 s1, s0  }
0x11e: {  	s30 =	sadd.s32 $0x9C40, s5  }
0x11f: {  	v1 =	vmov s16;
	[tilespmem:s16], [sflag:$0x1] =	stream.linear.gather [hbm4b:s30+s16], $0x50, $0x38;
	[tilespmem:$0x19480] =	vst v63  }
0x120: {  	v1 =	vand.u32 $0xFFFFFFFE, v1  }
0x121: {  	v1 =	vbroadcast v1, $0x0;
	[tilespmem:s17], [sflag:$0x1] =	stream.linear.gather [hbm4b:s5+s16], $0x50, $0x38;
	[tilespmem:$0x19480] =	vst v63  }
0x122: {  	s0 =	sadd.s32 s2, s0  }
0x123: {  	[tilespmem:s18], [sflag:$0x1] =	stream.linear.gather [hbm4b:s0+s16], $0x50, $0x38;
	[tilespmem:$0x19480] =	vst v63  }
0x124: {  	_ =	swait.ge [sflag:s8], $0x2800  }
0x125: {  	[sflag:s8] =	ssyncset.done $0x0  }
0x126: {  	[sflag:s8] =	ssyncadd.s32 $0xFFFFD800  }
0x127: {  	s30 =	simm.s32 $0x2D00;
	v2 =	vld.idx.msk [tilespmem:v1+s24+$0x0], $0xffff  }
0x128: {  	v1 =	vld [tilespmem:s30+$0xFFFFFFF0]  }
0x129: {  	v3 =	vld [tilespmem:s30+$0xFFFFFF80]  }
0x12a: {  	s6 =	simm.s32 $0x1;
	v6 =	vld [tilespmem:s30+$0xFFFFFF90]  }
0x12b: {  	v7 =	vmov s6;
	v8 =	vld [tilespmem:s30+$0xFFFFFFA0]  }
0x12c: {  	v11 =	vld [tilespmem:s30+$0xFFFFFFB0]  }
0x12d: {  	v5 =	vld [tilespmem:s30+$0xFFFFFFC0]  }
0x12e: {  	v4 =	vld [tilespmem:s30+$0xFFFFFFD0];
	v9 =	vmul.f32 v1, v2  }
0x12f: {  	v10 =	vmul.f32 v3, v2;
	v3 =	vld [tilespmem:s30+$0xFFFFFFE0]  }
0x130: {  	v1 =	vld.idx.msk [tilespmem:v7+s24+$0x0], $0xffff;
	v6 =	vmul.f32 v6, v2;
	[tilespmem:s30+$0xFFFFFFF0] =	vst v9  }
0x131: {  	s0 =	simm.s32 $0x2;
	v7 =	vld [tilespmem:s30+$0x0];
	[tilespmem:s30+$0xFFFFFF80] =	vst v10;
	v9 =	vmul.f32 v8, v2  }
0x132: {  	s31 =	simm.s32 $0x2D00;
	s5 =	simm.s32 $0x4;
	v10 =	vmov s0;
	[tilespmem:s30+$0xFFFFFF90] =	vst v6;
	v8 =	vmul.f32 v11, v2;
	v6 =	vld [tilespmem:s30+$0x10]  }
.LBB2_9:
0x133: {  	p0 =	slt.u32 s5, $0x26;
	v10 =	vand.u32 $0xFFFFFFFE, v10;
	s6 =	sadd.s32 $0x1, s0;
	[tilespmem:s30+$0xFFFFFFA0] =	vst v9;
	v5 =	vmul.f32 v5, v2;
	v9 =	vld [tilespmem:s30+$0x20];
	s0 =	smov.u32 s5  }
0x134: {  	v10 =	vbroadcast v10, $0x0;
	v11 =	vmov s6;
	[tilespmem:s30+$0xFFFFFFB0] =	vst v8;
	v4 =	vmul.f32 v4, v2;
	v8 =	vld [tilespmem:s30+$0x30]  }
0x135: {  	[tilespmem:s30+$0xFFFFFFC0] =	vst v5;
	v2 =	vmul.f32 v3, v2;
	v3 =	vld [tilespmem:s30+$0x40]  }
0x136: {  	[tilespmem:s30+$0xFFFFFFD0] =	vst v4;
	v4 =	vmul.f32 v7, v1;
	v5 =	vld [tilespmem:s30+$0x50]  }
0x137: {  	[tilespmem:s30+$0xFFFFFFE0] =	vst v2;
	v2 =	vmul.f32 v6, v1;
	v6 =	vld [tilespmem:s30+$0x60]  }
0x138: {  	[tilespmem:s30+$0x0] =	vst v4;
	v4 =	vmul.f32 v9, v1;
	v7 =	vld [tilespmem:s30+$0x70]  }
0x139: {  	v9 =	vld.idx.msk [tilespmem:v11+s24+$0x0], $0xffff;
	[tilespmem:s30+$0x10] =	vst v2;
	v8 =	vmul.f32 v8, v1  }
0x13a: {  	s30 =	sadd.s32 $0x100, s30;
	v2 =	vld.idx.msk [tilespmem:v10+s24+$0x0], $0xffff;
	[tilespmem:s31+$0x20] =	vst v4;
	v3 =	vmul.f32 v3, v1  }
0x13b: {  	v4 =	vld [tilespmem:s30+$0xFFFFFFF0];
	[tilespmem:s31+$0x30] =	vst v8;
	v5 =	vmul.f32 v5, v1  }
0x13c: {  	v8 =	vld [tilespmem:s30+$0xFFFFFF80];
	[tilespmem:s31+$0x40] =	vst v3;
	v3 =	vmul.f32 v6, v1  }
0x13d: {  	v6 =	vld [tilespmem:s30+$0xFFFFFF90];
	[tilespmem:s31+$0x50] =	vst v5;
	v5 =	vmul.f32 v7, v1  }
0x13e: {  	v7 =	vld [tilespmem:s30+$0xFFFFFFA0];
	[tilespmem:s31+$0x60] =	vst v3  }
0x13f: {  	v1 =	vmov v9;
	v11 =	vld [tilespmem:s30+$0xFFFFFFB0];
	[tilespmem:s31+$0x70] =	vst v5;
	s31 =	smov.u32 s30  }
.Ltmp3:
0x140: {  	v5 =	vld [tilespmem:s30+$0xFFFFFFC0];
	v9 =	vmul.f32 v4, v2;
	(pc) =	sbr.rel @p0 .LBB2_9-.Ltmp3, $4  }
0x141: {  	v8 =	vmul.f32 v8, v2;
	v4 =	vld [tilespmem:s30+$0xFFFFFFD0]  }
0x142: {  	v6 =	vmul.f32 v6, v2;
	v3 =	vld [tilespmem:s30+$0xFFFFFFE0];
	[tilespmem:s30+$0xFFFFFFF0] =	vst v9  }
0x143: {  	[tilespmem:s30+$0xFFFFFF80] =	vst v8;
	v9 =	vmul.f32 v7, v2;
	v7 =	vld [tilespmem:s30+$0x0]  }
0x144: {  	s5 =	sadd.s32 $0x2, s5;
	v10 =	vmov s0;
	[tilespmem:s30+$0xFFFFFF90] =	vst v6;
	v8 =	vmul.f32 v11, v2;
	v6 =	vld [tilespmem:s30+$0x10]  }
0x145: {  	v11 =	vld [tilespmem:s30+$0x20]  }
0x146: {  	v10 =	vand.u32 $0xFFFFFFFE, v10;
	s0 =	sadd.s32 $0x1, s0;
	v12 =	vld [tilespmem:s30+$0x30]  }
0x147: {  	v14 =	vld [tilespmem:s30+$0x40];
	[tilespmem:s30+$0xFFFFFFA0] =	vst v9;
	v5 =	vmul.f32 v5, v2;
	v10 =	vbroadcast v10, $0x0;
	v13 =	vmov s0  }
0x148: {  	v9 =	vld [tilespmem:s30+$0x50];
	[tilespmem:s30+$0xFFFFFFB0] =	vst v8;
	v4 =	vmul.f32 v4, v2  }
0x149: {  	v8 =	vld [tilespmem:s30+$0x60];
	[tilespmem:s30+$0xFFFFFFC0] =	vst v5;
	v7 =	vmul.f32 v7, v1  }
0x14a: {  	s6 =	sadd.s32 $0x100, s30;
	v2 =	vmul.f32 v3, v2;
	v3 =	vld [tilespmem:s30+$0x70];
	[tilespmem:s30+$0xFFFFFFD0] =	vst v4  }
0x14b: {  	v4 =	vmul.f32 v6, v1;
	[tilespmem:s30+$0x0] =	vst v7;
	v7 =	vld [tilespmem:s6+$0xFFFFFFF0]  }
0x14c: {  	[tilespmem:s30+$0xFFFFFFE0] =	vst v2;
	v2 =	vmul.f32 v11, v1;
	v5 =	vld.idx.msk [tilespmem:v13+s24+$0x0], $0xffff  }
0x14d: {  	[tilespmem:s30+$0x10] =	vst v4;
	v4 =	vmul.f32 v12, v1;
	v6 =	vld.idx.msk [tilespmem:v10+s24+$0x0], $0xffff  }
0x14e: {  	[tilespmem:s31+$0x20] =	vst v2;
	v2 =	vmul.f32 v14, v1;
	v10 =	vld [tilespmem:s6+$0xFFFFFF80]  }
0x14f: {  	[tilespmem:s31+$0x30] =	vst v4;
	v4 =	vmul.f32 v9, v1;
	v9 =	vld [tilespmem:s6+$0xFFFFFF90]  }
0x150: {  	[tilespmem:s31+$0x40] =	vst v2;
	v2 =	vmul.f32 v8, v1;
	v8 =	vld [tilespmem:s6+$0xFFFFFFA0]  }
0x151: {  	v1 =	vmul.f32 v3, v1;
	v3 =	vld [tilespmem:s6+$0xFFFFFFB0];
	[tilespmem:s31+$0x50] =	vst v4  }
0x152: {  	[tilespmem:s31+$0x60] =	vst v2;
	v2 =	vld [tilespmem:s6+$0xFFFFFFC0];
	v4 =	vmul.f32 v7, v6  }
0x153: {  	[tilespmem:s31+$0x70] =	vst v1;
	v1 =	vmul.f32 v10, v6;
	v7 =	vld [tilespmem:s6+$0xFFFFFFD0]  }
0x154: {  	v10 =	vld [tilespmem:s6+$0xFFFFFFE0];
	v9 =	vmul.f32 v9, v6;
	[tilespmem:s6+$0xFFFFFFF0] =	vst v4  }
0x155: {  	[tilespmem:s6+$0xFFFFFF80] =	vst v1;
	v1 =	vmul.f32 v8, v6;
	v4 =	vld [tilespmem:s6+$0x0]  }
0x156: {  	v3 =	vmul.f32 v3, v6;
	v8 =	vld [tilespmem:s6+$0x10];
	[tilespmem:s6+$0xFFFFFF90] =	vst v9  }
0x157: {  	[tilespmem:s6+$0xFFFFFFA0] =	vst v1;
	v1 =	vmul.f32 v2, v6;
	v2 =	vld [tilespmem:s6+$0x20]  }
0x158: {  	[tilespmem:s6+$0xFFFFFFB0] =	vst v3;
	v3 =	vmul.f32 v7, v6;
	v7 =	vld [tilespmem:s6+$0x30]  }
0x159: {  	[tilespmem:s6+$0xFFFFFFC0] =	vst v1;
	v1 =	vmul.f32 v10, v6;
	v6 =	vld [tilespmem:s6+$0x40]  }
0x15a: {  	[tilespmem:s6+$0xFFFFFFD0] =	vst v3;
	v3 =	vmul.f32 v4, v5;
	v4 =	vld [tilespmem:s6+$0x50]  }
0x15b: {  	[tilespmem:s6+$0xFFFFFFE0] =	vst v1;
	v1 =	vmul.f32 v8, v5;
	v8 =	vld [tilespmem:s6+$0x60]  }
0x15c: {  	s5 =	simm.s32 $0x28;
	[tilespmem:s6+$0x0] =	vst v3;
	v2 =	vmul.f32 v2, v5;
	v3 =	vld [tilespmem:s6+$0x70]  }
0x15d: {  	[tilespmem:s6+$0x10] =	vst v1;
	v1 =	vmul.f32 v7, v5;
	v7 =	vmov s5  }
0x15e: {  	[tilespmem:s6+$0x20] =	vst v2;
	v2 =	vmul.f32 v6, v5;
	v6 =	vand.u32 $0xFFFFFFFE, v7  }
0x15f: {  	[tilespmem:s6+$0x30] =	vst v1;
	v1 =	vmul.f32 v4, v5;
	v4 =	vbroadcast v6, $0x0  }
0x160: {  	[tilespmem:s6+$0x40] =	vst v2;
	v2 =	vmul.f32 v8, v5  }
0x161: {  	[tilespmem:s6+$0x50] =	vst v1;
	v1 =	vmul.f32 v3, v5  }
0x162: {  	[tilespmem:s6+$0x60] =	vst v2  }
0x163: {  	[tilespmem:s6+$0x70] =	vst v1  }
0x164: {  	[spmem:s4] =	stream.indirect.scatter.add.f32 [tilespmem:s25], [sflag:$0x3], $0x80, s23, s5, $0xb8;
	[tilespmem:$0x19480] =	vst v63  }
0x165: {  	s30 =	simm.s32 $0x4170;
	v2 =	vld.idx.msk [tilespmem:v4+s24+$0x0], $0xffff  }
0x166: {  	v1 =	vld [tilespmem:s30+$0xFFFFFF80]  }
0x167: {  	v3 =	vld [tilespmem:s30+$0xFFFFFF10]  }
0x168: {  	s6 =	simm.s32 $0x29;
	v6 =	vld [tilespmem:s30+$0xFFFFFF20]  }
0x169: {  	v7 =	vmov s6;
	v8 =	vld [tilespmem:s30+$0xFFFFFF30]  }
0x16a: {  	v11 =	vld [tilespmem:s30+$0xFFFFFF40]  }
0x16b: {  	v5 =	vld [tilespmem:s30+$0xFFFFFF50]  }
0x16c: {  	v4 =	vld [tilespmem:s30+$0xFFFFFF60];
	v9 =	vmul.f32 v1, v2  }
0x16d: {  	v10 =	vmul.f32 v3, v2;
	v3 =	vld [tilespmem:s30+$0xFFFFFF70]  }
0x16e: {  	v1 =	vld.idx.msk [tilespmem:v7+s24+$0x0], $0xffff;
	v6 =	vmul.f32 v6, v2;
	[tilespmem:s30+$0xFFFFFF80] =	vst v9  }
0x16f: {  	s0 =	simm.s32 $0x2A;
	v7 =	vld [tilespmem:s30+$0xFFFFFF90];
	[tilespmem:s30+$0xFFFFFF10] =	vst v10;
	v9 =	vmul.f32 v8, v2  }
0x170: {  	s31 =	simm.s32 $0x4170;
	s5 =	simm.s32 $0x2C;
	v10 =	vmov s0;
	[tilespmem:s30+$0xFFFFFF20] =	vst v6;
	v8 =	vmul.f32 v11, v2;
	v6 =	vld [tilespmem:s30+$0xFFFFFFA0]  }
.LBB2_11:
0x171: {  	p0 =	slt.u32 s5, $0x4E;
	v10 =	vand.u32 $0xFFFFFFFE, v10;
	s6 =	sadd.s32 $0x1, s0;
	[tilespmem:s30+$0xFFFFFF30] =	vst v9;
	v5 =	vmul.f32 v5, v2;
	v9 =	vld [tilespmem:s30+$0xFFFFFFB0];
	s0 =	smov.u32 s5  }
0x172: {  	v10 =	vbroadcast v10, $0x0;
	v11 =	vmov s6;
	[tilespmem:s30+$0xFFFFFF40] =	vst v8;
	v4 =	vmul.f32 v4, v2;
	v8 =	vld [tilespmem:s30+$0xFFFFFFC0]  }
0x173: {  	[tilespmem:s30+$0xFFFFFF50] =	vst v5;
	v2 =	vmul.f32 v3, v2;
	v3 =	vld [tilespmem:s30+$0xFFFFFFD0]  }
0x174: {  	[tilespmem:s30+$0xFFFFFF60] =	vst v4;
	v4 =	vmul.f32 v7, v1;
	v5 =	vld [tilespmem:s30+$0xFFFFFFE0]  }
0x175: {  	[tilespmem:s30+$0xFFFFFF70] =	vst v2;
	v2 =	vmul.f32 v6, v1;
	v6 =	vld [tilespmem:s30+$0xFFFFFFF0]  }
0x176: {  	[tilespmem:s30+$0xFFFFFF90] =	vst v4;
	v4 =	vmul.f32 v9, v1;
	v7 =	vld [tilespmem:s30+$0x0]  }
0x177: {  	v9 =	vld.idx.msk [tilespmem:v11+s24+$0x0], $0xffff;
	[tilespmem:s30+$0xFFFFFFA0] =	vst v2;
	v8 =	vmul.f32 v8, v1  }
0x178: {  	s30 =	sadd.s32 $0x100, s30;
	v2 =	vld.idx.msk [tilespmem:v10+s24+$0x0], $0xffff;
	[tilespmem:s31+$0xFFFFFFB0] =	vst v4;
	v3 =	vmul.f32 v3, v1  }
0x179: {  	v4 =	vld [tilespmem:s30+$0xFFFFFF80];
	[tilespmem:s31+$0xFFFFFFC0] =	vst v8;
	v5 =	vmul.f32 v5, v1  }
0x17a: {  	v8 =	vld [tilespmem:s30+$0xFFFFFF10];
	[tilespmem:s31+$0xFFFFFFD0] =	vst v3;
	v3 =	vmul.f32 v6, v1  }
0x17b: {  	v6 =	vld [tilespmem:s30+$0xFFFFFF20];
	[tilespmem:s31+$0xFFFFFFE0] =	vst v5;
	v5 =	vmul.f32 v7, v1  }
0x17c: {  	v7 =	vld [tilespmem:s30+$0xFFFFFF30];
	[tilespmem:s31+$0xFFFFFFF0] =	vst v3  }
0x17d: {  	v1 =	vmov v9;
	v11 =	vld [tilespmem:s30+$0xFFFFFF40];
	[tilespmem:s31+$0x0] =	vst v5;
	s31 =	smov.u32 s30  }
.Ltmp4:
0x17e: {  	v5 =	vld [tilespmem:s30+$0xFFFFFF50];
	v9 =	vmul.f32 v4, v2;
	(pc) =	sbr.rel @p0 .LBB2_11-.Ltmp4, $4  }
0x17f: {  	v8 =	vmul.f32 v8, v2;
	v4 =	vld [tilespmem:s30+$0xFFFFFF60]  }
0x180: {  	v6 =	vmul.f32 v6, v2;
	v3 =	vld [tilespmem:s30+$0xFFFFFF70];
	[tilespmem:s30+$0xFFFFFF80] =	vst v9  }
0x181: {  	[tilespmem:s30+$0xFFFFFF10] =	vst v8;
	v9 =	vmul.f32 v7, v2;
	v7 =	vld [tilespmem:s30+$0xFFFFFF90]  }
0x182: {  	s5 =	sadd.s32 $0x2, s5;
	v10 =	vmov s0;
	[tilespmem:s30+$0xFFFFFF20] =	vst v6;
	v8 =	vmul.f32 v11, v2;
	v6 =	vld [tilespmem:s30+$0xFFFFFFA0]  }
0x183: {  	v11 =	vld [tilespmem:s30+$0xFFFFFFB0]  }
0x184: {  	v10 =	vand.u32 $0xFFFFFFFE, v10;
	s0 =	sadd.s32 $0x1, s0;
	v12 =	vld [tilespmem:s30+$0xFFFFFFC0]  }
0x185: {  	v14 =	vld [tilespmem:s30+$0xFFFFFFD0];
	[tilespmem:s30+$0xFFFFFF30] =	vst v9;
	v5 =	vmul.f32 v5, v2;
	v10 =	vbroadcast v10, $0x0;
	v13 =	vmov s0  }
0x186: {  	v9 =	vld [tilespmem:s30+$0xFFFFFFE0];
	[tilespmem:s30+$0xFFFFFF40] =	vst v8;
	v4 =	vmul.f32 v4, v2  }
0x187: {  	v8 =	vld [tilespmem:s30+$0xFFFFFFF0];
	[tilespmem:s30+$0xFFFFFF50] =	vst v5;
	v7 =	vmul.f32 v7, v1  }
0x188: {  	s5 =	sadd.s32 $0x100, s30;
	v2 =	vmul.f32 v3, v2;
	v3 =	vld [tilespmem:s30+$0x0];
	[tilespmem:s30+$0xFFFFFF60] =	vst v4  }
0x189: {  	v4 =	vmul.f32 v6, v1;
	[tilespmem:s30+$0xFFFFFF90] =	vst v7;
	v7 =	vld [tilespmem:s5+$0xFFFFFF80]  }
0x18a: {  	[tilespmem:s30+$0xFFFFFF70] =	vst v2;
	v2 =	vmul.f32 v11, v1;
	v5 =	vld.idx.msk [tilespmem:v13+s24+$0x0], $0xffff  }
0x18b: {  	[tilespmem:s30+$0xFFFFFFA0] =	vst v4;
	v4 =	vmul.f32 v12, v1;
	v6 =	vld.idx.msk [tilespmem:v10+s24+$0x0], $0xffff  }
0x18c: {  	[tilespmem:s31+$0xFFFFFFB0] =	vst v2;
	v2 =	vmul.f32 v14, v1;
	v10 =	vld [tilespmem:s5+$0xFFFFFF10]  }
0x18d: {  	[tilespmem:s31+$0xFFFFFFC0] =	vst v4;
	v4 =	vmul.f32 v9, v1;
	v9 =	vld [tilespmem:s5+$0xFFFFFF20]  }
0x18e: {  	[tilespmem:s31+$0xFFFFFFD0] =	vst v2;
	v2 =	vmul.f32 v8, v1;
	v8 =	vld [tilespmem:s5+$0xFFFFFF30]  }
0x18f: {  	v1 =	vmul.f32 v3, v1;
	v3 =	vld [tilespmem:s5+$0xFFFFFF40];
	[tilespmem:s31+$0xFFFFFFE0] =	vst v4  }
0x190: {  	[tilespmem:s31+$0xFFFFFFF0] =	vst v2;
	v2 =	vld [tilespmem:s5+$0xFFFFFF50];
	v4 =	vmul.f32 v7, v6  }
0x191: {  	[tilespmem:s31+$0x0] =	vst v1;
	v1 =	vmul.f32 v10, v6;
	v7 =	vld [tilespmem:s5+$0xFFFFFF60]  }
0x192: {  	v10 =	vld [tilespmem:s5+$0xFFFFFF70];
	v9 =	vmul.f32 v9, v6;
	[tilespmem:s5+$0xFFFFFF80] =	vst v4  }
0x193: {  	[tilespmem:s5+$0xFFFFFF10] =	vst v1;
	v1 =	vmul.f32 v8, v6;
	v4 =	vld [tilespmem:s5+$0xFFFFFF90]  }
0x194: {  	v3 =	vmul.f32 v3, v6;
	v8 =	vld [tilespmem:s5+$0xFFFFFFA0];
	[tilespmem:s5+$0xFFFFFF20] =	vst v9  }
0x195: {  	[tilespmem:s5+$0xFFFFFF30] =	vst v1;
	v1 =	vmul.f32 v2, v6;
	v2 =	vld [tilespmem:s5+$0xFFFFFFB0]  }
0x196: {  	[tilespmem:s5+$0xFFFFFF40] =	vst v3;
	v3 =	vmul.f32 v7, v6;
	v7 =	vld [tilespmem:s5+$0xFFFFFFC0]  }
0x197: {  	[tilespmem:s5+$0xFFFFFF50] =	vst v1;
	v1 =	vmul.f32 v10, v6;
	v6 =	vld [tilespmem:s5+$0xFFFFFFD0]  }
0x198: {  	[tilespmem:s5+$0xFFFFFF60] =	vst v3;
	v3 =	vmul.f32 v4, v5;
	v4 =	vld [tilespmem:s5+$0xFFFFFFE0]  }
0x199: {  	[tilespmem:s5+$0xFFFFFF70] =	vst v1;
	v1 =	vmul.f32 v8, v5;
	v8 =	vld [tilespmem:s5+$0xFFFFFFF0]  }
0x19a: {  	[tilespmem:s5+$0xFFFFFF90] =	vst v3;
	v2 =	vmul.f32 v2, v5;
	v3 =	vld [tilespmem:s5+$0x0]  }
0x19b: {  	[tilespmem:s5+$0xFFFFFFA0] =	vst v1;
	v1 =	vmul.f32 v7, v5  }
0x19c: {  	[tilespmem:s5+$0xFFFFFFB0] =	vst v2;
	v2 =	vmul.f32 v6, v5  }
0x19d: {  	[tilespmem:s5+$0xFFFFFFC0] =	vst v1;
	v1 =	vmul.f32 v4, v5  }
0x19e: {  	[tilespmem:s5+$0xFFFFFFD0] =	vst v2;
	v2 =	vmul.f32 v8, v5  }
0x19f: {  	[tilespmem:s5+$0xFFFFFFE0] =	vst v1;
	v1 =	vmul.f32 v3, v5  }
0x1a0: {  	[tilespmem:s5+$0xFFFFFFF0] =	vst v2  }
0x1a1: {  	[tilespmem:s5+$0x0] =	vst v1  }
0x1a2: {  	[spmem:s4] =	stream.indirect.scatter.add.f32 [tilespmem:s22], [sflag:$0x3], $0x80, s13, s9, $0xb8;
	[tilespmem:$0x19480] =	vst v63  }
0x1a3: {  	_ =	swait.ge [sflag:s19], $0x50  }
0x1a4: {  	[sflag:s19] =	ssyncset.done $0x0  }
0x1a5: {  	[sflag:s19] =	ssyncadd.s32 $0xFFFFFFB0  }
0x1a6: {  	_ =	swait.ge [sflag:s19], $0x50  }
0x1a7: {  	[sflag:s19] =	ssyncset.done $0x0  }
0x1a8: {  	[sflag:s19] =	ssyncadd.s32 $0xFFFFFFB0  }
0x1a9: {  	_ =	swait.ge [sflag:s19], $0x50  }
0x1aa: {  	[sflag:s19] =	ssyncset.done $0x0  }
0x1ab: {  	[sflag:s19] =	ssyncadd.s32 $0xFFFFFFB0  }
0x1ac: {  	_ =	swait.ge [sflag:s12], $0x1400  }
0x1ad: {  	[sflag:s12] =	ssyncset.done $0x0  }
0x1ae: {  	[sflag:s12] =	ssyncadd.s32 $0xFFFFEC00  }
0x1af: {  	_ =	swait.ge [sflag:s12], $0x1400  }
0x1b0: {  	[sflag:s12] =	ssyncset.done $0x0;
	s5 =	rddreg [dreg:$0x1c]  }
0x1b1: {  	s0 =	simm.s32 $0x0;
	[sflag:s12] =	ssyncadd.s32 $0xFFFFEC00;
	s5 =	sadd.s32 s29, s5  }
0x1b2: {  	[tilespmem:s25], [sflag:$0x2] =	stream.indirect.gather [hbm4b:s3+s20], $0x80, s0, s20, $0xb8;
	[tilespmem:$0x19480] =	vst v63  }
0x1b3: {  	s5 =	sshrl.u32 s5, $0x3  }
0x1b4: {  	s6 =	sadd.s32 s1, s5  }
0x1b5: {  	s30 =	sadd.s32 $0x9C40, s6  }
0x1b6: {  	v1 =	vmov s0;
	[tilespmem:s21], [sflag:$0x1] =	stream.linear.gather [hbm4b:s30+s0], $0x50, $0x38;
	[tilespmem:$0x19480] =	vst v63  }
0x1b7: {  	v1 =	vand.u32 $0xFFFFFFFE, v1  }
0x1b8: {  	v1 =	vbroadcast v1, $0x0;
	[tilespmem:s23], [sflag:$0x1] =	stream.linear.gather [hbm4b:s6+s0], $0x50, $0x38;
	[tilespmem:$0x19480] =	vst v63  }
0x1b9: {  	s5 =	sadd.s32 s2, s5  }
0x1ba: {  	[tilespmem:s24], [sflag:$0x1] =	stream.linear.gather [hbm4b:s5+s0], $0x50, $0x38;
	[tilespmem:$0x19480] =	vst v63  }
0x1bb: {  	_ =	swait.ge [sflag:s8], $0x2800  }
0x1bc: {  	[sflag:s8] =	ssyncset.done $0x0  }
0x1bd: {  	[sflag:s8] =	ssyncadd.s32 $0xFFFFD800  }
0x1be: {  	s30 =	simm.s32 $0x500;
	v2 =	vld.idx.msk [tilespmem:v1+s7+$0x0], $0xffff  }
0x1bf: {  	v1 =	vld [tilespmem:s30+$0xFFFFFFF0]  }
0x1c0: {  	v3 =	vld [tilespmem:s30+$0xFFFFFF80]  }
0x1c1: {  	s6 =	simm.s32 $0x1;
	v6 =	vld [tilespmem:s30+$0xFFFFFF90]  }
0x1c2: {  	v7 =	vmov s6;
	v8 =	vld [tilespmem:s30+$0xFFFFFFA0]  }
0x1c3: {  	v11 =	vld [tilespmem:s30+$0xFFFFFFB0]  }
0x1c4: {  	v5 =	vld [tilespmem:s30+$0xFFFFFFC0]  }
0x1c5: {  	v4 =	vld [tilespmem:s30+$0xFFFFFFD0];
	v9 =	vmul.f32 v1, v2  }
0x1c6: {  	v10 =	vmul.f32 v3, v2;
	v3 =	vld [tilespmem:s30+$0xFFFFFFE0]  }
0x1c7: {  	v1 =	vld.idx.msk [tilespmem:v7+s7+$0x0], $0xffff;
	v6 =	vmul.f32 v6, v2;
	[tilespmem:s30+$0xFFFFFFF0] =	vst v9  }
0x1c8: {  	s0 =	simm.s32 $0x2;
	v7 =	vld [tilespmem:s30+$0x0];
	[tilespmem:s30+$0xFFFFFF80] =	vst v10;
	v9 =	vmul.f32 v8, v2  }
0x1c9: {  	s31 =	simm.s32 $0x500;
	s5 =	simm.s32 $0x4;
	v10 =	vmov s0;
	[tilespmem:s30+$0xFFFFFF90] =	vst v6;
	v8 =	vmul.f32 v11, v2;
	v6 =	vld [tilespmem:s30+$0x10]  }
.LBB2_13:
0x1ca: {  	p0 =	slt.u32 s5, $0x26;
	v10 =	vand.u32 $0xFFFFFFFE, v10;
	s6 =	sadd.s32 $0x1, s0;
	[tilespmem:s30+$0xFFFFFFA0] =	vst v9;
	v5 =	vmul.f32 v5, v2;
	v9 =	vld [tilespmem:s30+$0x20];
	s0 =	smov.u32 s5  }
0x1cb: {  	v10 =	vbroadcast v10, $0x0;
	v11 =	vmov s6;
	[tilespmem:s30+$0xFFFFFFB0] =	vst v8;
	v4 =	vmul.f32 v4, v2;
	v8 =	vld [tilespmem:s30+$0x30]  }
0x1cc: {  	[tilespmem:s30+$0xFFFFFFC0] =	vst v5;
	v2 =	vmul.f32 v3, v2;
	v3 =	vld [tilespmem:s30+$0x40]  }
0x1cd: {  	[tilespmem:s30+$0xFFFFFFD0] =	vst v4;
	v4 =	vmul.f32 v7, v1;
	v5 =	vld [tilespmem:s30+$0x50]  }
0x1ce: {  	[tilespmem:s30+$0xFFFFFFE0] =	vst v2;
	v2 =	vmul.f32 v6, v1;
	v6 =	vld [tilespmem:s30+$0x60]  }
0x1cf: {  	[tilespmem:s30+$0x0] =	vst v4;
	v4 =	vmul.f32 v9, v1;
	v7 =	vld [tilespmem:s30+$0x70]  }
0x1d0: {  	v9 =	vld.idx.msk [tilespmem:v11+s7+$0x0], $0xffff;
	[tilespmem:s30+$0x10] =	vst v2;
	v8 =	vmul.f32 v8, v1  }
0x1d1: {  	s30 =	sadd.s32 $0x100, s30;
	v2 =	vld.idx.msk [tilespmem:v10+s7+$0x0], $0xffff;
	[tilespmem:s31+$0x20] =	vst v4;
	v3 =	vmul.f32 v3, v1  }
0x1d2: {  	v4 =	vld [tilespmem:s30+$0xFFFFFFF0];
	[tilespmem:s31+$0x30] =	vst v8;
	v5 =	vmul.f32 v5, v1  }
0x1d3: {  	v8 =	vld [tilespmem:s30+$0xFFFFFF80];
	[tilespmem:s31+$0x40] =	vst v3;
	v3 =	vmul.f32 v6, v1  }
0x1d4: {  	v6 =	vld [tilespmem:s30+$0xFFFFFF90];
	[tilespmem:s31+$0x50] =	vst v5;
	v5 =	vmul.f32 v7, v1  }
0x1d5: {  	v7 =	vld [tilespmem:s30+$0xFFFFFFA0];
	[tilespmem:s31+$0x60] =	vst v3  }
0x1d6: {  	v1 =	vmov v9;
	v11 =	vld [tilespmem:s30+$0xFFFFFFB0];
	[tilespmem:s31+$0x70] =	vst v5;
	s31 =	smov.u32 s30  }
.Ltmp5:
0x1d7: {  	v5 =	vld [tilespmem:s30+$0xFFFFFFC0];
	v9 =	vmul.f32 v4, v2;
	(pc) =	sbr.rel @p0 .LBB2_13-.Ltmp5, $4  }
0x1d8: {  	v8 =	vmul.f32 v8, v2;
	v4 =	vld [tilespmem:s30+$0xFFFFFFD0]  }
0x1d9: {  	v6 =	vmul.f32 v6, v2;
	v3 =	vld [tilespmem:s30+$0xFFFFFFE0];
	[tilespmem:s30+$0xFFFFFFF0] =	vst v9  }
0x1da: {  	[tilespmem:s30+$0xFFFFFF80] =	vst v8;
	v9 =	vmul.f32 v7, v2;
	v7 =	vld [tilespmem:s30+$0x0]  }
0x1db: {  	s5 =	sadd.s32 $0x2, s5;
	v10 =	vmov s0;
	[tilespmem:s30+$0xFFFFFF90] =	vst v6;
	v8 =	vmul.f32 v11, v2;
	v6 =	vld [tilespmem:s30+$0x10]  }
0x1dc: {  	v11 =	vld [tilespmem:s30+$0x20]  }
0x1dd: {  	v10 =	vand.u32 $0xFFFFFFFE, v10;
	s0 =	sadd.s32 $0x1, s0;
	v12 =	vld [tilespmem:s30+$0x30]  }
0x1de: {  	v14 =	vld [tilespmem:s30+$0x40];
	[tilespmem:s30+$0xFFFFFFA0] =	vst v9;
	v5 =	vmul.f32 v5, v2;
	v10 =	vbroadcast v10, $0x0;
	v13 =	vmov s0  }
0x1df: {  	v9 =	vld [tilespmem:s30+$0x50];
	[tilespmem:s30+$0xFFFFFFB0] =	vst v8;
	v4 =	vmul.f32 v4, v2  }
0x1e0: {  	v8 =	vld [tilespmem:s30+$0x60];
	[tilespmem:s30+$0xFFFFFFC0] =	vst v5;
	v7 =	vmul.f32 v7, v1  }
0x1e1: {  	s6 =	sadd.s32 $0x100, s30;
	v2 =	vmul.f32 v3, v2;
	v3 =	vld [tilespmem:s30+$0x70];
	[tilespmem:s30+$0xFFFFFFD0] =	vst v4  }
0x1e2: {  	v4 =	vmul.f32 v6, v1;
	[tilespmem:s30+$0x0] =	vst v7;
	v7 =	vld [tilespmem:s6+$0xFFFFFFF0]  }
0x1e3: {  	[tilespmem:s30+$0xFFFFFFE0] =	vst v2;
	v2 =	vmul.f32 v11, v1;
	v5 =	vld.idx.msk [tilespmem:v13+s7+$0x0], $0xffff  }
0x1e4: {  	[tilespmem:s30+$0x10] =	vst v4;
	v4 =	vmul.f32 v12, v1;
	v6 =	vld.idx.msk [tilespmem:v10+s7+$0x0], $0xffff  }
0x1e5: {  	[tilespmem:s31+$0x20] =	vst v2;
	v2 =	vmul.f32 v14, v1;
	v10 =	vld [tilespmem:s6+$0xFFFFFF80]  }
0x1e6: {  	[tilespmem:s31+$0x30] =	vst v4;
	v4 =	vmul.f32 v9, v1;
	v9 =	vld [tilespmem:s6+$0xFFFFFF90]  }
0x1e7: {  	[tilespmem:s31+$0x40] =	vst v2;
	v2 =	vmul.f32 v8, v1;
	v8 =	vld [tilespmem:s6+$0xFFFFFFA0]  }
0x1e8: {  	v1 =	vmul.f32 v3, v1;
	v3 =	vld [tilespmem:s6+$0xFFFFFFB0];
	[tilespmem:s31+$0x50] =	vst v4  }
0x1e9: {  	[tilespmem:s31+$0x60] =	vst v2;
	v2 =	vld [tilespmem:s6+$0xFFFFFFC0];
	v4 =	vmul.f32 v7, v6  }
0x1ea: {  	[tilespmem:s31+$0x70] =	vst v1;
	v1 =	vmul.f32 v10, v6;
	v7 =	vld [tilespmem:s6+$0xFFFFFFD0]  }
0x1eb: {  	v10 =	vld [tilespmem:s6+$0xFFFFFFE0];
	v9 =	vmul.f32 v9, v6;
	[tilespmem:s6+$0xFFFFFFF0] =	vst v4  }
0x1ec: {  	[tilespmem:s6+$0xFFFFFF80] =	vst v1;
	v1 =	vmul.f32 v8, v6;
	v4 =	vld [tilespmem:s6+$0x0]  }
0x1ed: {  	v3 =	vmul.f32 v3, v6;
	v8 =	vld [tilespmem:s6+$0x10];
	[tilespmem:s6+$0xFFFFFF90] =	vst v9  }
0x1ee: {  	[tilespmem:s6+$0xFFFFFFA0] =	vst v1;
	v1 =	vmul.f32 v2, v6;
	v2 =	vld [tilespmem:s6+$0x20]  }
0x1ef: {  	[tilespmem:s6+$0xFFFFFFB0] =	vst v3;
	v3 =	vmul.f32 v7, v6;
	v7 =	vld [tilespmem:s6+$0x30]  }
0x1f0: {  	[tilespmem:s6+$0xFFFFFFC0] =	vst v1;
	v1 =	vmul.f32 v10, v6;
	v6 =	vld [tilespmem:s6+$0x40]  }
0x1f1: {  	[tilespmem:s6+$0xFFFFFFD0] =	vst v3;
	v3 =	vmul.f32 v4, v5;
	v4 =	vld [tilespmem:s6+$0x50]  }
0x1f2: {  	[tilespmem:s6+$0xFFFFFFE0] =	vst v1;
	v1 =	vmul.f32 v8, v5;
	v8 =	vld [tilespmem:s6+$0x60]  }
0x1f3: {  	s5 =	simm.s32 $0x28;
	[tilespmem:s6+$0x0] =	vst v3;
	v2 =	vmul.f32 v2, v5;
	v3 =	vld [tilespmem:s6+$0x70]  }
0x1f4: {  	[tilespmem:s6+$0x10] =	vst v1;
	v1 =	vmul.f32 v7, v5;
	v7 =	vmov s5  }
0x1f5: {  	[tilespmem:s6+$0x20] =	vst v2;
	v2 =	vmul.f32 v6, v5;
	v6 =	vand.u32 $0xFFFFFFFE, v7  }
0x1f6: {  	[tilespmem:s6+$0x30] =	vst v1;
	v1 =	vmul.f32 v4, v5;
	v4 =	vbroadcast v6, $0x0  }
0x1f7: {  	[tilespmem:s6+$0x40] =	vst v2;
	v2 =	vmul.f32 v8, v5  }
0x1f8: {  	[tilespmem:s6+$0x50] =	vst v1;
	v1 =	vmul.f32 v3, v5  }
0x1f9: {  	[tilespmem:s6+$0x60] =	vst v2  }
0x1fa: {  	[tilespmem:s6+$0x70] =	vst v1  }
0x1fb: {  	[spmem:s4] =	stream.indirect.scatter.add.f32 [tilespmem:s15], [sflag:$0x3], $0x80, s14, s5, $0xb8;
	[tilespmem:$0x19480] =	vst v63  }
0x1fc: {  	s30 =	simm.s32 $0x1970;
	v2 =	vld.idx.msk [tilespmem:v4+s7+$0x0], $0xffff  }
0x1fd: {  	v1 =	vld [tilespmem:s30+$0xFFFFFF80]  }
0x1fe: {  	v3 =	vld [tilespmem:s30+$0xFFFFFF10]  }
0x1ff: {  	s6 =	simm.s32 $0x29;
	v6 =	vld [tilespmem:s30+$0xFFFFFF20]  }
0x200: {  	v7 =	vmov s6;
	v8 =	vld [tilespmem:s30+$0xFFFFFF30]  }
0x201: {  	v11 =	vld [tilespmem:s30+$0xFFFFFF40]  }
0x202: {  	v5 =	vld [tilespmem:s30+$0xFFFFFF50]  }
0x203: {  	v4 =	vld [tilespmem:s30+$0xFFFFFF60];
	v9 =	vmul.f32 v1, v2  }
0x204: {  	v10 =	vmul.f32 v3, v2;
	v3 =	vld [tilespmem:s30+$0xFFFFFF70]  }
0x205: {  	v1 =	vld.idx.msk [tilespmem:v7+s7+$0x0], $0xffff;
	v6 =	vmul.f32 v6, v2;
	[tilespmem:s30+$0xFFFFFF80] =	vst v9  }
0x206: {  	s0 =	simm.s32 $0x2A;
	v7 =	vld [tilespmem:s30+$0xFFFFFF90];
	[tilespmem:s30+$0xFFFFFF10] =	vst v10;
	v9 =	vmul.f32 v8, v2  }
0x207: {  	s31 =	simm.s32 $0x1970;
	s5 =	simm.s32 $0x2C;
	v10 =	vmov s0;
	[tilespmem:s30+$0xFFFFFF20] =	vst v6;
	v8 =	vmul.f32 v11, v2;
	v6 =	vld [tilespmem:s30+$0xFFFFFFA0]  }
.LBB2_15:
0x208: {  	p0 =	slt.u32 s5, $0x4E;
	v10 =	vand.u32 $0xFFFFFFFE, v10;
	s6 =	sadd.s32 $0x1, s0;
	[tilespmem:s30+$0xFFFFFF30] =	vst v9;
	v5 =	vmul.f32 v5, v2;
	v9 =	vld [tilespmem:s30+$0xFFFFFFB0];
	s0 =	smov.u32 s5  }
0x209: {  	v10 =	vbroadcast v10, $0x0;
	v11 =	vmov s6;
	[tilespmem:s30+$0xFFFFFF40] =	vst v8;
	v4 =	vmul.f32 v4, v2;
	v8 =	vld [tilespmem:s30+$0xFFFFFFC0]  }
0x20a: {  	[tilespmem:s30+$0xFFFFFF50] =	vst v5;
	v2 =	vmul.f32 v3, v2;
	v3 =	vld [tilespmem:s30+$0xFFFFFFD0]  }
0x20b: {  	[tilespmem:s30+$0xFFFFFF60] =	vst v4;
	v4 =	vmul.f32 v7, v1;
	v5 =	vld [tilespmem:s30+$0xFFFFFFE0]  }
0x20c: {  	[tilespmem:s30+$0xFFFFFF70] =	vst v2;
	v2 =	vmul.f32 v6, v1;
	v6 =	vld [tilespmem:s30+$0xFFFFFFF0]  }
0x20d: {  	[tilespmem:s30+$0xFFFFFF90] =	vst v4;
	v4 =	vmul.f32 v9, v1;
	v7 =	vld [tilespmem:s30+$0x0]  }
0x20e: {  	v9 =	vld.idx.msk [tilespmem:v11+s7+$0x0], $0xffff;
	[tilespmem:s30+$0xFFFFFFA0] =	vst v2;
	v8 =	vmul.f32 v8, v1  }
0x20f: {  	s30 =	sadd.s32 $0x100, s30;
	v2 =	vld.idx.msk [tilespmem:v10+s7+$0x0], $0xffff;
	[tilespmem:s31+$0xFFFFFFB0] =	vst v4;
	v3 =	vmul.f32 v3, v1  }
0x210: {  	v4 =	vld [tilespmem:s30+$0xFFFFFF80];
	[tilespmem:s31+$0xFFFFFFC0] =	vst v8;
	v5 =	vmul.f32 v5, v1  }
0x211: {  	v8 =	vld [tilespmem:s30+$0xFFFFFF10];
	[tilespmem:s31+$0xFFFFFFD0] =	vst v3;
	v3 =	vmul.f32 v6, v1  }
0x212: {  	v6 =	vld [tilespmem:s30+$0xFFFFFF20];
	[tilespmem:s31+$0xFFFFFFE0] =	vst v5;
	v5 =	vmul.f32 v7, v1  }
0x213: {  	v7 =	vld [tilespmem:s30+$0xFFFFFF30];
	[tilespmem:s31+$0xFFFFFFF0] =	vst v3  }
0x214: {  	v1 =	vmov v9;
	v11 =	vld [tilespmem:s30+$0xFFFFFF40];
	[tilespmem:s31+$0x0] =	vst v5;
	s31 =	smov.u32 s30  }
.Ltmp6:
0x215: {  	v5 =	vld [tilespmem:s30+$0xFFFFFF50];
	v9 =	vmul.f32 v4, v2;
	(pc) =	sbr.rel @p0 .LBB2_15-.Ltmp6, $4  }
0x216: {  	v8 =	vmul.f32 v8, v2;
	v4 =	vld [tilespmem:s30+$0xFFFFFF60]  }
0x217: {  	v6 =	vmul.f32 v6, v2;
	v3 =	vld [tilespmem:s30+$0xFFFFFF70];
	[tilespmem:s30+$0xFFFFFF80] =	vst v9  }
0x218: {  	[tilespmem:s30+$0xFFFFFF10] =	vst v8;
	v9 =	vmul.f32 v7, v2;
	v7 =	vld [tilespmem:s30+$0xFFFFFF90]  }
0x219: {  	s5 =	sadd.s32 $0x2, s5;
	v10 =	vmov s0;
	[tilespmem:s30+$0xFFFFFF20] =	vst v6;
	v8 =	vmul.f32 v11, v2;
	v6 =	vld [tilespmem:s30+$0xFFFFFFA0]  }
0x21a: {  	v11 =	vld [tilespmem:s30+$0xFFFFFFB0]  }
0x21b: {  	v10 =	vand.u32 $0xFFFFFFFE, v10;
	s0 =	sadd.s32 $0x1, s0;
	v12 =	vld [tilespmem:s30+$0xFFFFFFC0]  }
0x21c: {  	v14 =	vld [tilespmem:s30+$0xFFFFFFD0];
	[tilespmem:s30+$0xFFFFFF30] =	vst v9;
	v5 =	vmul.f32 v5, v2;
	v10 =	vbroadcast v10, $0x0;
	v13 =	vmov s0  }
0x21d: {  	v9 =	vld [tilespmem:s30+$0xFFFFFFE0];
	[tilespmem:s30+$0xFFFFFF40] =	vst v8;
	v4 =	vmul.f32 v4, v2  }
0x21e: {  	v8 =	vld [tilespmem:s30+$0xFFFFFFF0];
	[tilespmem:s30+$0xFFFFFF50] =	vst v5;
	v7 =	vmul.f32 v7, v1  }
0x21f: {  	s5 =	sadd.s32 $0x100, s30;
	v2 =	vmul.f32 v3, v2;
	v3 =	vld [tilespmem:s30+$0x0];
	[tilespmem:s30+$0xFFFFFF60] =	vst v4  }
0x220: {  	v4 =	vmul.f32 v6, v1;
	[tilespmem:s30+$0xFFFFFF90] =	vst v7;
	v7 =	vld [tilespmem:s5+$0xFFFFFF80]  }
0x221: {  	[tilespmem:s30+$0xFFFFFF70] =	vst v2;
	v2 =	vmul.f32 v11, v1;
	v5 =	vld.idx.msk [tilespmem:v13+s7+$0x0], $0xffff  }
0x222: {  	[tilespmem:s30+$0xFFFFFFA0] =	vst v4;
	v4 =	vmul.f32 v12, v1;
	v6 =	vld.idx.msk [tilespmem:v10+s7+$0x0], $0xffff  }
0x223: {  	[tilespmem:s31+$0xFFFFFFB0] =	vst v2;
	v2 =	vmul.f32 v14, v1;
	v10 =	vld [tilespmem:s5+$0xFFFFFF10]  }
0x224: {  	[tilespmem:s31+$0xFFFFFFC0] =	vst v4;
	v4 =	vmul.f32 v9, v1;
	v9 =	vld [tilespmem:s5+$0xFFFFFF20]  }
0x225: {  	[tilespmem:s31+$0xFFFFFFD0] =	vst v2;
	v2 =	vmul.f32 v8, v1;
	v8 =	vld [tilespmem:s5+$0xFFFFFF30]  }
0x226: {  	v1 =	vmul.f32 v3, v1;
	v3 =	vld [tilespmem:s5+$0xFFFFFF40];
	[tilespmem:s31+$0xFFFFFFE0] =	vst v4  }
0x227: {  	[tilespmem:s31+$0xFFFFFFF0] =	vst v2;
	v2 =	vld [tilespmem:s5+$0xFFFFFF50];
	v4 =	vmul.f32 v7, v6  }
0x228: {  	[tilespmem:s31+$0x0] =	vst v1;
	v1 =	vmul.f32 v10, v6;
	v7 =	vld [tilespmem:s5+$0xFFFFFF60]  }
0x229: {  	v10 =	vld [tilespmem:s5+$0xFFFFFF70];
	v9 =	vmul.f32 v9, v6;
	[tilespmem:s5+$0xFFFFFF80] =	vst v4  }
0x22a: {  	[tilespmem:s5+$0xFFFFFF10] =	vst v1;
	v1 =	vmul.f32 v8, v6;
	v4 =	vld [tilespmem:s5+$0xFFFFFF90]  }
0x22b: {  	v3 =	vmul.f32 v3, v6;
	v8 =	vld [tilespmem:s5+$0xFFFFFFA0];
	[tilespmem:s5+$0xFFFFFF20] =	vst v9  }
0x22c: {  	[tilespmem:s5+$0xFFFFFF30] =	vst v1;
	v1 =	vmul.f32 v2, v6;
	v2 =	vld [tilespmem:s5+$0xFFFFFFB0]  }
0x22d: {  	[tilespmem:s5+$0xFFFFFF40] =	vst v3;
	v3 =	vmul.f32 v7, v6;
	v7 =	vld [tilespmem:s5+$0xFFFFFFC0]  }
0x22e: {  	[tilespmem:s5+$0xFFFFFF50] =	vst v1;
	v1 =	vmul.f32 v10, v6;
	v6 =	vld [tilespmem:s5+$0xFFFFFFD0]  }
0x22f: {  	[tilespmem:s5+$0xFFFFFF60] =	vst v3;
	v3 =	vmul.f32 v4, v5;
	v4 =	vld [tilespmem:s5+$0xFFFFFFE0]  }
0x230: {  	[tilespmem:s5+$0xFFFFFF70] =	vst v1;
	v1 =	vmul.f32 v8, v5;
	v8 =	vld [tilespmem:s5+$0xFFFFFFF0]  }
0x231: {  	[tilespmem:s5+$0xFFFFFF90] =	vst v3;
	v2 =	vmul.f32 v2, v5;
	v3 =	vld [tilespmem:s5+$0x0]  }
0x232: {  	[tilespmem:s5+$0xFFFFFFA0] =	vst v1;
	v1 =	vmul.f32 v7, v5  }
0x233: {  	[tilespmem:s5+$0xFFFFFFB0] =	vst v2;
	v2 =	vmul.f32 v6, v5  }
0x234: {  	[tilespmem:s5+$0xFFFFFFC0] =	vst v1;
	v1 =	vmul.f32 v4, v5  }
0x235: {  	[tilespmem:s5+$0xFFFFFFD0] =	vst v2;
	v2 =	vmul.f32 v8, v5  }
0x236: {  	[tilespmem:s5+$0xFFFFFFE0] =	vst v1;
	v1 =	vmul.f32 v3, v5  }
0x237: {  	[tilespmem:s5+$0xFFFFFFF0] =	vst v2  }
0x238: {  	s6 =	simm.s32 $0x2A8;
	[tilespmem:s5+$0x0] =	vst v1  }
0x239: {  	[spmem:s4] =	stream.indirect.scatter.add.f32 [tilespmem:s11], [sflag:$0x3], $0x80, s6, s9, $0xb8;
	[tilespmem:$0x19480] =	vst v63  }
0x23a: {  	_ =	swait.ge [sflag:s19], $0x50  }
0x23b: {  	[sflag:s19] =	ssyncset.done $0x0  }
0x23c: {  	[sflag:s19] =	ssyncadd.s32 $0xFFFFFFB0  }
0x23d: {  	_ =	swait.ge [sflag:s19], $0x50  }
0x23e: {  	[sflag:s19] =	ssyncset.done $0x0  }
0x23f: {  	[sflag:s19] =	ssyncadd.s32 $0xFFFFFFB0  }
0x240: {  	_ =	swait.ge [sflag:s19], $0x50  }
0x241: {  	[sflag:s19] =	ssyncset.done $0x0  }
0x242: {  	[sflag:s19] =	ssyncadd.s32 $0xFFFFFFB0  }
0x243: {  	_ =	swait.ge [sflag:s12], $0x1400  }
0x244: {  	[sflag:s12] =	ssyncset.done $0x0  }
0x245: {  	[sflag:s12] =	ssyncadd.s32 $0xFFFFEC00  }
0x246: {  	_ =	swait.ge [sflag:s12], $0x1400  }
0x247: {  	[sflag:s12] =	ssyncset.done $0x0;
	s5 =	rddreg [dreg:$0x1d]  }
0x248: {  	[sflag:s12] =	ssyncadd.s32 $0xFFFFEC00;
	s0 =	sadd.s32 s29, s5  }
0x249: {  	[tilespmem:s15], [sflag:$0x2] =	stream.indirect.gather [hbm4b:s3+s20], $0x80, s21, s20, $0xb8;
	[tilespmem:$0x19480] =	vst v63  }
0x24a: {  	s0 =	sshrl.u32 s0, $0x3  }
0x24b: {  	s5 =	sadd.s32 s1, s0  }
0x24c: {  	s30 =	simm.s32 $0x0;
	s6 =	sadd.s32 $0x9C40, s5  }
0x24d: {  	v1 =	vmov s30;
	[tilespmem:s26], [sflag:$0x1] =	stream.linear.gather [hbm4b:s6+s30], $0x50, $0x38;
	[tilespmem:$0x19480] =	vst v63  }
0x24e: {  	v1 =	vand.u32 $0xFFFFFFFE, v1  }
0x24f: {  	v1 =	vbroadcast v1, $0x0;
	[tilespmem:s14], [sflag:$0x1] =	stream.linear.gather [hbm4b:s5+s30], $0x50, $0x38;
	[tilespmem:$0x19480] =	vst v63  }
0x250: {  	s0 =	sadd.s32 s2, s0  }
0x251: {  	[tilespmem:s7], [sflag:$0x1] =	stream.linear.gather [hbm4b:s0+s30], $0x50, $0x38;
	[tilespmem:$0x19480] =	vst v63  }
0x252: {  	_ =	swait.ge [sflag:s8], $0x2800  }
0x253: {  	[sflag:s8] =	ssyncset.done $0x0  }
0x254: {  	[sflag:s8] =	ssyncadd.s32 $0xFFFFD800  }
0x255: {  	s30 =	simm.s32 $0x2D00;
	v2 =	vld.idx.msk [tilespmem:v1+s18+$0x0], $0xffff  }
0x256: {  	v1 =	vld [tilespmem:s30+$0xFFFFFFF0]  }
0x257: {  	v3 =	vld [tilespmem:s30+$0xFFFFFF80]  }
0x258: {  	s6 =	simm.s32 $0x1;
	v6 =	vld [tilespmem:s30+$0xFFFFFF90]  }
0x259: {  	v7 =	vmov s6;
	v8 =	vld [tilespmem:s30+$0xFFFFFFA0]  }
0x25a: {  	v11 =	vld [tilespmem:s30+$0xFFFFFFB0]  }
0x25b: {  	v5 =	vld [tilespmem:s30+$0xFFFFFFC0]  }
0x25c: {  	v4 =	vld [tilespmem:s30+$0xFFFFFFD0];
	v9 =	vmul.f32 v1, v2  }
0x25d: {  	v10 =	vmul.f32 v3, v2;
	v3 =	vld [tilespmem:s30+$0xFFFFFFE0]  }
0x25e: {  	v1 =	vld.idx.msk [tilespmem:v7+s18+$0x0], $0xffff;
	v6 =	vmul.f32 v6, v2;
	[tilespmem:s30+$0xFFFFFFF0] =	vst v9  }
0x25f: {  	s0 =	simm.s32 $0x2;
	v7 =	vld [tilespmem:s30+$0x0];
	[tilespmem:s30+$0xFFFFFF80] =	vst v10;
	v9 =	vmul.f32 v8, v2  }
0x260: {  	s31 =	simm.s32 $0x2D00;
	s5 =	simm.s32 $0x4;
	v10 =	vmov s0;
	[tilespmem:s30+$0xFFFFFF90] =	vst v6;
	v8 =	vmul.f32 v11, v2;
	v6 =	vld [tilespmem:s30+$0x10]  }
.LBB2_17:
0x261: {  	p0 =	slt.u32 s5, $0x26;
	v10 =	vand.u32 $0xFFFFFFFE, v10;
	s6 =	sadd.s32 $0x1, s0;
	[tilespmem:s30+$0xFFFFFFA0] =	vst v9;
	v5 =	vmul.f32 v5, v2;
	v9 =	vld [tilespmem:s30+$0x20];
	s0 =	smov.u32 s5  }
0x262: {  	v10 =	vbroadcast v10, $0x0;
	v11 =	vmov s6;
	[tilespmem:s30+$0xFFFFFFB0] =	vst v8;
	v4 =	vmul.f32 v4, v2;
	v8 =	vld [tilespmem:s30+$0x30]  }
0x263: {  	[tilespmem:s30+$0xFFFFFFC0] =	vst v5;
	v2 =	vmul.f32 v3, v2;
	v3 =	vld [tilespmem:s30+$0x40]  }
0x264: {  	[tilespmem:s30+$0xFFFFFFD0] =	vst v4;
	v4 =	vmul.f32 v7, v1;
	v5 =	vld [tilespmem:s30+$0x50]  }
0x265: {  	[tilespmem:s30+$0xFFFFFFE0] =	vst v2;
	v2 =	vmul.f32 v6, v1;
	v6 =	vld [tilespmem:s30+$0x60]  }
0x266: {  	[tilespmem:s30+$0x0] =	vst v4;
	v4 =	vmul.f32 v9, v1;
	v7 =	vld [tilespmem:s30+$0x70]  }
0x267: {  	v9 =	vld.idx.msk [tilespmem:v11+s18+$0x0], $0xffff;
	[tilespmem:s30+$0x10] =	vst v2;
	v8 =	vmul.f32 v8, v1  }
0x268: {  	s30 =	sadd.s32 $0x100, s30;
	v2 =	vld.idx.msk [tilespmem:v10+s18+$0x0], $0xffff;
	[tilespmem:s31+$0x20] =	vst v4;
	v3 =	vmul.f32 v3, v1  }
0x269: {  	v4 =	vld [tilespmem:s30+$0xFFFFFFF0];
	[tilespmem:s31+$0x30] =	vst v8;
	v5 =	vmul.f32 v5, v1  }
0x26a: {  	v8 =	vld [tilespmem:s30+$0xFFFFFF80];
	[tilespmem:s31+$0x40] =	vst v3;
	v3 =	vmul.f32 v6, v1  }
0x26b: {  	v6 =	vld [tilespmem:s30+$0xFFFFFF90];
	[tilespmem:s31+$0x50] =	vst v5;
	v5 =	vmul.f32 v7, v1  }
0x26c: {  	v7 =	vld [tilespmem:s30+$0xFFFFFFA0];
	[tilespmem:s31+$0x60] =	vst v3  }
0x26d: {  	v1 =	vmov v9;
	v11 =	vld [tilespmem:s30+$0xFFFFFFB0];
	[tilespmem:s31+$0x70] =	vst v5;
	s31 =	smov.u32 s30  }
.Ltmp7:
0x26e: {  	v5 =	vld [tilespmem:s30+$0xFFFFFFC0];
	v9 =	vmul.f32 v4, v2;
	(pc) =	sbr.rel @p0 .LBB2_17-.Ltmp7, $4  }
0x26f: {  	v8 =	vmul.f32 v8, v2;
	v4 =	vld [tilespmem:s30+$0xFFFFFFD0]  }
0x270: {  	v6 =	vmul.f32 v6, v2;
	v3 =	vld [tilespmem:s30+$0xFFFFFFE0];
	[tilespmem:s30+$0xFFFFFFF0] =	vst v9  }
0x271: {  	[tilespmem:s30+$0xFFFFFF80] =	vst v8;
	v9 =	vmul.f32 v7, v2;
	v7 =	vld [tilespmem:s30+$0x0]  }
0x272: {  	s5 =	sadd.s32 $0x2, s5;
	v10 =	vmov s0;
	[tilespmem:s30+$0xFFFFFF90] =	vst v6;
	v8 =	vmul.f32 v11, v2;
	v6 =	vld [tilespmem:s30+$0x10]  }
0x273: {  	v11 =	vld [tilespmem:s30+$0x20]  }
0x274: {  	v10 =	vand.u32 $0xFFFFFFFE, v10;
	s0 =	sadd.s32 $0x1, s0;
	v12 =	vld [tilespmem:s30+$0x30]  }
0x275: {  	v14 =	vld [tilespmem:s30+$0x40];
	[tilespmem:s30+$0xFFFFFFA0] =	vst v9;
	v5 =	vmul.f32 v5, v2;
	v10 =	vbroadcast v10, $0x0;
	v13 =	vmov s0  }
0x276: {  	v9 =	vld [tilespmem:s30+$0x50];
	[tilespmem:s30+$0xFFFFFFB0] =	vst v8;
	v4 =	vmul.f32 v4, v2  }
0x277: {  	v8 =	vld [tilespmem:s30+$0x60];
	[tilespmem:s30+$0xFFFFFFC0] =	vst v5;
	v7 =	vmul.f32 v7, v1  }
0x278: {  	s6 =	sadd.s32 $0x100, s30;
	v2 =	vmul.f32 v3, v2;
	v3 =	vld [tilespmem:s30+$0x70];
	[tilespmem:s30+$0xFFFFFFD0] =	vst v4  }
0x279: {  	v4 =	vmul.f32 v6, v1;
	[tilespmem:s30+$0x0] =	vst v7;
	v7 =	vld [tilespmem:s6+$0xFFFFFFF0]  }
0x27a: {  	[tilespmem:s30+$0xFFFFFFE0] =	vst v2;
	v2 =	vmul.f32 v11, v1;
	v5 =	vld.idx.msk [tilespmem:v13+s18+$0x0], $0xffff  }
0x27b: {  	[tilespmem:s30+$0x10] =	vst v4;
	v4 =	vmul.f32 v12, v1;
	v6 =	vld.idx.msk [tilespmem:v10+s18+$0x0], $0xffff  }
0x27c: {  	[tilespmem:s31+$0x20] =	vst v2;
	v2 =	vmul.f32 v14, v1;
	v10 =	vld [tilespmem:s6+$0xFFFFFF80]  }
0x27d: {  	[tilespmem:s31+$0x30] =	vst v4;
	v4 =	vmul.f32 v9, v1;
	v9 =	vld [tilespmem:s6+$0xFFFFFF90]  }
0x27e: {  	[tilespmem:s31+$0x40] =	vst v2;
	v2 =	vmul.f32 v8, v1;
	v8 =	vld [tilespmem:s6+$0xFFFFFFA0]  }
0x27f: {  	v1 =	vmul.f32 v3, v1;
	v3 =	vld [tilespmem:s6+$0xFFFFFFB0];
	[tilespmem:s31+$0x50] =	vst v4  }
0x280: {  	[tilespmem:s31+$0x60] =	vst v2;
	v2 =	vld [tilespmem:s6+$0xFFFFFFC0];
	v4 =	vmul.f32 v7, v6  }
0x281: {  	[tilespmem:s31+$0x70] =	vst v1;
	v1 =	vmul.f32 v10, v6;
	v7 =	vld [tilespmem:s6+$0xFFFFFFD0]  }
0x282: {  	v10 =	vld [tilespmem:s6+$0xFFFFFFE0];
	v9 =	vmul.f32 v9, v6;
	[tilespmem:s6+$0xFFFFFFF0] =	vst v4  }
0x283: {  	[tilespmem:s6+$0xFFFFFF80] =	vst v1;
	v1 =	vmul.f32 v8, v6;
	v4 =	vld [tilespmem:s6+$0x0]  }
0x284: {  	v3 =	vmul.f32 v3, v6;
	v8 =	vld [tilespmem:s6+$0x10];
	[tilespmem:s6+$0xFFFFFF90] =	vst v9  }
0x285: {  	[tilespmem:s6+$0xFFFFFFA0] =	vst v1;
	v1 =	vmul.f32 v2, v6;
	v2 =	vld [tilespmem:s6+$0x20]  }
0x286: {  	[tilespmem:s6+$0xFFFFFFB0] =	vst v3;
	v3 =	vmul.f32 v7, v6;
	v7 =	vld [tilespmem:s6+$0x30]  }
0x287: {  	[tilespmem:s6+$0xFFFFFFC0] =	vst v1;
	v1 =	vmul.f32 v10, v6;
	v6 =	vld [tilespmem:s6+$0x40]  }
0x288: {  	[tilespmem:s6+$0xFFFFFFD0] =	vst v3;
	v3 =	vmul.f32 v4, v5;
	v4 =	vld [tilespmem:s6+$0x50]  }
0x289: {  	[tilespmem:s6+$0xFFFFFFE0] =	vst v1;
	v1 =	vmul.f32 v8, v5;
	v8 =	vld [tilespmem:s6+$0x60]  }
0x28a: {  	s5 =	simm.s32 $0x28;
	[tilespmem:s6+$0x0] =	vst v3;
	v2 =	vmul.f32 v2, v5;
	v3 =	vld [tilespmem:s6+$0x70]  }
0x28b: {  	[tilespmem:s6+$0x10] =	vst v1;
	v1 =	vmul.f32 v7, v5;
	v7 =	vmov s5  }
0x28c: {  	[tilespmem:s6+$0x20] =	vst v2;
	v2 =	vmul.f32 v6, v5;
	v6 =	vand.u32 $0xFFFFFFFE, v7  }
0x28d: {  	[tilespmem:s6+$0x30] =	vst v1;
	v1 =	vmul.f32 v4, v5;
	v4 =	vbroadcast v6, $0x0  }
0x28e: {  	[tilespmem:s6+$0x40] =	vst v2;
	v2 =	vmul.f32 v8, v5  }
0x28f: {  	[tilespmem:s6+$0x50] =	vst v1;
	v1 =	vmul.f32 v3, v5  }
0x290: {  	[tilespmem:s6+$0x60] =	vst v2  }
0x291: {  	[tilespmem:s6+$0x70] =	vst v1  }
0x292: {  	[spmem:s4] =	stream.indirect.scatter.add.f32 [tilespmem:s25], [sflag:$0x3], $0x80, s17, s5, $0xb8;
	[tilespmem:$0x19480] =	vst v63  }
0x293: {  	s30 =	simm.s32 $0x4170;
	v2 =	vld.idx.msk [tilespmem:v4+s18+$0x0], $0xffff  }
0x294: {  	v1 =	vld [tilespmem:s30+$0xFFFFFF80]  }
0x295: {  	v3 =	vld [tilespmem:s30+$0xFFFFFF10]  }
0x296: {  	s6 =	simm.s32 $0x29;
	v6 =	vld [tilespmem:s30+$0xFFFFFF20]  }
0x297: {  	v7 =	vmov s6;
	v8 =	vld [tilespmem:s30+$0xFFFFFF30]  }
0x298: {  	v11 =	vld [tilespmem:s30+$0xFFFFFF40]  }
0x299: {  	v5 =	vld [tilespmem:s30+$0xFFFFFF50]  }
0x29a: {  	v4 =	vld [tilespmem:s30+$0xFFFFFF60];
	v9 =	vmul.f32 v1, v2  }
0x29b: {  	v10 =	vmul.f32 v3, v2;
	v3 =	vld [tilespmem:s30+$0xFFFFFF70]  }
0x29c: {  	v1 =	vld.idx.msk [tilespmem:v7+s18+$0x0], $0xffff;
	v6 =	vmul.f32 v6, v2;
	[tilespmem:s30+$0xFFFFFF80] =	vst v9  }
0x29d: {  	s0 =	simm.s32 $0x2A;
	v7 =	vld [tilespmem:s30+$0xFFFFFF90];
	[tilespmem:s30+$0xFFFFFF10] =	vst v10;
	v9 =	vmul.f32 v8, v2  }
0x29e: {  	s31 =	simm.s32 $0x4170;
	s5 =	simm.s32 $0x2C;
	v10 =	vmov s0;
	[tilespmem:s30+$0xFFFFFF20] =	vst v6;
	v8 =	vmul.f32 v11, v2;
	v6 =	vld [tilespmem:s30+$0xFFFFFFA0]  }
.LBB2_19:
0x29f: {  	p0 =	slt.u32 s5, $0x4E;
	v10 =	vand.u32 $0xFFFFFFFE, v10;
	s6 =	sadd.s32 $0x1, s0;
	[tilespmem:s30+$0xFFFFFF30] =	vst v9;
	v5 =	vmul.f32 v5, v2;
	v9 =	vld [tilespmem:s30+$0xFFFFFFB0];
	s0 =	smov.u32 s5  }
0x2a0: {  	v10 =	vbroadcast v10, $0x0;
	v11 =	vmov s6;
	[tilespmem:s30+$0xFFFFFF40] =	vst v8;
	v4 =	vmul.f32 v4, v2;
	v8 =	vld [tilespmem:s30+$0xFFFFFFC0]  }
0x2a1: {  	[tilespmem:s30+$0xFFFFFF50] =	vst v5;
	v2 =	vmul.f32 v3, v2;
	v3 =	vld [tilespmem:s30+$0xFFFFFFD0]  }
0x2a2: {  	[tilespmem:s30+$0xFFFFFF60] =	vst v4;
	v4 =	vmul.f32 v7, v1;
	v5 =	vld [tilespmem:s30+$0xFFFFFFE0]  }
0x2a3: {  	[tilespmem:s30+$0xFFFFFF70] =	vst v2;
	v2 =	vmul.f32 v6, v1;
	v6 =	vld [tilespmem:s30+$0xFFFFFFF0]  }
0x2a4: {  	[tilespmem:s30+$0xFFFFFF90] =	vst v4;
	v4 =	vmul.f32 v9, v1;
	v7 =	vld [tilespmem:s30+$0x0]  }
0x2a5: {  	v9 =	vld.idx.msk [tilespmem:v11+s18+$0x0], $0xffff;
	[tilespmem:s30+$0xFFFFFFA0] =	vst v2;
	v8 =	vmul.f32 v8, v1  }
0x2a6: {  	s30 =	sadd.s32 $0x100, s30;
	v2 =	vld.idx.msk [tilespmem:v10+s18+$0x0], $0xffff;
	[tilespmem:s31+$0xFFFFFFB0] =	vst v4;
	v3 =	vmul.f32 v3, v1  }
0x2a7: {  	v4 =	vld [tilespmem:s30+$0xFFFFFF80];
	[tilespmem:s31+$0xFFFFFFC0] =	vst v8;
	v5 =	vmul.f32 v5, v1  }
0x2a8: {  	v8 =	vld [tilespmem:s30+$0xFFFFFF10];
	[tilespmem:s31+$0xFFFFFFD0] =	vst v3;
	v3 =	vmul.f32 v6, v1  }
0x2a9: {  	v6 =	vld [tilespmem:s30+$0xFFFFFF20];
	[tilespmem:s31+$0xFFFFFFE0] =	vst v5;
	v5 =	vmul.f32 v7, v1  }
0x2aa: {  	v7 =	vld [tilespmem:s30+$0xFFFFFF30];
	[tilespmem:s31+$0xFFFFFFF0] =	vst v3  }
0x2ab: {  	v1 =	vmov v9;
	v11 =	vld [tilespmem:s30+$0xFFFFFF40];
	[tilespmem:s31+$0x0] =	vst v5;
	s31 =	smov.u32 s30  }
.Ltmp8:
0x2ac: {  	v5 =	vld [tilespmem:s30+$0xFFFFFF50];
	v9 =	vmul.f32 v4, v2;
	(pc) =	sbr.rel @p0 .LBB2_19-.Ltmp8, $4  }
0x2ad: {  	v8 =	vmul.f32 v8, v2;
	v4 =	vld [tilespmem:s30+$0xFFFFFF60]  }
0x2ae: {  	v6 =	vmul.f32 v6, v2;
	v3 =	vld [tilespmem:s30+$0xFFFFFF70];
	[tilespmem:s30+$0xFFFFFF80] =	vst v9  }
0x2af: {  	[tilespmem:s30+$0xFFFFFF10] =	vst v8;
	v9 =	vmul.f32 v7, v2;
	v7 =	vld [tilespmem:s30+$0xFFFFFF90]  }
0x2b0: {  	s5 =	sadd.s32 $0x2, s5;
	v10 =	vmov s0;
	[tilespmem:s30+$0xFFFFFF20] =	vst v6;
	v8 =	vmul.f32 v11, v2;
	v6 =	vld [tilespmem:s30+$0xFFFFFFA0]  }
0x2b1: {  	v11 =	vld [tilespmem:s30+$0xFFFFFFB0]  }
0x2b2: {  	v10 =	vand.u32 $0xFFFFFFFE, v10;
	s0 =	sadd.s32 $0x1, s0;
	v12 =	vld [tilespmem:s30+$0xFFFFFFC0]  }
0x2b3: {  	v14 =	vld [tilespmem:s30+$0xFFFFFFD0];
	[tilespmem:s30+$0xFFFFFF30] =	vst v9;
	v5 =	vmul.f32 v5, v2;
	v10 =	vbroadcast v10, $0x0;
	v13 =	vmov s0  }
0x2b4: {  	v9 =	vld [tilespmem:s30+$0xFFFFFFE0];
	[tilespmem:s30+$0xFFFFFF40] =	vst v8;
	v4 =	vmul.f32 v4, v2  }
0x2b5: {  	v8 =	vld [tilespmem:s30+$0xFFFFFFF0];
	[tilespmem:s30+$0xFFFFFF50] =	vst v5;
	v7 =	vmul.f32 v7, v1  }
0x2b6: {  	s6 =	sadd.s32 $0x100, s30;
	v2 =	vmul.f32 v3, v2;
	v3 =	vld [tilespmem:s30+$0x0];
	[tilespmem:s30+$0xFFFFFF60] =	vst v4  }
0x2b7: {  	v4 =	vmul.f32 v6, v1;
	[tilespmem:s30+$0xFFFFFF90] =	vst v7;
	v7 =	vld [tilespmem:s6+$0xFFFFFF80]  }
0x2b8: {  	[tilespmem:s30+$0xFFFFFF70] =	vst v2;
	v2 =	vmul.f32 v11, v1;
	v5 =	vld.idx.msk [tilespmem:v13+s18+$0x0], $0xffff  }
0x2b9: {  	[tilespmem:s30+$0xFFFFFFA0] =	vst v4;
	v4 =	vmul.f32 v12, v1;
	v6 =	vld.idx.msk [tilespmem:v10+s18+$0x0], $0xffff  }
0x2ba: {  	[tilespmem:s31+$0xFFFFFFB0] =	vst v2;
	v2 =	vmul.f32 v14, v1;
	v10 =	vld [tilespmem:s6+$0xFFFFFF10]  }
0x2bb: {  	[tilespmem:s31+$0xFFFFFFC0] =	vst v4;
	v4 =	vmul.f32 v9, v1;
	v9 =	vld [tilespmem:s6+$0xFFFFFF20]  }
0x2bc: {  	[tilespmem:s31+$0xFFFFFFD0] =	vst v2;
	v2 =	vmul.f32 v8, v1;
	v8 =	vld [tilespmem:s6+$0xFFFFFF30]  }
0x2bd: {  	v1 =	vmul.f32 v3, v1;
	v3 =	vld [tilespmem:s6+$0xFFFFFF40];
	[tilespmem:s31+$0xFFFFFFE0] =	vst v4  }
0x2be: {  	[tilespmem:s31+$0xFFFFFFF0] =	vst v2;
	v2 =	vld [tilespmem:s6+$0xFFFFFF50];
	v4 =	vmul.f32 v7, v6  }
0x2bf: {  	[tilespmem:s31+$0x0] =	vst v1;
	v1 =	vmul.f32 v10, v6;
	v7 =	vld [tilespmem:s6+$0xFFFFFF60]  }
0x2c0: {  	v10 =	vld [tilespmem:s6+$0xFFFFFF70];
	v9 =	vmul.f32 v9, v6;
	[tilespmem:s6+$0xFFFFFF80] =	vst v4  }
0x2c1: {  	[tilespmem:s6+$0xFFFFFF10] =	vst v1;
	v1 =	vmul.f32 v8, v6;
	v4 =	vld [tilespmem:s6+$0xFFFFFF90]  }
0x2c2: {  	v3 =	vmul.f32 v3, v6;
	v8 =	vld [tilespmem:s6+$0xFFFFFFA0];
	[tilespmem:s6+$0xFFFFFF20] =	vst v9  }
0x2c3: {  	[tilespmem:s6+$0xFFFFFF30] =	vst v1;
	v1 =	vmul.f32 v2, v6;
	v2 =	vld [tilespmem:s6+$0xFFFFFFB0]  }
0x2c4: {  	[tilespmem:s6+$0xFFFFFF40] =	vst v3;
	v3 =	vmul.f32 v7, v6;
	v7 =	vld [tilespmem:s6+$0xFFFFFFC0]  }
0x2c5: {  	[tilespmem:s6+$0xFFFFFF50] =	vst v1;
	v1 =	vmul.f32 v10, v6;
	v6 =	vld [tilespmem:s6+$0xFFFFFFD0]  }
0x2c6: {  	[tilespmem:s6+$0xFFFFFF60] =	vst v3;
	v3 =	vmul.f32 v4, v5;
	v4 =	vld [tilespmem:s6+$0xFFFFFFE0]  }
0x2c7: {  	[tilespmem:s6+$0xFFFFFF70] =	vst v1;
	v1 =	vmul.f32 v8, v5;
	v8 =	vld [tilespmem:s6+$0xFFFFFFF0]  }
0x2c8: {  	[tilespmem:s6+$0xFFFFFF90] =	vst v3;
	v2 =	vmul.f32 v2, v5;
	v3 =	vld [tilespmem:s6+$0x0]  }
0x2c9: {  	[tilespmem:s6+$0xFFFFFFA0] =	vst v1;
	v1 =	vmul.f32 v7, v5  }
0x2ca: {  	[tilespmem:s6+$0xFFFFFFB0] =	vst v2;
	v2 =	vmul.f32 v6, v5  }
0x2cb: {  	[tilespmem:s6+$0xFFFFFFC0] =	vst v1;
	v1 =	vmul.f32 v4, v5  }
0x2cc: {  	[tilespmem:s6+$0xFFFFFFD0] =	vst v2;
	v2 =	vmul.f32 v8, v5  }
0x2cd: {  	[tilespmem:s6+$0xFFFFFFE0] =	vst v1;
	v1 =	vmul.f32 v3, v5  }
0x2ce: {  	[tilespmem:s6+$0xFFFFFFF0] =	vst v2  }
0x2cf: {  	[tilespmem:s6+$0x0] =	vst v1  }
0x2d0: {  	[spmem:s4] =	stream.indirect.scatter.add.f32 [tilespmem:s22], [sflag:$0x3], $0x80, s10, s9, $0xb8;
	[tilespmem:$0x19480] =	vst v63  }
0x2d1: {  	_ =	swait.ge [sflag:s19], $0x50  }
0x2d2: {  	[sflag:s19] =	ssyncset.done $0x0  }
0x2d3: {  	[sflag:s19] =	ssyncadd.s32 $0xFFFFFFB0  }
0x2d4: {  	_ =	swait.ge [sflag:s19], $0x50  }
0x2d5: {  	[sflag:s19] =	ssyncset.done $0x0  }
0x2d6: {  	[sflag:s19] =	ssyncadd.s32 $0xFFFFFFB0  }
0x2d7: {  	_ =	swait.ge [sflag:s19], $0x50  }
0x2d8: {  	[sflag:s19] =	ssyncset.done $0x0  }
0x2d9: {  	[sflag:s19] =	ssyncadd.s32 $0xFFFFFFB0  }
0x2da: {  	_ =	swait.ge [sflag:s12], $0x1400  }
0x2db: {  	[sflag:s12] =	ssyncset.done $0x0  }
0x2dc: {  	[sflag:s12] =	ssyncadd.s32 $0xFFFFEC00  }
0x2dd: {  	_ =	swait.ge [sflag:s12], $0x1400  }
0x2de: {  	[sflag:s12] =	ssyncset.done $0x0;
	s5 =	rddreg [dreg:$0x1e]  }
0x2df: {  	[sflag:s12] =	ssyncadd.s32 $0xFFFFEC00;
	s0 =	sadd.s32 s29, s5  }
0x2e0: {  	[tilespmem:s25], [sflag:$0x2] =	stream.indirect.gather [hbm4b:s3+s20], $0x80, s26, s20, $0xb8;
	[tilespmem:$0x19480] =	vst v63  }
0x2e1: {  	s0 =	sshrl.u32 s0, $0x3  }
0x2e2: {  	s5 =	sadd.s32 s1, s0  }
0x2e3: {  	s30 =	simm.s32 $0x0;
	s6 =	sadd.s32 $0x9C40, s5  }
0x2e4: {  	v1 =	vmov s30;
	[tilespmem:s30], [sflag:$0x1] =	stream.linear.gather [hbm4b:s6+s30], $0x50, $0x38;
	[tilespmem:$0x19480] =	vst v63  }
0x2e5: {  	v1 =	vand.u32 $0xFFFFFFFE, v1  }
0x2e6: {  	v1 =	vbroadcast v1, $0x0;
	[tilespmem:s17], [sflag:$0x1] =	stream.linear.gather [hbm4b:s5+s30], $0x50, $0x38;
	[tilespmem:$0x19480] =	vst v63  }
0x2e7: {  	s0 =	sadd.s32 s2, s0  }
0x2e8: {  	[tilespmem:s18], [sflag:$0x1] =	stream.linear.gather [hbm4b:s0+s30], $0x50, $0x38;
	[tilespmem:$0x19480] =	vst v63  }
0x2e9: {  	_ =	swait.ge [sflag:s8], $0x2800  }
0x2ea: {  	[sflag:s8] =	ssyncset.done $0x0  }
0x2eb: {  	[sflag:s8] =	ssyncadd.s32 $0xFFFFD800  }
0x2ec: {  	s30 =	simm.s32 $0x500;
	v2 =	vld.idx.msk [tilespmem:v1+s24+$0x0], $0xffff  }
0x2ed: {  	v1 =	vld [tilespmem:s30+$0xFFFFFFF0]  }
0x2ee: {  	v3 =	vld [tilespmem:s30+$0xFFFFFF80]  }
0x2ef: {  	s6 =	simm.s32 $0x1;
	v6 =	vld [tilespmem:s30+$0xFFFFFF90]  }
0x2f0: {  	v7 =	vmov s6;
	v8 =	vld [tilespmem:s30+$0xFFFFFFA0]  }
0x2f1: {  	v11 =	vld [tilespmem:s30+$0xFFFFFFB0]  }
0x2f2: {  	v5 =	vld [tilespmem:s30+$0xFFFFFFC0]  }
0x2f3: {  	v4 =	vld [tilespmem:s30+$0xFFFFFFD0];
	v9 =	vmul.f32 v1, v2  }
0x2f4: {  	v10 =	vmul.f32 v3, v2;
	v3 =	vld [tilespmem:s30+$0xFFFFFFE0]  }
0x2f5: {  	v1 =	vld.idx.msk [tilespmem:v7+s24+$0x0], $0xffff;
	v6 =	vmul.f32 v6, v2;
	[tilespmem:s30+$0xFFFFFFF0] =	vst v9  }
0x2f6: {  	s0 =	simm.s32 $0x2;
	v7 =	vld [tilespmem:s30+$0x0];
	[tilespmem:s30+$0xFFFFFF80] =	vst v10;
	v9 =	vmul.f32 v8, v2  }
0x2f7: {  	s31 =	simm.s32 $0x500;
	s5 =	simm.s32 $0x4;
	v10 =	vmov s0;
	[tilespmem:s30+$0xFFFFFF90] =	vst v6;
	v8 =	vmul.f32 v11, v2;
	v6 =	vld [tilespmem:s30+$0x10]  }
.LBB2_21:
0x2f8: {  	p0 =	slt.u32 s5, $0x26;
	v10 =	vand.u32 $0xFFFFFFFE, v10;
	s6 =	sadd.s32 $0x1, s0;
	[tilespmem:s30+$0xFFFFFFA0] =	vst v9;
	v5 =	vmul.f32 v5, v2;
	v9 =	vld [tilespmem:s30+$0x20];
	s0 =	smov.u32 s5  }
0x2f9: {  	v10 =	vbroadcast v10, $0x0;
	v11 =	vmov s6;
	[tilespmem:s30+$0xFFFFFFB0] =	vst v8;
	v4 =	vmul.f32 v4, v2;
	v8 =	vld [tilespmem:s30+$0x30]  }
0x2fa: {  	[tilespmem:s30+$0xFFFFFFC0] =	vst v5;
	v2 =	vmul.f32 v3, v2;
	v3 =	vld [tilespmem:s30+$0x40]  }
0x2fb: {  	[tilespmem:s30+$0xFFFFFFD0] =	vst v4;
	v4 =	vmul.f32 v7, v1;
	v5 =	vld [tilespmem:s30+$0x50]  }
0x2fc: {  	[tilespmem:s30+$0xFFFFFFE0] =	vst v2;
	v2 =	vmul.f32 v6, v1;
	v6 =	vld [tilespmem:s30+$0x60]  }
0x2fd: {  	[tilespmem:s30+$0x0] =	vst v4;
	v4 =	vmul.f32 v9, v1;
	v7 =	vld [tilespmem:s30+$0x70]  }
0x2fe: {  	v9 =	vld.idx.msk [tilespmem:v11+s24+$0x0], $0xffff;
	[tilespmem:s30+$0x10] =	vst v2;
	v8 =	vmul.f32 v8, v1  }
0x2ff: {  	s30 =	sadd.s32 $0x100, s30;
	v2 =	vld.idx.msk [tilespmem:v10+s24+$0x0], $0xffff;
	[tilespmem:s31+$0x20] =	vst v4;
	v3 =	vmul.f32 v3, v1  }
0x300: {  	v4 =	vld [tilespmem:s30+$0xFFFFFFF0];
	[tilespmem:s31+$0x30] =	vst v8;
	v5 =	vmul.f32 v5, v1  }
0x301: {  	v8 =	vld [tilespmem:s30+$0xFFFFFF80];
	[tilespmem:s31+$0x40] =	vst v3;
	v3 =	vmul.f32 v6, v1  }
0x302: {  	v6 =	vld [tilespmem:s30+$0xFFFFFF90];
	[tilespmem:s31+$0x50] =	vst v5;
	v5 =	vmul.f32 v7, v1  }
0x303: {  	v7 =	vld [tilespmem:s30+$0xFFFFFFA0];
	[tilespmem:s31+$0x60] =	vst v3  }
0x304: {  	v1 =	vmov v9;
	v11 =	vld [tilespmem:s30+$0xFFFFFFB0];
	[tilespmem:s31+$0x70] =	vst v5;
	s31 =	smov.u32 s30  }
.Ltmp9:
0x305: {  	v5 =	vld [tilespmem:s30+$0xFFFFFFC0];
	v9 =	vmul.f32 v4, v2;
	(pc) =	sbr.rel @p0 .LBB2_21-.Ltmp9, $4  }
0x306: {  	v8 =	vmul.f32 v8, v2;
	v4 =	vld [tilespmem:s30+$0xFFFFFFD0]  }
0x307: {  	v6 =	vmul.f32 v6, v2;
	v3 =	vld [tilespmem:s30+$0xFFFFFFE0];
	[tilespmem:s30+$0xFFFFFFF0] =	vst v9  }
0x308: {  	[tilespmem:s30+$0xFFFFFF80] =	vst v8;
	v9 =	vmul.f32 v7, v2;
	v7 =	vld [tilespmem:s30+$0x0]  }
0x309: {  	s5 =	sadd.s32 $0x2, s5;
	v10 =	vmov s0;
	[tilespmem:s30+$0xFFFFFF90] =	vst v6;
	v8 =	vmul.f32 v11, v2;
	v6 =	vld [tilespmem:s30+$0x10]  }
0x30a: {  	v11 =	vld [tilespmem:s30+$0x20]  }
0x30b: {  	v10 =	vand.u32 $0xFFFFFFFE, v10;
	s0 =	sadd.s32 $0x1, s0;
	v12 =	vld [tilespmem:s30+$0x30]  }
0x30c: {  	v14 =	vld [tilespmem:s30+$0x40];
	[tilespmem:s30+$0xFFFFFFA0] =	vst v9;
	v5 =	vmul.f32 v5, v2;
	v10 =	vbroadcast v10, $0x0;
	v13 =	vmov s0  }
0x30d: {  	v9 =	vld [tilespmem:s30+$0x50];
	[tilespmem:s30+$0xFFFFFFB0] =	vst v8;
	v4 =	vmul.f32 v4, v2  }
0x30e: {  	v8 =	vld [tilespmem:s30+$0x60];
	[tilespmem:s30+$0xFFFFFFC0] =	vst v5;
	v7 =	vmul.f32 v7, v1  }
0x30f: {  	s6 =	sadd.s32 $0x100, s30;
	v2 =	vmul.f32 v3, v2;
	v3 =	vld [tilespmem:s30+$0x70];
	[tilespmem:s30+$0xFFFFFFD0] =	vst v4  }
0x310: {  	v4 =	vmul.f32 v6, v1;
	[tilespmem:s30+$0x0] =	vst v7;
	v7 =	vld [tilespmem:s6+$0xFFFFFFF0]  }
0x311: {  	[tilespmem:s30+$0xFFFFFFE0] =	vst v2;
	v2 =	vmul.f32 v11, v1;
	v5 =	vld.idx.msk [tilespmem:v13+s24+$0x0], $0xffff  }
0x312: {  	[tilespmem:s30+$0x10] =	vst v4;
	v4 =	vmul.f32 v12, v1;
	v6 =	vld.idx.msk [tilespmem:v10+s24+$0x0], $0xffff  }
0x313: {  	[tilespmem:s31+$0x20] =	vst v2;
	v2 =	vmul.f32 v14, v1;
	v10 =	vld [tilespmem:s6+$0xFFFFFF80]  }
0x314: {  	[tilespmem:s31+$0x30] =	vst v4;
	v4 =	vmul.f32 v9, v1;
	v9 =	vld [tilespmem:s6+$0xFFFFFF90]  }
0x315: {  	[tilespmem:s31+$0x40] =	vst v2;
	v2 =	vmul.f32 v8, v1;
	v8 =	vld [tilespmem:s6+$0xFFFFFFA0]  }
0x316: {  	v1 =	vmul.f32 v3, v1;
	v3 =	vld [tilespmem:s6+$0xFFFFFFB0];
	[tilespmem:s31+$0x50] =	vst v4  }
0x317: {  	[tilespmem:s31+$0x60] =	vst v2;
	v2 =	vld [tilespmem:s6+$0xFFFFFFC0];
	v4 =	vmul.f32 v7, v6  }
0x318: {  	[tilespmem:s31+$0x70] =	vst v1;
	v1 =	vmul.f32 v10, v6;
	v7 =	vld [tilespmem:s6+$0xFFFFFFD0]  }
0x319: {  	v10 =	vld [tilespmem:s6+$0xFFFFFFE0];
	v9 =	vmul.f32 v9, v6;
	[tilespmem:s6+$0xFFFFFFF0] =	vst v4  }
0x31a: {  	[tilespmem:s6+$0xFFFFFF80] =	vst v1;
	v1 =	vmul.f32 v8, v6;
	v4 =	vld [tilespmem:s6+$0x0]  }
0x31b: {  	v3 =	vmul.f32 v3, v6;
	v8 =	vld [tilespmem:s6+$0x10];
	[tilespmem:s6+$0xFFFFFF90] =	vst v9  }
0x31c: {  	[tilespmem:s6+$0xFFFFFFA0] =	vst v1;
	v1 =	vmul.f32 v2, v6;
	v2 =	vld [tilespmem:s6+$0x20]  }
0x31d: {  	[tilespmem:s6+$0xFFFFFFB0] =	vst v3;
	v3 =	vmul.f32 v7, v6;
	v7 =	vld [tilespmem:s6+$0x30]  }
0x31e: {  	[tilespmem:s6+$0xFFFFFFC0] =	vst v1;
	v1 =	vmul.f32 v10, v6;
	v6 =	vld [tilespmem:s6+$0x40]  }
0x31f: {  	[tilespmem:s6+$0xFFFFFFD0] =	vst v3;
	v3 =	vmul.f32 v4, v5;
	v4 =	vld [tilespmem:s6+$0x50]  }
0x320: {  	[tilespmem:s6+$0xFFFFFFE0] =	vst v1;
	v1 =	vmul.f32 v8, v5;
	v8 =	vld [tilespmem:s6+$0x60]  }
0x321: {  	s5 =	simm.s32 $0x28;
	[tilespmem:s6+$0x0] =	vst v3;
	v2 =	vmul.f32 v2, v5;
	v3 =	vld [tilespmem:s6+$0x70]  }
0x322: {  	[tilespmem:s6+$0x10] =	vst v1;
	v1 =	vmul.f32 v7, v5;
	v7 =	vmov s5  }
0x323: {  	[tilespmem:s6+$0x20] =	vst v2;
	v2 =	vmul.f32 v6, v5;
	v6 =	vand.u32 $0xFFFFFFFE, v7  }
0x324: {  	[tilespmem:s6+$0x30] =	vst v1;
	v1 =	vmul.f32 v4, v5;
	v4 =	vbroadcast v6, $0x0  }
0x325: {  	[tilespmem:s6+$0x40] =	vst v2;
	v2 =	vmul.f32 v8, v5  }
0x326: {  	[tilespmem:s6+$0x50] =	vst v1;
	v1 =	vmul.f32 v3, v5  }
0x327: {  	[tilespmem:s6+$0x60] =	vst v2  }
0x328: {  	[tilespmem:s6+$0x70] =	vst v1  }
0x329: {  	[spmem:s4] =	stream.indirect.scatter.add.f32 [tilespmem:s15], [sflag:$0x3], $0x80, s23, s5, $0xb8;
	[tilespmem:$0x19480] =	vst v63  }
0x32a: {  	s30 =	simm.s32 $0x1970;
	v2 =	vld.idx.msk [tilespmem:v4+s24+$0x0], $0xffff  }
0x32b: {  	v1 =	vld [tilespmem:s30+$0xFFFFFF80]  }
0x32c: {  	v3 =	vld [tilespmem:s30+$0xFFFFFF10]  }
0x32d: {  	s6 =	simm.s32 $0x29;
	v6 =	vld [tilespmem:s30+$0xFFFFFF20]  }
0x32e: {  	v7 =	vmov s6;
	v8 =	vld [tilespmem:s30+$0xFFFFFF30]  }
0x32f: {  	v11 =	vld [tilespmem:s30+$0xFFFFFF40]  }
0x330: {  	v5 =	vld [tilespmem:s30+$0xFFFFFF50]  }
0x331: {  	v4 =	vld [tilespmem:s30+$0xFFFFFF60];
	v9 =	vmul.f32 v1, v2  }
0x332: {  	v10 =	vmul.f32 v3, v2;
	v3 =	vld [tilespmem:s30+$0xFFFFFF70]  }
0x333: {  	v1 =	vld.idx.msk [tilespmem:v7+s24+$0x0], $0xffff;
	v6 =	vmul.f32 v6, v2;
	[tilespmem:s30+$0xFFFFFF80] =	vst v9  }
0x334: {  	s0 =	simm.s32 $0x2A;
	v7 =	vld [tilespmem:s30+$0xFFFFFF90];
	[tilespmem:s30+$0xFFFFFF10] =	vst v10;
	v9 =	vmul.f32 v8, v2  }
0x335: {  	s31 =	simm.s32 $0x1970;
	s5 =	simm.s32 $0x2C;
	v10 =	vmov s0;
	[tilespmem:s30+$0xFFFFFF20] =	vst v6;
	v8 =	vmul.f32 v11, v2;
	v6 =	vld [tilespmem:s30+$0xFFFFFFA0]  }
.LBB2_23:
0x336: {  	p0 =	slt.u32 s5, $0x4E;
	v10 =	vand.u32 $0xFFFFFFFE, v10;
	s6 =	sadd.s32 $0x1, s0;
	[tilespmem:s30+$0xFFFFFF30] =	vst v9;
	v5 =	vmul.f32 v5, v2;
	v9 =	vld [tilespmem:s30+$0xFFFFFFB0];
	s0 =	smov.u32 s5  }
0x337: {  	v10 =	vbroadcast v10, $0x0;
	v11 =	vmov s6;
	[tilespmem:s30+$0xFFFFFF40] =	vst v8;
	v4 =	vmul.f32 v4, v2;
	v8 =	vld [tilespmem:s30+$0xFFFFFFC0]  }
0x338: {  	[tilespmem:s30+$0xFFFFFF50] =	vst v5;
	v2 =	vmul.f32 v3, v2;
	v3 =	vld [tilespmem:s30+$0xFFFFFFD0]  }
0x339: {  	[tilespmem:s30+$0xFFFFFF60] =	vst v4;
	v4 =	vmul.f32 v7, v1;
	v5 =	vld [tilespmem:s30+$0xFFFFFFE0]  }
0x33a: {  	[tilespmem:s30+$0xFFFFFF70] =	vst v2;
	v2 =	vmul.f32 v6, v1;
	v6 =	vld [tilespmem:s30+$0xFFFFFFF0]  }
0x33b: {  	[tilespmem:s30+$0xFFFFFF90] =	vst v4;
	v4 =	vmul.f32 v9, v1;
	v7 =	vld [tilespmem:s30+$0x0]  }
0x33c: {  	v9 =	vld.idx.msk [tilespmem:v11+s24+$0x0], $0xffff;
	[tilespmem:s30+$0xFFFFFFA0] =	vst v2;
	v8 =	vmul.f32 v8, v1  }
0x33d: {  	s30 =	sadd.s32 $0x100, s30;
	v2 =	vld.idx.msk [tilespmem:v10+s24+$0x0], $0xffff;
	[tilespmem:s31+$0xFFFFFFB0] =	vst v4;
	v3 =	vmul.f32 v3, v1  }
0x33e: {  	v4 =	vld [tilespmem:s30+$0xFFFFFF80];
	[tilespmem:s31+$0xFFFFFFC0] =	vst v8;
	v5 =	vmul.f32 v5, v1  }
0x33f: {  	v8 =	vld [tilespmem:s30+$0xFFFFFF10];
	[tilespmem:s31+$0xFFFFFFD0] =	vst v3;
	v3 =	vmul.f32 v6, v1  }
0x340: {  	v6 =	vld [tilespmem:s30+$0xFFFFFF20];
	[tilespmem:s31+$0xFFFFFFE0] =	vst v5;
	v5 =	vmul.f32 v7, v1  }
0x341: {  	v7 =	vld [tilespmem:s30+$0xFFFFFF30];
	[tilespmem:s31+$0xFFFFFFF0] =	vst v3  }
0x342: {  	v1 =	vmov v9;
	v11 =	vld [tilespmem:s30+$0xFFFFFF40];
	[tilespmem:s31+$0x0] =	vst v5;
	s31 =	smov.u32 s30  }
.Ltmp10:
0x343: {  	v5 =	vld [tilespmem:s30+$0xFFFFFF50];
	v9 =	vmul.f32 v4, v2;
	(pc) =	sbr.rel @p0 .LBB2_23-.Ltmp10, $4  }
0x344: {  	v8 =	vmul.f32 v8, v2;
	v4 =	vld [tilespmem:s30+$0xFFFFFF60]  }
0x345: {  	v6 =	vmul.f32 v6, v2;
	v3 =	vld [tilespmem:s30+$0xFFFFFF70];
	[tilespmem:s30+$0xFFFFFF80] =	vst v9  }
0x346: {  	[tilespmem:s30+$0xFFFFFF10] =	vst v8;
	v9 =	vmul.f32 v7, v2;
	v7 =	vld [tilespmem:s30+$0xFFFFFF90]  }
0x347: {  	s5 =	sadd.s32 $0x2, s5;
	v10 =	vmov s0;
	[tilespmem:s30+$0xFFFFFF20] =	vst v6;
	v8 =	vmul.f32 v11, v2;
	v6 =	vld [tilespmem:s30+$0xFFFFFFA0]  }
0x348: {  	v11 =	vld [tilespmem:s30+$0xFFFFFFB0]  }
0x349: {  	v10 =	vand.u32 $0xFFFFFFFE, v10;
	s0 =	sadd.s32 $0x1, s0;
	v12 =	vld [tilespmem:s30+$0xFFFFFFC0]  }
0x34a: {  	v14 =	vld [tilespmem:s30+$0xFFFFFFD0];
	[tilespmem:s30+$0xFFFFFF30] =	vst v9;
	v5 =	vmul.f32 v5, v2;
	v10 =	vbroadcast v10, $0x0;
	v13 =	vmov s0  }
0x34b: {  	v9 =	vld [tilespmem:s30+$0xFFFFFFE0];
	[tilespmem:s30+$0xFFFFFF40] =	vst v8;
	v4 =	vmul.f32 v4, v2  }
0x34c: {  	v8 =	vld [tilespmem:s30+$0xFFFFFFF0];
	[tilespmem:s30+$0xFFFFFF50] =	vst v5;
	v7 =	vmul.f32 v7, v1  }
0x34d: {  	s5 =	sadd.s32 $0x100, s30;
	v2 =	vmul.f32 v3, v2;
	v3 =	vld [tilespmem:s30+$0x0];
	[tilespmem:s30+$0xFFFFFF60] =	vst v4  }
0x34e: {  	v4 =	vmul.f32 v6, v1;
	[tilespmem:s30+$0xFFFFFF90] =	vst v7;
	v7 =	vld [tilespmem:s5+$0xFFFFFF80]  }
0x34f: {  	[tilespmem:s30+$0xFFFFFF70] =	vst v2;
	v2 =	vmul.f32 v11, v1;
	v5 =	vld.idx.msk [tilespmem:v13+s24+$0x0], $0xffff  }
0x350: {  	[tilespmem:s30+$0xFFFFFFA0] =	vst v4;
	v4 =	vmul.f32 v12, v1;
	v6 =	vld.idx.msk [tilespmem:v10+s24+$0x0], $0xffff  }
0x351: {  	[tilespmem:s31+$0xFFFFFFB0] =	vst v2;
	v2 =	vmul.f32 v14, v1;
	v10 =	vld [tilespmem:s5+$0xFFFFFF10]  }
0x352: {  	[tilespmem:s31+$0xFFFFFFC0] =	vst v4;
	v4 =	vmul.f32 v9, v1;
	v9 =	vld [tilespmem:s5+$0xFFFFFF20]  }
0x353: {  	[tilespmem:s31+$0xFFFFFFD0] =	vst v2;
	v2 =	vmul.f32 v8, v1;
	v8 =	vld [tilespmem:s5+$0xFFFFFF30]  }
0x354: {  	v1 =	vmul.f32 v3, v1;
	v3 =	vld [tilespmem:s5+$0xFFFFFF40];
	[tilespmem:s31+$0xFFFFFFE0] =	vst v4  }
0x355: {  	[tilespmem:s31+$0xFFFFFFF0] =	vst v2;
	v2 =	vld [tilespmem:s5+$0xFFFFFF50];
	v4 =	vmul.f32 v7, v6  }
0x356: {  	[tilespmem:s31+$0x0] =	vst v1;
	v1 =	vmul.f32 v10, v6;
	v7 =	vld [tilespmem:s5+$0xFFFFFF60]  }
0x357: {  	v10 =	vld [tilespmem:s5+$0xFFFFFF70];
	v9 =	vmul.f32 v9, v6;
	[tilespmem:s5+$0xFFFFFF80] =	vst v4  }
0x358: {  	[tilespmem:s5+$0xFFFFFF10] =	vst v1;
	v1 =	vmul.f32 v8, v6;
	v4 =	vld [tilespmem:s5+$0xFFFFFF90]  }
0x359: {  	v3 =	vmul.f32 v3, v6;
	v8 =	vld [tilespmem:s5+$0xFFFFFFA0];
	[tilespmem:s5+$0xFFFFFF20] =	vst v9  }
0x35a: {  	[tilespmem:s5+$0xFFFFFF30] =	vst v1;
	v1 =	vmul.f32 v2, v6;
	v2 =	vld [tilespmem:s5+$0xFFFFFFB0]  }
0x35b: {  	[tilespmem:s5+$0xFFFFFF40] =	vst v3;
	v3 =	vmul.f32 v7, v6;
	v7 =	vld [tilespmem:s5+$0xFFFFFFC0]  }
0x35c: {  	[tilespmem:s5+$0xFFFFFF50] =	vst v1;
	v1 =	vmul.f32 v10, v6;
	v6 =	vld [tilespmem:s5+$0xFFFFFFD0]  }
0x35d: {  	[tilespmem:s5+$0xFFFFFF60] =	vst v3;
	v3 =	vmul.f32 v4, v5;
	v4 =	vld [tilespmem:s5+$0xFFFFFFE0]  }
0x35e: {  	[tilespmem:s5+$0xFFFFFF70] =	vst v1;
	v1 =	vmul.f32 v8, v5;
	v8 =	vld [tilespmem:s5+$0xFFFFFFF0]  }
0x35f: {  	[tilespmem:s5+$0xFFFFFF90] =	vst v3;
	v2 =	vmul.f32 v2, v5;
	v3 =	vld [tilespmem:s5+$0x0]  }
0x360: {  	[tilespmem:s5+$0xFFFFFFA0] =	vst v1;
	v1 =	vmul.f32 v7, v5  }
0x361: {  	[tilespmem:s5+$0xFFFFFFB0] =	vst v2;
	v2 =	vmul.f32 v6, v5  }
0x362: {  	[tilespmem:s5+$0xFFFFFFC0] =	vst v1;
	v1 =	vmul.f32 v4, v5  }
0x363: {  	[tilespmem:s5+$0xFFFFFFD0] =	vst v2;
	v2 =	vmul.f32 v8, v5  }
0x364: {  	[tilespmem:s5+$0xFFFFFFE0] =	vst v1;
	v1 =	vmul.f32 v3, v5  }
0x365: {  	[tilespmem:s5+$0xFFFFFFF0] =	vst v2  }
0x366: {  	[tilespmem:s5+$0x0] =	vst v1  }
0x367: {  	[spmem:s4] =	stream.indirect.scatter.add.f32 [tilespmem:s11], [sflag:$0x3], $0x80, s13, s9, $0xb8;
	[tilespmem:$0x19480] =	vst v63  }
0x368: {  	_ =	swait.ge [sflag:s19], $0x50  }
0x369: {  	[sflag:s19] =	ssyncset.done $0x0  }
0x36a: {  	[sflag:s19] =	ssyncadd.s32 $0xFFFFFFB0  }
0x36b: {  	_ =	swait.ge [sflag:s19], $0x50  }
0x36c: {  	[sflag:s19] =	ssyncset.done $0x0  }
0x36d: {  	[sflag:s19] =	ssyncadd.s32 $0xFFFFFFB0  }
0x36e: {  	_ =	swait.ge [sflag:s19], $0x50  }
0x36f: {  	[sflag:s19] =	ssyncset.done $0x0  }
0x370: {  	[sflag:s19] =	ssyncadd.s32 $0xFFFFFFB0  }
0x371: {  	_ =	swait.ge [sflag:s12], $0x1400  }
0x372: {  	[sflag:s12] =	ssyncset.done $0x0  }
0x373: {  	[sflag:s12] =	ssyncadd.s32 $0xFFFFEC00  }
0x374: {  	_ =	swait.ge [sflag:s12], $0x1400  }
0x375: {  	[sflag:s12] =	ssyncset.done $0x0;
	s5 =	rddreg [dreg:$0x1f]  }
0x376: {  	s0 =	simm.s32 $0x0;
	[sflag:s12] =	ssyncadd.s32 $0xFFFFEC00;
	s5 =	sadd.s32 s29, s5  }
0x377: {  	[tilespmem:s15], [sflag:$0x2] =	stream.indirect.gather [hbm4b:s3+s20], $0x80, s0, s20, $0xb8;
	[tilespmem:$0x19480] =	vst v63  }
0x378: {  	s5 =	sshrl.u32 s5, $0x3  }
0x379: {  	s6 =	sadd.s32 s1, s5  }
0x37a: {  	s30 =	sadd.s32 $0x9C40, s6  }
0x37b: {  	v1 =	vmov s0;
	[tilespmem:s21], [sflag:$0x1] =	stream.linear.gather [hbm4b:s30+s0], $0x50, $0x38;
	[tilespmem:$0x19480] =	vst v63  }
0x37c: {  	v1 =	vand.u32 $0xFFFFFFFE, v1  }
0x37d: {  	v1 =	vbroadcast v1, $0x0;
	[tilespmem:s23], [sflag:$0x1] =	stream.linear.gather [hbm4b:s6+s0], $0x50, $0x38;
	[tilespmem:$0x19480] =	vst v63  }
0x37e: {  	s5 =	sadd.s32 s2, s5  }
0x37f: {  	[tilespmem:s24], [sflag:$0x1] =	stream.linear.gather [hbm4b:s5+s0], $0x50, $0x38;
	[tilespmem:$0x19480] =	vst v63  }
0x380: {  	_ =	swait.ge [sflag:s8], $0x2800  }
0x381: {  	[sflag:s8] =	ssyncset.done $0x0  }
0x382: {  	[sflag:s8] =	ssyncadd.s32 $0xFFFFD800  }
0x383: {  	s30 =	simm.s32 $0x2D00;
	v2 =	vld.idx.msk [tilespmem:v1+s7+$0x0], $0xffff  }
0x384: {  	v1 =	vld [tilespmem:s30+$0xFFFFFFF0]  }
0x385: {  	v3 =	vld [tilespmem:s30+$0xFFFFFF80]  }
0x386: {  	s6 =	simm.s32 $0x1;
	v6 =	vld [tilespmem:s30+$0xFFFFFF90]  }
0x387: {  	v7 =	vmov s6;
	v8 =	vld [tilespmem:s30+$0xFFFFFFA0]  }
0x388: {  	v11 =	vld [tilespmem:s30+$0xFFFFFFB0]  }
0x389: {  	v5 =	vld [tilespmem:s30+$0xFFFFFFC0]  }
0x38a: {  	v4 =	vld [tilespmem:s30+$0xFFFFFFD0];
	v9 =	vmul.f32 v1, v2  }
0x38b: {  	v10 =	vmul.f32 v3, v2;
	v3 =	vld [tilespmem:s30+$0xFFFFFFE0]  }
0x38c: {  	v1 =	vld.idx.msk [tilespmem:v7+s7+$0x0], $0xffff;
	v6 =	vmul.f32 v6, v2;
	[tilespmem:s30+$0xFFFFFFF0] =	vst v9  }
0x38d: {  	s0 =	simm.s32 $0x2;
	v7 =	vld [tilespmem:s30+$0x0];
	[tilespmem:s30+$0xFFFFFF80] =	vst v10;
	v9 =	vmul.f32 v8, v2  }
0x38e: {  	s31 =	simm.s32 $0x2D00;
	s5 =	simm.s32 $0x4;
	v10 =	vmov s0;
	[tilespmem:s30+$0xFFFFFF90] =	vst v6;
	v8 =	vmul.f32 v11, v2;
	v6 =	vld [tilespmem:s30+$0x10]  }
.LBB2_25:
0x38f: {  	p0 =	slt.u32 s5, $0x26;
	v10 =	vand.u32 $0xFFFFFFFE, v10;
	s6 =	sadd.s32 $0x1, s0;
	[tilespmem:s30+$0xFFFFFFA0] =	vst v9;
	v5 =	vmul.f32 v5, v2;
	v9 =	vld [tilespmem:s30+$0x20];
	s0 =	smov.u32 s5  }
0x390: {  	v10 =	vbroadcast v10, $0x0;
	v11 =	vmov s6;
	[tilespmem:s30+$0xFFFFFFB0] =	vst v8;
	v4 =	vmul.f32 v4, v2;
	v8 =	vld [tilespmem:s30+$0x30]  }
0x391: {  	[tilespmem:s30+$0xFFFFFFC0] =	vst v5;
	v2 =	vmul.f32 v3, v2;
	v3 =	vld [tilespmem:s30+$0x40]  }
0x392: {  	[tilespmem:s30+$0xFFFFFFD0] =	vst v4;
	v4 =	vmul.f32 v7, v1;
	v5 =	vld [tilespmem:s30+$0x50]  }
0x393: {  	[tilespmem:s30+$0xFFFFFFE0] =	vst v2;
	v2 =	vmul.f32 v6, v1;
	v6 =	vld [tilespmem:s30+$0x60]  }
0x394: {  	[tilespmem:s30+$0x0] =	vst v4;
	v4 =	vmul.f32 v9, v1;
	v7 =	vld [tilespmem:s30+$0x70]  }
0x395: {  	v9 =	vld.idx.msk [tilespmem:v11+s7+$0x0], $0xffff;
	[tilespmem:s30+$0x10] =	vst v2;
	v8 =	vmul.f32 v8, v1  }
0x396: {  	s30 =	sadd.s32 $0x100, s30;
	v2 =	vld.idx.msk [tilespmem:v10+s7+$0x0], $0xffff;
	[tilespmem:s31+$0x20] =	vst v4;
	v3 =	vmul.f32 v3, v1  }
0x397: {  	v4 =	vld [tilespmem:s30+$0xFFFFFFF0];
	[tilespmem:s31+$0x30] =	vst v8;
	v5 =	vmul.f32 v5, v1  }
0x398: {  	v8 =	vld [tilespmem:s30+$0xFFFFFF80];
	[tilespmem:s31+$0x40] =	vst v3;
	v3 =	vmul.f32 v6, v1  }
0x399: {  	v6 =	vld [tilespmem:s30+$0xFFFFFF90];
	[tilespmem:s31+$0x50] =	vst v5;
	v5 =	vmul.f32 v7, v1  }
0x39a: {  	v7 =	vld [tilespmem:s30+$0xFFFFFFA0];
	[tilespmem:s31+$0x60] =	vst v3  }
0x39b: {  	v1 =	vmov v9;
	v11 =	vld [tilespmem:s30+$0xFFFFFFB0];
	[tilespmem:s31+$0x70] =	vst v5;
	s31 =	smov.u32 s30  }
.Ltmp11:
0x39c: {  	v5 =	vld [tilespmem:s30+$0xFFFFFFC0];
	v9 =	vmul.f32 v4, v2;
	(pc) =	sbr.rel @p0 .LBB2_25-.Ltmp11, $4  }
0x39d: {  	v8 =	vmul.f32 v8, v2;
	v4 =	vld [tilespmem:s30+$0xFFFFFFD0]  }
0x39e: {  	v6 =	vmul.f32 v6, v2;
	v3 =	vld [tilespmem:s30+$0xFFFFFFE0];
	[tilespmem:s30+$0xFFFFFFF0] =	vst v9  }
0x39f: {  	[tilespmem:s30+$0xFFFFFF80] =	vst v8;
	v9 =	vmul.f32 v7, v2;
	v7 =	vld [tilespmem:s30+$0x0]  }
0x3a0: {  	s5 =	sadd.s32 $0x2, s5;
	v10 =	vmov s0;
	[tilespmem:s30+$0xFFFFFF90] =	vst v6;
	v8 =	vmul.f32 v11, v2;
	v6 =	vld [tilespmem:s30+$0x10]  }
0x3a1: {  	v11 =	vld [tilespmem:s30+$0x20]  }
0x3a2: {  	v10 =	vand.u32 $0xFFFFFFFE, v10;
	s0 =	sadd.s32 $0x1, s0;
	v12 =	vld [tilespmem:s30+$0x30]  }
0x3a3: {  	v14 =	vld [tilespmem:s30+$0x40];
	[tilespmem:s30+$0xFFFFFFA0] =	vst v9;
	v5 =	vmul.f32 v5, v2;
	v10 =	vbroadcast v10, $0x0;
	v13 =	vmov s0  }
0x3a4: {  	v9 =	vld [tilespmem:s30+$0x50];
	[tilespmem:s30+$0xFFFFFFB0] =	vst v8;
	v4 =	vmul.f32 v4, v2  }
0x3a5: {  	v8 =	vld [tilespmem:s30+$0x60];
	[tilespmem:s30+$0xFFFFFFC0] =	vst v5;
	v7 =	vmul.f32 v7, v1  }
0x3a6: {  	s6 =	sadd.s32 $0x100, s30;
	v2 =	vmul.f32 v3, v2;
	v3 =	vld [tilespmem:s30+$0x70];
	[tilespmem:s30+$0xFFFFFFD0] =	vst v4  }
0x3a7: {  	v4 =	vmul.f32 v6, v1;
	[tilespmem:s30+$0x0] =	vst v7;
	v7 =	vld [tilespmem:s6+$0xFFFFFFF0]  }
0x3a8: {  	[tilespmem:s30+$0xFFFFFFE0] =	vst v2;
	v2 =	vmul.f32 v11, v1;
	v5 =	vld.idx.msk [tilespmem:v13+s7+$0x0], $0xffff  }
0x3a9: {  	[tilespmem:s30+$0x10] =	vst v4;
	v4 =	vmul.f32 v12, v1;
	v6 =	vld.idx.msk [tilespmem:v10+s7+$0x0], $0xffff  }
0x3aa: {  	[tilespmem:s31+$0x20] =	vst v2;
	v2 =	vmul.f32 v14, v1;
	v10 =	vld [tilespmem:s6+$0xFFFFFF80]  }
0x3ab: {  	[tilespmem:s31+$0x30] =	vst v4;
	v4 =	vmul.f32 v9, v1;
	v9 =	vld [tilespmem:s6+$0xFFFFFF90]  }
0x3ac: {  	[tilespmem:s31+$0x40] =	vst v2;
	v2 =	vmul.f32 v8, v1;
	v8 =	vld [tilespmem:s6+$0xFFFFFFA0]  }
0x3ad: {  	v1 =	vmul.f32 v3, v1;
	v3 =	vld [tilespmem:s6+$0xFFFFFFB0];
	[tilespmem:s31+$0x50] =	vst v4  }
0x3ae: {  	[tilespmem:s31+$0x60] =	vst v2;
	v2 =	vld [tilespmem:s6+$0xFFFFFFC0];
	v4 =	vmul.f32 v7, v6  }
0x3af: {  	[tilespmem:s31+$0x70] =	vst v1;
	v1 =	vmul.f32 v10, v6;
	v7 =	vld [tilespmem:s6+$0xFFFFFFD0]  }
0x3b0: {  	v10 =	vld [tilespmem:s6+$0xFFFFFFE0];
	v9 =	vmul.f32 v9, v6;
	[tilespmem:s6+$0xFFFFFFF0] =	vst v4  }
0x3b1: {  	[tilespmem:s6+$0xFFFFFF80] =	vst v1;
	v1 =	vmul.f32 v8, v6;
	v4 =	vld [tilespmem:s6+$0x0]  }
0x3b2: {  	v3 =	vmul.f32 v3, v6;
	v8 =	vld [tilespmem:s6+$0x10];
	[tilespmem:s6+$0xFFFFFF90] =	vst v9  }
0x3b3: {  	[tilespmem:s6+$0xFFFFFFA0] =	vst v1;
	v1 =	vmul.f32 v2, v6;
	v2 =	vld [tilespmem:s6+$0x20]  }
0x3b4: {  	[tilespmem:s6+$0xFFFFFFB0] =	vst v3;
	v3 =	vmul.f32 v7, v6;
	v7 =	vld [tilespmem:s6+$0x30]  }
0x3b5: {  	[tilespmem:s6+$0xFFFFFFC0] =	vst v1;
	v1 =	vmul.f32 v10, v6;
	v6 =	vld [tilespmem:s6+$0x40]  }
0x3b6: {  	[tilespmem:s6+$0xFFFFFFD0] =	vst v3;
	v3 =	vmul.f32 v4, v5;
	v4 =	vld [tilespmem:s6+$0x50]  }
0x3b7: {  	[tilespmem:s6+$0xFFFFFFE0] =	vst v1;
	v1 =	vmul.f32 v8, v5;
	v8 =	vld [tilespmem:s6+$0x60]  }
0x3b8: {  	s5 =	simm.s32 $0x28;
	[tilespmem:s6+$0x0] =	vst v3;
	v2 =	vmul.f32 v2, v5;
	v3 =	vld [tilespmem:s6+$0x70]  }
0x3b9: {  	[tilespmem:s6+$0x10] =	vst v1;
	v1 =	vmul.f32 v7, v5;
	v7 =	vmov s5  }
0x3ba: {  	[tilespmem:s6+$0x20] =	vst v2;
	v2 =	vmul.f32 v6, v5;
	v6 =	vand.u32 $0xFFFFFFFE, v7  }
0x3bb: {  	[tilespmem:s6+$0x30] =	vst v1;
	v1 =	vmul.f32 v4, v5;
	v4 =	vbroadcast v6, $0x0  }
0x3bc: {  	[tilespmem:s6+$0x40] =	vst v2;
	v2 =	vmul.f32 v8, v5  }
0x3bd: {  	[tilespmem:s6+$0x50] =	vst v1;
	v1 =	vmul.f32 v3, v5  }
0x3be: {  	[tilespmem:s6+$0x60] =	vst v2  }
0x3bf: {  	[tilespmem:s6+$0x70] =	vst v1  }
0x3c0: {  	[spmem:s4] =	stream.indirect.scatter.add.f32 [tilespmem:s25], [sflag:$0x3], $0x80, s14, s5, $0xb8;
	[tilespmem:$0x19480] =	vst v63  }
0x3c1: {  	s30 =	simm.s32 $0x4170;
	v2 =	vld.idx.msk [tilespmem:v4+s7+$0x0], $0xffff  }
0x3c2: {  	v1 =	vld [tilespmem:s30+$0xFFFFFF80]  }
0x3c3: {  	v3 =	vld [tilespmem:s30+$0xFFFFFF10]  }
0x3c4: {  	s6 =	simm.s32 $0x29;
	v6 =	vld [tilespmem:s30+$0xFFFFFF20]  }
0x3c5: {  	v7 =	vmov s6;
	v8 =	vld [tilespmem:s30+$0xFFFFFF30]  }
0x3c6: {  	v11 =	vld [tilespmem:s30+$0xFFFFFF40]  }
0x3c7: {  	v5 =	vld [tilespmem:s30+$0xFFFFFF50]  }
0x3c8: {  	v4 =	vld [tilespmem:s30+$0xFFFFFF60];
	v9 =	vmul.f32 v1, v2  }
0x3c9: {  	v10 =	vmul.f32 v3, v2;
	v3 =	vld [tilespmem:s30+$0xFFFFFF70]  }
0x3ca: {  	v1 =	vld.idx.msk [tilespmem:v7+s7+$0x0], $0xffff;
	v6 =	vmul.f32 v6, v2;
	[tilespmem:s30+$0xFFFFFF80] =	vst v9  }
0x3cb: {  	s0 =	simm.s32 $0x2A;
	v7 =	vld [tilespmem:s30+$0xFFFFFF90];
	[tilespmem:s30+$0xFFFFFF10] =	vst v10;
	v9 =	vmul.f32 v8, v2  }
0x3cc: {  	s31 =	simm.s32 $0x4170;
	s5 =	simm.s32 $0x2C;
	v10 =	vmov s0;
	[tilespmem:s30+$0xFFFFFF20] =	vst v6;
	v8 =	vmul.f32 v11, v2;
	v6 =	vld [tilespmem:s30+$0xFFFFFFA0]  }
.LBB2_27:
0x3cd: {  	p0 =	slt.u32 s5, $0x4E;
	v10 =	vand.u32 $0xFFFFFFFE, v10;
	s6 =	sadd.s32 $0x1, s0;
	[tilespmem:s30+$0xFFFFFF30] =	vst v9;
	v5 =	vmul.f32 v5, v2;
	v9 =	vld [tilespmem:s30+$0xFFFFFFB0];
	s0 =	smov.u32 s5  }
0x3ce: {  	v10 =	vbroadcast v10, $0x0;
	v11 =	vmov s6;
	[tilespmem:s30+$0xFFFFFF40] =	vst v8;
	v4 =	vmul.f32 v4, v2;
	v8 =	vld [tilespmem:s30+$0xFFFFFFC0]  }
0x3cf: {  	[tilespmem:s30+$0xFFFFFF50] =	vst v5;
	v2 =	vmul.f32 v3, v2;
	v3 =	vld [tilespmem:s30+$0xFFFFFFD0]  }
0x3d0: {  	[tilespmem:s30+$0xFFFFFF60] =	vst v4;
	v4 =	vmul.f32 v7, v1;
	v5 =	vld [tilespmem:s30+$0xFFFFFFE0]  }
0x3d1: {  	[tilespmem:s30+$0xFFFFFF70] =	vst v2;
	v2 =	vmul.f32 v6, v1;
	v6 =	vld [tilespmem:s30+$0xFFFFFFF0]  }
0x3d2: {  	[tilespmem:s30+$0xFFFFFF90] =	vst v4;
	v4 =	vmul.f32 v9, v1;
	v7 =	vld [tilespmem:s30+$0x0]  }
0x3d3: {  	v9 =	vld.idx.msk [tilespmem:v11+s7+$0x0], $0xffff;
	[tilespmem:s30+$0xFFFFFFA0] =	vst v2;
	v8 =	vmul.f32 v8, v1  }
0x3d4: {  	s30 =	sadd.s32 $0x100, s30;
	v2 =	vld.idx.msk [tilespmem:v10+s7+$0x0], $0xffff;
	[tilespmem:s31+$0xFFFFFFB0] =	vst v4;
	v3 =	vmul.f32 v3, v1  }
0x3d5: {  	v4 =	vld [tilespmem:s30+$0xFFFFFF80];
	[tilespmem:s31+$0xFFFFFFC0] =	vst v8;
	v5 =	vmul.f32 v5, v1  }
0x3d6: {  	v8 =	vld [tilespmem:s30+$0xFFFFFF10];
	[tilespmem:s31+$0xFFFFFFD0] =	vst v3;
	v3 =	vmul.f32 v6, v1  }
0x3d7: {  	v6 =	vld [tilespmem:s30+$0xFFFFFF20];
	[tilespmem:s31+$0xFFFFFFE0] =	vst v5;
	v5 =	vmul.f32 v7, v1  }
0x3d8: {  	v7 =	vld [tilespmem:s30+$0xFFFFFF30];
	[tilespmem:s31+$0xFFFFFFF0] =	vst v3  }
0x3d9: {  	v1 =	vmov v9;
	v11 =	vld [tilespmem:s30+$0xFFFFFF40];
	[tilespmem:s31+$0x0] =	vst v5;
	s31 =	smov.u32 s30  }
.Ltmp12:
0x3da: {  	v5 =	vld [tilespmem:s30+$0xFFFFFF50];
	v9 =	vmul.f32 v4, v2;
	(pc) =	sbr.rel @p0 .LBB2_27-.Ltmp12, $4  }
0x3db: {  	v8 =	vmul.f32 v8, v2;
	v4 =	vld [tilespmem:s30+$0xFFFFFF60]  }
0x3dc: {  	v6 =	vmul.f32 v6, v2;
	v3 =	vld [tilespmem:s30+$0xFFFFFF70];
	[tilespmem:s30+$0xFFFFFF80] =	vst v9  }
0x3dd: {  	[tilespmem:s30+$0xFFFFFF10] =	vst v8;
	v9 =	vmul.f32 v7, v2;
	v7 =	vld [tilespmem:s30+$0xFFFFFF90]  }
0x3de: {  	s5 =	sadd.s32 $0x2, s5;
	v10 =	vmov s0;
	[tilespmem:s30+$0xFFFFFF20] =	vst v6;
	v8 =	vmul.f32 v11, v2;
	v6 =	vld [tilespmem:s30+$0xFFFFFFA0]  }
0x3df: {  	v11 =	vld [tilespmem:s30+$0xFFFFFFB0]  }
0x3e0: {  	v10 =	vand.u32 $0xFFFFFFFE, v10;
	s0 =	sadd.s32 $0x1, s0;
	v12 =	vld [tilespmem:s30+$0xFFFFFFC0]  }
0x3e1: {  	v14 =	vld [tilespmem:s30+$0xFFFFFFD0];
	[tilespmem:s30+$0xFFFFFF30] =	vst v9;
	v5 =	vmul.f32 v5, v2;
	v10 =	vbroadcast v10, $0x0;
	v13 =	vmov s0  }
0x3e2: {  	v9 =	vld [tilespmem:s30+$0xFFFFFFE0];
	[tilespmem:s30+$0xFFFFFF40] =	vst v8;
	v4 =	vmul.f32 v4, v2  }
0x3e3: {  	v8 =	vld [tilespmem:s30+$0xFFFFFFF0];
	[tilespmem:s30+$0xFFFFFF50] =	vst v5;
	v7 =	vmul.f32 v7, v1  }
0x3e4: {  	s6 =	sadd.s32 $0x100, s30;
	v2 =	vmul.f32 v3, v2;
	v3 =	vld [tilespmem:s30+$0x0];
	[tilespmem:s30+$0xFFFFFF60] =	vst v4  }
0x3e5: {  	v4 =	vmul.f32 v6, v1;
	[tilespmem:s30+$0xFFFFFF90] =	vst v7;
	v7 =	vld [tilespmem:s6+$0xFFFFFF80]  }
0x3e6: {  	[tilespmem:s30+$0xFFFFFF70] =	vst v2;
	v2 =	vmul.f32 v11, v1;
	v5 =	vld.idx.msk [tilespmem:v13+s7+$0x0], $0xffff  }
0x3e7: {  	[tilespmem:s30+$0xFFFFFFA0] =	vst v4;
	v4 =	vmul.f32 v12, v1;
	v6 =	vld.idx.msk [tilespmem:v10+s7+$0x0], $0xffff  }
0x3e8: {  	[tilespmem:s31+$0xFFFFFFB0] =	vst v2;
	v2 =	vmul.f32 v14, v1;
	v10 =	vld [tilespmem:s6+$0xFFFFFF10]  }
0x3e9: {  	[tilespmem:s31+$0xFFFFFFC0] =	vst v4;
	v4 =	vmul.f32 v9, v1;
	v9 =	vld [tilespmem:s6+$0xFFFFFF20]  }
0x3ea: {  	[tilespmem:s31+$0xFFFFFFD0] =	vst v2;
	v2 =	vmul.f32 v8, v1;
	v8 =	vld [tilespmem:s6+$0xFFFFFF30]  }
0x3eb: {  	v1 =	vmul.f32 v3, v1;
	v3 =	vld [tilespmem:s6+$0xFFFFFF40];
	[tilespmem:s31+$0xFFFFFFE0] =	vst v4  }
0x3ec: {  	[tilespmem:s31+$0xFFFFFFF0] =	vst v2;
	v2 =	vld [tilespmem:s6+$0xFFFFFF50];
	v4 =	vmul.f32 v7, v6  }
0x3ed: {  	[tilespmem:s31+$0x0] =	vst v1;
	v1 =	vmul.f32 v10, v6;
	v7 =	vld [tilespmem:s6+$0xFFFFFF60]  }
0x3ee: {  	v10 =	vld [tilespmem:s6+$0xFFFFFF70];
	v9 =	vmul.f32 v9, v6;
	[tilespmem:s6+$0xFFFFFF80] =	vst v4  }
0x3ef: {  	[tilespmem:s6+$0xFFFFFF10] =	vst v1;
	v1 =	vmul.f32 v8, v6;
	v4 =	vld [tilespmem:s6+$0xFFFFFF90]  }
0x3f0: {  	v3 =	vmul.f32 v3, v6;
	v8 =	vld [tilespmem:s6+$0xFFFFFFA0];
	[tilespmem:s6+$0xFFFFFF20] =	vst v9  }
0x3f1: {  	[tilespmem:s6+$0xFFFFFF30] =	vst v1;
	v1 =	vmul.f32 v2, v6;
	v2 =	vld [tilespmem:s6+$0xFFFFFFB0]  }
0x3f2: {  	[tilespmem:s6+$0xFFFFFF40] =	vst v3;
	v3 =	vmul.f32 v7, v6;
	v7 =	vld [tilespmem:s6+$0xFFFFFFC0]  }
0x3f3: {  	[tilespmem:s6+$0xFFFFFF50] =	vst v1;
	v1 =	vmul.f32 v10, v6;
	v6 =	vld [tilespmem:s6+$0xFFFFFFD0]  }
0x3f4: {  	[tilespmem:s6+$0xFFFFFF60] =	vst v3;
	v3 =	vmul.f32 v4, v5;
	v4 =	vld [tilespmem:s6+$0xFFFFFFE0]  }
0x3f5: {  	[tilespmem:s6+$0xFFFFFF70] =	vst v1;
	v1 =	vmul.f32 v8, v5;
	v8 =	vld [tilespmem:s6+$0xFFFFFFF0]  }
0x3f6: {  	[tilespmem:s6+$0xFFFFFF90] =	vst v3;
	v2 =	vmul.f32 v2, v5;
	v3 =	vld [tilespmem:s6+$0x0]  }
0x3f7: {  	[tilespmem:s6+$0xFFFFFFA0] =	vst v1;
	v1 =	vmul.f32 v7, v5  }
0x3f8: {  	[tilespmem:s6+$0xFFFFFFB0] =	vst v2;
	v2 =	vmul.f32 v6, v5  }
0x3f9: {  	[tilespmem:s6+$0xFFFFFFC0] =	vst v1;
	v1 =	vmul.f32 v4, v5  }
0x3fa: {  	[tilespmem:s6+$0xFFFFFFD0] =	vst v2;
	v2 =	vmul.f32 v8, v5  }
0x3fb: {  	[tilespmem:s6+$0xFFFFFFE0] =	vst v1;
	v1 =	vmul.f32 v3, v5  }
0x3fc: {  	[tilespmem:s6+$0xFFFFFFF0] =	vst v2  }
0x3fd: {  	s5 =	simm.s32 $0x2A8;
	[tilespmem:s6+$0x0] =	vst v1  }
0x3fe: {  	[spmem:s4] =	stream.indirect.scatter.add.f32 [tilespmem:s22], [sflag:$0x3], $0x80, s5, s9, $0xb8;
	[tilespmem:$0x19480] =	vst v63  }
0x3ff: {  	_ =	swait.ge [sflag:s19], $0x50  }
0x400: {  	[sflag:s19] =	ssyncset.done $0x0  }
0x401: {  	[sflag:s19] =	ssyncadd.s32 $0xFFFFFFB0  }
0x402: {  	_ =	swait.ge [sflag:s19], $0x50  }
0x403: {  	[sflag:s19] =	ssyncset.done $0x0  }
0x404: {  	[sflag:s19] =	ssyncadd.s32 $0xFFFFFFB0  }
0x405: {  	_ =	swait.ge [sflag:s19], $0x50  }
0x406: {  	[sflag:s19] =	ssyncset.done $0x0  }
0x407: {  	[sflag:s19] =	ssyncadd.s32 $0xFFFFFFB0  }
0x408: {  	_ =	swait.ge [sflag:s12], $0x1400  }
0x409: {  	[sflag:s12] =	ssyncset.done $0x0  }
0x40a: {  	[sflag:s12] =	ssyncadd.s32 $0xFFFFEC00  }
0x40b: {  	_ =	swait.ge [sflag:s12], $0x1400  }
0x40c: {  	[sflag:s12] =	ssyncset.done $0x0;
	s6 =	sld [smem:$0x7F1]  }
0x40d: {  	[sflag:s12] =	ssyncadd.s32 $0xFFFFEC00  }
0x40e: {  	[tilespmem:s25], [sflag:$0x2] =	stream.indirect.gather [hbm4b:s3+s20], $0x80, s21, s20, $0xb8;
	[tilespmem:$0x19480] =	vst v63  }
0x40f: {  	s0 =	sadd.s32 s29, s6  }
0x410: {  	s0 =	sshrl.u32 s0, $0x3  }
0x411: {  	s5 =	sadd.s32 s1, s0  }
0x412: {  	s29 =	simm.s32 $0x0;
	s6 =	sadd.s32 $0x9C40, s5  }
0x413: {  	v1 =	vmov s29;
	[tilespmem:s26], [sflag:$0x1] =	stream.linear.gather [hbm4b:s6+s29], $0x50, $0x38;
	[tilespmem:$0x19480] =	vst v63  }
0x414: {  	v1 =	vand.u32 $0xFFFFFFFE, v1  }
0x415: {  	v1 =	vbroadcast v1, $0x0;
	[tilespmem:s14], [sflag:$0x1] =	stream.linear.gather [hbm4b:s5+s29], $0x50, $0x38;
	[tilespmem:$0x19480] =	vst v63  }
0x416: {  	s0 =	sadd.s32 s2, s0  }
0x417: {  	[tilespmem:s7], [sflag:$0x1] =	stream.linear.gather [hbm4b:s0+s29], $0x50, $0x38;
	[tilespmem:$0x19480] =	vst v63  }
0x418: {  	_ =	swait.ge [sflag:s8], $0x2800  }
0x419: {  	[sflag:s8] =	ssyncset.done $0x0  }
0x41a: {  	[sflag:s8] =	ssyncadd.s32 $0xFFFFD800  }
0x41b: {  	s29 =	simm.s32 $0x500;
	v2 =	vld.idx.msk [tilespmem:v1+s18+$0x0], $0xffff  }
0x41c: {  	v1 =	vld [tilespmem:s29+$0xFFFFFFF0]  }
0x41d: {  	v3 =	vld [tilespmem:s29+$0xFFFFFF80]  }
0x41e: {  	s31 =	simm.s32 $0x1;
	v6 =	vld [tilespmem:s29+$0xFFFFFF90]  }
0x41f: {  	v7 =	vmov s31;
	v8 =	vld [tilespmem:s29+$0xFFFFFFA0]  }
0x420: {  	v11 =	vld [tilespmem:s29+$0xFFFFFFB0]  }
0x421: {  	v5 =	vld [tilespmem:s29+$0xFFFFFFC0]  }
0x422: {  	v4 =	vld [tilespmem:s29+$0xFFFFFFD0];
	v9 =	vmul.f32 v1, v2  }
0x423: {  	v10 =	vmul.f32 v3, v2;
	v3 =	vld [tilespmem:s29+$0xFFFFFFE0]  }
0x424: {  	v1 =	vld.idx.msk [tilespmem:v7+s18+$0x0], $0xffff;
	v6 =	vmul.f32 v6, v2;
	[tilespmem:s29+$0xFFFFFFF0] =	vst v9  }
0x425: {  	s0 =	simm.s32 $0x2;
	v7 =	vld [tilespmem:s29+$0x0];
	[tilespmem:s29+$0xFFFFFF80] =	vst v10;
	v9 =	vmul.f32 v8, v2  }
0x426: {  	s30 =	simm.s32 $0x500;
	s5 =	simm.s32 $0x4;
	v10 =	vmov s0;
	[tilespmem:s29+$0xFFFFFF90] =	vst v6;
	v8 =	vmul.f32 v11, v2;
	v6 =	vld [tilespmem:s29+$0x10]  }
.LBB2_29:
0x427: {  	p0 =	slt.u32 s5, $0x26;
	v10 =	vand.u32 $0xFFFFFFFE, v10;
	s6 =	sadd.s32 $0x1, s0;
	[tilespmem:s29+$0xFFFFFFA0] =	vst v9;
	v5 =	vmul.f32 v5, v2;
	v9 =	vld [tilespmem:s29+$0x20];
	s0 =	smov.u32 s5  }
0x428: {  	v10 =	vbroadcast v10, $0x0;
	v11 =	vmov s6;
	[tilespmem:s29+$0xFFFFFFB0] =	vst v8;
	v4 =	vmul.f32 v4, v2;
	v8 =	vld [tilespmem:s29+$0x30]  }
0x429: {  	[tilespmem:s29+$0xFFFFFFC0] =	vst v5;
	v2 =	vmul.f32 v3, v2;
	v3 =	vld [tilespmem:s29+$0x40]  }
0x42a: {  	[tilespmem:s29+$0xFFFFFFD0] =	vst v4;
	v4 =	vmul.f32 v7, v1;
	v5 =	vld [tilespmem:s29+$0x50]  }
0x42b: {  	[tilespmem:s29+$0xFFFFFFE0] =	vst v2;
	v2 =	vmul.f32 v6, v1;
	v6 =	vld [tilespmem:s29+$0x60]  }
0x42c: {  	[tilespmem:s29+$0x0] =	vst v4;
	v4 =	vmul.f32 v9, v1;
	v7 =	vld [tilespmem:s29+$0x70]  }
0x42d: {  	v9 =	vld.idx.msk [tilespmem:v11+s18+$0x0], $0xffff;
	[tilespmem:s29+$0x10] =	vst v2;
	v8 =	vmul.f32 v8, v1  }
0x42e: {  	s29 =	sadd.s32 $0x100, s29;
	v2 =	vld.idx.msk [tilespmem:v10+s18+$0x0], $0xffff;
	[tilespmem:s30+$0x20] =	vst v4;
	v3 =	vmul.f32 v3, v1  }
0x42f: {  	v4 =	vld [tilespmem:s29+$0xFFFFFFF0];
	[tilespmem:s30+$0x30] =	vst v8;
	v5 =	vmul.f32 v5, v1  }
0x430: {  	v8 =	vld [tilespmem:s29+$0xFFFFFF80];
	[tilespmem:s30+$0x40] =	vst v3;
	v3 =	vmul.f32 v6, v1  }
0x431: {  	v6 =	vld [tilespmem:s29+$0xFFFFFF90];
	[tilespmem:s30+$0x50] =	vst v5;
	v5 =	vmul.f32 v7, v1  }
0x432: {  	v7 =	vld [tilespmem:s29+$0xFFFFFFA0];
	[tilespmem:s30+$0x60] =	vst v3  }
0x433: {  	v1 =	vmov v9;
	v11 =	vld [tilespmem:s29+$0xFFFFFFB0];
	[tilespmem:s30+$0x70] =	vst v5;
	s30 =	smov.u32 s29  }
.Ltmp13:
0x434: {  	v5 =	vld [tilespmem:s29+$0xFFFFFFC0];
	v9 =	vmul.f32 v4, v2;
	(pc) =	sbr.rel @p0 .LBB2_29-.Ltmp13, $4  }
0x435: {  	v8 =	vmul.f32 v8, v2;
	v4 =	vld [tilespmem:s29+$0xFFFFFFD0]  }
0x436: {  	v6 =	vmul.f32 v6, v2;
	v3 =	vld [tilespmem:s29+$0xFFFFFFE0];
	[tilespmem:s29+$0xFFFFFFF0] =	vst v9  }
0x437: {  	[tilespmem:s29+$0xFFFFFF80] =	vst v8;
	v9 =	vmul.f32 v7, v2;
	v7 =	vld [tilespmem:s29+$0x0]  }
0x438: {  	s5 =	sadd.s32 $0x2, s5;
	v10 =	vmov s0;
	[tilespmem:s29+$0xFFFFFF90] =	vst v6;
	v8 =	vmul.f32 v11, v2;
	v6 =	vld [tilespmem:s29+$0x10]  }
0x439: {  	v11 =	vld [tilespmem:s29+$0x20]  }
0x43a: {  	v10 =	vand.u32 $0xFFFFFFFE, v10;
	s0 =	sadd.s32 $0x1, s0;
	v12 =	vld [tilespmem:s29+$0x30]  }
0x43b: {  	v14 =	vld [tilespmem:s29+$0x40];
	[tilespmem:s29+$0xFFFFFFA0] =	vst v9;
	v5 =	vmul.f32 v5, v2;
	v10 =	vbroadcast v10, $0x0;
	v13 =	vmov s0  }
0x43c: {  	v9 =	vld [tilespmem:s29+$0x50];
	[tilespmem:s29+$0xFFFFFFB0] =	vst v8;
	v4 =	vmul.f32 v4, v2  }
0x43d: {  	v8 =	vld [tilespmem:s29+$0x60];
	[tilespmem:s29+$0xFFFFFFC0] =	vst v5;
	v7 =	vmul.f32 v7, v1  }
0x43e: {  	s6 =	sadd.s32 $0x100, s29;
	v2 =	vmul.f32 v3, v2;
	v3 =	vld [tilespmem:s29+$0x70];
	[tilespmem:s29+$0xFFFFFFD0] =	vst v4  }
0x43f: {  	v4 =	vmul.f32 v6, v1;
	[tilespmem:s29+$0x0] =	vst v7;
	v7 =	vld [tilespmem:s6+$0xFFFFFFF0]  }
0x440: {  	[tilespmem:s29+$0xFFFFFFE0] =	vst v2;
	v2 =	vmul.f32 v11, v1;
	v5 =	vld.idx.msk [tilespmem:v13+s18+$0x0], $0xffff  }
0x441: {  	[tilespmem:s29+$0x10] =	vst v4;
	v4 =	vmul.f32 v12, v1;
	v6 =	vld.idx.msk [tilespmem:v10+s18+$0x0], $0xffff  }
0x442: {  	[tilespmem:s30+$0x20] =	vst v2;
	v2 =	vmul.f32 v14, v1;
	v10 =	vld [tilespmem:s6+$0xFFFFFF80]  }
0x443: {  	[tilespmem:s30+$0x30] =	vst v4;
	v4 =	vmul.f32 v9, v1;
	v9 =	vld [tilespmem:s6+$0xFFFFFF90]  }
0x444: {  	[tilespmem:s30+$0x40] =	vst v2;
	v2 =	vmul.f32 v8, v1;
	v8 =	vld [tilespmem:s6+$0xFFFFFFA0]  }
0x445: {  	v1 =	vmul.f32 v3, v1;
	v3 =	vld [tilespmem:s6+$0xFFFFFFB0];
	[tilespmem:s30+$0x50] =	vst v4  }
0x446: {  	[tilespmem:s30+$0x60] =	vst v2;
	v2 =	vld [tilespmem:s6+$0xFFFFFFC0];
	v4 =	vmul.f32 v7, v6  }
0x447: {  	[tilespmem:s30+$0x70] =	vst v1;
	v1 =	vmul.f32 v10, v6;
	v7 =	vld [tilespmem:s6+$0xFFFFFFD0]  }
0x448: {  	v10 =	vld [tilespmem:s6+$0xFFFFFFE0];
	v9 =	vmul.f32 v9, v6;
	[tilespmem:s6+$0xFFFFFFF0] =	vst v4  }
0x449: {  	[tilespmem:s6+$0xFFFFFF80] =	vst v1;
	v1 =	vmul.f32 v8, v6;
	v4 =	vld [tilespmem:s6+$0x0]  }
0x44a: {  	v3 =	vmul.f32 v3, v6;
	v8 =	vld [tilespmem:s6+$0x10];
	[tilespmem:s6+$0xFFFFFF90] =	vst v9  }
0x44b: {  	[tilespmem:s6+$0xFFFFFFA0] =	vst v1;
	v1 =	vmul.f32 v2, v6;
	v2 =	vld [tilespmem:s6+$0x20]  }
0x44c: {  	[tilespmem:s6+$0xFFFFFFB0] =	vst v3;
	v3 =	vmul.f32 v7, v6;
	v7 =	vld [tilespmem:s6+$0x30]  }
0x44d: {  	[tilespmem:s6+$0xFFFFFFC0] =	vst v1;
	v1 =	vmul.f32 v10, v6;
	v6 =	vld [tilespmem:s6+$0x40]  }
0x44e: {  	[tilespmem:s6+$0xFFFFFFD0] =	vst v3;
	v3 =	vmul.f32 v4, v5;
	v4 =	vld [tilespmem:s6+$0x50]  }
0x44f: {  	[tilespmem:s6+$0xFFFFFFE0] =	vst v1;
	v1 =	vmul.f32 v8, v5;
	v8 =	vld [tilespmem:s6+$0x60]  }
0x450: {  	s5 =	simm.s32 $0x28;
	[tilespmem:s6+$0x0] =	vst v3;
	v2 =	vmul.f32 v2, v5;
	v3 =	vld [tilespmem:s6+$0x70]  }
0x451: {  	[tilespmem:s6+$0x10] =	vst v1;
	v1 =	vmul.f32 v7, v5;
	v7 =	vmov s5  }
0x452: {  	[tilespmem:s6+$0x20] =	vst v2;
	v2 =	vmul.f32 v6, v5;
	v6 =	vand.u32 $0xFFFFFFFE, v7  }
0x453: {  	[tilespmem:s6+$0x30] =	vst v1;
	v1 =	vmul.f32 v4, v5;
	v4 =	vbroadcast v6, $0x0  }
0x454: {  	[tilespmem:s6+$0x40] =	vst v2;
	v2 =	vmul.f32 v8, v5  }
0x455: {  	[tilespmem:s6+$0x50] =	vst v1;
	v1 =	vmul.f32 v3, v5  }
0x456: {  	[tilespmem:s6+$0x60] =	vst v2  }
0x457: {  	[tilespmem:s6+$0x70] =	vst v1  }
0x458: {  	[spmem:s4] =	stream.indirect.scatter.add.f32 [tilespmem:s15], [sflag:$0x3], $0x80, s17, s5, $0xb8;
	[tilespmem:$0x19480] =	vst v63  }
0x459: {  	s29 =	simm.s32 $0x1970;
	v2 =	vld.idx.msk [tilespmem:v4+s18+$0x0], $0xffff  }
0x45a: {  	v1 =	vld [tilespmem:s29+$0xFFFFFF80]  }
0x45b: {  	v3 =	vld [tilespmem:s29+$0xFFFFFF10]  }
0x45c: {  	s31 =	simm.s32 $0x29;
	v6 =	vld [tilespmem:s29+$0xFFFFFF20]  }
0x45d: {  	v7 =	vmov s31;
	v8 =	vld [tilespmem:s29+$0xFFFFFF30]  }
0x45e: {  	v11 =	vld [tilespmem:s29+$0xFFFFFF40]  }
0x45f: {  	v5 =	vld [tilespmem:s29+$0xFFFFFF50]  }
0x460: {  	v4 =	vld [tilespmem:s29+$0xFFFFFF60];
	v9 =	vmul.f32 v1, v2  }
0x461: {  	v10 =	vmul.f32 v3, v2;
	v3 =	vld [tilespmem:s29+$0xFFFFFF70]  }
0x462: {  	v1 =	vld.idx.msk [tilespmem:v7+s18+$0x0], $0xffff;
	v6 =	vmul.f32 v6, v2;
	[tilespmem:s29+$0xFFFFFF80] =	vst v9  }
0x463: {  	s0 =	simm.s32 $0x2A;
	v7 =	vld [tilespmem:s29+$0xFFFFFF90];
	[tilespmem:s29+$0xFFFFFF10] =	vst v10;
	v9 =	vmul.f32 v8, v2  }
0x464: {  	s30 =	simm.s32 $0x1970;
	s5 =	simm.s32 $0x2C;
	v10 =	vmov s0;
	[tilespmem:s29+$0xFFFFFF20] =	vst v6;
	v8 =	vmul.f32 v11, v2;
	v6 =	vld [tilespmem:s29+$0xFFFFFFA0]  }
.LBB2_31:
0x465: {  	p0 =	slt.u32 s5, $0x4E;
	v10 =	vand.u32 $0xFFFFFFFE, v10;
	s6 =	sadd.s32 $0x1, s0;
	[tilespmem:s29+$0xFFFFFF30] =	vst v9;
	v5 =	vmul.f32 v5, v2;
	v9 =	vld [tilespmem:s29+$0xFFFFFFB0];
	s0 =	smov.u32 s5  }
0x466: {  	v10 =	vbroadcast v10, $0x0;
	v11 =	vmov s6;
	[tilespmem:s29+$0xFFFFFF40] =	vst v8;
	v4 =	vmul.f32 v4, v2;
	v8 =	vld [tilespmem:s29+$0xFFFFFFC0]  }
0x467: {  	[tilespmem:s29+$0xFFFFFF50] =	vst v5;
	v2 =	vmul.f32 v3, v2;
	v3 =	vld [tilespmem:s29+$0xFFFFFFD0]  }
0x468: {  	[tilespmem:s29+$0xFFFFFF60] =	vst v4;
	v4 =	vmul.f32 v7, v1;
	v5 =	vld [tilespmem:s29+$0xFFFFFFE0]  }
0x469: {  	[tilespmem:s29+$0xFFFFFF70] =	vst v2;
	v2 =	vmul.f32 v6, v1;
	v6 =	vld [tilespmem:s29+$0xFFFFFFF0]  }
0x46a: {  	[tilespmem:s29+$0xFFFFFF90] =	vst v4;
	v4 =	vmul.f32 v9, v1;
	v7 =	vld [tilespmem:s29+$0x0]  }
0x46b: {  	v9 =	vld.idx.msk [tilespmem:v11+s18+$0x0], $0xffff;
	[tilespmem:s29+$0xFFFFFFA0] =	vst v2;
	v8 =	vmul.f32 v8, v1  }
0x46c: {  	s29 =	sadd.s32 $0x100, s29;
	v2 =	vld.idx.msk [tilespmem:v10+s18+$0x0], $0xffff;
	[tilespmem:s30+$0xFFFFFFB0] =	vst v4;
	v3 =	vmul.f32 v3, v1  }
0x46d: {  	v4 =	vld [tilespmem:s29+$0xFFFFFF80];
	[tilespmem:s30+$0xFFFFFFC0] =	vst v8;
	v5 =	vmul.f32 v5, v1  }
0x46e: {  	v8 =	vld [tilespmem:s29+$0xFFFFFF10];
	[tilespmem:s30+$0xFFFFFFD0] =	vst v3;
	v3 =	vmul.f32 v6, v1  }
0x46f: {  	v6 =	vld [tilespmem:s29+$0xFFFFFF20];
	[tilespmem:s30+$0xFFFFFFE0] =	vst v5;
	v5 =	vmul.f32 v7, v1  }
0x470: {  	v7 =	vld [tilespmem:s29+$0xFFFFFF30];
	[tilespmem:s30+$0xFFFFFFF0] =	vst v3  }
0x471: {  	v1 =	vmov v9;
	v11 =	vld [tilespmem:s29+$0xFFFFFF40];
	[tilespmem:s30+$0x0] =	vst v5;
	s30 =	smov.u32 s29  }
.Ltmp14:
0x472: {  	v5 =	vld [tilespmem:s29+$0xFFFFFF50];
	v9 =	vmul.f32 v4, v2;
	(pc) =	sbr.rel @p0 .LBB2_31-.Ltmp14, $4  }
0x473: {  	v8 =	vmul.f32 v8, v2;
	v4 =	vld [tilespmem:s29+$0xFFFFFF60]  }
0x474: {  	v6 =	vmul.f32 v6, v2;
	v3 =	vld [tilespmem:s29+$0xFFFFFF70];
	[tilespmem:s29+$0xFFFFFF80] =	vst v9  }
0x475: {  	[tilespmem:s29+$0xFFFFFF10] =	vst v8;
	v9 =	vmul.f32 v7, v2;
	v7 =	vld [tilespmem:s29+$0xFFFFFF90]  }
0x476: {  	s5 =	sadd.s32 $0x2, s5;
	v10 =	vmov s0;
	[tilespmem:s29+$0xFFFFFF20] =	vst v6;
	v8 =	vmul.f32 v11, v2;
	v6 =	vld [tilespmem:s29+$0xFFFFFFA0]  }
0x477: {  	v11 =	vld [tilespmem:s29+$0xFFFFFFB0]  }
0x478: {  	v10 =	vand.u32 $0xFFFFFFFE, v10;
	v12 =	vld [tilespmem:s29+$0xFFFFFFC0]  }
0x479: {  	v14 =	vld [tilespmem:s29+$0xFFFFFFD0];
	[tilespmem:s29+$0xFFFFFF30] =	vst v9;
	v5 =	vmul.f32 v5, v2;
	v10 =	vbroadcast v10, $0x0  }
0x47a: {  	v44 =	vld [tilespmem:s29+$0xFFFFFFE0];
	[tilespmem:s29+$0xFFFFFF40] =	vst v8;
	v4 =	vmul.f32 v4, v2  }
0x47b: {  	v45 =	vld [tilespmem:s29+$0xFFFFFFF0];
	s31 =	sadd.s32 $0x100, s29;
	[tilespmem:s29+$0xFFFFFF50] =	vst v5;
	v2 =	vmul.f32 v3, v2  }
0x47c: {  	v50 =	vld [tilespmem:s31+$0xFFFFFF80];
	v7 =	vmul.f32 v7, v1;
	[tilespmem:s29+$0xFFFFFF60] =	vst v4  }
0x47d: {  	v51 =	vld [tilespmem:s31+$0xFFFFFF10];
	v46 =	vmul.f32 v6, v1;
	[tilespmem:s29+$0xFFFFFF70] =	vst v2  }
0x47e: {  	v3 =	vld [tilespmem:s29+$0x0];
	[tilespmem:s29+$0xFFFFFF90] =	vst v7;
	v2 =	vmul.f32 v11, v1  }
0x47f: {  	v49 =	vmul.f32 v12, v1;
	[tilespmem:s29+$0xFFFFFFA0] =	vst v46;
	v48 =	vld.idx.msk [tilespmem:v10+s18+$0x0], $0xffff  }
0x480: {  	v53 =	vld [tilespmem:s31+$0xFFFFFF20];
	[tilespmem:s30+$0xFFFFFFB0] =	vst v2;
	v2 =	vmul.f32 v14, v1  }
0x481: {  	s0 =	sadd.s32 $0x1, s0;
	v54 =	vld [tilespmem:s31+$0xFFFFFF30];
	v52 =	vmul.f32 v44, v1;
	[tilespmem:s30+$0xFFFFFFC0] =	vst v49  }
0x482: {  	v13 =	vmov s0;
	v56 =	vld [tilespmem:s31+$0xFFFFFF60];
	[tilespmem:s30+$0xFFFFFFD0] =	vst v2;
	v2 =	vmul.f32 v45, v1  }
0x483: {  	[tilespmem:s30+$0xFFFFFFE0] =	vst v52;
	v1 =	vmul.f32 v3, v1;
	v3 =	vld [tilespmem:s31+$0xFFFFFF40]  }
0x484: {  	[tilespmem:s30+$0xFFFFFFF0] =	vst v2;
	v2 =	vld [tilespmem:s31+$0xFFFFFF50];
	v55 =	vmul.f32 v50, v48  }
0x485: {  	v57 =	vld [tilespmem:s31+$0xFFFFFF70];
	[tilespmem:s30+$0x0] =	vst v1;
	v1 =	vmul.f32 v51, v48  }
0x486: {  	v58 =	vld [tilespmem:s31+$0xFFFFFF90];
	v9 =	vmul.f32 v53, v48;
	[tilespmem:s31+$0xFFFFFF80] =	vst v55  }
0x487: {  	v47 =	vld.idx.msk [tilespmem:v13+s18+$0x0], $0xffff;
	[tilespmem:s31+$0xFFFFFF10] =	vst v1;
	v1 =	vmul.f32 v54, v48  }
0x488: {  	v59 =	vld [tilespmem:s31+$0xFFFFFFA0];
	[tilespmem:s31+$0xFFFFFF20] =	vst v9;
	v3 =	vmul.f32 v3, v48  }
0x489: {  	[tilespmem:s31+$0xFFFFFF30] =	vst v1;
	v1 =	vmul.f32 v2, v48;
	v2 =	vld [tilespmem:s31+$0xFFFFFFB0]  }
0x48a: {  	v60 =	vld [tilespmem:s31+$0xFFFFFFC0];
	[tilespmem:s31+$0xFFFFFF40] =	vst v3;
	v3 =	vmul.f32 v56, v48  }
0x48b: {  	v61 =	vld [tilespmem:s31+$0xFFFFFFD0];
	[tilespmem:s31+$0xFFFFFF50] =	vst v1;
	v1 =	vmul.f32 v57, v48  }
0x48c: {  	v62 =	vld [tilespmem:s31+$0xFFFFFFE0];
	[tilespmem:s31+$0xFFFFFF60] =	vst v3;
	v3 =	vmul.f32 v58, v47  }
0x48d: {  	v63 =	vld [tilespmem:s31+$0xFFFFFFF0];
	[tilespmem:s31+$0xFFFFFF70] =	vst v1;
	v1 =	vmul.f32 v59, v47  }
0x48e: {  	[tilespmem:s31+$0xFFFFFF90] =	vst v3;
	v3 =	vld [tilespmem:s31+$0x0];
	v2 =	vmul.f32 v2, v47  }
0x48f: {  	[tilespmem:s31+$0xFFFFFFA0] =	vst v1;
	v1 =	vmul.f32 v60, v47  }
0x490: {  	s28 =	sadd.s32 $0x1, s28;
	[tilespmem:s31+$0xFFFFFFB0] =	vst v2;
	v2 =	vmul.f32 v61, v47  }
0x491: {  	p0 =	sne.s32 s28, $0x14;
	[tilespmem:s31+$0xFFFFFFC0] =	vst v1;
	v1 =	vmul.f32 v62, v47  }
.Ltmp15:
0x492: {  	[tilespmem:s31+$0xFFFFFFD0] =	vst v2;
	v2 =	vmul.f32 v63, v47;
	(pc) =	sbr.rel @p0 .LBB2_8-.Ltmp15, $4  }
0x493: {  	[tilespmem:s31+$0xFFFFFFE0] =	vst v1;
	v1 =	vmul.f32 v3, v47  }
0x494: {  	[tilespmem:s31+$0xFFFFFFF0] =	vst v2  }
0x495: {  	[tilespmem:s31+$0x0] =	vst v1  }
0x496: {  	[spmem:s4] =	stream.indirect.scatter.add.f32 [tilespmem:s11], [sflag:$0x3], $0x80, s10, s9, $0xb8;
	[tilespmem:$0x19480] =	vst v63  }
0x497: {  	_ =	swait.ge [sflag:s19], $0x50  }
0x498: {  	[sflag:s19] =	ssyncset.done $0x0  }
0x499: {  	[sflag:s19] =	ssyncadd.s32 $0xFFFFFFB0  }
0x49a: {  	_ =	swait.ge [sflag:s19], $0x50  }
0x49b: {  	[sflag:s19] =	ssyncset.done $0x0  }
0x49c: {  	[sflag:s19] =	ssyncadd.s32 $0xFFFFFFB0  }
0x49d: {  	_ =	swait.ge [sflag:s19], $0x50  }
0x49e: {  	[sflag:s19] =	ssyncset.done $0x0  }
0x49f: {  	[sflag:s19] =	ssyncadd.s32 $0xFFFFFFB0  }
0x4a0: {  	_ =	swait.ge [sflag:s12], $0x1400  }
0x4a1: {  	[sflag:s12] =	ssyncset.done $0x0  }
0x4a2: {  	[sflag:s12] =	ssyncadd.s32 $0xFFFFEC00  }
0x4a3: {  	_ =	swait.ge [sflag:s12], $0x1400  }
0x4a4: {  	[sflag:s12] =	ssyncset.done $0x0  }
0x4a5: {  	s5 =	sld [smem:$0x7FB];
	[sflag:s12] =	ssyncadd.s32 $0xFFFFEC00  }
0x4a6: {  	[tilespmem:s15], [sflag:$0x2] =	stream.indirect.gather [hbm4b:s3+s20], $0x80, s26, s20, $0xb8;
	[tilespmem:$0x19480] =	vst v63  }
0x4a7: {  	s0 =	simm.s32 $0x0;
	s29 =	sld [smem:$0x7F3]  }
0x4a8: {  	v1 =	vmov s0;
	[tilespmem:s0], [sflag:$0x1] =	stream.linear.gather [hbm4b:s5+s0], $0x50, $0x38;
	[tilespmem:$0x19480] =	vst v63  }
0x4a9: {  	v1 =	vand.u32 $0xFFFFFFFE, v1;
	s30 =	sld [smem:$0x7F4]  }
0x4aa: {  	v1 =	vbroadcast v1, $0x0;
	[tilespmem:s17], [sflag:$0x1] =	stream.linear.gather [hbm4b:s29+s0], $0x50, $0x38;
	[tilespmem:$0x19480] =	vst v63  }
0x4ab: {  	_ = 	snop  }
0x4ac: {  	[tilespmem:s18], [sflag:$0x1] =	stream.linear.gather [hbm4b:s30+s0], $0x50, $0x38;
	[tilespmem:$0x19480] =	vst v63  }
0x4ad: {  	_ =	swait.ge [sflag:s8], $0x2800  }
0x4ae: {  	[sflag:s8] =	ssyncset.done $0x0  }
0x4af: {  	[sflag:s8] =	ssyncadd.s32 $0xFFFFD800  }
0x4b0: {  	s16 =	simm.s32 $0x2D00;
	v2 =	vld.idx.msk [tilespmem:v1+s24+$0x0], $0xffff  }
0x4b1: {  	v1 =	vld [tilespmem:s16+$0xFFFFFFF0]  }
0x4b2: {  	v3 =	vld [tilespmem:s16+$0xFFFFFF80]  }
0x4b3: {  	s31 =	simm.s32 $0x1;
	v6 =	vld [tilespmem:s16+$0xFFFFFF90]  }
0x4b4: {  	v7 =	vmov s31;
	v8 =	vld [tilespmem:s16+$0xFFFFFFA0]  }
0x4b5: {  	v11 =	vld [tilespmem:s16+$0xFFFFFFB0]  }
0x4b6: {  	v5 =	vld [tilespmem:s16+$0xFFFFFFC0]  }
0x4b7: {  	v4 =	vld [tilespmem:s16+$0xFFFFFFD0];
	v9 =	vmul.f32 v1, v2  }
0x4b8: {  	v10 =	vmul.f32 v3, v2;
	v3 =	vld [tilespmem:s16+$0xFFFFFFE0]  }
0x4b9: {  	v1 =	vld.idx.msk [tilespmem:v7+s24+$0x0], $0xffff;
	v6 =	vmul.f32 v6, v2;
	[tilespmem:s16+$0xFFFFFFF0] =	vst v9  }
0x4ba: {  	s0 =	simm.s32 $0x2;
	v7 =	vld [tilespmem:s16+$0x0];
	[tilespmem:s16+$0xFFFFFF80] =	vst v10;
	v9 =	vmul.f32 v8, v2  }
0x4bb: {  	s28 =	simm.s32 $0x2D00;
	s5 =	simm.s32 $0x4;
	v10 =	vmov s0;
	[tilespmem:s16+$0xFFFFFF90] =	vst v6;
	v8 =	vmul.f32 v11, v2;
	v6 =	vld [tilespmem:s16+$0x10]  }
.LBB2_34:
0x4bc: {  	p0 =	slt.u32 s5, $0x26;
	v10 =	vand.u32 $0xFFFFFFFE, v10;
	s6 =	sadd.s32 $0x1, s0;
	[tilespmem:s16+$0xFFFFFFA0] =	vst v9;
	v5 =	vmul.f32 v5, v2;
	v9 =	vld [tilespmem:s16+$0x20];
	s0 =	smov.u32 s5  }
0x4bd: {  	v10 =	vbroadcast v10, $0x0;
	v11 =	vmov s6;
	[tilespmem:s16+$0xFFFFFFB0] =	vst v8;
	v4 =	vmul.f32 v4, v2;
	v8 =	vld [tilespmem:s16+$0x30]  }
0x4be: {  	[tilespmem:s16+$0xFFFFFFC0] =	vst v5;
	v2 =	vmul.f32 v3, v2;
	v3 =	vld [tilespmem:s16+$0x40]  }
0x4bf: {  	[tilespmem:s16+$0xFFFFFFD0] =	vst v4;
	v4 =	vmul.f32 v7, v1;
	v5 =	vld [tilespmem:s16+$0x50]  }
0x4c0: {  	[tilespmem:s16+$0xFFFFFFE0] =	vst v2;
	v2 =	vmul.f32 v6, v1;
	v6 =	vld [tilespmem:s16+$0x60]  }
0x4c1: {  	[tilespmem:s16+$0x0] =	vst v4;
	v4 =	vmul.f32 v9, v1;
	v7 =	vld [tilespmem:s16+$0x70]  }
0x4c2: {  	v9 =	vld.idx.msk [tilespmem:v11+s24+$0x0], $0xffff;
	[tilespmem:s16+$0x10] =	vst v2;
	v8 =	vmul.f32 v8, v1  }
0x4c3: {  	s16 =	sadd.s32 $0x100, s16;
	v2 =	vld.idx.msk [tilespmem:v10+s24+$0x0], $0xffff;
	[tilespmem:s28+$0x20] =	vst v4;
	v3 =	vmul.f32 v3, v1  }
0x4c4: {  	v4 =	vld [tilespmem:s16+$0xFFFFFFF0];
	[tilespmem:s28+$0x30] =	vst v8;
	v5 =	vmul.f32 v5, v1  }
0x4c5: {  	v8 =	vld [tilespmem:s16+$0xFFFFFF80];
	[tilespmem:s28+$0x40] =	vst v3;
	v3 =	vmul.f32 v6, v1  }
0x4c6: {  	v6 =	vld [tilespmem:s16+$0xFFFFFF90];
	[tilespmem:s28+$0x50] =	vst v5;
	v5 =	vmul.f32 v7, v1  }
0x4c7: {  	v7 =	vld [tilespmem:s16+$0xFFFFFFA0];
	[tilespmem:s28+$0x60] =	vst v3  }
0x4c8: {  	v1 =	vmov v9;
	v11 =	vld [tilespmem:s16+$0xFFFFFFB0];
	[tilespmem:s28+$0x70] =	vst v5;
	s28 =	smov.u32 s16  }
.Ltmp16:
0x4c9: {  	v5 =	vld [tilespmem:s16+$0xFFFFFFC0];
	v9 =	vmul.f32 v4, v2;
	(pc) =	sbr.rel @p0 .LBB2_34-.Ltmp16, $4  }
0x4ca: {  	v8 =	vmul.f32 v8, v2;
	v4 =	vld [tilespmem:s16+$0xFFFFFFD0]  }
0x4cb: {  	v6 =	vmul.f32 v6, v2;
	v3 =	vld [tilespmem:s16+$0xFFFFFFE0];
	[tilespmem:s16+$0xFFFFFFF0] =	vst v9  }
0x4cc: {  	[tilespmem:s16+$0xFFFFFF80] =	vst v8;
	v9 =	vmul.f32 v7, v2;
	v7 =	vld [tilespmem:s16+$0x0]  }
0x4cd: {  	s5 =	sadd.s32 $0x2, s5;
	v10 =	vmov s0;
	[tilespmem:s16+$0xFFFFFF90] =	vst v6;
	v8 =	vmul.f32 v11, v2;
	v6 =	vld [tilespmem:s16+$0x10]  }
0x4ce: {  	v11 =	vld [tilespmem:s16+$0x20]  }
0x4cf: {  	v10 =	vand.u32 $0xFFFFFFFE, v10;
	s0 =	sadd.s32 $0x1, s0;
	v12 =	vld [tilespmem:s16+$0x30]  }
0x4d0: {  	v14 =	vld [tilespmem:s16+$0x40];
	[tilespmem:s16+$0xFFFFFFA0] =	vst v9;
	v5 =	vmul.f32 v5, v2;
	v10 =	vbroadcast v10, $0x0;
	v13 =	vmov s0  }
0x4d1: {  	v9 =	vld [tilespmem:s16+$0x50];
	[tilespmem:s16+$0xFFFFFFB0] =	vst v8;
	v4 =	vmul.f32 v4, v2  }
0x4d2: {  	v8 =	vld [tilespmem:s16+$0x60];
	[tilespmem:s16+$0xFFFFFFC0] =	vst v5;
	v7 =	vmul.f32 v7, v1  }
0x4d3: {  	s30 =	sadd.s32 $0x100, s16;
	v2 =	vmul.f32 v3, v2;
	v3 =	vld [tilespmem:s16+$0x70];
	[tilespmem:s16+$0xFFFFFFD0] =	vst v4  }
0x4d4: {  	v4 =	vmul.f32 v6, v1;
	[tilespmem:s16+$0x0] =	vst v7;
	v7 =	vld [tilespmem:s30+$0xFFFFFFF0]  }
0x4d5: {  	[tilespmem:s16+$0xFFFFFFE0] =	vst v2;
	v2 =	vmul.f32 v11, v1;
	v5 =	vld.idx.msk [tilespmem:v13+s24+$0x0], $0xffff  }
0x4d6: {  	[tilespmem:s16+$0x10] =	vst v4;
	v4 =	vmul.f32 v12, v1;
	v6 =	vld.idx.msk [tilespmem:v10+s24+$0x0], $0xffff  }
0x4d7: {  	[tilespmem:s28+$0x20] =	vst v2;
	v2 =	vmul.f32 v14, v1;
	v10 =	vld [tilespmem:s30+$0xFFFFFF80]  }
0x4d8: {  	[tilespmem:s28+$0x30] =	vst v4;
	v4 =	vmul.f32 v9, v1;
	v9 =	vld [tilespmem:s30+$0xFFFFFF90]  }
0x4d9: {  	[tilespmem:s28+$0x40] =	vst v2;
	v2 =	vmul.f32 v8, v1;
	v8 =	vld [tilespmem:s30+$0xFFFFFFA0]  }
0x4da: {  	v1 =	vmul.f32 v3, v1;
	v3 =	vld [tilespmem:s30+$0xFFFFFFB0];
	[tilespmem:s28+$0x50] =	vst v4  }
0x4db: {  	[tilespmem:s28+$0x60] =	vst v2;
	v2 =	vld [tilespmem:s30+$0xFFFFFFC0];
	v4 =	vmul.f32 v7, v6  }
0x4dc: {  	[tilespmem:s28+$0x70] =	vst v1;
	v1 =	vmul.f32 v10, v6;
	v7 =	vld [tilespmem:s30+$0xFFFFFFD0]  }
0x4dd: {  	v10 =	vld [tilespmem:s30+$0xFFFFFFE0];
	v9 =	vmul.f32 v9, v6;
	[tilespmem:s30+$0xFFFFFFF0] =	vst v4  }
0x4de: {  	[tilespmem:s30+$0xFFFFFF80] =	vst v1;
	v1 =	vmul.f32 v8, v6;
	v4 =	vld [tilespmem:s30+$0x0]  }
0x4df: {  	v3 =	vmul.f32 v3, v6;
	v8 =	vld [tilespmem:s30+$0x10];
	[tilespmem:s30+$0xFFFFFF90] =	vst v9  }
0x4e0: {  	[tilespmem:s30+$0xFFFFFFA0] =	vst v1;
	v1 =	vmul.f32 v2, v6;
	v2 =	vld [tilespmem:s30+$0x20]  }
0x4e1: {  	[tilespmem:s30+$0xFFFFFFB0] =	vst v3;
	v3 =	vmul.f32 v7, v6;
	v7 =	vld [tilespmem:s30+$0x30]  }
0x4e2: {  	[tilespmem:s30+$0xFFFFFFC0] =	vst v1;
	v1 =	vmul.f32 v10, v6;
	v6 =	vld [tilespmem:s30+$0x40]  }
0x4e3: {  	[tilespmem:s30+$0xFFFFFFD0] =	vst v3;
	v3 =	vmul.f32 v4, v5;
	v4 =	vld [tilespmem:s30+$0x50]  }
0x4e4: {  	[tilespmem:s30+$0xFFFFFFE0] =	vst v1;
	v1 =	vmul.f32 v8, v5;
	v8 =	vld [tilespmem:s30+$0x60]  }
0x4e5: {  	s5 =	simm.s32 $0x28;
	[tilespmem:s30+$0x0] =	vst v3;
	v2 =	vmul.f32 v2, v5;
	v3 =	vld [tilespmem:s30+$0x70]  }
0x4e6: {  	[tilespmem:s30+$0x10] =	vst v1;
	v1 =	vmul.f32 v7, v5;
	v7 =	vmov s5  }
0x4e7: {  	[tilespmem:s30+$0x20] =	vst v2;
	v2 =	vmul.f32 v6, v5;
	v6 =	vand.u32 $0xFFFFFFFE, v7  }
0x4e8: {  	[tilespmem:s30+$0x30] =	vst v1;
	v1 =	vmul.f32 v4, v5;
	v4 =	vbroadcast v6, $0x0  }
0x4e9: {  	[tilespmem:s30+$0x40] =	vst v2;
	v2 =	vmul.f32 v8, v5  }
0x4ea: {  	[tilespmem:s30+$0x50] =	vst v1;
	v1 =	vmul.f32 v3, v5  }
0x4eb: {  	[tilespmem:s30+$0x60] =	vst v2  }
0x4ec: {  	[tilespmem:s30+$0x70] =	vst v1  }
0x4ed: {  	[spmem:s4] =	stream.indirect.scatter.add.f32 [tilespmem:s25], [sflag:$0x3], $0x80, s23, s5, $0xb8;
	[tilespmem:$0x19480] =	vst v63  }
0x4ee: {  	s16 =	simm.s32 $0x4170;
	v2 =	vld.idx.msk [tilespmem:v4+s24+$0x0], $0xffff  }
0x4ef: {  	v1 =	vld [tilespmem:s16+$0xFFFFFF80]  }
0x4f0: {  	v3 =	vld [tilespmem:s16+$0xFFFFFF10]  }
0x4f1: {  	s31 =	simm.s32 $0x29;
	v6 =	vld [tilespmem:s16+$0xFFFFFF20]  }
0x4f2: {  	v7 =	vmov s31;
	v8 =	vld [tilespmem:s16+$0xFFFFFF30]  }
0x4f3: {  	v11 =	vld [tilespmem:s16+$0xFFFFFF40]  }
0x4f4: {  	v5 =	vld [tilespmem:s16+$0xFFFFFF50];
	v9 =	vmul.f32 v1, v2  }
0x4f5: {  	v4 =	vld [tilespmem:s16+$0xFFFFFF60];
	v10 =	vmul.f32 v3, v2  }
0x4f6: {  	v3 =	vld [tilespmem:s16+$0xFFFFFF70];
	v6 =	vmul.f32 v6, v2;
	[tilespmem:s16+$0xFFFFFF80] =	vst v9  }
0x4f7: {  	v1 =	vld.idx.msk [tilespmem:v7+s24+$0x0], $0xffff;
	[tilespmem:s16+$0xFFFFFF10] =	vst v10  }
0x4f8: {  	s0 =	simm.s32 $0x2A;
	v7 =	vld [tilespmem:s16+$0xFFFFFF90];
	v9 =	vmul.f32 v8, v2;
	[tilespmem:s16+$0xFFFFFF20] =	vst v6  }
0x4f9: {  	s28 =	simm.s32 $0x4170;
	s5 =	simm.s32 $0x2C;
	v10 =	vmov s0;
	v8 =	vmul.f32 v11, v2;
	v6 =	vld [tilespmem:s16+$0xFFFFFFA0];
	s29 =	rddreg [dreg:$0x8]  }
.LBB2_36:
0x4fa: {  	p0 =	slt.u32 s5, $0x4E;
	v10 =	vand.u32 $0xFFFFFFFE, v10;
	s6 =	sadd.s32 $0x1, s0;
	[tilespmem:s16+$0xFFFFFF30] =	vst v9;
	v5 =	vmul.f32 v5, v2;
	v9 =	vld [tilespmem:s16+$0xFFFFFFB0];
	s0 =	smov.u32 s5  }
0x4fb: {  	v10 =	vbroadcast v10, $0x0;
	v11 =	vmov s6;
	[tilespmem:s16+$0xFFFFFF40] =	vst v8;
	v4 =	vmul.f32 v4, v2;
	v8 =	vld [tilespmem:s16+$0xFFFFFFC0]  }
0x4fc: {  	[tilespmem:s16+$0xFFFFFF50] =	vst v5;
	v2 =	vmul.f32 v3, v2;
	v3 =	vld [tilespmem:s16+$0xFFFFFFD0]  }
0x4fd: {  	[tilespmem:s16+$0xFFFFFF60] =	vst v4;
	v4 =	vmul.f32 v7, v1;
	v5 =	vld [tilespmem:s16+$0xFFFFFFE0]  }
0x4fe: {  	[tilespmem:s16+$0xFFFFFF70] =	vst v2;
	v2 =	vmul.f32 v6, v1;
	v6 =	vld [tilespmem:s16+$0xFFFFFFF0]  }
0x4ff: {  	[tilespmem:s16+$0xFFFFFF90] =	vst v4;
	v4 =	vmul.f32 v9, v1;
	v7 =	vld [tilespmem:s16+$0x0]  }
0x500: {  	v9 =	vld.idx.msk [tilespmem:v11+s24+$0x0], $0xffff;
	[tilespmem:s16+$0xFFFFFFA0] =	vst v2;
	v8 =	vmul.f32 v8, v1  }
0x501: {  	s16 =	sadd.s32 $0x100, s16;
	v2 =	vld.idx.msk [tilespmem:v10+s24+$0x0], $0xffff;
	[tilespmem:s28+$0xFFFFFFB0] =	vst v4;
	v3 =	vmul.f32 v3, v1  }
0x502: {  	v4 =	vld [tilespmem:s16+$0xFFFFFF80];
	[tilespmem:s28+$0xFFFFFFC0] =	vst v8;
	v5 =	vmul.f32 v5, v1  }
0x503: {  	v8 =	vld [tilespmem:s16+$0xFFFFFF10];
	[tilespmem:s28+$0xFFFFFFD0] =	vst v3;
	v3 =	vmul.f32 v6, v1  }
0x504: {  	v6 =	vld [tilespmem:s16+$0xFFFFFF20];
	[tilespmem:s28+$0xFFFFFFE0] =	vst v5;
	v5 =	vmul.f32 v7, v1  }
0x505: {  	v7 =	vld [tilespmem:s16+$0xFFFFFF30];
	[tilespmem:s28+$0xFFFFFFF0] =	vst v3  }
0x506: {  	v1 =	vmov v9;
	v11 =	vld [tilespmem:s16+$0xFFFFFF40];
	[tilespmem:s28+$0x0] =	vst v5;
	s28 =	smov.u32 s16  }
.Ltmp17:
0x507: {  	v5 =	vld [tilespmem:s16+$0xFFFFFF50];
	v9 =	vmul.f32 v4, v2;
	(pc) =	sbr.rel @p0 .LBB2_36-.Ltmp17, $4  }
0x508: {  	v8 =	vmul.f32 v8, v2;
	v4 =	vld [tilespmem:s16+$0xFFFFFF60]  }
0x509: {  	v6 =	vmul.f32 v6, v2;
	v3 =	vld [tilespmem:s16+$0xFFFFFF70];
	[tilespmem:s16+$0xFFFFFF80] =	vst v9  }
0x50a: {  	[tilespmem:s16+$0xFFFFFF10] =	vst v8;
	v9 =	vmul.f32 v7, v2;
	v7 =	vld [tilespmem:s16+$0xFFFFFF90]  }
0x50b: {  	s5 =	sadd.s32 $0x2, s5;
	v10 =	vmov s0;
	[tilespmem:s16+$0xFFFFFF20] =	vst v6;
	v8 =	vmul.f32 v11, v2;
	v6 =	vld [tilespmem:s16+$0xFFFFFFA0]  }
0x50c: {  	v11 =	vld [tilespmem:s16+$0xFFFFFFB0]  }
0x50d: {  	v10 =	vand.u32 $0xFFFFFFFE, v10;
	s0 =	sadd.s32 $0x1, s0;
	v12 =	vld [tilespmem:s16+$0xFFFFFFC0]  }
0x50e: {  	v14 =	vld [tilespmem:s16+$0xFFFFFFD0];
	[tilespmem:s16+$0xFFFFFF30] =	vst v9;
	v5 =	vmul.f32 v5, v2;
	v10 =	vbroadcast v10, $0x0;
	v13 =	vmov s0  }
0x50f: {  	v9 =	vld [tilespmem:s16+$0xFFFFFFE0];
	[tilespmem:s16+$0xFFFFFF40] =	vst v8;
	v4 =	vmul.f32 v4, v2  }
0x510: {  	v8 =	vld [tilespmem:s16+$0xFFFFFFF0];
	[tilespmem:s16+$0xFFFFFF50] =	vst v5;
	v7 =	vmul.f32 v7, v1  }
0x511: {  	s5 =	sadd.s32 $0x100, s16;
	v2 =	vmul.f32 v3, v2;
	v3 =	vld [tilespmem:s16+$0x0];
	[tilespmem:s16+$0xFFFFFF60] =	vst v4  }
0x512: {  	v4 =	vmul.f32 v6, v1;
	[tilespmem:s16+$0xFFFFFF90] =	vst v7;
	v7 =	vld [tilespmem:s5+$0xFFFFFF80]  }
0x513: {  	[tilespmem:s16+$0xFFFFFF70] =	vst v2;
	v2 =	vmul.f32 v11, v1;
	v5 =	vld.idx.msk [tilespmem:v13+s24+$0x0], $0xffff  }
0x514: {  	[tilespmem:s16+$0xFFFFFFA0] =	vst v4;
	v4 =	vmul.f32 v12, v1;
	v6 =	vld.idx.msk [tilespmem:v10+s24+$0x0], $0xffff  }
0x515: {  	[tilespmem:s28+$0xFFFFFFB0] =	vst v2;
	v2 =	vmul.f32 v14, v1;
	v10 =	vld [tilespmem:s5+$0xFFFFFF10]  }
0x516: {  	[tilespmem:s28+$0xFFFFFFC0] =	vst v4;
	v4 =	vmul.f32 v9, v1;
	v9 =	vld [tilespmem:s5+$0xFFFFFF20]  }
0x517: {  	[tilespmem:s28+$0xFFFFFFD0] =	vst v2;
	v2 =	vmul.f32 v8, v1;
	v8 =	vld [tilespmem:s5+$0xFFFFFF30]  }
0x518: {  	v1 =	vmul.f32 v3, v1;
	v3 =	vld [tilespmem:s5+$0xFFFFFF40];
	[tilespmem:s28+$0xFFFFFFE0] =	vst v4  }
0x519: {  	[tilespmem:s28+$0xFFFFFFF0] =	vst v2;
	v2 =	vld [tilespmem:s5+$0xFFFFFF50];
	v4 =	vmul.f32 v7, v6  }
0x51a: {  	[tilespmem:s28+$0x0] =	vst v1;
	v1 =	vmul.f32 v10, v6;
	v7 =	vld [tilespmem:s5+$0xFFFFFF60]  }
0x51b: {  	v10 =	vld [tilespmem:s5+$0xFFFFFF70];
	v9 =	vmul.f32 v9, v6;
	[tilespmem:s5+$0xFFFFFF80] =	vst v4  }
0x51c: {  	[tilespmem:s5+$0xFFFFFF10] =	vst v1;
	v1 =	vmul.f32 v8, v6;
	v4 =	vld [tilespmem:s5+$0xFFFFFF90]  }
0x51d: {  	v3 =	vmul.f32 v3, v6;
	v8 =	vld [tilespmem:s5+$0xFFFFFFA0];
	[tilespmem:s5+$0xFFFFFF20] =	vst v9  }
0x51e: {  	[tilespmem:s5+$0xFFFFFF30] =	vst v1;
	v1 =	vmul.f32 v2, v6;
	v2 =	vld [tilespmem:s5+$0xFFFFFFB0]  }
0x51f: {  	[tilespmem:s5+$0xFFFFFF40] =	vst v3;
	v3 =	vmul.f32 v7, v6;
	v7 =	vld [tilespmem:s5+$0xFFFFFFC0]  }
0x520: {  	[tilespmem:s5+$0xFFFFFF50] =	vst v1;
	v1 =	vmul.f32 v10, v6;
	v6 =	vld [tilespmem:s5+$0xFFFFFFD0]  }
0x521: {  	[tilespmem:s5+$0xFFFFFF60] =	vst v3;
	v3 =	vmul.f32 v4, v5;
	v4 =	vld [tilespmem:s5+$0xFFFFFFE0]  }
0x522: {  	[tilespmem:s5+$0xFFFFFF70] =	vst v1;
	v1 =	vmul.f32 v8, v5;
	v8 =	vld [tilespmem:s5+$0xFFFFFFF0]  }
0x523: {  	[tilespmem:s5+$0xFFFFFF90] =	vst v3;
	v2 =	vmul.f32 v2, v5;
	v3 =	vld [tilespmem:s5+$0x0]  }
0x524: {  	[tilespmem:s5+$0xFFFFFFA0] =	vst v1;
	v1 =	vmul.f32 v7, v5  }
0x525: {  	[tilespmem:s5+$0xFFFFFFB0] =	vst v2;
	v2 =	vmul.f32 v6, v5  }
0x526: {  	[tilespmem:s5+$0xFFFFFFC0] =	vst v1;
	v1 =	vmul.f32 v4, v5  }
0x527: {  	[tilespmem:s5+$0xFFFFFFD0] =	vst v2;
	v2 =	vmul.f32 v8, v5  }
0x528: {  	[tilespmem:s5+$0xFFFFFFE0] =	vst v1;
	v1 =	vmul.f32 v3, v5  }
0x529: {  	[tilespmem:s5+$0xFFFFFFF0] =	vst v2  }
0x52a: {  	[tilespmem:s5+$0x0] =	vst v1  }
0x52b: {  	[spmem:s4] =	stream.indirect.scatter.add.f32 [tilespmem:s22], [sflag:$0x3], $0x80, s13, s9, $0xb8;
	[tilespmem:$0x19480] =	vst v63  }
0x52c: {  	_ =	swait.ge [sflag:s19], $0x50  }
0x52d: {  	[sflag:s19] =	ssyncset.done $0x0  }
0x52e: {  	[sflag:s19] =	ssyncadd.s32 $0xFFFFFFB0  }
0x52f: {  	_ =	swait.ge [sflag:s19], $0x50  }
0x530: {  	[sflag:s19] =	ssyncset.done $0x0  }
0x531: {  	[sflag:s19] =	ssyncadd.s32 $0xFFFFFFB0  }
0x532: {  	_ =	swait.ge [sflag:s19], $0x50  }
0x533: {  	[sflag:s19] =	ssyncset.done $0x0  }
0x534: {  	[sflag:s19] =	ssyncadd.s32 $0xFFFFFFB0  }
0x535: {  	_ =	swait.ge [sflag:s12], $0x1400  }
0x536: {  	[sflag:s12] =	ssyncset.done $0x0  }
0x537: {  	[sflag:s12] =	ssyncadd.s32 $0xFFFFEC00  }
0x538: {  	_ =	swait.ge [sflag:s12], $0x1400  }
0x539: {  	[sflag:s12] =	ssyncset.done $0x0  }
0x53a: {  	s6 =	simm.s32 $0x0;
	s5 =	sld [smem:$0x7FD];
	[sflag:s12] =	ssyncadd.s32 $0xFFFFEC00  }
0x53b: {  	[tilespmem:s25], [sflag:$0x2] =	stream.indirect.gather [hbm4b:s3+s20], $0x80, s6, s20, $0xb8;
	[tilespmem:$0x19480] =	vst v63  }
0x53c: {  	s16 =	sld [smem:$0x7F5]  }
0x53d: {  	v1 =	vmov s6;
	[tilespmem:s21], [sflag:$0x1] =	stream.linear.gather [hbm4b:s5+s6], $0x50, $0x38;
	[tilespmem:$0x19480] =	vst v63  }
0x53e: {  	v1 =	vand.u32 $0xFFFFFFFE, v1;
	s30 =	sld [smem:$0x7F6]  }
0x53f: {  	v1 =	vbroadcast v1, $0x0;
	[tilespmem:s23], [sflag:$0x1] =	stream.linear.gather [hbm4b:s16+s6], $0x50, $0x38;
	[tilespmem:$0x19480] =	vst v63  }
0x540: {  	_ = 	snop  }
0x541: {  	[tilespmem:s24], [sflag:$0x1] =	stream.linear.gather [hbm4b:s30+s6], $0x50, $0x38;
	[tilespmem:$0x19480] =	vst v63  }
0x542: {  	_ =	swait.ge [sflag:s8], $0x2800  }
0x543: {  	[sflag:s8] =	ssyncset.done $0x0  }
0x544: {  	[sflag:s8] =	ssyncadd.s32 $0xFFFFD800  }
0x545: {  	s16 =	simm.s32 $0x500;
	v2 =	vld.idx.msk [tilespmem:v1+s7+$0x0], $0xffff  }
0x546: {  	v1 =	vld [tilespmem:s16+$0xFFFFFFF0]  }
0x547: {  	v3 =	vld [tilespmem:s16+$0xFFFFFF80]  }
0x548: {  	s31 =	simm.s32 $0x1;
	v6 =	vld [tilespmem:s16+$0xFFFFFF90]  }
0x549: {  	v7 =	vmov s31;
	v8 =	vld [tilespmem:s16+$0xFFFFFFA0]  }
0x54a: {  	v11 =	vld [tilespmem:s16+$0xFFFFFFB0]  }
0x54b: {  	v5 =	vld [tilespmem:s16+$0xFFFFFFC0]  }
0x54c: {  	v4 =	vld [tilespmem:s16+$0xFFFFFFD0];
	v9 =	vmul.f32 v1, v2  }
0x54d: {  	v10 =	vmul.f32 v3, v2;
	v3 =	vld [tilespmem:s16+$0xFFFFFFE0]  }
0x54e: {  	v1 =	vld.idx.msk [tilespmem:v7+s7+$0x0], $0xffff;
	v6 =	vmul.f32 v6, v2;
	[tilespmem:s16+$0xFFFFFFF0] =	vst v9  }
0x54f: {  	s0 =	simm.s32 $0x2;
	v7 =	vld [tilespmem:s16+$0x0];
	[tilespmem:s16+$0xFFFFFF80] =	vst v10;
	v9 =	vmul.f32 v8, v2  }
0x550: {  	s28 =	simm.s32 $0x500;
	s5 =	simm.s32 $0x4;
	v10 =	vmov s0;
	[tilespmem:s16+$0xFFFFFF90] =	vst v6;
	v8 =	vmul.f32 v11, v2;
	v6 =	vld [tilespmem:s16+$0x10]  }
.LBB2_38:
0x551: {  	p0 =	slt.u32 s5, $0x26;
	v10 =	vand.u32 $0xFFFFFFFE, v10;
	s6 =	sadd.s32 $0x1, s0;
	[tilespmem:s16+$0xFFFFFFA0] =	vst v9;
	v5 =	vmul.f32 v5, v2;
	v9 =	vld [tilespmem:s16+$0x20];
	s0 =	smov.u32 s5  }
0x552: {  	v10 =	vbroadcast v10, $0x0;
	v11 =	vmov s6;
	[tilespmem:s16+$0xFFFFFFB0] =	vst v8;
	v4 =	vmul.f32 v4, v2;
	v8 =	vld [tilespmem:s16+$0x30]  }
0x553: {  	[tilespmem:s16+$0xFFFFFFC0] =	vst v5;
	v2 =	vmul.f32 v3, v2;
	v3 =	vld [tilespmem:s16+$0x40]  }
0x554: {  	[tilespmem:s16+$0xFFFFFFD0] =	vst v4;
	v4 =	vmul.f32 v7, v1;
	v5 =	vld [tilespmem:s16+$0x50]  }
0x555: {  	[tilespmem:s16+$0xFFFFFFE0] =	vst v2;
	v2 =	vmul.f32 v6, v1;
	v6 =	vld [tilespmem:s16+$0x60]  }
0x556: {  	[tilespmem:s16+$0x0] =	vst v4;
	v4 =	vmul.f32 v9, v1;
	v7 =	vld [tilespmem:s16+$0x70]  }
0x557: {  	v9 =	vld.idx.msk [tilespmem:v11+s7+$0x0], $0xffff;
	[tilespmem:s16+$0x10] =	vst v2;
	v8 =	vmul.f32 v8, v1  }
0x558: {  	s16 =	sadd.s32 $0x100, s16;
	v2 =	vld.idx.msk [tilespmem:v10+s7+$0x0], $0xffff;
	[tilespmem:s28+$0x20] =	vst v4;
	v3 =	vmul.f32 v3, v1  }
0x559: {  	v4 =	vld [tilespmem:s16+$0xFFFFFFF0];
	[tilespmem:s28+$0x30] =	vst v8;
	v5 =	vmul.f32 v5, v1  }
0x55a: {  	v8 =	vld [tilespmem:s16+$0xFFFFFF80];
	[tilespmem:s28+$0x40] =	vst v3;
	v3 =	vmul.f32 v6, v1  }
0x55b: {  	v6 =	vld [tilespmem:s16+$0xFFFFFF90];
	[tilespmem:s28+$0x50] =	vst v5;
	v5 =	vmul.f32 v7, v1  }
0x55c: {  	v7 =	vld [tilespmem:s16+$0xFFFFFFA0];
	[tilespmem:s28+$0x60] =	vst v3  }
0x55d: {  	v1 =	vmov v9;
	v11 =	vld [tilespmem:s16+$0xFFFFFFB0];
	[tilespmem:s28+$0x70] =	vst v5;
	s28 =	smov.u32 s16  }
.Ltmp18:
0x55e: {  	v5 =	vld [tilespmem:s16+$0xFFFFFFC0];
	v9 =	vmul.f32 v4, v2;
	(pc) =	sbr.rel @p0 .LBB2_38-.Ltmp18, $4  }
0x55f: {  	v8 =	vmul.f32 v8, v2;
	v4 =	vld [tilespmem:s16+$0xFFFFFFD0]  }
0x560: {  	v6 =	vmul.f32 v6, v2;
	v3 =	vld [tilespmem:s16+$0xFFFFFFE0];
	[tilespmem:s16+$0xFFFFFFF0] =	vst v9  }
0x561: {  	[tilespmem:s16+$0xFFFFFF80] =	vst v8;
	v9 =	vmul.f32 v7, v2;
	v7 =	vld [tilespmem:s16+$0x0]  }
0x562: {  	s5 =	sadd.s32 $0x2, s5;
	v10 =	vmov s0;
	[tilespmem:s16+$0xFFFFFF90] =	vst v6;
	v8 =	vmul.f32 v11, v2;
	v6 =	vld [tilespmem:s16+$0x10]  }
0x563: {  	v11 =	vld [tilespmem:s16+$0x20]  }
0x564: {  	v10 =	vand.u32 $0xFFFFFFFE, v10;
	s0 =	sadd.s32 $0x1, s0;
	v12 =	vld [tilespmem:s16+$0x30]  }
0x565: {  	v14 =	vld [tilespmem:s16+$0x40];
	[tilespmem:s16+$0xFFFFFFA0] =	vst v9;
	v5 =	vmul.f32 v5, v2;
	v10 =	vbroadcast v10, $0x0;
	v13 =	vmov s0  }
0x566: {  	v9 =	vld [tilespmem:s16+$0x50];
	[tilespmem:s16+$0xFFFFFFB0] =	vst v8;
	v4 =	vmul.f32 v4, v2  }
0x567: {  	v8 =	vld [tilespmem:s16+$0x60];
	[tilespmem:s16+$0xFFFFFFC0] =	vst v5;
	v7 =	vmul.f32 v7, v1  }
0x568: {  	s6 =	sadd.s32 $0x100, s16;
	v2 =	vmul.f32 v3, v2;
	v3 =	vld [tilespmem:s16+$0x70];
	[tilespmem:s16+$0xFFFFFFD0] =	vst v4  }
0x569: {  	v4 =	vmul.f32 v6, v1;
	[tilespmem:s16+$0x0] =	vst v7;
	v7 =	vld [tilespmem:s6+$0xFFFFFFF0]  }
0x56a: {  	[tilespmem:s16+$0xFFFFFFE0] =	vst v2;
	v2 =	vmul.f32 v11, v1;
	v5 =	vld.idx.msk [tilespmem:v13+s7+$0x0], $0xffff  }
0x56b: {  	[tilespmem:s16+$0x10] =	vst v4;
	v4 =	vmul.f32 v12, v1;
	v6 =	vld.idx.msk [tilespmem:v10+s7+$0x0], $0xffff  }
0x56c: {  	[tilespmem:s28+$0x20] =	vst v2;
	v2 =	vmul.f32 v14, v1;
	v10 =	vld [tilespmem:s6+$0xFFFFFF80]  }
0x56d: {  	[tilespmem:s28+$0x30] =	vst v4;
	v4 =	vmul.f32 v9, v1;
	v9 =	vld [tilespmem:s6+$0xFFFFFF90]  }
0x56e: {  	[tilespmem:s28+$0x40] =	vst v2;
	v2 =	vmul.f32 v8, v1;
	v8 =	vld [tilespmem:s6+$0xFFFFFFA0]  }
0x56f: {  	v1 =	vmul.f32 v3, v1;
	v3 =	vld [tilespmem:s6+$0xFFFFFFB0];
	[tilespmem:s28+$0x50] =	vst v4  }
0x570: {  	[tilespmem:s28+$0x60] =	vst v2;
	v2 =	vld [tilespmem:s6+$0xFFFFFFC0];
	v4 =	vmul.f32 v7, v6  }
0x571: {  	[tilespmem:s28+$0x70] =	vst v1;
	v1 =	vmul.f32 v10, v6;
	v7 =	vld [tilespmem:s6+$0xFFFFFFD0]  }
0x572: {  	v10 =	vld [tilespmem:s6+$0xFFFFFFE0];
	v9 =	vmul.f32 v9, v6;
	[tilespmem:s6+$0xFFFFFFF0] =	vst v4  }
0x573: {  	[tilespmem:s6+$0xFFFFFF80] =	vst v1;
	v1 =	vmul.f32 v8, v6;
	v4 =	vld [tilespmem:s6+$0x0]  }
0x574: {  	v3 =	vmul.f32 v3, v6;
	v8 =	vld [tilespmem:s6+$0x10];
	[tilespmem:s6+$0xFFFFFF90] =	vst v9  }
0x575: {  	[tilespmem:s6+$0xFFFFFFA0] =	vst v1;
	v1 =	vmul.f32 v2, v6;
	v2 =	vld [tilespmem:s6+$0x20]  }
0x576: {  	[tilespmem:s6+$0xFFFFFFB0] =	vst v3;
	v3 =	vmul.f32 v7, v6;
	v7 =	vld [tilespmem:s6+$0x30]  }
0x577: {  	[tilespmem:s6+$0xFFFFFFC0] =	vst v1;
	v1 =	vmul.f32 v10, v6;
	v6 =	vld [tilespmem:s6+$0x40]  }
0x578: {  	[tilespmem:s6+$0xFFFFFFD0] =	vst v3;
	v3 =	vmul.f32 v4, v5;
	v4 =	vld [tilespmem:s6+$0x50]  }
0x579: {  	[tilespmem:s6+$0xFFFFFFE0] =	vst v1;
	v1 =	vmul.f32 v8, v5;
	v8 =	vld [tilespmem:s6+$0x60]  }
0x57a: {  	s5 =	simm.s32 $0x28;
	[tilespmem:s6+$0x0] =	vst v3;
	v2 =	vmul.f32 v2, v5;
	v3 =	vld [tilespmem:s6+$0x70]  }
0x57b: {  	[tilespmem:s6+$0x10] =	vst v1;
	v1 =	vmul.f32 v7, v5;
	v7 =	vmov s5  }
0x57c: {  	[tilespmem:s6+$0x20] =	vst v2;
	v2 =	vmul.f32 v6, v5;
	v6 =	vand.u32 $0xFFFFFFFE, v7  }
0x57d: {  	[tilespmem:s6+$0x30] =	vst v1;
	v1 =	vmul.f32 v4, v5;
	v4 =	vbroadcast v6, $0x0  }
0x57e: {  	[tilespmem:s6+$0x40] =	vst v2;
	v2 =	vmul.f32 v8, v5  }
0x57f: {  	[tilespmem:s6+$0x50] =	vst v1;
	v1 =	vmul.f32 v3, v5  }
0x580: {  	[tilespmem:s6+$0x60] =	vst v2  }
0x581: {  	[tilespmem:s6+$0x70] =	vst v1  }
0x582: {  	[spmem:s4] =	stream.indirect.scatter.add.f32 [tilespmem:s15], [sflag:$0x3], $0x80, s14, s5, $0xb8;
	[tilespmem:$0x19480] =	vst v63  }
0x583: {  	s16 =	simm.s32 $0x1970;
	v2 =	vld.idx.msk [tilespmem:v4+s7+$0x0], $0xffff  }
0x584: {  	v1 =	vld [tilespmem:s16+$0xFFFFFF80]  }
0x585: {  	v3 =	vld [tilespmem:s16+$0xFFFFFF10]  }
0x586: {  	s31 =	simm.s32 $0x29;
	v6 =	vld [tilespmem:s16+$0xFFFFFF20]  }
0x587: {  	v7 =	vmov s31;
	v8 =	vld [tilespmem:s16+$0xFFFFFF30]  }
0x588: {  	v11 =	vld [tilespmem:s16+$0xFFFFFF40]  }
0x589: {  	v5 =	vld [tilespmem:s16+$0xFFFFFF50];
	v9 =	vmul.f32 v1, v2  }
0x58a: {  	v4 =	vld [tilespmem:s16+$0xFFFFFF60];
	v10 =	vmul.f32 v3, v2  }
0x58b: {  	v3 =	vld [tilespmem:s16+$0xFFFFFF70];
	v6 =	vmul.f32 v6, v2;
	[tilespmem:s16+$0xFFFFFF80] =	vst v9  }
0x58c: {  	v1 =	vld.idx.msk [tilespmem:v7+s7+$0x0], $0xffff;
	[tilespmem:s16+$0xFFFFFF10] =	vst v10  }
0x58d: {  	s0 =	simm.s32 $0x2A;
	v7 =	vld [tilespmem:s16+$0xFFFFFF90];
	v9 =	vmul.f32 v8, v2;
	[tilespmem:s16+$0xFFFFFF20] =	vst v6  }
0x58e: {  	s28 =	simm.s32 $0x1970;
	s5 =	simm.s32 $0x2C;
	v10 =	vmov s0;
	v8 =	vmul.f32 v11, v2;
	v6 =	vld [tilespmem:s16+$0xFFFFFFA0];
	s30 =	rddreg [dreg:$0x9]  }
.LBB2_40:
0x58f: {  	p0 =	slt.u32 s5, $0x4E;
	v10 =	vand.u32 $0xFFFFFFFE, v10;
	s6 =	sadd.s32 $0x1, s0;
	[tilespmem:s16+$0xFFFFFF30] =	vst v9;
	v5 =	vmul.f32 v5, v2;
	v9 =	vld [tilespmem:s16+$0xFFFFFFB0];
	s0 =	smov.u32 s5  }
0x590: {  	v10 =	vbroadcast v10, $0x0;
	v11 =	vmov s6;
	[tilespmem:s16+$0xFFFFFF40] =	vst v8;
	v4 =	vmul.f32 v4, v2;
	v8 =	vld [tilespmem:s16+$0xFFFFFFC0]  }
0x591: {  	[tilespmem:s16+$0xFFFFFF50] =	vst v5;
	v2 =	vmul.f32 v3, v2;
	v3 =	vld [tilespmem:s16+$0xFFFFFFD0]  }
0x592: {  	[tilespmem:s16+$0xFFFFFF60] =	vst v4;
	v4 =	vmul.f32 v7, v1;
	v5 =	vld [tilespmem:s16+$0xFFFFFFE0]  }
0x593: {  	[tilespmem:s16+$0xFFFFFF70] =	vst v2;
	v2 =	vmul.f32 v6, v1;
	v6 =	vld [tilespmem:s16+$0xFFFFFFF0]  }
0x594: {  	[tilespmem:s16+$0xFFFFFF90] =	vst v4;
	v4 =	vmul.f32 v9, v1;
	v7 =	vld [tilespmem:s16+$0x0]  }
0x595: {  	v9 =	vld.idx.msk [tilespmem:v11+s7+$0x0], $0xffff;
	[tilespmem:s16+$0xFFFFFFA0] =	vst v2;
	v8 =	vmul.f32 v8, v1  }
0x596: {  	s16 =	sadd.s32 $0x100, s16;
	v2 =	vld.idx.msk [tilespmem:v10+s7+$0x0], $0xffff;
	[tilespmem:s28+$0xFFFFFFB0] =	vst v4;
	v3 =	vmul.f32 v3, v1  }
0x597: {  	v4 =	vld [tilespmem:s16+$0xFFFFFF80];
	[tilespmem:s28+$0xFFFFFFC0] =	vst v8;
	v5 =	vmul.f32 v5, v1  }
0x598: {  	v8 =	vld [tilespmem:s16+$0xFFFFFF10];
	[tilespmem:s28+$0xFFFFFFD0] =	vst v3;
	v3 =	vmul.f32 v6, v1  }
0x599: {  	v6 =	vld [tilespmem:s16+$0xFFFFFF20];
	[tilespmem:s28+$0xFFFFFFE0] =	vst v5;
	v5 =	vmul.f32 v7, v1  }
0x59a: {  	v7 =	vld [tilespmem:s16+$0xFFFFFF30];
	[tilespmem:s28+$0xFFFFFFF0] =	vst v3  }
0x59b: {  	v1 =	vmov v9;
	v11 =	vld [tilespmem:s16+$0xFFFFFF40];
	[tilespmem:s28+$0x0] =	vst v5;
	s28 =	smov.u32 s16  }
.Ltmp19:
0x59c: {  	v5 =	vld [tilespmem:s16+$0xFFFFFF50];
	v9 =	vmul.f32 v4, v2;
	(pc) =	sbr.rel @p0 .LBB2_40-.Ltmp19, $4  }
0x59d: {  	v8 =	vmul.f32 v8, v2;
	v4 =	vld [tilespmem:s16+$0xFFFFFF60]  }
0x59e: {  	v6 =	vmul.f32 v6, v2;
	v3 =	vld [tilespmem:s16+$0xFFFFFF70];
	[tilespmem:s16+$0xFFFFFF80] =	vst v9  }
0x59f: {  	[tilespmem:s16+$0xFFFFFF10] =	vst v8;
	v9 =	vmul.f32 v7, v2;
	v7 =	vld [tilespmem:s16+$0xFFFFFF90]  }
0x5a0: {  	s5 =	sadd.s32 $0x2, s5;
	v10 =	vmov s0;
	[tilespmem:s16+$0xFFFFFF20] =	vst v6;
	v8 =	vmul.f32 v11, v2;
	v6 =	vld [tilespmem:s16+$0xFFFFFFA0]  }
0x5a1: {  	v11 =	vld [tilespmem:s16+$0xFFFFFFB0]  }
0x5a2: {  	v10 =	vand.u32 $0xFFFFFFFE, v10;
	s0 =	sadd.s32 $0x1, s0;
	v12 =	vld [tilespmem:s16+$0xFFFFFFC0]  }
0x5a3: {  	v14 =	vld [tilespmem:s16+$0xFFFFFFD0];
	[tilespmem:s16+$0xFFFFFF30] =	vst v9;
	v5 =	vmul.f32 v5, v2;
	v10 =	vbroadcast v10, $0x0;
	v13 =	vmov s0  }
0x5a4: {  	v9 =	vld [tilespmem:s16+$0xFFFFFFE0];
	[tilespmem:s16+$0xFFFFFF40] =	vst v8;
	v4 =	vmul.f32 v4, v2  }
0x5a5: {  	v8 =	vld [tilespmem:s16+$0xFFFFFFF0];
	[tilespmem:s16+$0xFFFFFF50] =	vst v5;
	v7 =	vmul.f32 v7, v1  }
0x5a6: {  	s5 =	sadd.s32 $0x100, s16;
	v2 =	vmul.f32 v3, v2;
	v3 =	vld [tilespmem:s16+$0x0];
	[tilespmem:s16+$0xFFFFFF60] =	vst v4  }
0x5a7: {  	v4 =	vmul.f32 v6, v1;
	[tilespmem:s16+$0xFFFFFF90] =	vst v7;
	v7 =	vld [tilespmem:s5+$0xFFFFFF80]  }
0x5a8: {  	[tilespmem:s16+$0xFFFFFF70] =	vst v2;
	v2 =	vmul.f32 v11, v1;
	v5 =	vld.idx.msk [tilespmem:v13+s7+$0x0], $0xffff  }
0x5a9: {  	[tilespmem:s16+$0xFFFFFFA0] =	vst v4;
	v4 =	vmul.f32 v12, v1;
	v6 =	vld.idx.msk [tilespmem:v10+s7+$0x0], $0xffff  }
0x5aa: {  	[tilespmem:s28+$0xFFFFFFB0] =	vst v2;
	v2 =	vmul.f32 v14, v1;
	v10 =	vld [tilespmem:s5+$0xFFFFFF10]  }
0x5ab: {  	[tilespmem:s28+$0xFFFFFFC0] =	vst v4;
	v4 =	vmul.f32 v9, v1;
	v9 =	vld [tilespmem:s5+$0xFFFFFF20]  }
0x5ac: {  	[tilespmem:s28+$0xFFFFFFD0] =	vst v2;
	v2 =	vmul.f32 v8, v1;
	v8 =	vld [tilespmem:s5+$0xFFFFFF30]  }
0x5ad: {  	v1 =	vmul.f32 v3, v1;
	v3 =	vld [tilespmem:s5+$0xFFFFFF40];
	[tilespmem:s28+$0xFFFFFFE0] =	vst v4  }
0x5ae: {  	[tilespmem:s28+$0xFFFFFFF0] =	vst v2;
	v2 =	vld [tilespmem:s5+$0xFFFFFF50];
	v4 =	vmul.f32 v7, v6  }
0x5af: {  	[tilespmem:s28+$0x0] =	vst v1;
	v1 =	vmul.f32 v10, v6;
	v7 =	vld [tilespmem:s5+$0xFFFFFF60]  }
0x5b0: {  	v10 =	vld [tilespmem:s5+$0xFFFFFF70];
	v9 =	vmul.f32 v9, v6;
	[tilespmem:s5+$0xFFFFFF80] =	vst v4  }
0x5b1: {  	[tilespmem:s5+$0xFFFFFF10] =	vst v1;
	v1 =	vmul.f32 v8, v6;
	v4 =	vld [tilespmem:s5+$0xFFFFFF90]  }
0x5b2: {  	v3 =	vmul.f32 v3, v6;
	v8 =	vld [tilespmem:s5+$0xFFFFFFA0];
	[tilespmem:s5+$0xFFFFFF20] =	vst v9  }
0x5b3: {  	[tilespmem:s5+$0xFFFFFF30] =	vst v1;
	v1 =	vmul.f32 v2, v6;
	v2 =	vld [tilespmem:s5+$0xFFFFFFB0]  }
0x5b4: {  	[tilespmem:s5+$0xFFFFFF40] =	vst v3;
	v3 =	vmul.f32 v7, v6;
	v7 =	vld [tilespmem:s5+$0xFFFFFFC0]  }
0x5b5: {  	[tilespmem:s5+$0xFFFFFF50] =	vst v1;
	v1 =	vmul.f32 v10, v6;
	v6 =	vld [tilespmem:s5+$0xFFFFFFD0]  }
0x5b6: {  	[tilespmem:s5+$0xFFFFFF60] =	vst v3;
	v3 =	vmul.f32 v4, v5;
	v4 =	vld [tilespmem:s5+$0xFFFFFFE0]  }
0x5b7: {  	[tilespmem:s5+$0xFFFFFF70] =	vst v1;
	v1 =	vmul.f32 v8, v5;
	v8 =	vld [tilespmem:s5+$0xFFFFFFF0]  }
0x5b8: {  	[tilespmem:s5+$0xFFFFFF90] =	vst v3;
	v2 =	vmul.f32 v2, v5;
	v3 =	vld [tilespmem:s5+$0x0]  }
0x5b9: {  	[tilespmem:s5+$0xFFFFFFA0] =	vst v1;
	v1 =	vmul.f32 v7, v5  }
0x5ba: {  	[tilespmem:s5+$0xFFFFFFB0] =	vst v2;
	v2 =	vmul.f32 v6, v5  }
0x5bb: {  	[tilespmem:s5+$0xFFFFFFC0] =	vst v1;
	v1 =	vmul.f32 v4, v5  }
0x5bc: {  	[tilespmem:s5+$0xFFFFFFD0] =	vst v2;
	v2 =	vmul.f32 v8, v5  }
0x5bd: {  	[tilespmem:s5+$0xFFFFFFE0] =	vst v1;
	v1 =	vmul.f32 v3, v5  }
0x5be: {  	[tilespmem:s5+$0xFFFFFFF0] =	vst v2  }
0x5bf: {  	s6 =	simm.s32 $0x2A8;
	[tilespmem:s5+$0x0] =	vst v1  }
0x5c0: {  	[spmem:s4] =	stream.indirect.scatter.add.f32 [tilespmem:s11], [sflag:$0x3], $0x80, s6, s9, $0xb8;
	[tilespmem:$0x19480] =	vst v63  }
0x5c1: {  	_ =	swait.ge [sflag:s19], $0x50  }
0x5c2: {  	[sflag:s19] =	ssyncset.done $0x0  }
0x5c3: {  	[sflag:s19] =	ssyncadd.s32 $0xFFFFFFB0  }
0x5c4: {  	_ =	swait.ge [sflag:s19], $0x50  }
0x5c5: {  	[sflag:s19] =	ssyncset.done $0x0  }
0x5c6: {  	[sflag:s19] =	ssyncadd.s32 $0xFFFFFFB0  }
0x5c7: {  	_ =	swait.ge [sflag:s19], $0x50  }
0x5c8: {  	[sflag:s19] =	ssyncset.done $0x0  }
0x5c9: {  	[sflag:s19] =	ssyncadd.s32 $0xFFFFFFB0  }
0x5ca: {  	_ =	swait.ge [sflag:s12], $0x1400  }
0x5cb: {  	s16 =	simm.s32 $0x0;
	[sflag:s12] =	ssyncset.done $0x0  }
0x5cc: {  	v1 =	vmov s16;
	[sflag:s12] =	ssyncadd.s32 $0xFFFFEC00  }
0x5cd: {  	v1 =	vand.u32 $0xFFFFFFFE, v1;
	_ =	swait.ge [sflag:s12], $0x1400  }
0x5ce: {  	v1 =	vbroadcast v1, $0x0;
	[sflag:s12] =	ssyncset.done $0x0  }
0x5cf: {  	[sflag:s12] =	ssyncadd.s32 $0xFFFFEC00  }
0x5d0: {  	[tilespmem:s15], [sflag:$0x2] =	stream.indirect.gather [hbm4b:s3+s20], $0x80, s21, s20, $0xb8;
	[tilespmem:$0x19480] =	vst v63  }
0x5d1: {  	_ =	swait.ge [sflag:s8], $0x2800  }
0x5d2: {  	[sflag:s8] =	ssyncset.done $0x0  }
0x5d3: {  	[sflag:s8] =	ssyncadd.s32 $0xFFFFD800  }
0x5d4: {  	s16 =	simm.s32 $0x2D00;
	v2 =	vld.idx.msk [tilespmem:v1+s18+$0x0], $0xffff  }
0x5d5: {  	v1 =	vld [tilespmem:s16+$0xFFFFFFF0]  }
0x5d6: {  	v3 =	vld [tilespmem:s16+$0xFFFFFF80]  }
0x5d7: {  	s31 =	simm.s32 $0x1;
	v6 =	vld [tilespmem:s16+$0xFFFFFF90]  }
0x5d8: {  	v7 =	vmov s31;
	v8 =	vld [tilespmem:s16+$0xFFFFFFA0]  }
0x5d9: {  	v11 =	vld [tilespmem:s16+$0xFFFFFFB0]  }
0x5da: {  	v5 =	vld [tilespmem:s16+$0xFFFFFFC0]  }
0x5db: {  	v4 =	vld [tilespmem:s16+$0xFFFFFFD0];
	v9 =	vmul.f32 v1, v2  }
0x5dc: {  	v10 =	vmul.f32 v3, v2;
	v3 =	vld [tilespmem:s16+$0xFFFFFFE0]  }
0x5dd: {  	v1 =	vld.idx.msk [tilespmem:v7+s18+$0x0], $0xffff;
	v6 =	vmul.f32 v6, v2;
	[tilespmem:s16+$0xFFFFFFF0] =	vst v9  }
0x5de: {  	s0 =	simm.s32 $0x2;
	v7 =	vld [tilespmem:s16+$0x0];
	[tilespmem:s16+$0xFFFFFF80] =	vst v10;
	v9 =	vmul.f32 v8, v2  }
0x5df: {  	s28 =	simm.s32 $0x2D00;
	s5 =	simm.s32 $0x4;
	v10 =	vmov s0;
	[tilespmem:s16+$0xFFFFFF90] =	vst v6;
	v8 =	vmul.f32 v11, v2;
	v6 =	vld [tilespmem:s16+$0x10]  }
.LBB2_42:
0x5e0: {  	p0 =	slt.u32 s5, $0x26;
	v10 =	vand.u32 $0xFFFFFFFE, v10;
	s6 =	sadd.s32 $0x1, s0;
	[tilespmem:s16+$0xFFFFFFA0] =	vst v9;
	v5 =	vmul.f32 v5, v2;
	v9 =	vld [tilespmem:s16+$0x20];
	s0 =	smov.u32 s5  }
0x5e1: {  	v10 =	vbroadcast v10, $0x0;
	v11 =	vmov s6;
	[tilespmem:s16+$0xFFFFFFB0] =	vst v8;
	v4 =	vmul.f32 v4, v2;
	v8 =	vld [tilespmem:s16+$0x30]  }
0x5e2: {  	[tilespmem:s16+$0xFFFFFFC0] =	vst v5;
	v2 =	vmul.f32 v3, v2;
	v3 =	vld [tilespmem:s16+$0x40]  }
0x5e3: {  	[tilespmem:s16+$0xFFFFFFD0] =	vst v4;
	v4 =	vmul.f32 v7, v1;
	v5 =	vld [tilespmem:s16+$0x50]  }
0x5e4: {  	[tilespmem:s16+$0xFFFFFFE0] =	vst v2;
	v2 =	vmul.f32 v6, v1;
	v6 =	vld [tilespmem:s16+$0x60]  }
0x5e5: {  	[tilespmem:s16+$0x0] =	vst v4;
	v4 =	vmul.f32 v9, v1;
	v7 =	vld [tilespmem:s16+$0x70]  }
0x5e6: {  	v9 =	vld.idx.msk [tilespmem:v11+s18+$0x0], $0xffff;
	[tilespmem:s16+$0x10] =	vst v2;
	v8 =	vmul.f32 v8, v1  }
0x5e7: {  	s16 =	sadd.s32 $0x100, s16;
	v2 =	vld.idx.msk [tilespmem:v10+s18+$0x0], $0xffff;
	[tilespmem:s28+$0x20] =	vst v4;
	v3 =	vmul.f32 v3, v1  }
0x5e8: {  	v4 =	vld [tilespmem:s16+$0xFFFFFFF0];
	[tilespmem:s28+$0x30] =	vst v8;
	v5 =	vmul.f32 v5, v1  }
0x5e9: {  	v8 =	vld [tilespmem:s16+$0xFFFFFF80];
	[tilespmem:s28+$0x40] =	vst v3;
	v3 =	vmul.f32 v6, v1  }
0x5ea: {  	v6 =	vld [tilespmem:s16+$0xFFFFFF90];
	[tilespmem:s28+$0x50] =	vst v5;
	v5 =	vmul.f32 v7, v1  }
0x5eb: {  	v7 =	vld [tilespmem:s16+$0xFFFFFFA0];
	[tilespmem:s28+$0x60] =	vst v3  }
0x5ec: {  	v1 =	vmov v9;
	v11 =	vld [tilespmem:s16+$0xFFFFFFB0];
	[tilespmem:s28+$0x70] =	vst v5;
	s28 =	smov.u32 s16  }
.Ltmp20:
0x5ed: {  	v5 =	vld [tilespmem:s16+$0xFFFFFFC0];
	v9 =	vmul.f32 v4, v2;
	(pc) =	sbr.rel @p0 .LBB2_42-.Ltmp20, $4  }
0x5ee: {  	v8 =	vmul.f32 v8, v2;
	v4 =	vld [tilespmem:s16+$0xFFFFFFD0]  }
0x5ef: {  	v6 =	vmul.f32 v6, v2;
	v3 =	vld [tilespmem:s16+$0xFFFFFFE0];
	[tilespmem:s16+$0xFFFFFFF0] =	vst v9  }
0x5f0: {  	[tilespmem:s16+$0xFFFFFF80] =	vst v8;
	v9 =	vmul.f32 v7, v2;
	v7 =	vld [tilespmem:s16+$0x0]  }
0x5f1: {  	s5 =	sadd.s32 $0x2, s5;
	v10 =	vmov s0;
	[tilespmem:s16+$0xFFFFFF90] =	vst v6;
	v8 =	vmul.f32 v11, v2;
	v6 =	vld [tilespmem:s16+$0x10]  }
0x5f2: {  	v11 =	vld [tilespmem:s16+$0x20]  }
0x5f3: {  	v10 =	vand.u32 $0xFFFFFFFE, v10;
	s0 =	sadd.s32 $0x1, s0;
	v12 =	vld [tilespmem:s16+$0x30]  }
0x5f4: {  	v14 =	vld [tilespmem:s16+$0x40];
	[tilespmem:s16+$0xFFFFFFA0] =	vst v9;
	v5 =	vmul.f32 v5, v2;
	v10 =	vbroadcast v10, $0x0;
	v13 =	vmov s0  }
0x5f5: {  	v9 =	vld [tilespmem:s16+$0x50];
	[tilespmem:s16+$0xFFFFFFB0] =	vst v8;
	v4 =	vmul.f32 v4, v2  }
0x5f6: {  	v8 =	vld [tilespmem:s16+$0x60];
	[tilespmem:s16+$0xFFFFFFC0] =	vst v5;
	v7 =	vmul.f32 v7, v1  }
0x5f7: {  	s6 =	sadd.s32 $0x100, s16;
	v2 =	vmul.f32 v3, v2;
	v3 =	vld [tilespmem:s16+$0x70];
	[tilespmem:s16+$0xFFFFFFD0] =	vst v4  }
0x5f8: {  	v4 =	vmul.f32 v6, v1;
	[tilespmem:s16+$0x0] =	vst v7;
	v7 =	vld [tilespmem:s6+$0xFFFFFFF0]  }
0x5f9: {  	[tilespmem:s16+$0xFFFFFFE0] =	vst v2;
	v2 =	vmul.f32 v11, v1;
	v5 =	vld.idx.msk [tilespmem:v13+s18+$0x0], $0xffff  }
0x5fa: {  	[tilespmem:s16+$0x10] =	vst v4;
	v4 =	vmul.f32 v12, v1;
	v6 =	vld.idx.msk [tilespmem:v10+s18+$0x0], $0xffff  }
0x5fb: {  	[tilespmem:s28+$0x20] =	vst v2;
	v2 =	vmul.f32 v14, v1;
	v10 =	vld [tilespmem:s6+$0xFFFFFF80]  }
0x5fc: {  	[tilespmem:s28+$0x30] =	vst v4;
	v4 =	vmul.f32 v9, v1;
	v9 =	vld [tilespmem:s6+$0xFFFFFF90]  }
0x5fd: {  	[tilespmem:s28+$0x40] =	vst v2;
	v2 =	vmul.f32 v8, v1;
	v8 =	vld [tilespmem:s6+$0xFFFFFFA0]  }
0x5fe: {  	v1 =	vmul.f32 v3, v1;
	v3 =	vld [tilespmem:s6+$0xFFFFFFB0];
	[tilespmem:s28+$0x50] =	vst v4  }
0x5ff: {  	[tilespmem:s28+$0x60] =	vst v2;
	v2 =	vld [tilespmem:s6+$0xFFFFFFC0];
	v4 =	vmul.f32 v7, v6  }
0x600: {  	[tilespmem:s28+$0x70] =	vst v1;
	v1 =	vmul.f32 v10, v6;
	v7 =	vld [tilespmem:s6+$0xFFFFFFD0]  }
0x601: {  	v10 =	vld [tilespmem:s6+$0xFFFFFFE0];
	v9 =	vmul.f32 v9, v6;
	[tilespmem:s6+$0xFFFFFFF0] =	vst v4  }
0x602: {  	[tilespmem:s6+$0xFFFFFF80] =	vst v1;
	v1 =	vmul.f32 v8, v6;
	v4 =	vld [tilespmem:s6+$0x0]  }
0x603: {  	v3 =	vmul.f32 v3, v6;
	v8 =	vld [tilespmem:s6+$0x10];
	[tilespmem:s6+$0xFFFFFF90] =	vst v9  }
0x604: {  	[tilespmem:s6+$0xFFFFFFA0] =	vst v1;
	v1 =	vmul.f32 v2, v6;
	v2 =	vld [tilespmem:s6+$0x20]  }
0x605: {  	[tilespmem:s6+$0xFFFFFFB0] =	vst v3;
	v3 =	vmul.f32 v7, v6;
	v7 =	vld [tilespmem:s6+$0x30]  }
0x606: {  	[tilespmem:s6+$0xFFFFFFC0] =	vst v1;
	v1 =	vmul.f32 v10, v6;
	v6 =	vld [tilespmem:s6+$0x40]  }
0x607: {  	[tilespmem:s6+$0xFFFFFFD0] =	vst v3;
	v3 =	vmul.f32 v4, v5;
	v4 =	vld [tilespmem:s6+$0x50]  }
0x608: {  	[tilespmem:s6+$0xFFFFFFE0] =	vst v1;
	v1 =	vmul.f32 v8, v5;
	v8 =	vld [tilespmem:s6+$0x60]  }
0x609: {  	s5 =	simm.s32 $0x28;
	[tilespmem:s6+$0x0] =	vst v3;
	v2 =	vmul.f32 v2, v5;
	v3 =	vld [tilespmem:s6+$0x70]  }
0x60a: {  	[tilespmem:s6+$0x10] =	vst v1;
	v1 =	vmul.f32 v7, v5;
	v7 =	vmov s5  }
0x60b: {  	[tilespmem:s6+$0x20] =	vst v2;
	v2 =	vmul.f32 v6, v5;
	v6 =	vand.u32 $0xFFFFFFFE, v7  }
0x60c: {  	[tilespmem:s6+$0x30] =	vst v1;
	v1 =	vmul.f32 v4, v5;
	v4 =	vbroadcast v6, $0x0  }
0x60d: {  	[tilespmem:s6+$0x40] =	vst v2;
	v2 =	vmul.f32 v8, v5  }
0x60e: {  	[tilespmem:s6+$0x50] =	vst v1;
	v1 =	vmul.f32 v3, v5  }
0x60f: {  	[tilespmem:s6+$0x60] =	vst v2  }
0x610: {  	[tilespmem:s6+$0x70] =	vst v1  }
0x611: {  	[spmem:s4] =	stream.indirect.scatter.add.f32 [tilespmem:s25], [sflag:$0x3], $0x80, s17, s5, $0xb8;
	[tilespmem:$0x19480] =	vst v63  }
0x612: {  	s16 =	simm.s32 $0x4170;
	v2 =	vld.idx.msk [tilespmem:v4+s18+$0x0], $0xffff  }
0x613: {  	v1 =	vld [tilespmem:s16+$0xFFFFFF80]  }
0x614: {  	v3 =	vld [tilespmem:s16+$0xFFFFFF10]  }
0x615: {  	s31 =	simm.s32 $0x29;
	v6 =	vld [tilespmem:s16+$0xFFFFFF20]  }
0x616: {  	v7 =	vmov s31;
	v8 =	vld [tilespmem:s16+$0xFFFFFF30]  }
0x617: {  	v11 =	vld [tilespmem:s16+$0xFFFFFF40]  }
0x618: {  	v5 =	vld [tilespmem:s16+$0xFFFFFF50]  }
0x619: {  	v4 =	vld [tilespmem:s16+$0xFFFFFF60];
	v9 =	vmul.f32 v1, v2  }
0x61a: {  	v10 =	vmul.f32 v3, v2;
	v3 =	vld [tilespmem:s16+$0xFFFFFF70]  }
0x61b: {  	v1 =	vld.idx.msk [tilespmem:v7+s18+$0x0], $0xffff;
	v6 =	vmul.f32 v6, v2;
	[tilespmem:s16+$0xFFFFFF80] =	vst v9  }
0x61c: {  	s0 =	simm.s32 $0x2A;
	v7 =	vld [tilespmem:s16+$0xFFFFFF90];
	[tilespmem:s16+$0xFFFFFF10] =	vst v10;
	v9 =	vmul.f32 v8, v2  }
0x61d: {  	s28 =	simm.s32 $0x4170;
	s5 =	simm.s32 $0x2C;
	v10 =	vmov s0;
	[tilespmem:s16+$0xFFFFFF20] =	vst v6;
	v8 =	vmul.f32 v11, v2;
	v6 =	vld [tilespmem:s16+$0xFFFFFFA0]  }
.LBB2_44:
0x61e: {  	p0 =	slt.u32 s5, $0x4E;
	v10 =	vand.u32 $0xFFFFFFFE, v10;
	s6 =	sadd.s32 $0x1, s0;
	[tilespmem:s16+$0xFFFFFF30] =	vst v9;
	v5 =	vmul.f32 v5, v2;
	v9 =	vld [tilespmem:s16+$0xFFFFFFB0];
	s0 =	smov.u32 s5  }
0x61f: {  	v10 =	vbroadcast v10, $0x0;
	v11 =	vmov s6;
	[tilespmem:s16+$0xFFFFFF40] =	vst v8;
	v4 =	vmul.f32 v4, v2;
	v8 =	vld [tilespmem:s16+$0xFFFFFFC0]  }
0x620: {  	[tilespmem:s16+$0xFFFFFF50] =	vst v5;
	v2 =	vmul.f32 v3, v2;
	v3 =	vld [tilespmem:s16+$0xFFFFFFD0]  }
0x621: {  	[tilespmem:s16+$0xFFFFFF60] =	vst v4;
	v4 =	vmul.f32 v7, v1;
	v5 =	vld [tilespmem:s16+$0xFFFFFFE0]  }
0x622: {  	[tilespmem:s16+$0xFFFFFF70] =	vst v2;
	v2 =	vmul.f32 v6, v1;
	v6 =	vld [tilespmem:s16+$0xFFFFFFF0]  }
0x623: {  	[tilespmem:s16+$0xFFFFFF90] =	vst v4;
	v4 =	vmul.f32 v9, v1;
	v7 =	vld [tilespmem:s16+$0x0]  }
0x624: {  	v9 =	vld.idx.msk [tilespmem:v11+s18+$0x0], $0xffff;
	[tilespmem:s16+$0xFFFFFFA0] =	vst v2;
	v8 =	vmul.f32 v8, v1  }
0x625: {  	s16 =	sadd.s32 $0x100, s16;
	v2 =	vld.idx.msk [tilespmem:v10+s18+$0x0], $0xffff;
	[tilespmem:s28+$0xFFFFFFB0] =	vst v4;
	v3 =	vmul.f32 v3, v1  }
0x626: {  	v4 =	vld [tilespmem:s16+$0xFFFFFF80];
	[tilespmem:s28+$0xFFFFFFC0] =	vst v8;
	v5 =	vmul.f32 v5, v1  }
0x627: {  	v8 =	vld [tilespmem:s16+$0xFFFFFF10];
	[tilespmem:s28+$0xFFFFFFD0] =	vst v3;
	v3 =	vmul.f32 v6, v1  }
0x628: {  	v6 =	vld [tilespmem:s16+$0xFFFFFF20];
	[tilespmem:s28+$0xFFFFFFE0] =	vst v5;
	v5 =	vmul.f32 v7, v1  }
0x629: {  	v7 =	vld [tilespmem:s16+$0xFFFFFF30];
	[tilespmem:s28+$0xFFFFFFF0] =	vst v3  }
0x62a: {  	v1 =	vmov v9;
	v11 =	vld [tilespmem:s16+$0xFFFFFF40];
	[tilespmem:s28+$0x0] =	vst v5;
	s28 =	smov.u32 s16  }
.Ltmp21:
0x62b: {  	v5 =	vld [tilespmem:s16+$0xFFFFFF50];
	v9 =	vmul.f32 v4, v2;
	(pc) =	sbr.rel @p0 .LBB2_44-.Ltmp21, $4  }
0x62c: {  	v8 =	vmul.f32 v8, v2;
	v4 =	vld [tilespmem:s16+$0xFFFFFF60]  }
0x62d: {  	v6 =	vmul.f32 v6, v2;
	v3 =	vld [tilespmem:s16+$0xFFFFFF70];
	[tilespmem:s16+$0xFFFFFF80] =	vst v9  }
0x62e: {  	[tilespmem:s16+$0xFFFFFF10] =	vst v8;
	v9 =	vmul.f32 v7, v2;
	v7 =	vld [tilespmem:s16+$0xFFFFFF90]  }
0x62f: {  	s5 =	sadd.s32 $0x2, s5;
	v10 =	vmov s0;
	[tilespmem:s16+$0xFFFFFF20] =	vst v6;
	v8 =	vmul.f32 v11, v2;
	v6 =	vld [tilespmem:s16+$0xFFFFFFA0]  }
0x630: {  	v11 =	vld [tilespmem:s16+$0xFFFFFFB0]  }
0x631: {  	v10 =	vand.u32 $0xFFFFFFFE, v10;
	s0 =	sadd.s32 $0x1, s0;
	v12 =	vld [tilespmem:s16+$0xFFFFFFC0]  }
0x632: {  	v14 =	vld [tilespmem:s16+$0xFFFFFFD0];
	[tilespmem:s16+$0xFFFFFF30] =	vst v9;
	v5 =	vmul.f32 v5, v2;
	v10 =	vbroadcast v10, $0x0;
	v13 =	vmov s0  }
0x633: {  	v9 =	vld [tilespmem:s16+$0xFFFFFFE0];
	[tilespmem:s16+$0xFFFFFF40] =	vst v8;
	v4 =	vmul.f32 v4, v2  }
0x634: {  	v8 =	vld [tilespmem:s16+$0xFFFFFFF0];
	[tilespmem:s16+$0xFFFFFF50] =	vst v5;
	v7 =	vmul.f32 v7, v1  }
0x635: {  	s6 =	sadd.s32 $0x100, s16;
	v2 =	vmul.f32 v3, v2;
	v3 =	vld [tilespmem:s16+$0x0];
	[tilespmem:s16+$0xFFFFFF60] =	vst v4  }
0x636: {  	v4 =	vmul.f32 v6, v1;
	[tilespmem:s16+$0xFFFFFF90] =	vst v7;
	v7 =	vld [tilespmem:s6+$0xFFFFFF80]  }
0x637: {  	[tilespmem:s16+$0xFFFFFF70] =	vst v2;
	v2 =	vmul.f32 v11, v1;
	v5 =	vld.idx.msk [tilespmem:v13+s18+$0x0], $0xffff  }
0x638: {  	[tilespmem:s16+$0xFFFFFFA0] =	vst v4;
	v4 =	vmul.f32 v12, v1;
	v6 =	vld.idx.msk [tilespmem:v10+s18+$0x0], $0xffff  }
0x639: {  	[tilespmem:s28+$0xFFFFFFB0] =	vst v2;
	v2 =	vmul.f32 v14, v1;
	v10 =	vld [tilespmem:s6+$0xFFFFFF10]  }
0x63a: {  	[tilespmem:s28+$0xFFFFFFC0] =	vst v4;
	v4 =	vmul.f32 v9, v1;
	v9 =	vld [tilespmem:s6+$0xFFFFFF20]  }
0x63b: {  	[tilespmem:s28+$0xFFFFFFD0] =	vst v2;
	v2 =	vmul.f32 v8, v1;
	v8 =	vld [tilespmem:s6+$0xFFFFFF30]  }
0x63c: {  	v1 =	vmul.f32 v3, v1;
	v3 =	vld [tilespmem:s6+$0xFFFFFF40];
	[tilespmem:s28+$0xFFFFFFE0] =	vst v4  }
0x63d: {  	[tilespmem:s28+$0xFFFFFFF0] =	vst v2;
	v2 =	vld [tilespmem:s6+$0xFFFFFF50];
	v4 =	vmul.f32 v7, v6  }
0x63e: {  	[tilespmem:s28+$0x0] =	vst v1;
	v1 =	vmul.f32 v10, v6;
	v7 =	vld [tilespmem:s6+$0xFFFFFF60]  }
0x63f: {  	v10 =	vld [tilespmem:s6+$0xFFFFFF70];
	v9 =	vmul.f32 v9, v6;
	[tilespmem:s6+$0xFFFFFF80] =	vst v4  }
0x640: {  	[tilespmem:s6+$0xFFFFFF10] =	vst v1;
	v1 =	vmul.f32 v8, v6;
	v4 =	vld [tilespmem:s6+$0xFFFFFF90]  }
0x641: {  	v3 =	vmul.f32 v3, v6;
	v8 =	vld [tilespmem:s6+$0xFFFFFFA0];
	[tilespmem:s6+$0xFFFFFF20] =	vst v9  }
0x642: {  	[tilespmem:s6+$0xFFFFFF30] =	vst v1;
	v1 =	vmul.f32 v2, v6;
	v2 =	vld [tilespmem:s6+$0xFFFFFFB0]  }
0x643: {  	[tilespmem:s6+$0xFFFFFF40] =	vst v3;
	v3 =	vmul.f32 v7, v6;
	v7 =	vld [tilespmem:s6+$0xFFFFFFC0]  }
0x644: {  	[tilespmem:s6+$0xFFFFFF50] =	vst v1;
	v1 =	vmul.f32 v10, v6;
	v6 =	vld [tilespmem:s6+$0xFFFFFFD0]  }
0x645: {  	[tilespmem:s6+$0xFFFFFF60] =	vst v3;
	v3 =	vmul.f32 v4, v5;
	v4 =	vld [tilespmem:s6+$0xFFFFFFE0]  }
0x646: {  	[tilespmem:s6+$0xFFFFFF70] =	vst v1;
	v1 =	vmul.f32 v8, v5;
	v8 =	vld [tilespmem:s6+$0xFFFFFFF0]  }
0x647: {  	[tilespmem:s6+$0xFFFFFF90] =	vst v3;
	v2 =	vmul.f32 v2, v5;
	v3 =	vld [tilespmem:s6+$0x0]  }
0x648: {  	[tilespmem:s6+$0xFFFFFFA0] =	vst v1;
	v1 =	vmul.f32 v7, v5  }
0x649: {  	[tilespmem:s6+$0xFFFFFFB0] =	vst v2;
	v2 =	vmul.f32 v6, v5  }
0x64a: {  	[tilespmem:s6+$0xFFFFFFC0] =	vst v1;
	v1 =	vmul.f32 v4, v5  }
0x64b: {  	[tilespmem:s6+$0xFFFFFFD0] =	vst v2;
	v2 =	vmul.f32 v8, v5  }
0x64c: {  	[tilespmem:s6+$0xFFFFFFE0] =	vst v1;
	v1 =	vmul.f32 v3, v5  }
0x64d: {  	[tilespmem:s6+$0xFFFFFFF0] =	vst v2  }
0x64e: {  	[tilespmem:s6+$0x0] =	vst v1  }
0x64f: {  	[spmem:s4] =	stream.indirect.scatter.add.f32 [tilespmem:s22], [sflag:$0x3], $0x80, s10, s9, $0xb8;
	[tilespmem:$0x19480] =	vst v63  }
0x650: {  	s16 =	simm.s32 $0x0;
	_ =	swait.ge [sflag:s12], $0x1400  }
0x651: {  	v1 =	vmov s16;
	[sflag:s12] =	ssyncset.done $0x0  }
0x652: {  	v1 =	vand.u32 $0xFFFFFFFE, v1;
	[sflag:s12] =	ssyncadd.s32 $0xFFFFEC00  }
0x653: {  	v1 =	vbroadcast v1, $0x0;
	_ =	swait.ge [sflag:s12], $0x1400  }
0x654: {  	[sflag:s12] =	ssyncset.done $0x0  }
0x655: {  	[sflag:s12] =	ssyncadd.s32 $0xFFFFEC00  }
0x656: {  	_ =	swait.ge [sflag:s8], $0x2800  }
0x657: {  	[sflag:s8] =	ssyncset.done $0x0  }
0x658: {  	[sflag:s8] =	ssyncadd.s32 $0xFFFFD800  }
0x659: {  	s16 =	simm.s32 $0x500;
	v2 =	vld.idx.msk [tilespmem:v1+s24+$0x0], $0xffff  }
0x65a: {  	v1 =	vld [tilespmem:s16+$0xFFFFFFF0]  }
0x65b: {  	v3 =	vld [tilespmem:s16+$0xFFFFFF80]  }
0x65c: {  	s31 =	simm.s32 $0x1;
	v6 =	vld [tilespmem:s16+$0xFFFFFF90]  }
0x65d: {  	v7 =	vmov s31;
	v8 =	vld [tilespmem:s16+$0xFFFFFFA0]  }
0x65e: {  	v11 =	vld [tilespmem:s16+$0xFFFFFFB0]  }
0x65f: {  	v5 =	vld [tilespmem:s16+$0xFFFFFFC0]  }
0x660: {  	v4 =	vld [tilespmem:s16+$0xFFFFFFD0];
	v9 =	vmul.f32 v1, v2  }
0x661: {  	v10 =	vmul.f32 v3, v2;
	v3 =	vld [tilespmem:s16+$0xFFFFFFE0]  }
0x662: {  	v1 =	vld.idx.msk [tilespmem:v7+s24+$0x0], $0xffff;
	v6 =	vmul.f32 v6, v2;
	[tilespmem:s16+$0xFFFFFFF0] =	vst v9  }
0x663: {  	s0 =	simm.s32 $0x2;
	v7 =	vld [tilespmem:s16+$0x0];
	[tilespmem:s16+$0xFFFFFF80] =	vst v10;
	v9 =	vmul.f32 v8, v2  }
0x664: {  	s5 =	simm.s32 $0x4;
	s28 =	simm.s32 $0x500;
	v10 =	vmov s0;
	[tilespmem:s16+$0xFFFFFF90] =	vst v6;
	v8 =	vmul.f32 v11, v2;
	v6 =	vld [tilespmem:s16+$0x10]  }
.LBB2_46:
0x665: {  	p0 =	slt.u32 s5, $0x26;
	v10 =	vand.u32 $0xFFFFFFFE, v10;
	s6 =	sadd.s32 $0x1, s0;
	[tilespmem:s16+$0xFFFFFFA0] =	vst v9;
	v5 =	vmul.f32 v5, v2;
	v9 =	vld [tilespmem:s16+$0x20];
	s0 =	smov.u32 s5  }
0x666: {  	v10 =	vbroadcast v10, $0x0;
	v11 =	vmov s6;
	[tilespmem:s16+$0xFFFFFFB0] =	vst v8;
	v4 =	vmul.f32 v4, v2;
	v8 =	vld [tilespmem:s16+$0x30]  }
0x667: {  	[tilespmem:s16+$0xFFFFFFC0] =	vst v5;
	v2 =	vmul.f32 v3, v2;
	v3 =	vld [tilespmem:s16+$0x40]  }
0x668: {  	[tilespmem:s16+$0xFFFFFFD0] =	vst v4;
	v4 =	vmul.f32 v7, v1;
	v5 =	vld [tilespmem:s16+$0x50]  }
0x669: {  	[tilespmem:s16+$0xFFFFFFE0] =	vst v2;
	v2 =	vmul.f32 v6, v1;
	v6 =	vld [tilespmem:s16+$0x60]  }
0x66a: {  	[tilespmem:s16+$0x0] =	vst v4;
	v4 =	vmul.f32 v9, v1;
	v7 =	vld [tilespmem:s16+$0x70]  }
0x66b: {  	v9 =	vld.idx.msk [tilespmem:v11+s24+$0x0], $0xffff;
	[tilespmem:s16+$0x10] =	vst v2;
	v8 =	vmul.f32 v8, v1  }
0x66c: {  	s16 =	sadd.s32 $0x100, s16;
	v2 =	vld.idx.msk [tilespmem:v10+s24+$0x0], $0xffff;
	[tilespmem:s28+$0x20] =	vst v4;
	v3 =	vmul.f32 v3, v1  }
0x66d: {  	v4 =	vld [tilespmem:s16+$0xFFFFFFF0];
	[tilespmem:s28+$0x30] =	vst v8;
	v5 =	vmul.f32 v5, v1  }
0x66e: {  	v8 =	vld [tilespmem:s16+$0xFFFFFF80];
	[tilespmem:s28+$0x40] =	vst v3;
	v3 =	vmul.f32 v6, v1  }
0x66f: {  	v6 =	vld [tilespmem:s16+$0xFFFFFF90];
	[tilespmem:s28+$0x50] =	vst v5;
	v5 =	vmul.f32 v7, v1  }
0x670: {  	v7 =	vld [tilespmem:s16+$0xFFFFFFA0];
	[tilespmem:s28+$0x60] =	vst v3  }
0x671: {  	v1 =	vmov v9;
	v11 =	vld [tilespmem:s16+$0xFFFFFFB0];
	[tilespmem:s28+$0x70] =	vst v5;
	s28 =	smov.u32 s16  }
.Ltmp22:
0x672: {  	v5 =	vld [tilespmem:s16+$0xFFFFFFC0];
	v9 =	vmul.f32 v4, v2;
	(pc) =	sbr.rel @p0 .LBB2_46-.Ltmp22, $4  }
0x673: {  	v8 =	vmul.f32 v8, v2;
	v4 =	vld [tilespmem:s16+$0xFFFFFFD0]  }
0x674: {  	v6 =	vmul.f32 v6, v2;
	v3 =	vld [tilespmem:s16+$0xFFFFFFE0];
	[tilespmem:s16+$0xFFFFFFF0] =	vst v9  }
0x675: {  	[tilespmem:s16+$0xFFFFFF80] =	vst v8;
	v9 =	vmul.f32 v7, v2;
	v7 =	vld [tilespmem:s16+$0x0]  }
0x676: {  	s5 =	sadd.s32 $0x2, s5;
	v10 =	vmov s0;
	[tilespmem:s16+$0xFFFFFF90] =	vst v6;
	v8 =	vmul.f32 v11, v2;
	v6 =	vld [tilespmem:s16+$0x10]  }
0x677: {  	v11 =	vld [tilespmem:s16+$0x20]  }
0x678: {  	v10 =	vand.u32 $0xFFFFFFFE, v10;
	s0 =	sadd.s32 $0x1, s0;
	v12 =	vld [tilespmem:s16+$0x30]  }
0x679: {  	v14 =	vld [tilespmem:s16+$0x40];
	[tilespmem:s16+$0xFFFFFFA0] =	vst v9;
	v5 =	vmul.f32 v5, v2;
	v10 =	vbroadcast v10, $0x0;
	v13 =	vmov s0  }
0x67a: {  	v9 =	vld [tilespmem:s16+$0x50];
	[tilespmem:s16+$0xFFFFFFB0] =	vst v8;
	v4 =	vmul.f32 v4, v2  }
0x67b: {  	v8 =	vld [tilespmem:s16+$0x60];
	[tilespmem:s16+$0xFFFFFFC0] =	vst v5;
	v7 =	vmul.f32 v7, v1  }
0x67c: {  	s6 =	sadd.s32 $0x100, s16;
	v2 =	vmul.f32 v3, v2;
	v3 =	vld [tilespmem:s16+$0x70];
	[tilespmem:s16+$0xFFFFFFD0] =	vst v4  }
0x67d: {  	v4 =	vmul.f32 v6, v1;
	[tilespmem:s16+$0x0] =	vst v7;
	v7 =	vld [tilespmem:s6+$0xFFFFFFF0]  }
0x67e: {  	[tilespmem:s16+$0xFFFFFFE0] =	vst v2;
	v2 =	vmul.f32 v11, v1;
	v5 =	vld.idx.msk [tilespmem:v13+s24+$0x0], $0xffff  }
0x67f: {  	[tilespmem:s16+$0x10] =	vst v4;
	v4 =	vmul.f32 v12, v1;
	v6 =	vld.idx.msk [tilespmem:v10+s24+$0x0], $0xffff  }
0x680: {  	[tilespmem:s28+$0x20] =	vst v2;
	v2 =	vmul.f32 v14, v1;
	v10 =	vld [tilespmem:s6+$0xFFFFFF80]  }
0x681: {  	[tilespmem:s28+$0x30] =	vst v4;
	v4 =	vmul.f32 v9, v1;
	v9 =	vld [tilespmem:s6+$0xFFFFFF90]  }
0x682: {  	[tilespmem:s28+$0x40] =	vst v2;
	v2 =	vmul.f32 v8, v1;
	v8 =	vld [tilespmem:s6+$0xFFFFFFA0]  }
0x683: {  	v1 =	vmul.f32 v3, v1;
	v3 =	vld [tilespmem:s6+$0xFFFFFFB0];
	[tilespmem:s28+$0x50] =	vst v4  }
0x684: {  	[tilespmem:s28+$0x60] =	vst v2;
	v2 =	vld [tilespmem:s6+$0xFFFFFFC0];
	v4 =	vmul.f32 v7, v6  }
0x685: {  	[tilespmem:s28+$0x70] =	vst v1;
	v1 =	vmul.f32 v10, v6;
	v7 =	vld [tilespmem:s6+$0xFFFFFFD0]  }
0x686: {  	v10 =	vld [tilespmem:s6+$0xFFFFFFE0];
	v9 =	vmul.f32 v9, v6;
	[tilespmem:s6+$0xFFFFFFF0] =	vst v4  }
0x687: {  	[tilespmem:s6+$0xFFFFFF80] =	vst v1;
	v1 =	vmul.f32 v8, v6;
	v4 =	vld [tilespmem:s6+$0x0]  }
0x688: {  	v3 =	vmul.f32 v3, v6;
	v8 =	vld [tilespmem:s6+$0x10];
	[tilespmem:s6+$0xFFFFFF90] =	vst v9  }
0x689: {  	[tilespmem:s6+$0xFFFFFFA0] =	vst v1;
	v1 =	vmul.f32 v2, v6;
	v2 =	vld [tilespmem:s6+$0x20]  }
0x68a: {  	[tilespmem:s6+$0xFFFFFFB0] =	vst v3;
	v3 =	vmul.f32 v7, v6;
	v7 =	vld [tilespmem:s6+$0x30]  }
0x68b: {  	[tilespmem:s6+$0xFFFFFFC0] =	vst v1;
	v1 =	vmul.f32 v10, v6;
	v6 =	vld [tilespmem:s6+$0x40]  }
0x68c: {  	[tilespmem:s6+$0xFFFFFFD0] =	vst v3;
	v3 =	vmul.f32 v4, v5;
	v4 =	vld [tilespmem:s6+$0x50]  }
0x68d: {  	[tilespmem:s6+$0xFFFFFFE0] =	vst v1;
	v1 =	vmul.f32 v8, v5;
	v8 =	vld [tilespmem:s6+$0x60]  }
0x68e: {  	s5 =	simm.s32 $0x28;
	[tilespmem:s6+$0x0] =	vst v3;
	v2 =	vmul.f32 v2, v5;
	v3 =	vld [tilespmem:s6+$0x70]  }
0x68f: {  	[tilespmem:s6+$0x10] =	vst v1;
	v1 =	vmul.f32 v7, v5;
	v7 =	vmov s5  }
0x690: {  	[tilespmem:s6+$0x20] =	vst v2;
	v2 =	vmul.f32 v6, v5;
	v6 =	vand.u32 $0xFFFFFFFE, v7  }
0x691: {  	[tilespmem:s6+$0x30] =	vst v1;
	v1 =	vmul.f32 v4, v5;
	v4 =	vbroadcast v6, $0x0  }
0x692: {  	[tilespmem:s6+$0x40] =	vst v2;
	v2 =	vmul.f32 v8, v5  }
0x693: {  	[tilespmem:s6+$0x50] =	vst v1;
	v1 =	vmul.f32 v3, v5  }
0x694: {  	[tilespmem:s6+$0x60] =	vst v2  }
0x695: {  	[tilespmem:s6+$0x70] =	vst v1  }
0x696: {  	[spmem:s4] =	stream.indirect.scatter.add.f32 [tilespmem:s15], [sflag:$0x3], $0x80, s23, s5, $0xb8;
	[tilespmem:$0x19480] =	vst v63  }
0x697: {  	s16 =	simm.s32 $0x1970;
	v2 =	vld.idx.msk [tilespmem:v4+s24+$0x0], $0xffff  }
0x698: {  	v1 =	vld [tilespmem:s16+$0xFFFFFF80]  }
0x699: {  	v3 =	vld [tilespmem:s16+$0xFFFFFF10]  }
0x69a: {  	s31 =	simm.s32 $0x29;
	v6 =	vld [tilespmem:s16+$0xFFFFFF20]  }
0x69b: {  	v7 =	vmov s31;
	v8 =	vld [tilespmem:s16+$0xFFFFFF30]  }
0x69c: {  	v11 =	vld [tilespmem:s16+$0xFFFFFF40]  }
0x69d: {  	v5 =	vld [tilespmem:s16+$0xFFFFFF50]  }
0x69e: {  	v4 =	vld [tilespmem:s16+$0xFFFFFF60];
	v9 =	vmul.f32 v1, v2  }
0x69f: {  	v10 =	vmul.f32 v3, v2;
	v3 =	vld [tilespmem:s16+$0xFFFFFF70]  }
0x6a0: {  	v1 =	vld.idx.msk [tilespmem:v7+s24+$0x0], $0xffff;
	v6 =	vmul.f32 v6, v2;
	[tilespmem:s16+$0xFFFFFF80] =	vst v9  }
0x6a1: {  	s0 =	simm.s32 $0x2A;
	v7 =	vld [tilespmem:s16+$0xFFFFFF90];
	[tilespmem:s16+$0xFFFFFF10] =	vst v10;
	v9 =	vmul.f32 v8, v2  }
0x6a2: {  	s28 =	simm.s32 $0x1970;
	s5 =	simm.s32 $0x2C;
	v10 =	vmov s0;
	[tilespmem:s16+$0xFFFFFF20] =	vst v6;
	v8 =	vmul.f32 v11, v2;
	v6 =	vld [tilespmem:s16+$0xFFFFFFA0]  }
.LBB2_48:
0x6a3: {  	p0 =	slt.u32 s5, $0x4E;
	v10 =	vand.u32 $0xFFFFFFFE, v10;
	s6 =	sadd.s32 $0x1, s0;
	[tilespmem:s16+$0xFFFFFF30] =	vst v9;
	v5 =	vmul.f32 v5, v2;
	v9 =	vld [tilespmem:s16+$0xFFFFFFB0];
	s0 =	smov.u32 s5  }
0x6a4: {  	v10 =	vbroadcast v10, $0x0;
	v11 =	vmov s6;
	[tilespmem:s16+$0xFFFFFF40] =	vst v8;
	v4 =	vmul.f32 v4, v2;
	v8 =	vld [tilespmem:s16+$0xFFFFFFC0]  }
0x6a5: {  	[tilespmem:s16+$0xFFFFFF50] =	vst v5;
	v2 =	vmul.f32 v3, v2;
	v3 =	vld [tilespmem:s16+$0xFFFFFFD0]  }
0x6a6: {  	[tilespmem:s16+$0xFFFFFF60] =	vst v4;
	v4 =	vmul.f32 v7, v1;
	v5 =	vld [tilespmem:s16+$0xFFFFFFE0]  }
0x6a7: {  	[tilespmem:s16+$0xFFFFFF70] =	vst v2;
	v2 =	vmul.f32 v6, v1;
	v6 =	vld [tilespmem:s16+$0xFFFFFFF0]  }
0x6a8: {  	[tilespmem:s16+$0xFFFFFF90] =	vst v4;
	v4 =	vmul.f32 v9, v1;
	v7 =	vld [tilespmem:s16+$0x0]  }
0x6a9: {  	v9 =	vld.idx.msk [tilespmem:v11+s24+$0x0], $0xffff;
	[tilespmem:s16+$0xFFFFFFA0] =	vst v2;
	v8 =	vmul.f32 v8, v1  }
0x6aa: {  	s16 =	sadd.s32 $0x100, s16;
	v2 =	vld.idx.msk [tilespmem:v10+s24+$0x0], $0xffff;
	[tilespmem:s28+$0xFFFFFFB0] =	vst v4;
	v3 =	vmul.f32 v3, v1  }
0x6ab: {  	v4 =	vld [tilespmem:s16+$0xFFFFFF80];
	[tilespmem:s28+$0xFFFFFFC0] =	vst v8;
	v5 =	vmul.f32 v5, v1  }
0x6ac: {  	v8 =	vld [tilespmem:s16+$0xFFFFFF10];
	[tilespmem:s28+$0xFFFFFFD0] =	vst v3;
	v3 =	vmul.f32 v6, v1  }
0x6ad: {  	v6 =	vld [tilespmem:s16+$0xFFFFFF20];
	[tilespmem:s28+$0xFFFFFFE0] =	vst v5;
	v5 =	vmul.f32 v7, v1  }
0x6ae: {  	v7 =	vld [tilespmem:s16+$0xFFFFFF30];
	[tilespmem:s28+$0xFFFFFFF0] =	vst v3  }
0x6af: {  	v1 =	vmov v9;
	v11 =	vld [tilespmem:s16+$0xFFFFFF40];
	[tilespmem:s28+$0x0] =	vst v5;
	s28 =	smov.u32 s16  }
.Ltmp23:
0x6b0: {  	v5 =	vld [tilespmem:s16+$0xFFFFFF50];
	v9 =	vmul.f32 v4, v2;
	(pc) =	sbr.rel @p0 .LBB2_48-.Ltmp23, $4  }
0x6b1: {  	v8 =	vmul.f32 v8, v2;
	v4 =	vld [tilespmem:s16+$0xFFFFFF60]  }
0x6b2: {  	v6 =	vmul.f32 v6, v2;
	v3 =	vld [tilespmem:s16+$0xFFFFFF70];
	[tilespmem:s16+$0xFFFFFF80] =	vst v9  }
0x6b3: {  	[tilespmem:s16+$0xFFFFFF10] =	vst v8;
	v9 =	vmul.f32 v7, v2;
	v7 =	vld [tilespmem:s16+$0xFFFFFF90]  }
0x6b4: {  	s5 =	sadd.s32 $0x2, s5;
	v10 =	vmov s0;
	[tilespmem:s16+$0xFFFFFF20] =	vst v6;
	v8 =	vmul.f32 v11, v2;
	v6 =	vld [tilespmem:s16+$0xFFFFFFA0]  }
0x6b5: {  	v11 =	vld [tilespmem:s16+$0xFFFFFFB0]  }
0x6b6: {  	v10 =	vand.u32 $0xFFFFFFFE, v10;
	v12 =	vld [tilespmem:s16+$0xFFFFFFC0]  }
0x6b7: {  	v14 =	vld [tilespmem:s16+$0xFFFFFFD0];
	[tilespmem:s16+$0xFFFFFF30] =	vst v9;
	v5 =	vmul.f32 v5, v2;
	v10 =	vbroadcast v10, $0x0  }
0x6b8: {  	v44 =	vld [tilespmem:s16+$0xFFFFFFE0];
	[tilespmem:s16+$0xFFFFFF40] =	vst v8;
	v4 =	vmul.f32 v4, v2  }
0x6b9: {  	v45 =	vld [tilespmem:s16+$0xFFFFFFF0];
	s31 =	sadd.s32 $0x100, s16;
	[tilespmem:s16+$0xFFFFFF50] =	vst v5;
	v2 =	vmul.f32 v3, v2  }
0x6ba: {  	v50 =	vld [tilespmem:s31+$0xFFFFFF80];
	v7 =	vmul.f32 v7, v1;
	[tilespmem:s16+$0xFFFFFF60] =	vst v4  }
0x6bb: {  	v51 =	vld [tilespmem:s31+$0xFFFFFF10];
	v46 =	vmul.f32 v6, v1;
	[tilespmem:s16+$0xFFFFFF70] =	vst v2  }
0x6bc: {  	v3 =	vld [tilespmem:s16+$0x0];
	[tilespmem:s16+$0xFFFFFF90] =	vst v7;
	v2 =	vmul.f32 v11, v1  }
0x6bd: {  	v49 =	vmul.f32 v12, v1;
	[tilespmem:s16+$0xFFFFFFA0] =	vst v46;
	v48 =	vld.idx.msk [tilespmem:v10+s24+$0x0], $0xffff  }
0x6be: {  	v53 =	vld [tilespmem:s31+$0xFFFFFF20];
	[tilespmem:s28+$0xFFFFFFB0] =	vst v2;
	v2 =	vmul.f32 v14, v1  }
0x6bf: {  	s0 =	sadd.s32 $0x1, s0;
	v54 =	vld [tilespmem:s31+$0xFFFFFF30];
	v52 =	vmul.f32 v44, v1;
	[tilespmem:s28+$0xFFFFFFC0] =	vst v49  }
0x6c0: {  	v13 =	vmov s0;
	v56 =	vld [tilespmem:s31+$0xFFFFFF60];
	[tilespmem:s28+$0xFFFFFFD0] =	vst v2;
	v2 =	vmul.f32 v45, v1  }
0x6c1: {  	[tilespmem:s28+$0xFFFFFFE0] =	vst v52;
	v1 =	vmul.f32 v3, v1;
	v3 =	vld [tilespmem:s31+$0xFFFFFF40]  }
0x6c2: {  	[tilespmem:s28+$0xFFFFFFF0] =	vst v2;
	v2 =	vld [tilespmem:s31+$0xFFFFFF50];
	v55 =	vmul.f32 v50, v48  }
0x6c3: {  	v57 =	vld [tilespmem:s31+$0xFFFFFF70];
	[tilespmem:s28+$0x0] =	vst v1;
	v1 =	vmul.f32 v51, v48  }
0x6c4: {  	v58 =	vld [tilespmem:s31+$0xFFFFFF90];
	v9 =	vmul.f32 v53, v48;
	[tilespmem:s31+$0xFFFFFF80] =	vst v55  }
0x6c5: {  	v47 =	vld.idx.msk [tilespmem:v13+s24+$0x0], $0xffff;
	[tilespmem:s31+$0xFFFFFF10] =	vst v1;
	v1 =	vmul.f32 v54, v48  }
0x6c6: {  	v59 =	vld [tilespmem:s31+$0xFFFFFFA0];
	[tilespmem:s31+$0xFFFFFF20] =	vst v9;
	v3 =	vmul.f32 v3, v48  }
0x6c7: {  	[tilespmem:s31+$0xFFFFFF30] =	vst v1;
	v1 =	vmul.f32 v2, v48;
	v2 =	vld [tilespmem:s31+$0xFFFFFFB0]  }
0x6c8: {  	v60 =	vld [tilespmem:s31+$0xFFFFFFC0];
	[tilespmem:s31+$0xFFFFFF40] =	vst v3;
	v3 =	vmul.f32 v56, v48  }
0x6c9: {  	v61 =	vld [tilespmem:s31+$0xFFFFFFD0];
	[tilespmem:s31+$0xFFFFFF50] =	vst v1;
	v1 =	vmul.f32 v57, v48  }
0x6ca: {  	v62 =	vld [tilespmem:s31+$0xFFFFFFE0];
	[tilespmem:s31+$0xFFFFFF60] =	vst v3;
	v3 =	vmul.f32 v58, v47  }
0x6cb: {  	v63 =	vld [tilespmem:s31+$0xFFFFFFF0];
	[tilespmem:s31+$0xFFFFFF70] =	vst v1;
	v1 =	vmul.f32 v59, v47  }
0x6cc: {  	[tilespmem:s31+$0xFFFFFF90] =	vst v3;
	v3 =	vld [tilespmem:s31+$0x0];
	v2 =	vmul.f32 v2, v47  }
0x6cd: {  	[tilespmem:s31+$0xFFFFFFA0] =	vst v1;
	v1 =	vmul.f32 v60, v47  }
0x6ce: {  	[tilespmem:s31+$0xFFFFFFB0] =	vst v2;
	v2 =	vmul.f32 v61, v47  }
0x6cf: {  	[tilespmem:s31+$0xFFFFFFC0] =	vst v1;
	v1 =	vmul.f32 v62, v47  }
0x6d0: {  	[tilespmem:s31+$0xFFFFFFD0] =	vst v2;
	v2 =	vmul.f32 v63, v47  }
0x6d1: {  	[tilespmem:s31+$0xFFFFFFE0] =	vst v1;
	v1 =	vmul.f32 v3, v47  }
0x6d2: {  	[tilespmem:s31+$0xFFFFFFF0] =	vst v2  }
0x6d3: {  	[tilespmem:s31+$0x0] =	vst v1  }
0x6d4: {  	[spmem:s4] =	stream.indirect.scatter.add.f32 [tilespmem:s11], [sflag:$0x3], $0x80, s13, s9, $0xb8;
	[tilespmem:$0x19480] =	vst v63  }
0x6d5: {  	_ =	swait.ge [sflag:s12], $0x1400  }
0x6d6: {  	[sflag:s12] =	ssyncset.done $0x0  }
0x6d7: {  	[sflag:s12] =	ssyncadd.s32 $0xFFFFEC00  }
0x6d8: {  	_ =	swait.ge [sflag:s12], $0x1400  }
0x6d9: {  	[sflag:s12] =	ssyncset.done $0x0  }
0x6da: {  	s5 =	stileid.u32;
	[sflag:s12] =	ssyncadd.s32 $0xFFFFEC00  }
0x6db: {  	s0 =	sshll.u32 s5, $0x6;
	[bflag:$0x0] =	sbarrier.arrive $0xFFFF  }
0x6dc: {  	s0 =	sor.u32 $0x1C04, s0;
	s28 =	rddreg [dreg:$0x7]  }
0x6dd: {  	s31 =	simm.s32 $0x4;
	s6 =	rddreg [dreg:$0xe];
	s5 =	sshrl.u32 s28, $0x3  }
0x6de: {  	[hbm:s6], [sflag:s0] =	dma.local [spmem:s5], $0x500  }
0x6df: {  	_ =	swait.ge [sflag:s31], $0x500  }
0x6e0: {  	[sflag:s31] =	ssyncset.done $0x0  }
0x6e1: {  	s6 =	sshrl.u32 s29, $0x3;
	s16 =	rddreg [dreg:$0xf];
	[sflag:s31] =	ssyncadd.s32 $0xFFFFFB00  }
0x6e2: {  	[hbm:s16], [sflag:s0] =	dma.local [spmem:s6], $0x500  }
0x6e3: {  	_ =	swait.ge [sflag:s31], $0x500  }
0x6e4: {  	[sflag:s31] =	ssyncset.done $0x0  }
0x6e5: {  	s6 =	sshrl.u32 s30, $0x3;
	s16 =	rddreg [dreg:$0x10];
	[sflag:s31] =	ssyncadd.s32 $0xFFFFFB00  }
0x6e6: {  	[hbm:s16], [sflag:s0] =	dma.local [spmem:s6], $0x500  }
0x6e7: {  	_ =	swait.ge [sflag:s31], $0x500  }
0x6e8: {  	[sflag:s31] =	ssyncset.done $0x0;
	s6 =	rddreg [dreg:$0xa]  }
0x6e9: {  	s16 =	rddreg [dreg:$0x11];
	[sflag:s31] =	ssyncadd.s32 $0xFFFFFB00;
	s5 =	sshrl.u32 s6, $0x3  }
0x6ea: {  	[hbm:s16], [sflag:s0] =	dma.local [spmem:s5], $0x500  }
0x6eb: {  	_ =	swait.ge [sflag:s31], $0x500  }
0x6ec: {  	[sflag:s31] =	ssyncset.done $0x0;
	s6 =	rddreg [dreg:$0xb]  }
0x6ed: {  	s16 =	rddreg [dreg:$0x12];
	[sflag:s31] =	ssyncadd.s32 $0xFFFFFB00;
	s5 =	sshrl.u32 s6, $0x3  }
0x6ee: {  	[hbm:s16], [sflag:s0] =	dma.local [spmem:s5], $0x500  }
0x6ef: {  	_ =	swait.ge [sflag:s31], $0x500  }
0x6f0: {  	[sflag:s31] =	ssyncset.done $0x0;
	s6 =	rddreg [dreg:$0xc]  }
0x6f1: {  	s16 =	rddreg [dreg:$0x13];
	[sflag:s31] =	ssyncadd.s32 $0xFFFFFB00;
	s5 =	sshrl.u32 s6, $0x3  }
0x6f2: {  	[hbm:s16], [sflag:s0] =	dma.local [spmem:s5], $0x500  }
0x6f3: {  	_ =	swait.ge [sflag:s31], $0x500  }
0x6f4: {  	[sflag:s31] =	ssyncset.done $0x0;
	s6 =	rddreg [dreg:$0xd]  }
0x6f5: {  	s16 =	rddreg [dreg:$0x14];
	[sflag:s31] =	ssyncadd.s32 $0xFFFFFB00;
	s5 =	sshrl.u32 s6, $0x3  }
0x6f6: {  	[hbm:s16], [sflag:s0] =	dma.local [spmem:s5], $0x500  }
0x6f7: {  	_ =	swait.ge [sflag:s31], $0x500  }
0x6f8: {  	[sflag:s31] =	ssyncset.done $0x0;
	s6 =	rddreg [dreg:$0x16]  }
0x6f9: {  	s16 =	rddreg [dreg:$0x15];
	[sflag:s31] =	ssyncadd.s32 $0xFFFFFB00;
	s5 =	sshrl.u32 s6, $0x3  }
0x6fa: {  	[hbm:s16], [sflag:s0] =	dma.local [spmem:s5], $0x500  }
0x6fb: {  	_ =	swait.ge [sflag:s31], $0x500  }
0x6fc: {  	s6 =	sld [smem:$0x7F7]  }
0x6fd: {  	s5 =	rddreg [dreg:$0x6]  }
0x6fe: {  	s16 =	sadd.s32 $0x1, s5  }
0x6ff: {  	p0 =	sne.s32 s16, s6  }
.Ltmp24:
0x700: {  	_ = 	snop;
	(pc) =	sbr.rel @p0 .LBB2_1-.Ltmp24, $3  }
0x701: {  	_ =	sdelay $0x1  }
0x702: {  	[sflag:s31] =	ssyncset.done $0x0  }
0x703: {  	[sflag:s31] =	ssyncadd.s32 $0xFFFFFB00  }
0x704: {  	_ =	sfence.sel $0x180000  }
0x705: {  	[bflag:$0x0] =	sbarrier.arrive $0xFFFF  }
0x706: {  	_ =	strace $0x90000047  }
0x707: {  	s0 =	stileid.u32;
	[bflag:$0x2] =	sbarrier.arrive $0xFFFF  }
0x708: {  	p0 =	sne.s32 s0, $0x0;
	s0 =	rddreg [dreg:$0x5]  }
0x709: {  	s0 =	sadd.s32 @!p0 $0x100000, s0  }
0x70a: {  	[sflag:s0] =	ssyncadd.tile.s32 @!p0 $0x1;
	_ =	shalt  }
.Lfunc_end2:
_tile_overlayer_lowered:
.L_overlay_start_2:
0x70b: {  	(tag) =	ssettag $0x2  }
0x70c: {  	s0 =	rddreg [dreg:$0x0];
	s2 =	stileid.u32  }
0x70d: {  	s1 =	rddreg [dreg:$0x1];
	p0 =	sne.s32 s2, $0x0  }
0x70e: {  	s3 =	rddreg [dreg:$0x2];
	[bflag:$0x3] =	sbarrier.arrive $0xFFFF;
	s2 =	simm.s32 @!p0 $0x1C04  }
0x70f: {  	[timem:s3], [sflag:s2] =	dma.local @!p0 [hbm:s0], s1  }
0x710: {  	s0 =	simm.s32 @!p0 $0x4  }
0x711: {  	_ =	swait.ge @!p0 [sflag:s0], s1  }
0x712: {  	s1 =	ssub.s32 @!p0 $0x0, s1;
	[sflag:s0] =	ssyncset.done @!p0 $0x0  }
0x713: {  	[sflag:s0] =	ssyncadd.s32 @!p0 s1  }
0x714: {  	[bflag:$0x3] =	sbarrier.arrive $0xFFFF  }
0x715: {  	_ =	shalt  }

</sc_bundles>
